<compile_context>
chip_gen: v7x
topology: tpu7x:2x2x1
jax: 0.10.2.dev20260603
libtpu: 0.0.44.dev20260713+nightly
codegen_flags: <defaults>
</compile_context>

<pallas_src>
import functools

import jax
import jax.numpy as jnp
from jax import lax
from jax.experimental import pallas as pl
from jax.experimental.pallas import tpu as pltpu
from jax.experimental.pallas import tpu_sc as plsc

N = 10000
E = 320000
D = 128
NPAD = 10240
NW = 32
EPW = E // NW
CH = 128
NCHUNK = E // CH
P2 = 1024
TRASH = P2
REP = 1
A2BLK = P2 + CH
A2ROWS = REP * A2BLK
CCAP = 10240

_mesh = plsc.VectorSubcoreMesh(core_axis_name="c", subcore_axis_name="s")


@functools.partial(
    pl.kernel,
    out_type=(
        jax.ShapeDtypeStruct((NW, NPAD), jnp.float32),
        jax.ShapeDtypeStruct((NW, NPAD), jnp.float32),
        jax.ShapeDtypeStruct((NW, CCAP), jnp.int32),
        jax.ShapeDtypeStruct((NW, CCAP), jnp.int32),
        jax.ShapeDtypeStruct((NW, 16), jnp.int32),
    ),
    mesh=_mesh,
    compiler_params=pltpu.CompilerParams(needs_layout_passes=False),
    scratch_types=[
        pltpu.VMEM((EPW,), jnp.int32),
        pltpu.VMEM((EPW,), jnp.int32),
        pltpu.VMEM((NPAD,), jnp.float32),
        pltpu.VMEM((NPAD,), jnp.float32),
        pltpu.VMEM((CCAP,), jnp.int32),
        pltpu.VMEM((CCAP,), jnp.int32),
        pltpu.VMEM((16,), jnp.int32),
    ],
)
def _stage_a(src_hbm, dst_hbm, dsrc_out, ddst_out, csrc_out, cdst_out,
             cnt_out, src_v, dst_v, ds_v, dd_v, cs_v, cd_v, cnt_v):
    wid = lax.axis_index("s") * 2 + lax.axis_index("c")
    rep_off = lax.rem(wid, REP) * A2BLK
    e0 = wid * EPW
    pltpu.sync_copy(src_hbm.at[pl.ds(e0, EPW)], src_v)
    pltpu.sync_copy(dst_hbm.at[pl.ds(e0, EPW)], dst_v)

    zf = jnp.zeros((16,), jnp.float32)

    def zbody(i, carry):
        ds_v[pl.ds(i * 16, 16)] = zf
        dd_v[pl.ds(i * 16, 16)] = zf
        return carry

    lax.fori_loop(0, NPAD // 16, zbody, 0)

    ones = jnp.ones((16,), jnp.float32)

    def ebody(i, base):
        s = src_v[pl.ds(i * 16, 16)]
        t = dst_v[pl.ds(i * 16, 16)]
        plsc.addupdate_scatter(ds_v, [s], ones)
        plsc.addupdate_scatter(dd_v, [t], ones)
        m = t < P2
        inc = plsc.cumsum(m.astype(jnp.int32))
        pos = base + inc - 1
        plsc.store_scatter(cs_v, [pos], s, mask=m)
        plsc.store_scatter(cd_v, [pos], t + rep_off, mask=m)
        return base + plsc.all_reduce_population_count(m)

    cntv = lax.fori_loop(0, EPW // 16, ebody, jnp.zeros((16,), jnp.int32))

    iota = lax.iota(jnp.int32, 16)
    for j in range(CH // 16):
        pos = cntv + iota + 16 * j
        plsc.store_scatter(cs_v, [pos], jnp.zeros((16,), jnp.int32))
        plsc.store_scatter(cd_v, [pos], TRASH + rep_off + iota + 16 * j)

    cnt_v[...] = cntv
    pltpu.sync_copy(cnt_v, cnt_out.at[wid])
    pltpu.sync_copy(ds_v, dsrc_out.at[wid])
    pltpu.sync_copy(dd_v, ddst_out.at[wid])
    pltpu.sync_copy(cs_v, csrc_out.at[wid])
    pltpu.sync_copy(cd_v, cdst_out.at[wid])


NB = 2
NCHT = CCAP // CH


def _zero_zbuf(zbuf):
    zf = jnp.zeros((16,), jnp.float32)

    def zb(i, carry):
        zbuf[i // 8, pl.ds((i % 8) * 16, 16)] = zf
        return carry

    lax.fori_loop(0, 32 * 8, zb, 0)


@functools.partial(
    pl.kernel,
    out_type=jax.ShapeDtypeStruct((2, NPAD, D), jnp.float32),
    mesh=_mesh,
    compiler_params=pltpu.CompilerParams(needs_layout_passes=False),
    scratch_types=[
        pltpu.VMEM((CH,), jnp.int32),
        pltpu.VMEM((CH,), jnp.int32),
        pltpu.VMEM((CH,), jnp.int32),
        pltpu.VMEM((CH,), jnp.int32),
        pltpu.VMEM((CH,), jnp.int32),
        pltpu.VMEM((CH,), jnp.int32),
        pltpu.VMEM((CH, D), jnp.float32),
        pltpu.VMEM((CH, D), jnp.float32),
        pltpu.VMEM((16, D), jnp.float32),
        pltpu.SemaphoreType.DMA,
        pltpu.SemaphoreType.DMA,
        pltpu.SemaphoreType.DMA,
        pltpu.SemaphoreType.DMA,
        pltpu.SemaphoreType.DMA,
        pltpu.VMEM_SHARED((NPAD, D), jnp.float32),
    ],
)
def _scat1(h_hbm, pk_hbm, out_hbm, pk0, pk1, si0, si1, di0, di1, r0b, r1b,
           zbuf, g0, g1, s0, s1, zsem, agg_sh):
    c = lax.axis_index("c")
    s = lax.axis_index("s")
    wid = s * 2 + c
    pkb = [pk0, pk1]
    sidx = [si0, si1]
    didx = [di0, di1]
    rows = [r0b, r1b]
    gsem = [g0, g1]
    ssem = [s0, s1]

    zf = jnp.zeros((16,), jnp.float32)

    def zb(i, carry):
        zbuf[i // 8, pl.ds((i % 8) * 16, 16)] = zf
        return carry

    lax.fori_loop(0, 16 * 8, zb, 0)
    r0 = s * (NPAD // 16)
    zds = [pltpu.async_copy(zbuf, agg_sh.at[pl.ds(r0 + k * 16, 16)], zsem)
           for k in range((NPAD // 16) // 16)]
    for d in zds:
        d.wait()
    plsc.subcore_barrier()

    nloc = jnp.where(wid < NCHUNK - (NCHUNK // NW) * NW,
                     NCHUNK // NW + 1, NCHUNK // NW)

    def _half(i, par):
        npar = 1 - par

        @pl.when(i < nloc)
        def _issue(par=par):
            off = (wid + i * NW) * CH
            pltpu.sync_copy(pk_hbm.at[pl.ds(off, CH)], pkb[par])

            @pl.when(i >= 2)
            def _drain_s():
                pltpu.make_async_copy(
                    h_hbm.at[pl.ds(0, CH)], rows[par], ssem[par]).wait()

            for k in range(CH // 16):
                p = pkb[par][pl.ds(k * 16, 16)]
                sidx[par][pl.ds(k * 16, 16)] = p >> 14
                didx[par][pl.ds(k * 16, 16)] = p & 16383
            pltpu.async_copy(h_hbm.at[sidx[par]], rows[par], gsem[par])

        @pl.when((i >= 1) & (i - 1 < nloc))
        def _finish(npar=npar):
            pltpu.make_async_copy(
                h_hbm.at[pl.ds(0, CH)], rows[npar], gsem[npar]).wait()
            pltpu.async_copy(rows[npar], agg_sh.at[didx[npar]],
                             ssem[npar], add=True)

    def pair(j, carry):
        _half(2 * j, 0)
        _half(2 * j + 1, 1)
        return carry

    lax.fori_loop(0, NCHT // 2, pair, 0)
    pltpu.make_async_copy(h_hbm.at[pl.ds(0, CH)], rows[0], ssem[0]).wait()
    pltpu.make_async_copy(h_hbm.at[pl.ds(0, CH)], rows[1], ssem[1]).wait()
    plsc.subcore_barrier()

    wds = [pltpu.async_copy(agg_sh.at[pl.ds(r0 + k * 64, 64)],
                            out_hbm.at[c, pl.ds(r0 + k * 64, 64)], zsem)
           for k in range((NPAD // 16) // 64)]
    for d in wds:
        d.wait()


@functools.partial(
    pl.kernel,
    out_type=jax.ShapeDtypeStruct((2, A2ROWS, D), jnp.float32),
    mesh=_mesh,
    compiler_params=pltpu.CompilerParams(needs_layout_passes=False),
    scratch_types=[
        pltpu.VMEM((CH,), jnp.int32),
        pltpu.VMEM((CH,), jnp.int32),
        pltpu.VMEM((CH,), jnp.int32),
        pltpu.VMEM((CH,), jnp.int32),
        pltpu.VMEM((CH, D), jnp.float32),
        pltpu.VMEM((CH, D), jnp.float32),
        pltpu.VMEM((16, D), jnp.float32),
        pltpu.SemaphoreType.DMA,
        pltpu.SemaphoreType.DMA,
        pltpu.SemaphoreType.DMA,
        pltpu.SemaphoreType.DMA,
        pltpu.SemaphoreType.DMA,
        pltpu.VMEM_SHARED((A2ROWS, D), jnp.float32),
        pltpu.VMEM((16,), jnp.int32),
    ],
)
def _scat2(h_hbm, csrc_hbm, cdst_hbm, cnt_hbm, out_hbm, si0, si1, di0,
           di1, r0b, r1b, zbuf, g0, g1, s0, s1, zsem, agg_sh, cnt_v):
    c = lax.axis_index("c")
    s = lax.axis_index("s")
    wid = s * 2 + c
    sidx = [si0, si1]
    didx = [di0, di1]
    rows = [r0b, r1b]
    gsem = [g0, g1]
    ssem = [s0, s1]

    pltpu.sync_copy(cnt_hbm.at[wid], cnt_v)
    _zero_zbuf(zbuf)
    r0 = s * (A2ROWS // 16)
    zds = [pltpu.async_copy(zbuf, agg_sh.at[pl.ds(r0 + k * 16, 16)], zsem)
           for k in range((A2ROWS // 16) // 16)]
    zds.append(pltpu.async_copy(zbuf.at[pl.ds(0, 8)],
                                agg_sh.at[pl.ds(r0 + 64, 8)], zsem))
    cnt = cnt_v[...][0]
    n = (cnt + CH - 1) // CH
    for d in zds:
        d.wait()
    plsc.subcore_barrier()

    e0 = wid * CCAP

    def _half(i, par):
        npar = 1 - par

        @pl.when(i < n)
        def _issue(par=par):
            off = e0 + i * CH
            pltpu.sync_copy(csrc_hbm.at[pl.ds(off, CH)], sidx[par])

            @pl.when(i >= 2)
            def _drain_s():
                pltpu.make_async_copy(
                    h_hbm.at[pl.ds(0, CH)], rows[par], ssem[par]).wait()

            pltpu.async_copy(h_hbm.at[sidx[par]], rows[par], gsem[par])
            pltpu.sync_copy(cdst_hbm.at[pl.ds(off, CH)], didx[par])

        @pl.when((i >= 1) & (i - 1 < n))
        def _finish(npar=npar):
            pltpu.make_async_copy(
                h_hbm.at[pl.ds(0, CH)], rows[npar], gsem[npar]).wait()
            pltpu.async_copy(rows[npar], agg_sh.at[didx[npar]],
                             ssem[npar], add=True)

    def pair(j, carry):
        _half(2 * j, 0)
        _half(2 * j + 1, 1)
        return carry

    lax.fori_loop(0, (n + 2) // 2, pair, 0)
    npar2 = lax.rem(n, 2)
    for b in range(2):
        @pl.when((n >= 2) & (npar2 == b))
        def _df1(b=b):
            pltpu.make_async_copy(h_hbm.at[pl.ds(0, CH)], rows[b],
                                  ssem[b]).wait()

        @pl.when((n >= 1) & (npar2 == 1 - b))
        def _df2(b=b):
            pltpu.make_async_copy(h_hbm.at[pl.ds(0, CH)], rows[b],
                                  ssem[b]).wait()
    plsc.subcore_barrier()

    wds = [pltpu.async_copy(agg_sh.at[pl.ds(r0, 64)],
                            out_hbm.at[c, pl.ds(r0, 64)], zsem),
           pltpu.async_copy(agg_sh.at[pl.ds(r0 + 64, 8)],
                            out_hbm.at[c, pl.ds(r0 + 64, 8)], zsem)]
    for d in wds:
        d.wait()


def _prep_body(feat_ref, dsp_ref, ddp_ref, h1s_ref, io_ref, ii_ref):
    dsrc = jnp.sum(dsp_ref[...], axis=0)
    ddst = jnp.sum(ddp_ref[...], axis=0)
    inv_out = lax.rsqrt(jnp.maximum(dsrc, 1.0))
    inv_in = lax.rsqrt(jnp.maximum(ddst, 1.0))
    io_ref[...] = inv_out[:, None]
    ii_ref[...] = inv_in[:, None]
    h1s_ref[...] = feat_ref[...] * inv_out[:, None]


_prep = pl.pallas_call(
    _prep_body,
    out_shape=(
        jax.ShapeDtypeStruct((NPAD, D), jnp.float32),
        jax.ShapeDtypeStruct((NPAD, 1), jnp.float32),
        jax.ShapeDtypeStruct((NPAD, 1), jnp.float32),
    ),
)


_RB = 1280


def _mm1_body(p_ref, ii_ref, io_ref, w_ref, b_ref, out_ref):
    agg = (p_ref[0] + p_ref[1]) * ii_ref[...]
    z = jnp.dot(agg, w_ref[...], preferred_element_type=jnp.float32)
    z = z + b_ref[...]
    h = jnp.where(z > 0, z, 0.01 * z)
    out_ref[...] = h * io_ref[...]


_mm1 = pl.pallas_call(
    _mm1_body,
    grid=(NPAD // _RB,),
    in_specs=[
        pl.BlockSpec((2, _RB, D), lambda i: (0, i, 0)),
        pl.BlockSpec((_RB, 1), lambda i: (i, 0)),
        pl.BlockSpec((_RB, 1), lambda i: (i, 0)),
        pl.BlockSpec((D, D), lambda i: (0, 0)),
        pl.BlockSpec((1, D), lambda i: (0, 0)),
    ],
    out_specs=pl.BlockSpec((_RB, D), lambda i: (i, 0)),
    out_shape=jax.ShapeDtypeStruct((NPAD, D), jnp.float32),
)


def _fin_body(p_ref, ii_ref, w2_ref, b2_ref, wl_ref, bl_ref, s_ref, out_ref):
    acc = p_ref[0, 0]
    for ci in range(2):
        for ri in range(REP):
            if (ci, ri) != (0, 0):
                acc = acc + p_ref[ci, ri]
    agg = acc * ii_ref[...]
    z = jnp.dot(agg, w2_ref[...], preferred_element_type=jnp.float32)
    z = z + b2_ref[...]
    emb = jnp.where(z > 0, z, 0.01 * z)
    pooled = jnp.sum(emb, axis=0, keepdims=True) * s_ref[...]
    out_ref[...] = (
        jnp.dot(pooled, wl_ref[...], preferred_element_type=jnp.float32)
        + bl_ref[...])


_fin = pl.pallas_call(
    _fin_body,
    out_shape=jax.ShapeDtypeStruct((1, D), jnp.float32),
)


def kernel(feat, edge_index, order, W1, b1, W2, b2, Wl, bl):
    src = edge_index[0]
    dst = edge_index[1]
    featp = jnp.pad(feat, ((0, NPAD - N), (0, 0)))

    pk = (src << 14) | dst
    dsp, ddp, csrc, cdst, cnts = _stage_a(src, dst)
    h1s, inv_out, inv_in = _prep(featp, dsp, ddp)
    p1 = _scat1(h1s, pk)
    h2s = _mm1(p1, inv_in, inv_out, W1, b1.reshape(1, D))
    p2 = _scat2(h2s, csrc.reshape(-1), cdst.reshape(-1), cnts)
    scale = jnp.ones((1, D), jnp.float32) / (
        jnp.asarray(order, jnp.float32) + 1.0)
    p2r = p2.reshape(2, REP, A2BLK, D)[:, :, :P2]
    out = _fin(p2r, inv_in[:P2], W2, b2.reshape(1, D), Wl,
               bl.reshape(1, D), scale)
    return out.reshape(D)

# --- scband reference (transcript-rebuilt; emitter-appended) ---
"""Pipeline reference for scband-base-gnn-25297357373591 (READ-ONLY COPY).

The authoritative reference and input builder live on the scoring server;
editing this copy changes nothing except your own understanding.
"""

import jax, jax.numpy as jnp
import numpy as np

N = 10000
E = 320000
D = 128


def setup_inputs(seed: int = 0) -> dict:
    key = jax.random.key(seed)
    ks = jax.random.split(key, 9)
    feat = jax.random.normal(ks[0], (N, D), dtype=jnp.float32)
    edge_index = jax.random.randint(ks[1], (2, E), 0, N, dtype=jnp.int32)
    order = 1023
    scale = 1.0 / np.sqrt(D)
    W1 = jax.random.normal(ks[2], (D, D), dtype=jnp.float32) * scale
    b1 = jnp.zeros((D,), dtype=jnp.float32)
    W2 = jax.random.normal(ks[3], (D, D), dtype=jnp.float32) * scale
    b2 = jnp.zeros((D,), dtype=jnp.float32)
    Wl = jax.random.normal(ks[4], (D, D), dtype=jnp.float32) * scale
    bl = jnp.zeros((D,), dtype=jnp.float32)
    return {"feat": feat, "edge_index": edge_index, "order": order,
            "W1": W1, "b1": b1, "W2": W2, "b2": b2, "Wl": Wl, "bl": bl}


def _graph_conv(feat, src, dst, W, b):
    # DGL GraphConv with norm='both', allow_zero_in_degree=True,
    # followed by LeakyReLU activation.
    deg_out = jnp.maximum(jnp.bincount(src, length=N).astype(feat.dtype), 1.0)
    h = feat * jax.lax.rsqrt(deg_out)[:, None]
    # message passing: gather from src, scatter-add to dst
    agg = jnp.zeros((N, feat.shape[1]), dtype=feat.dtype).at[dst].add(h[src])
    deg_in = jnp.maximum(jnp.bincount(dst, length=N).astype(feat.dtype), 1.0)
    agg = agg * jax.lax.rsqrt(deg_in)[:, None]
    out = agg @ W + b
    return jax.nn.leaky_relu(out, negative_slope=0.01)


def reference(feat, edge_index, order, W1, b1, W2, b2, Wl, bl):
    src = edge_index[0]
    dst = edge_index[1]
    h = _graph_conv(feat, src, dst, W1, b1)
    embeddings = _graph_conv(h, src, dst, W2, b2)[:1024]
    count = (jnp.asarray(order) + 1).astype(embeddings.dtype)
    pooling = jnp.sum(embeddings, axis=0) / count
    return pooling @ Wl + bl

if __name__ == "__main__":
    import jax
    _d = setup_inputs()
    print(jax.jit(kernel)(*tuple(_d.values())))

</pallas_src>

<mosaic_0001>
#map = affine_map<(d0, d1) -> (0, 0)>
#map1 = affine_map<(d0, d1) -> (0)>
#map2 = affine_map<(d0, d1) -> (0, 0, 0)>
module attributes {stable_mosaic.version = 14 : i64} {
  func.func @_scat2(%arg0: i32, %arg1: i32, %arg2: memref<10240x128xf32, #tpu.memory_space<hbm>>, %arg3: memref<327680xi32, #tpu.memory_space<hbm>>, %arg4: memref<327680xi32, #tpu.memory_space<hbm>>, %arg5: memref<32x16xi32, #tpu.memory_space<hbm>>, %arg6: memref<2x1152x128xf32, #tpu.memory_space<hbm>>, %arg7: memref<128xi32, #tpu.memory_space<vmem>>, %arg8: memref<128xi32, #tpu.memory_space<vmem>>, %arg9: memref<128xi32, #tpu.memory_space<vmem>>, %arg10: memref<128xi32, #tpu.memory_space<vmem>>, %arg11: memref<128x128xf32, #tpu.memory_space<vmem>>, %arg12: memref<128x128xf32, #tpu.memory_space<vmem>>, %arg13: memref<16x128xf32, #tpu.memory_space<vmem>>, %arg14: memref<!tpu.dma_semaphore, #tpu.memory_space<semaphore_mem>>, %arg15: memref<!tpu.dma_semaphore, #tpu.memory_space<semaphore_mem>>, %arg16: memref<!tpu.dma_semaphore, #tpu.memory_space<semaphore_mem>>, %arg17: memref<!tpu.dma_semaphore, #tpu.memory_space<semaphore_mem>>, %arg18: memref<!tpu.dma_semaphore, #tpu.memory_space<semaphore_mem>>, %arg19: memref<1152x128xf32, #tpu.memory_space<vmem_shared>>, %arg20: memref<16xi32, #tpu.memory_space<vmem>>) attributes {dimension_semantics = [#tpu.dimension_semantics<core_parallel>, #tpu.dimension_semantics<subcore_parallel>], iteration_bounds = array<i64: 2, 16>, scalar_prefetch = 0 : i64, scratch_operands = 14 : i64, tpu.core_type = #tpu.core_type<sc_vector_subcore>, window_params = [{transform_indices = #map}, {transform_indices = #map1}, {transform_indices = #map1}, {transform_indices = #map}, {transform_indices = #map2}]} {
    %mul3A = arith.constant 2 : i32
    %mul3A_0 = arith.muli %arg1, %mul3A : i32
    %add3A = arith.addi %mul3A_0, %arg0 : i32
    "tpu.region"() ({
      %run_scoped3A = tpu.sem_alloc : memref<!tpu.dma_semaphore, #tpu.memory_space<semaphore_mem>>
      %dma_start3A_182 = arith.constant 0 : i32
      %dma_start3A_183 = tpu.memref_slice %arg5[%add3A, %dma_start3A_182] : memref<32x16xi32, #tpu.memory_space<hbm>> -> memref<1x16xi32, #tpu.memory_space<hbm>>
      %dma_start3A_184 = tpu.memref_squeeze %dma_start3A_183 : memref<1x16xi32, #tpu.memory_space<hbm>> -> memref<16xi32, #tpu.memory_space<hbm>>
      %dma_start3A_185 = arith.constant 0 : i32
      %dma_start3A_186 = tpu.memref_slice %arg5[%add3A, %dma_start3A_185] : memref<32x16xi32, #tpu.memory_space<hbm>> -> memref<1x16xi32, #tpu.memory_space<hbm>>
      %dma_start3A_187 = tpu.memref_squeeze %dma_start3A_186 : memref<1x16xi32, #tpu.memory_space<hbm>> -> memref<16xi32, #tpu.memory_space<hbm>>
      tpu.enqueue_dma source(%dma_start3A_187 : memref<16xi32, #tpu.memory_space<hbm>>) target(%arg20 : memref<16xi32, #tpu.memory_space<vmem>>) target_semaphore(%run_scoped3A : memref<!tpu.dma_semaphore, #tpu.memory_space<semaphore_mem>>)
      %dma_wait3A_188 = arith.constant 0 : i32
      %dma_wait3A_189 = tpu.memref_slice %arg5[%add3A, %dma_wait3A_188] : memref<32x16xi32, #tpu.memory_space<hbm>> -> memref<1x16xi32, #tpu.memory_space<hbm>>
      %dma_wait3A_190 = tpu.memref_squeeze %dma_wait3A_189 : memref<1x16xi32, #tpu.memory_space<hbm>> -> memref<16xi32, #tpu.memory_space<hbm>>
      %dma_wait3A_191 = arith.constant 0 : i32
      %dma_wait3A_192 = tpu.memref_slice %arg5[%add3A, %dma_wait3A_191] : memref<32x16xi32, #tpu.memory_space<hbm>> -> memref<1x16xi32, #tpu.memory_space<hbm>>
      %dma_wait3A_193 = tpu.memref_squeeze %dma_wait3A_192 : memref<1x16xi32, #tpu.memory_space<hbm>> -> memref<16xi32, #tpu.memory_space<hbm>>
      tpu.wait_dma2 semaphore(%run_scoped3A : memref<!tpu.dma_semaphore, #tpu.memory_space<semaphore_mem>>) src(%dma_wait3A_193 : memref<16xi32, #tpu.memory_space<hbm>>) dst(%arg20 : memref<16xi32, #tpu.memory_space<vmem>>)
      tpu.yield
    }) : () -> ()
    %broadcast_in_dim3A = arith.constant 0.000000e+00 : f32
    %broadcast_in_dim3A_1 = vector.broadcast %broadcast_in_dim3A : f32 to vector<16xf32>
    %scan3A = arith.constant 0 : i32
    %scan3A_2 = arith.constant 0 : i32
    %scan3A_3 = arith.constant 256 : i32
    %scan3A_4 = arith.addi %scan3A_2, %scan3A_3 : i32
    %scan3A_5 = arith.constant 1 : i32
    scf.for %scan3A_182 = %scan3A_2 to %scan3A_4 step %scan3A_5  : i32 {
      %jit3A_183 = arith.constant 8 : i32
      %div3A_184 = arith.divsi %scan3A_182, %jit3A_183 : i32
      %sign3A_185 = arith.constant 0 : i32
      %sign3A_186 = arith.cmpi sgt, %scan3A_182, %sign3A_185 : i32
      %sign3A_187 = arith.extui %sign3A_186 : i1 to i32
      %sign3A_188 = arith.constant 0 : i32
      %sign3A_189 = arith.cmpi slt, %scan3A_182, %sign3A_188 : i32
      %sign3A_190 = arith.extui %sign3A_189 : i1 to i32
      %sign3A_191 = arith.subi %sign3A_187, %sign3A_190 : i32
      %sign3A_192 = arith.constant 0 : i32
      %sign3A_193 = arith.cmpi sgt, %jit3A_183, %sign3A_192 : i32
      %sign3A_194 = arith.extui %sign3A_193 : i1 to i32
      %sign3A_195 = arith.constant 0 : i32
      %sign3A_196 = arith.cmpi slt, %jit3A_183, %sign3A_195 : i32
      %sign3A_197 = arith.extui %sign3A_196 : i1 to i32
      %sign3A_198 = arith.subi %sign3A_194, %sign3A_197 : i32
      %ne3A_199 = arith.cmpi ne, %sign3A_191, %sign3A_198 : i32
      %rem3A_200 = arith.remsi %scan3A_182, %jit3A_183 : i32
      %ne3A_201 = arith.constant 0 : i32
      %ne3A_202 = arith.cmpi ne, %rem3A_200, %ne3A_201 : i32
      %and3A_203 = arith.andi %ne3A_199, %ne3A_202 : i1
      %sub3A_204 = arith.constant 1 : i32
      %sub3A_205 = arith.subi %div3A_184, %sub3A_204 : i32
      %select_n3A_206 = arith.select %and3A_203, %sub3A_205, %div3A_184 : i32
      %jit3A_207 = arith.constant 8 : i32
      %eq3A_208 = arith.constant 0 : i32
      %eq3A_209 = arith.cmpi eq, %jit3A_207, %eq3A_208 : i32
      %jit3A_210 = arith.constant 1 : i32
      %select_n3A_211 = arith.select %eq3A_209, %jit3A_210, %jit3A_207 : i32
      %rem3A_212 = arith.remsi %scan3A_182, %select_n3A_211 : i32
      %ne3A_213 = arith.constant 0 : i32
      %ne3A_214 = arith.cmpi ne, %rem3A_212, %ne3A_213 : i32
      %lt3A = arith.constant 0 : i32
      %lt3A_215 = arith.cmpi slt, %rem3A_212, %lt3A : i32
      %lt3A_216 = arith.constant 0 : i32
      %lt3A_217 = arith.cmpi slt, %select_n3A_211, %lt3A_216 : i32
      %ne3A_218 = arith.xori %lt3A_215, %lt3A_217 : i1
      %and3A_219 = arith.andi %ne3A_218, %ne3A_214 : i1
      %add3A_220 = arith.addi %rem3A_212, %select_n3A_211 : i32
      %select_n3A_221 = arith.select %and3A_219, %add3A_220, %rem3A_212 : i32
      %mul3A_222 = arith.constant 16 : i32
      %mul3A_223 = arith.muli %select_n3A_221, %mul3A_222 : i32
      %swap3A = arith.index_cast %select_n3A_206 : i32 to index
      %swap3A_224 = arith.index_cast %mul3A_223 : i32 to index
      %swap3A_225 = tpu.vector_load %arg13[%swap3A, %swap3A_224] {strides = array<i32>} : memref<16x128xf32, #tpu.memory_space<vmem>>, vector<16xf32>,
      tpu.vector_store %arg13[%swap3A, %swap3A_224], %broadcast_in_dim3A_1 {strides = array<i32>} : memref<16x128xf32, #tpu.memory_space<vmem>>, vector<16xf32>,
    }
    %scan3A_6 = arith.constant 256 : i32
    %mul3A_7 = arith.constant 72 : i32
    %mul3A_8 = arith.muli %arg1, %mul3A_7 : i32
    %add3A_9 = arith.constant 0 : i32
    %add3A_10 = arith.addi %mul3A_8, %add3A_9 : i32
    %dma_start3A = arith.constant 0 : i32
    %dma_start3A_11 = tpu.memref_slice %arg19[%add3A_10, %dma_start3A] : memref<1152x128xf32, #tpu.memory_space<vmem_shared>> -> memref<16x128xf32, #tpu.memory_space<vmem_shared>>
    %dma_start3A_12 = arith.constant 0 : i32
    %dma_start3A_13 = tpu.memref_slice %arg19[%add3A_10, %dma_start3A_12] : memref<1152x128xf32, #tpu.memory_space<vmem_shared>> -> memref<16x128xf32, #tpu.memory_space<vmem_shared>>
    tpu.enqueue_dma source(%arg13 : memref<16x128xf32, #tpu.memory_space<vmem>>) target(%dma_start3A_13 : memref<16x128xf32, #tpu.memory_space<vmem_shared>>) target_semaphore(%arg18 : memref<!tpu.dma_semaphore, #tpu.memory_space<semaphore_mem>>)
    %add3A_14 = arith.constant 16 : i32
    %add3A_15 = arith.addi %mul3A_8, %add3A_14 : i32
    %dma_start3A_16 = arith.constant 0 : i32
    %dma_start3A_17 = tpu.memref_slice %arg19[%add3A_15, %dma_start3A_16] : memref<1152x128xf32, #tpu.memory_space<vmem_shared>> -> memref<16x128xf32, #tpu.memory_space<vmem_shared>>
    %dma_start3A_18 = arith.constant 0 : i32
    %dma_start3A_19 = tpu.memref_slice %arg19[%add3A_15, %dma_start3A_18] : memref<1152x128xf32, #tpu.memory_space<vmem_shared>> -> memref<16x128xf32, #tpu.memory_space<vmem_shared>>
    tpu.enqueue_dma source(%arg13 : memref<16x128xf32, #tpu.memory_space<vmem>>) target(%dma_start3A_19 : memref<16x128xf32, #tpu.memory_space<vmem_shared>>) target_semaphore(%arg18 : memref<!tpu.dma_semaphore, #tpu.memory_space<semaphore_mem>>)
    %add3A_20 = arith.constant 32 : i32
    %add3A_21 = arith.addi %mul3A_8, %add3A_20 : i32
    %dma_start3A_22 = arith.constant 0 : i32
    %dma_start3A_23 = tpu.memref_slice %arg19[%add3A_21, %dma_start3A_22] : memref<1152x128xf32, #tpu.memory_space<vmem_shared>> -> memref<16x128xf32, #tpu.memory_space<vmem_shared>>
    %dma_start3A_24 = arith.constant 0 : i32
    %dma_start3A_25 = tpu.memref_slice %arg19[%add3A_21, %dma_start3A_24] : memref<1152x128xf32, #tpu.memory_space<vmem_shared>> -> memref<16x128xf32, #tpu.memory_space<vmem_shared>>
    tpu.enqueue_dma source(%arg13 : memref<16x128xf32, #tpu.memory_space<vmem>>) target(%dma_start3A_25 : memref<16x128xf32, #tpu.memory_space<vmem_shared>>) target_semaphore(%arg18 : memref<!tpu.dma_semaphore, #tpu.memory_space<semaphore_mem>>)
    %add3A_26 = arith.constant 48 : i32
    %add3A_27 = arith.addi %mul3A_8, %add3A_26 : i32
    %dma_start3A_28 = arith.constant 0 : i32
    %dma_start3A_29 = tpu.memref_slice %arg19[%add3A_27, %dma_start3A_28] : memref<1152x128xf32, #tpu.memory_space<vmem_shared>> -> memref<16x128xf32, #tpu.memory_space<vmem_shared>>
    %dma_start3A_30 = arith.constant 0 : i32
    %dma_start3A_31 = tpu.memref_slice %arg19[%add3A_27, %dma_start3A_30] : memref<1152x128xf32, #tpu.memory_space<vmem_shared>> -> memref<16x128xf32, #tpu.memory_space<vmem_shared>>
    tpu.enqueue_dma source(%arg13 : memref<16x128xf32, #tpu.memory_space<vmem>>) target(%dma_start3A_31 : memref<16x128xf32, #tpu.memory_space<vmem_shared>>) target_semaphore(%arg18 : memref<!tpu.dma_semaphore, #tpu.memory_space<semaphore_mem>>)
    %add3A_32 = arith.constant 64 : i32
    %add3A_33 = arith.addi %mul3A_8, %add3A_32 : i32
    %dma_start3A_34 = arith.constant 0 : i32
    %dma_start3A_35 = arith.constant 0 : i32
    %dma_start3A_36 = tpu.memref_slice %arg13[%dma_start3A_34, %dma_start3A_35] : memref<16x128xf32, #tpu.memory_space<vmem>> -> memref<8x128xf32, #tpu.memory_space<vmem>>
    %dma_start3A_37 = arith.constant 0 : i32
    %dma_start3A_38 = tpu.memref_slice %arg19[%add3A_33, %dma_start3A_37] : memref<1152x128xf32, #tpu.memory_space<vmem_shared>> -> memref<8x128xf32, #tpu.memory_space<vmem_shared>>
    %dma_start3A_39 = arith.constant 0 : i32
    %dma_start3A_40 = tpu.memref_slice %arg19[%add3A_33, %dma_start3A_39] : memref<1152x128xf32, #tpu.memory_space<vmem_shared>> -> memref<8x128xf32, #tpu.memory_space<vmem_shared>>
    %dma_start3A_41 = arith.constant 0 : i32
    %dma_start3A_42 = arith.constant 0 : i32
    %dma_start3A_43 = tpu.memref_slice %arg13[%dma_start3A_41, %dma_start3A_42] : memref<16x128xf32, #tpu.memory_space<vmem>> -> memref<8x128xf32, #tpu.memory_space<vmem>>
    tpu.enqueue_dma source(%dma_start3A_43 : memref<8x128xf32, #tpu.memory_space<vmem>>) target(%dma_start3A_40 : memref<8x128xf32, #tpu.memory_space<vmem_shared>>) target_semaphore(%arg18 : memref<!tpu.dma_semaphore, #tpu.memory_space<semaphore_mem>>)
    %get3A = arith.constant 0 : index
    %get3A_44 = tpu.vector_load %arg20[%get3A] {strides = array<i32>} : memref<16xi32, #tpu.memory_space<vmem>>, vector<16xi32>,
    %slice3A = vector.extract_strided_slice %get3A_44 {offsets = [0], sizes = [1], strides = [1]} : vector<16xi32> to vector<1xi32>
    %squeeze3A = vector.extract %slice3A[0] : i32 from vector<1xi32>
    %add3A_45 = arith.constant 128 : i32
    %add3A_46 = arith.addi %squeeze3A, %add3A_45 : i32
    %sub3A = arith.constant 1 : i32
    %sub3A_47 = arith.subi %add3A_46, %sub3A : i32
    %jit3A = arith.constant 128 : i32
    %div3A = arith.divsi %sub3A_47, %jit3A : i32
    %sign3A = arith.constant 0 : i32
    %sign3A_48 = arith.cmpi sgt, %sub3A_47, %sign3A : i32
    %sign3A_49 = arith.extui %sign3A_48 : i1 to i32
    %sign3A_50 = arith.constant 0 : i32
    %sign3A_51 = arith.cmpi slt, %sub3A_47, %sign3A_50 : i32
    %sign3A_52 = arith.extui %sign3A_51 : i1 to i32
    %sign3A_53 = arith.subi %sign3A_49, %sign3A_52 : i32
    %sign3A_54 = arith.constant 0 : i32
    %sign3A_55 = arith.cmpi sgt, %jit3A, %sign3A_54 : i32
    %sign3A_56 = arith.extui %sign3A_55 : i1 to i32
    %sign3A_57 = arith.constant 0 : i32
    %sign3A_58 = arith.cmpi slt, %jit3A, %sign3A_57 : i32
    %sign3A_59 = arith.extui %sign3A_58 : i1 to i32
    %sign3A_60 = arith.subi %sign3A_56, %sign3A_59 : i32
    %ne3A = arith.cmpi ne, %sign3A_53, %sign3A_60 : i32
    %rem3A = arith.remsi %sub3A_47, %jit3A : i32
    %ne3A_61 = arith.constant 0 : i32
    %ne3A_62 = arith.cmpi ne, %rem3A, %ne3A_61 : i32
    %and3A = arith.andi %ne3A, %ne3A_62 : i1
    %sub3A_63 = arith.constant 1 : i32
    %sub3A_64 = arith.subi %div3A, %sub3A_63 : i32
    %select_n3A = arith.select %and3A, %sub3A_64, %div3A : i32
    %dma_wait3A = arith.constant 0 : i32
    %dma_wait3A_65 = tpu.memref_slice %arg19[%add3A_10, %dma_wait3A] : memref<1152x128xf32, #tpu.memory_space<vmem_shared>> -> memref<16x128xf32, #tpu.memory_space<vmem_shared>>
    %dma_wait3A_66 = arith.constant 0 : i32
    %dma_wait3A_67 = tpu.memref_slice %arg19[%add3A_10, %dma_wait3A_66] : memref<1152x128xf32, #tpu.memory_space<vmem_shared>> -> memref<16x128xf32, #tpu.memory_space<vmem_shared>>
    tpu.wait_dma2 semaphore(%arg18 : memref<!tpu.dma_semaphore, #tpu.memory_space<semaphore_mem>>) src(%arg13 : memref<16x128xf32, #tpu.memory_space<vmem>>) dst(%dma_wait3A_67 : memref<16x128xf32, #tpu.memory_space<vmem_shared>>)
    %dma_wait3A_68 = arith.constant 0 : i32
    %dma_wait3A_69 = tpu.memref_slice %arg19[%add3A_15, %dma_wait3A_68] : memref<1152x128xf32, #tpu.memory_space<vmem_shared>> -> memref<16x128xf32, #tpu.memory_space<vmem_shared>>
    %dma_wait3A_70 = arith.constant 0 : i32
    %dma_wait3A_71 = tpu.memref_slice %arg19[%add3A_15, %dma_wait3A_70] : memref<1152x128xf32, #tpu.memory_space<vmem_shared>> -> memref<16x128xf32, #tpu.memory_space<vmem_shared>>
    tpu.wait_dma2 semaphore(%arg18 : memref<!tpu.dma_semaphore, #tpu.memory_space<semaphore_mem>>) src(%arg13 : memref<16x128xf32, #tpu.memory_space<vmem>>) dst(%dma_wait3A_71 : memref<16x128xf32, #tpu.memory_space<vmem_shared>>)
    %dma_wait3A_72 = arith.constant 0 : i32
    %dma_wait3A_73 = tpu.memref_slice %arg19[%add3A_21, %dma_wait3A_72] : memref<1152x128xf32, #tpu.memory_space<vmem_shared>> -> memref<16x128xf32, #tpu.memory_space<vmem_shared>>
    %dma_wait3A_74 = arith.constant 0 : i32
    %dma_wait3A_75 = tpu.memref_slice %arg19[%add3A_21, %dma_wait3A_74] : memref<1152x128xf32, #tpu.memory_space<vmem_shared>> -> memref<16x128xf32, #tpu.memory_space<vmem_shared>>
    tpu.wait_dma2 semaphore(%arg18 : memref<!tpu.dma_semaphore, #tpu.memory_space<semaphore_mem>>) src(%arg13 : memref<16x128xf32, #tpu.memory_space<vmem>>) dst(%dma_wait3A_75 : memref<16x128xf32, #tpu.memory_space<vmem_shared>>)
    %dma_wait3A_76 = arith.constant 0 : i32
    %dma_wait3A_77 = tpu.memref_slice %arg19[%add3A_27, %dma_wait3A_76] : memref<1152x128xf32, #tpu.memory_space<vmem_shared>> -> memref<16x128xf32, #tpu.memory_space<vmem_shared>>
    %dma_wait3A_78 = arith.constant 0 : i32
    %dma_wait3A_79 = tpu.memref_slice %arg19[%add3A_27, %dma_wait3A_78] : memref<1152x128xf32, #tpu.memory_space<vmem_shared>> -> memref<16x128xf32, #tpu.memory_space<vmem_shared>>
    tpu.wait_dma2 semaphore(%arg18 : memref<!tpu.dma_semaphore, #tpu.memory_space<semaphore_mem>>) src(%arg13 : memref<16x128xf32, #tpu.memory_space<vmem>>) dst(%dma_wait3A_79 : memref<16x128xf32, #tpu.memory_space<vmem_shared>>)
    %dma_wait3A_80 = arith.constant 0 : i32
    %dma_wait3A_81 = arith.constant 0 : i32
    %dma_wait3A_82 = tpu.memref_slice %arg13[%dma_wait3A_80, %dma_wait3A_81] : memref<16x128xf32, #tpu.memory_space<vmem>> -> memref<8x128xf32, #tpu.memory_space<vmem>>
    %dma_wait3A_83 = arith.constant 0 : i32
    %dma_wait3A_84 = tpu.memref_slice %arg19[%add3A_33, %dma_wait3A_83] : memref<1152x128xf32, #tpu.memory_space<vmem_shared>> -> memref<8x128xf32, #tpu.memory_space<vmem_shared>>
    %dma_wait3A_85 = arith.constant 0 : i32
    %dma_wait3A_86 = tpu.memref_slice %arg19[%add3A_33, %dma_wait3A_85] : memref<1152x128xf32, #tpu.memory_space<vmem_shared>> -> memref<8x128xf32, #tpu.memory_space<vmem_shared>>
    %dma_wait3A_87 = arith.constant 0 : i32
    %dma_wait3A_88 = arith.constant 0 : i32
    %dma_wait3A_89 = tpu.memref_slice %arg13[%dma_wait3A_87, %dma_wait3A_88] : memref<16x128xf32, #tpu.memory_space<vmem>> -> memref<8x128xf32, #tpu.memory_space<vmem>>
    tpu.wait_dma2 semaphore(%arg18 : memref<!tpu.dma_semaphore, #tpu.memory_space<semaphore_mem>>) src(%dma_wait3A_89 : memref<8x128xf32, #tpu.memory_space<vmem>>) dst(%dma_wait3A_86 : memref<8x128xf32, #tpu.memory_space<vmem_shared>>)
    %barrier3A = arith.constant 0 : index
    tpu.barrier barrier_id(%barrier3A)
    %mul3A_90 = arith.constant 10240 : i32
    %mul3A_91 = arith.muli %add3A, %mul3A_90 : i32
    %add3A_92 = arith.constant 2 : i32
    %add3A_93 = arith.addi %select_n3A, %add3A_92 : i32
    %jit3A_94 = arith.constant 2 : i32
    %div3A_95 = arith.divsi %add3A_93, %jit3A_94 : i32
    %sign3A_96 = arith.constant 0 : i32
    %sign3A_97 = arith.cmpi sgt, %add3A_93, %sign3A_96 : i32
    %sign3A_98 = arith.extui %sign3A_97 : i1 to i32
    %sign3A_99 = arith.constant 0 : i32
    %sign3A_100 = arith.cmpi slt, %add3A_93, %sign3A_99 : i32
    %sign3A_101 = arith.extui %sign3A_100 : i1 to i32
    %sign3A_102 = arith.subi %sign3A_98, %sign3A_101 : i32
    %sign3A_103 = arith.constant 0 : i32
    %sign3A_104 = arith.cmpi sgt, %jit3A_94, %sign3A_103 : i32
    %sign3A_105 = arith.extui %sign3A_104 : i1 to i32
    %sign3A_106 = arith.constant 0 : i32
    %sign3A_107 = arith.cmpi slt, %jit3A_94, %sign3A_106 : i32
    %sign3A_108 = arith.extui %sign3A_107 : i1 to i32
    %sign3A_109 = arith.subi %sign3A_105, %sign3A_108 : i32
    %ne3A_110 = arith.cmpi ne, %sign3A_102, %sign3A_109 : i32
    %rem3A_111 = arith.remsi %add3A_93, %jit3A_94 : i32
    %ne3A_112 = arith.constant 0 : i32
    %ne3A_113 = arith.cmpi ne, %rem3A_111, %ne3A_112 : i32
    %and3A_114 = arith.andi %ne3A_110, %ne3A_113 : i1
    %sub3A_115 = arith.constant 1 : i32
    %sub3A_116 = arith.subi %div3A_95, %sub3A_115 : i32
    %select_n3A_117 = arith.select %and3A_114, %sub3A_116, %div3A_95 : i32
    %while3A = arith.constant 0 : i32
    %while3A_118 = arith.constant 0 : i32
    %while3A_119 = arith.subi %select_n3A_117, %while3A_118 : i32
    %while3A_120 = arith.addi %while3A_118, %while3A_119 : i32
    %while3A_121 = arith.constant 1 : i32
    %while3A_122 = arith.divsi %while3A_119, %while3A_121 : i32
    %while3A_123 = arith.muli %while3A_122, %while3A_121 : i32
    %while3A_124 = arith.addi %while3A_118, %while3A_123 : i32
    %while3A_125 = arith.constant 1 : i32
    scf.for %while3A_182 = %while3A_118 to %while3A_124 step %while3A_125  : i32 {
      %mul3A_183 = arith.constant 2 : i32
      %mul3A_184 = arith.muli %mul3A_183, %while3A_182 : i32
      %lt3A = arith.cmpi slt, %mul3A_184, %select_n3A : i32
      %convert_element_type3A_185 = arith.extui %lt3A : i1 to i32
      %cond3A_186 = arith.constant 0 : i32
      %cond3A_187 = arith.cmpi ne, %convert_element_type3A_185, %cond3A_186 : i32
      scf.if %cond3A_187 {
        %mul3A_214 = arith.constant 128 : i32
        %mul3A_215 = arith.muli %mul3A_184, %mul3A_214 : i32
        %add3A_216 = arith.addi %mul3A_91, %mul3A_215 : i32
        "tpu.region"() ({
          %run_scoped3A = tpu.sem_alloc : memref<!tpu.dma_semaphore, #tpu.memory_space<semaphore_mem>>
          %dma_start3A_225 = tpu.memref_slice %arg3[%add3A_216] : memref<327680xi32, #tpu.memory_space<hbm>> -> memref<128xi32, #tpu.memory_space<hbm>>
          %dma_start3A_226 = tpu.memref_slice %arg3[%add3A_216] : memref<327680xi32, #tpu.memory_space<hbm>> -> memref<128xi32, #tpu.memory_space<hbm>>
          tpu.enqueue_dma source(%dma_start3A_226 : memref<128xi32, #tpu.memory_space<hbm>>) target(%arg7 : memref<128xi32, #tpu.memory_space<vmem>>) target_semaphore(%run_scoped3A : memref<!tpu.dma_semaphore, #tpu.memory_space<semaphore_mem>>)
          %dma_wait3A_227 = tpu.memref_slice %arg3[%add3A_216] : memref<327680xi32, #tpu.memory_space<hbm>> -> memref<128xi32, #tpu.memory_space<hbm>>
          %dma_wait3A_228 = tpu.memref_slice %arg3[%add3A_216] : memref<327680xi32, #tpu.memory_space<hbm>> -> memref<128xi32, #tpu.memory_space<hbm>>
          tpu.wait_dma2 semaphore(%run_scoped3A : memref<!tpu.dma_semaphore, #tpu.memory_space<semaphore_mem>>) src(%dma_wait3A_228 : memref<128xi32, #tpu.memory_space<hbm>>) dst(%arg7 : memref<128xi32, #tpu.memory_space<vmem>>)
          tpu.yield
        }) : () -> ()
        %ge3A_217 = arith.constant 2 : i32
        %ge3A_218 = arith.cmpi sge, %mul3A_184, %ge3A_217 : i32
        %convert_element_type3A_219 = arith.extui %ge3A_218 : i1 to i32
        %cond3A_220 = arith.constant 0 : i32
        %cond3A_221 = arith.cmpi ne, %convert_element_type3A_219, %cond3A_220 : i32
        scf.if %cond3A_221 {
          %dma_wait3A_225 = arith.constant 0 : i32
          %dma_wait3A_226 = arith.constant 0 : i32
          %dma_wait3A_227 = tpu.memref_slice %arg2[%dma_wait3A_225, %dma_wait3A_226] : memref<10240x128xf32, #tpu.memory_space<hbm>> -> memref<128x128xf32, #tpu.memory_space<hbm>>
          %dma_wait3A_228 = arith.constant 0 : i32
          %dma_wait3A_229 = arith.constant 0 : i32
          %dma_wait3A_230 = tpu.memref_slice %arg2[%dma_wait3A_228, %dma_wait3A_229] : memref<10240x128xf32, #tpu.memory_space<hbm>> -> memref<128x128xf32, #tpu.memory_space<hbm>>
          tpu.wait_dma2 semaphore(%arg16 : memref<!tpu.dma_semaphore, #tpu.memory_space<semaphore_mem>>) src(%dma_wait3A_230 : memref<128x128xf32, #tpu.memory_space<hbm>>) dst(%arg11 : memref<128x128xf32, #tpu.memory_space<vmem>>)
        } else {
        }
        %dma_start3A_222 = arith.constant 0 : i32
        %dma_start3A_223 = arith.constant 0 : i32
        %dma_start3A_224 = tpu.memref_slice %arg2[%dma_start3A_222, %dma_start3A_223] : memref<10240x128xf32, #tpu.memory_space<hbm>> -> memref<10240x128xf32, #tpu.memory_space<hbm>>
        tpu.enqueue_indirect_dma source(%dma_start3A_224 : memref<10240x128xf32, #tpu.memory_space<hbm>>) target(%arg11 : memref<128x128xf32, #tpu.memory_space<vmem>>) offsets(%arg7 : memref<128xi32, #tpu.memory_space<vmem>>) semaphore(%arg14 : memref<!tpu.dma_semaphore, #tpu.memory_space<semaphore_mem>>)
        "tpu.region"() ({
          %run_scoped3A = tpu.sem_alloc : memref<!tpu.dma_semaphore, #tpu.memory_space<semaphore_mem>>
          %dma_start3A_225 = tpu.memref_slice %arg4[%add3A_216] : memref<327680xi32, #tpu.memory_space<hbm>> -> memref<128xi32, #tpu.memory_space<hbm>>
          %dma_start3A_226 = tpu.memref_slice %arg4[%add3A_216] : memref<327680xi32, #tpu.memory_space<hbm>> -> memref<128xi32, #tpu.memory_space<hbm>>
          tpu.enqueue_dma source(%dma_start3A_226 : memref<128xi32, #tpu.memory_space<hbm>>) target(%arg9 : memref<128xi32, #tpu.memory_space<vmem>>) target_semaphore(%run_scoped3A : memref<!tpu.dma_semaphore, #tpu.memory_space<semaphore_mem>>)
          %dma_wait3A_227 = tpu.memref_slice %arg4[%add3A_216] : memref<327680xi32, #tpu.memory_space<hbm>> -> memref<128xi32, #tpu.memory_space<hbm>>
          %dma_wait3A_228 = tpu.memref_slice %arg4[%add3A_216] : memref<327680xi32, #tpu.memory_space<hbm>> -> memref<128xi32, #tpu.memory_space<hbm>>
          tpu.wait_dma2 semaphore(%run_scoped3A : memref<!tpu.dma_semaphore, #tpu.memory_space<semaphore_mem>>) src(%dma_wait3A_228 : memref<128xi32, #tpu.memory_space<hbm>>) dst(%arg9 : memref<128xi32, #tpu.memory_space<vmem>>)
          tpu.yield
        }) : () -> ()
      } else {
      }
      %ge3A_188 = arith.constant 1 : i32
      %ge3A_189 = arith.cmpi sge, %mul3A_184, %ge3A_188 : i32
      %sub3A_190 = arith.constant 1 : i32
      %sub3A_191 = arith.subi %mul3A_184, %sub3A_190 : i32
      %lt3A_192 = arith.cmpi slt, %sub3A_191, %select_n3A : i32
      %and3A_193 = arith.andi %ge3A_189, %lt3A_192 : i1
      %convert_element_type3A_194 = arith.extui %and3A_193 : i1 to i32
      %cond3A_195 = arith.constant 0 : i32
      %cond3A_196 = arith.cmpi ne, %convert_element_type3A_194, %cond3A_195 : i32
      scf.if %cond3A_196 {
        %dma_wait3A_214 = arith.constant 0 : i32
        %dma_wait3A_215 = arith.constant 0 : i32
        %dma_wait3A_216 = tpu.memref_slice %arg2[%dma_wait3A_214, %dma_wait3A_215] : memref<10240x128xf32, #tpu.memory_space<hbm>> -> memref<128x128xf32, #tpu.memory_space<hbm>>
        %dma_wait3A_217 = arith.constant 0 : i32
        %dma_wait3A_218 = arith.constant 0 : i32
        %dma_wait3A_219 = tpu.memref_slice %arg2[%dma_wait3A_217, %dma_wait3A_218] : memref<10240x128xf32, #tpu.memory_space<hbm>> -> memref<128x128xf32, #tpu.memory_space<hbm>>
        tpu.wait_dma2 semaphore(%arg15 : memref<!tpu.dma_semaphore, #tpu.memory_space<semaphore_mem>>) src(%dma_wait3A_219 : memref<128x128xf32, #tpu.memory_space<hbm>>) dst(%arg12 : memref<128x128xf32, #tpu.memory_space<vmem>>)
        %dma_start3A_220 = arith.constant 0 : i32
        %dma_start3A_221 = arith.constant 0 : i32
        %dma_start3A_222 = tpu.memref_slice %arg19[%dma_start3A_220, %dma_start3A_221] : memref<1152x128xf32, #tpu.memory_space<vmem_shared>> -> memref<1152x128xf32, #tpu.memory_space<vmem_shared>>
        tpu.enqueue_indirect_dma source(%arg12 : memref<128x128xf32, #tpu.memory_space<vmem>>) target(%dma_start3A_222 : memref<1152x128xf32, #tpu.memory_space<vmem_shared>>) offsets(%arg10 : memref<128xi32, #tpu.memory_space<vmem>>) semaphore(%arg17 : memref<!tpu.dma_semaphore, #tpu.memory_space<semaphore_mem>>) {add = true}
      } else {
      }
      %mul3A_197 = arith.constant 2 : i32
      %mul3A_198 = arith.muli %mul3A_197, %while3A_182 : i32
      %add3A_199 = arith.constant 1 : i32
      %add3A_200 = arith.addi %mul3A_198, %add3A_199 : i32
      %lt3A_201 = arith.cmpi slt, %add3A_200, %select_n3A : i32
      %convert_element_type3A_202 = arith.extui %lt3A_201 : i1 to i32
      %cond3A_203 = arith.constant 0 : i32
      %cond3A_204 = arith.cmpi ne, %convert_element_type3A_202, %cond3A_203 : i32
      scf.if %cond3A_204 {
        %mul3A_214 = arith.constant 128 : i32
        %mul3A_215 = arith.muli %add3A_200, %mul3A_214 : i32
        %add3A_216 = arith.addi %mul3A_91, %mul3A_215 : i32
        "tpu.region"() ({
          %run_scoped3A = tpu.sem_alloc : memref<!tpu.dma_semaphore, #tpu.memory_space<semaphore_mem>>
          %dma_start3A_225 = tpu.memref_slice %arg3[%add3A_216] : memref<327680xi32, #tpu.memory_space<hbm>> -> memref<128xi32, #tpu.memory_space<hbm>>
          %dma_start3A_226 = tpu.memref_slice %arg3[%add3A_216] : memref<327680xi32, #tpu.memory_space<hbm>> -> memref<128xi32, #tpu.memory_space<hbm>>
          tpu.enqueue_dma source(%dma_start3A_226 : memref<128xi32, #tpu.memory_space<hbm>>) target(%arg8 : memref<128xi32, #tpu.memory_space<vmem>>) target_semaphore(%run_scoped3A : memref<!tpu.dma_semaphore, #tpu.memory_space<semaphore_mem>>)
          %dma_wait3A_227 = tpu.memref_slice %arg3[%add3A_216] : memref<327680xi32, #tpu.memory_space<hbm>> -> memref<128xi32, #tpu.memory_space<hbm>>
          %dma_wait3A_228 = tpu.memref_slice %arg3[%add3A_216] : memref<327680xi32, #tpu.memory_space<hbm>> -> memref<128xi32, #tpu.memory_space<hbm>>
          tpu.wait_dma2 semaphore(%run_scoped3A : memref<!tpu.dma_semaphore, #tpu.memory_space<semaphore_mem>>) src(%dma_wait3A_228 : memref<128xi32, #tpu.memory_space<hbm>>) dst(%arg8 : memref<128xi32, #tpu.memory_space<vmem>>)
          tpu.yield
        }) : () -> ()
        %ge3A_217 = arith.constant 2 : i32
        %ge3A_218 = arith.cmpi sge, %add3A_200, %ge3A_217 : i32
        %convert_element_type3A_219 = arith.extui %ge3A_218 : i1 to i32
        %cond3A_220 = arith.constant 0 : i32
        %cond3A_221 = arith.cmpi ne, %convert_element_type3A_219, %cond3A_220 : i32
        scf.if %cond3A_221 {
          %dma_wait3A_225 = arith.constant 0 : i32
          %dma_wait3A_226 = arith.constant 0 : i32
          %dma_wait3A_227 = tpu.memref_slice %arg2[%dma_wait3A_225, %dma_wait3A_226] : memref<10240x128xf32, #tpu.memory_space<hbm>> -> memref<128x128xf32, #tpu.memory_space<hbm>>
          %dma_wait3A_228 = arith.constant 0 : i32
          %dma_wait3A_229 = arith.constant 0 : i32
          %dma_wait3A_230 = tpu.memref_slice %arg2[%dma_wait3A_228, %dma_wait3A_229] : memref<10240x128xf32, #tpu.memory_space<hbm>> -> memref<128x128xf32, #tpu.memory_space<hbm>>
          tpu.wait_dma2 semaphore(%arg17 : memref<!tpu.dma_semaphore, #tpu.memory_space<semaphore_mem>>) src(%dma_wait3A_230 : memref<128x128xf32, #tpu.memory_space<hbm>>) dst(%arg12 : memref<128x128xf32, #tpu.memory_space<vmem>>)
        } else {
        }
        %dma_start3A_222 = arith.constant 0 : i32
        %dma_start3A_223 = arith.constant 0 : i32
        %dma_start3A_224 = tpu.memref_slice %arg2[%dma_start3A_222, %dma_start3A_223] : memref<10240x128xf32, #tpu.memory_space<hbm>> -> memref<10240x128xf32, #tpu.memory_space<hbm>>
        tpu.enqueue_indirect_dma source(%dma_start3A_224 : memref<10240x128xf32, #tpu.memory_space<hbm>>) target(%arg12 : memref<128x128xf32, #tpu.memory_space<vmem>>) offsets(%arg8 : memref<128xi32, #tpu.memory_space<vmem>>) semaphore(%arg15 : memref<!tpu.dma_semaphore, #tpu.memory_space<semaphore_mem>>)
        "tpu.region"() ({
          %run_scoped3A = tpu.sem_alloc : memref<!tpu.dma_semaphore, #tpu.memory_space<semaphore_mem>>
          %dma_start3A_225 = tpu.memref_slice %arg4[%add3A_216] : memref<327680xi32, #tpu.memory_space<hbm>> -> memref<128xi32, #tpu.memory_space<hbm>>
          %dma_start3A_226 = tpu.memref_slice %arg4[%add3A_216] : memref<327680xi32, #tpu.memory_space<hbm>> -> memref<128xi32, #tpu.memory_space<hbm>>
          tpu.enqueue_dma source(%dma_start3A_226 : memref<128xi32, #tpu.memory_space<hbm>>) target(%arg10 : memref<128xi32, #tpu.memory_space<vmem>>) target_semaphore(%run_scoped3A : memref<!tpu.dma_semaphore, #tpu.memory_space<semaphore_mem>>)
          %dma_wait3A_227 = tpu.memref_slice %arg4[%add3A_216] : memref<327680xi32, #tpu.memory_space<hbm>> -> memref<128xi32, #tpu.memory_space<hbm>>
          %dma_wait3A_228 = tpu.memref_slice %arg4[%add3A_216] : memref<327680xi32, #tpu.memory_space<hbm>> -> memref<128xi32, #tpu.memory_space<hbm>>
          tpu.wait_dma2 semaphore(%run_scoped3A : memref<!tpu.dma_semaphore, #tpu.memory_space<semaphore_mem>>) src(%dma_wait3A_228 : memref<128xi32, #tpu.memory_space<hbm>>) dst(%arg10 : memref<128xi32, #tpu.memory_space<vmem>>)
          tpu.yield
        }) : () -> ()
      } else {
      }
      %ge3A_205 = arith.constant 1 : i32
      %ge3A_206 = arith.cmpi sge, %add3A_200, %ge3A_205 : i32
      %sub3A_207 = arith.constant 1 : i32
      %sub3A_208 = arith.subi %add3A_200, %sub3A_207 : i32
      %lt3A_209 = arith.cmpi slt, %sub3A_208, %select_n3A : i32
      %and3A_210 = arith.andi %ge3A_206, %lt3A_209 : i1
      %convert_element_type3A_211 = arith.extui %and3A_210 : i1 to i32
      %cond3A_212 = arith.constant 0 : i32
      %cond3A_213 = arith.cmpi ne, %convert_element_type3A_211, %cond3A_212 : i32
      scf.if %cond3A_213 {
        %dma_wait3A_214 = arith.constant 0 : i32
        %dma_wait3A_215 = arith.constant 0 : i32
        %dma_wait3A_216 = tpu.memref_slice %arg2[%dma_wait3A_214, %dma_wait3A_215] : memref<10240x128xf32, #tpu.memory_space<hbm>> -> memref<128x128xf32, #tpu.memory_space<hbm>>
        %dma_wait3A_217 = arith.constant 0 : i32
        %dma_wait3A_218 = arith.constant 0 : i32
        %dma_wait3A_219 = tpu.memref_slice %arg2[%dma_wait3A_217, %dma_wait3A_218] : memref<10240x128xf32, #tpu.memory_space<hbm>> -> memref<128x128xf32, #tpu.memory_space<hbm>>
        tpu.wait_dma2 semaphore(%arg14 : memref<!tpu.dma_semaphore, #tpu.memory_space<semaphore_mem>>) src(%dma_wait3A_219 : memref<128x128xf32, #tpu.memory_space<hbm>>) dst(%arg11 : memref<128x128xf32, #tpu.memory_space<vmem>>)
        %dma_start3A_220 = arith.constant 0 : i32
        %dma_start3A_221 = arith.constant 0 : i32
        %dma_start3A_222 = tpu.memref_slice %arg19[%dma_start3A_220, %dma_start3A_221] : memref<1152x128xf32, #tpu.memory_space<vmem_shared>> -> memref<1152x128xf32, #tpu.memory_space<vmem_shared>>
        tpu.enqueue_indirect_dma source(%arg11 : memref<128x128xf32, #tpu.memory_space<vmem>>) target(%dma_start3A_222 : memref<1152x128xf32, #tpu.memory_space<vmem_shared>>) offsets(%arg9 : memref<128xi32, #tpu.memory_space<vmem>>) semaphore(%arg16 : memref<!tpu.dma_semaphore, #tpu.memory_space<semaphore_mem>>) {add = true}
      } else {
      }
    }
    %while3A_126 = arith.constant 1 : i32
    scf.for %while3A_182 = %while3A_124 to %while3A_120 step %while3A_126  : i32 {
      %mul3A_183 = arith.constant 2 : i32
      %mul3A_184 = arith.muli %mul3A_183, %while3A_182 : i32
      %lt3A = arith.cmpi slt, %mul3A_184, %select_n3A : i32
      %convert_element_type3A_185 = arith.extui %lt3A : i1 to i32
      %cond3A_186 = arith.constant 0 : i32
      %cond3A_187 = arith.cmpi ne, %convert_element_type3A_185, %cond3A_186 : i32
      scf.if %cond3A_187 {
        %mul3A_214 = arith.constant 128 : i32
        %mul3A_215 = arith.muli %mul3A_184, %mul3A_214 : i32
        %add3A_216 = arith.addi %mul3A_91, %mul3A_215 : i32
        "tpu.region"() ({
          %run_scoped3A = tpu.sem_alloc : memref<!tpu.dma_semaphore, #tpu.memory_space<semaphore_mem>>
          %dma_start3A_225 = tpu.memref_slice %arg3[%add3A_216] : memref<327680xi32, #tpu.memory_space<hbm>> -> memref<128xi32, #tpu.memory_space<hbm>>
          %dma_start3A_226 = tpu.memref_slice %arg3[%add3A_216] : memref<327680xi32, #tpu.memory_space<hbm>> -> memref<128xi32, #tpu.memory_space<hbm>>
          tpu.enqueue_dma source(%dma_start3A_226 : memref<128xi32, #tpu.memory_space<hbm>>) target(%arg7 : memref<128xi32, #tpu.memory_space<vmem>>) target_semaphore(%run_scoped3A : memref<!tpu.dma_semaphore, #tpu.memory_space<semaphore_mem>>)
          %dma_wait3A_227 = tpu.memref_slice %arg3[%add3A_216] : memref<327680xi32, #tpu.memory_space<hbm>> -> memref<128xi32, #tpu.memory_space<hbm>>
          %dma_wait3A_228 = tpu.memref_slice %arg3[%add3A_216] : memref<327680xi32, #tpu.memory_space<hbm>> -> memref<128xi32, #tpu.memory_space<hbm>>
          tpu.wait_dma2 semaphore(%run_scoped3A : memref<!tpu.dma_semaphore, #tpu.memory_space<semaphore_mem>>) src(%dma_wait3A_228 : memref<128xi32, #tpu.memory_space<hbm>>) dst(%arg7 : memref<128xi32, #tpu.memory_space<vmem>>)
          tpu.yield
        }) : () -> ()
        %ge3A_217 = arith.constant 2 : i32
        %ge3A_218 = arith.cmpi sge, %mul3A_184, %ge3A_217 : i32
        %convert_element_type3A_219 = arith.extui %ge3A_218 : i1 to i32
        %cond3A_220 = arith.constant 0 : i32
        %cond3A_221 = arith.cmpi ne, %convert_element_type3A_219, %cond3A_220 : i32
        scf.if %cond3A_221 {
          %dma_wait3A_225 = arith.constant 0 : i32
          %dma_wait3A_226 = arith.constant 0 : i32
          %dma_wait3A_227 = tpu.memref_slice %arg2[%dma_wait3A_225, %dma_wait3A_226] : memref<10240x128xf32, #tpu.memory_space<hbm>> -> memref<128x128xf32, #tpu.memory_space<hbm>>
          %dma_wait3A_228 = arith.constant 0 : i32
          %dma_wait3A_229 = arith.constant 0 : i32
          %dma_wait3A_230 = tpu.memref_slice %arg2[%dma_wait3A_228, %dma_wait3A_229] : memref<10240x128xf32, #tpu.memory_space<hbm>> -> memref<128x128xf32, #tpu.memory_space<hbm>>
          tpu.wait_dma2 semaphore(%arg16 : memref<!tpu.dma_semaphore, #tpu.memory_space<semaphore_mem>>) src(%dma_wait3A_230 : memref<128x128xf32, #tpu.memory_space<hbm>>) dst(%arg11 : memref<128x128xf32, #tpu.memory_space<vmem>>)
        } else {
        }
        %dma_start3A_222 = arith.constant 0 : i32
        %dma_start3A_223 = arith.constant 0 : i32
        %dma_start3A_224 = tpu.memref_slice %arg2[%dma_start3A_222, %dma_start3A_223] : memref<10240x128xf32, #tpu.memory_space<hbm>> -> memref<10240x128xf32, #tpu.memory_space<hbm>>
        tpu.enqueue_indirect_dma source(%dma_start3A_224 : memref<10240x128xf32, #tpu.memory_space<hbm>>) target(%arg11 : memref<128x128xf32, #tpu.memory_space<vmem>>) offsets(%arg7 : memref<128xi32, #tpu.memory_space<vmem>>) semaphore(%arg14 : memref<!tpu.dma_semaphore, #tpu.memory_space<semaphore_mem>>)
        "tpu.region"() ({
          %run_scoped3A = tpu.sem_alloc : memref<!tpu.dma_semaphore, #tpu.memory_space<semaphore_mem>>
          %dma_start3A_225 = tpu.memref_slice %arg4[%add3A_216] : memref<327680xi32, #tpu.memory_space<hbm>> -> memref<128xi32, #tpu.memory_space<hbm>>
          %dma_start3A_226 = tpu.memref_slice %arg4[%add3A_216] : memref<327680xi32, #tpu.memory_space<hbm>> -> memref<128xi32, #tpu.memory_space<hbm>>
          tpu.enqueue_dma source(%dma_start3A_226 : memref<128xi32, #tpu.memory_space<hbm>>) target(%arg9 : memref<128xi32, #tpu.memory_space<vmem>>) target_semaphore(%run_scoped3A : memref<!tpu.dma_semaphore, #tpu.memory_space<semaphore_mem>>)
          %dma_wait3A_227 = tpu.memref_slice %arg4[%add3A_216] : memref<327680xi32, #tpu.memory_space<hbm>> -> memref<128xi32, #tpu.memory_space<hbm>>
          %dma_wait3A_228 = tpu.memref_slice %arg4[%add3A_216] : memref<327680xi32, #tpu.memory_space<hbm>> -> memref<128xi32, #tpu.memory_space<hbm>>
          tpu.wait_dma2 semaphore(%run_scoped3A : memref<!tpu.dma_semaphore, #tpu.memory_space<semaphore_mem>>) src(%dma_wait3A_228 : memref<128xi32, #tpu.memory_space<hbm>>) dst(%arg9 : memref<128xi32, #tpu.memory_space<vmem>>)
          tpu.yield
        }) : () -> ()
      } else {
      }
      %ge3A_188 = arith.constant 1 : i32
      %ge3A_189 = arith.cmpi sge, %mul3A_184, %ge3A_188 : i32
      %sub3A_190 = arith.constant 1 : i32
      %sub3A_191 = arith.subi %mul3A_184, %sub3A_190 : i32
      %lt3A_192 = arith.cmpi slt, %sub3A_191, %select_n3A : i32
      %and3A_193 = arith.andi %ge3A_189, %lt3A_192 : i1
      %convert_element_type3A_194 = arith.extui %and3A_193 : i1 to i32
      %cond3A_195 = arith.constant 0 : i32
      %cond3A_196 = arith.cmpi ne, %convert_element_type3A_194, %cond3A_195 : i32
      scf.if %cond3A_196 {
        %dma_wait3A_214 = arith.constant 0 : i32
        %dma_wait3A_215 = arith.constant 0 : i32
        %dma_wait3A_216 = tpu.memref_slice %arg2[%dma_wait3A_214, %dma_wait3A_215] : memref<10240x128xf32, #tpu.memory_space<hbm>> -> memref<128x128xf32, #tpu.memory_space<hbm>>
        %dma_wait3A_217 = arith.constant 0 : i32
        %dma_wait3A_218 = arith.constant 0 : i32
        %dma_wait3A_219 = tpu.memref_slice %arg2[%dma_wait3A_217, %dma_wait3A_218] : memref<10240x128xf32, #tpu.memory_space<hbm>> -> memref<128x128xf32, #tpu.memory_space<hbm>>
        tpu.wait_dma2 semaphore(%arg15 : memref<!tpu.dma_semaphore, #tpu.memory_space<semaphore_mem>>) src(%dma_wait3A_219 : memref<128x128xf32, #tpu.memory_space<hbm>>) dst(%arg12 : memref<128x128xf32, #tpu.memory_space<vmem>>)
        %dma_start3A_220 = arith.constant 0 : i32
        %dma_start3A_221 = arith.constant 0 : i32
        %dma_start3A_222 = tpu.memref_slice %arg19[%dma_start3A_220, %dma_start3A_221] : memref<1152x128xf32, #tpu.memory_space<vmem_shared>> -> memref<1152x128xf32, #tpu.memory_space<vmem_shared>>
        tpu.enqueue_indirect_dma source(%arg12 : memref<128x128xf32, #tpu.memory_space<vmem>>) target(%dma_start3A_222 : memref<1152x128xf32, #tpu.memory_space<vmem_shared>>) offsets(%arg10 : memref<128xi32, #tpu.memory_space<vmem>>) semaphore(%arg17 : memref<!tpu.dma_semaphore, #tpu.memory_space<semaphore_mem>>) {add = true}
      } else {
      }
      %mul3A_197 = arith.constant 2 : i32
      %mul3A_198 = arith.muli %mul3A_197, %while3A_182 : i32
      %add3A_199 = arith.constant 1 : i32
      %add3A_200 = arith.addi %mul3A_198, %add3A_199 : i32
      %lt3A_201 = arith.cmpi slt, %add3A_200, %select_n3A : i32
      %convert_element_type3A_202 = arith.extui %lt3A_201 : i1 to i32
      %cond3A_203 = arith.constant 0 : i32
      %cond3A_204 = arith.cmpi ne, %convert_element_type3A_202, %cond3A_203 : i32
      scf.if %cond3A_204 {
        %mul3A_214 = arith.constant 128 : i32
        %mul3A_215 = arith.muli %add3A_200, %mul3A_214 : i32
        %add3A_216 = arith.addi %mul3A_91, %mul3A_215 : i32
        "tpu.region"() ({
          %run_scoped3A = tpu.sem_alloc : memref<!tpu.dma_semaphore, #tpu.memory_space<semaphore_mem>>
          %dma_start3A_225 = tpu.memref_slice %arg3[%add3A_216] : memref<327680xi32, #tpu.memory_space<hbm>> -> memref<128xi32, #tpu.memory_space<hbm>>
          %dma_start3A_226 = tpu.memref_slice %arg3[%add3A_216] : memref<327680xi32, #tpu.memory_space<hbm>> -> memref<128xi32, #tpu.memory_space<hbm>>
          tpu.enqueue_dma source(%dma_start3A_226 : memref<128xi32, #tpu.memory_space<hbm>>) target(%arg8 : memref<128xi32, #tpu.memory_space<vmem>>) target_semaphore(%run_scoped3A : memref<!tpu.dma_semaphore, #tpu.memory_space<semaphore_mem>>)
          %dma_wait3A_227 = tpu.memref_slice %arg3[%add3A_216] : memref<327680xi32, #tpu.memory_space<hbm>> -> memref<128xi32, #tpu.memory_space<hbm>>
          %dma_wait3A_228 = tpu.memref_slice %arg3[%add3A_216] : memref<327680xi32, #tpu.memory_space<hbm>> -> memref<128xi32, #tpu.memory_space<hbm>>
          tpu.wait_dma2 semaphore(%run_scoped3A : memref<!tpu.dma_semaphore, #tpu.memory_space<semaphore_mem>>) src(%dma_wait3A_228 : memref<128xi32, #tpu.memory_space<hbm>>) dst(%arg8 : memref<128xi32, #tpu.memory_space<vmem>>)
          tpu.yield
        }) : () -> ()
        %ge3A_217 = arith.constant 2 : i32
        %ge3A_218 = arith.cmpi sge, %add3A_200, %ge3A_217 : i32
        %convert_element_type3A_219 = arith.extui %ge3A_218 : i1 to i32
        %cond3A_220 = arith.constant 0 : i32
        %cond3A_221 = arith.cmpi ne, %convert_element_type3A_219, %cond3A_220 : i32
        scf.if %cond3A_221 {
          %dma_wait3A_225 = arith.constant 0 : i32
          %dma_wait3A_226 = arith.constant 0 : i32
          %dma_wait3A_227 = tpu.memref_slice %arg2[%dma_wait3A_225, %dma_wait3A_226] : memref<10240x128xf32, #tpu.memory_space<hbm>> -> memref<128x128xf32, #tpu.memory_space<hbm>>
          %dma_wait3A_228 = arith.constant 0 : i32
          %dma_wait3A_229 = arith.constant 0 : i32
          %dma_wait3A_230 = tpu.memref_slice %arg2[%dma_wait3A_228, %dma_wait3A_229] : memref<10240x128xf32, #tpu.memory_space<hbm>> -> memref<128x128xf32, #tpu.memory_space<hbm>>
          tpu.wait_dma2 semaphore(%arg17 : memref<!tpu.dma_semaphore, #tpu.memory_space<semaphore_mem>>) src(%dma_wait3A_230 : memref<128x128xf32, #tpu.memory_space<hbm>>) dst(%arg12 : memref<128x128xf32, #tpu.memory_space<vmem>>)
        } else {
        }
        %dma_start3A_222 = arith.constant 0 : i32
        %dma_start3A_223 = arith.constant 0 : i32
        %dma_start3A_224 = tpu.memref_slice %arg2[%dma_start3A_222, %dma_start3A_223] : memref<10240x128xf32, #tpu.memory_space<hbm>> -> memref<10240x128xf32, #tpu.memory_space<hbm>>
        tpu.enqueue_indirect_dma source(%dma_start3A_224 : memref<10240x128xf32, #tpu.memory_space<hbm>>) target(%arg12 : memref<128x128xf32, #tpu.memory_space<vmem>>) offsets(%arg8 : memref<128xi32, #tpu.memory_space<vmem>>) semaphore(%arg15 : memref<!tpu.dma_semaphore, #tpu.memory_space<semaphore_mem>>)
        "tpu.region"() ({
          %run_scoped3A = tpu.sem_alloc : memref<!tpu.dma_semaphore, #tpu.memory_space<semaphore_mem>>
          %dma_start3A_225 = tpu.memref_slice %arg4[%add3A_216] : memref<327680xi32, #tpu.memory_space<hbm>> -> memref<128xi32, #tpu.memory_space<hbm>>
          %dma_start3A_226 = tpu.memref_slice %arg4[%add3A_216] : memref<327680xi32, #tpu.memory_space<hbm>> -> memref<128xi32, #tpu.memory_space<hbm>>
          tpu.enqueue_dma source(%dma_start3A_226 : memref<128xi32, #tpu.memory_space<hbm>>) target(%arg10 : memref<128xi32, #tpu.memory_space<vmem>>) target_semaphore(%run_scoped3A : memref<!tpu.dma_semaphore, #tpu.memory_space<semaphore_mem>>)
          %dma_wait3A_227 = tpu.memref_slice %arg4[%add3A_216] : memref<327680xi32, #tpu.memory_space<hbm>> -> memref<128xi32, #tpu.memory_space<hbm>>
          %dma_wait3A_228 = tpu.memref_slice %arg4[%add3A_216] : memref<327680xi32, #tpu.memory_space<hbm>> -> memref<128xi32, #tpu.memory_space<hbm>>
          tpu.wait_dma2 semaphore(%run_scoped3A : memref<!tpu.dma_semaphore, #tpu.memory_space<semaphore_mem>>) src(%dma_wait3A_228 : memref<128xi32, #tpu.memory_space<hbm>>) dst(%arg10 : memref<128xi32, #tpu.memory_space<vmem>>)
          tpu.yield
        }) : () -> ()
      } else {
      }
      %ge3A_205 = arith.constant 1 : i32
      %ge3A_206 = arith.cmpi sge, %add3A_200, %ge3A_205 : i32
      %sub3A_207 = arith.constant 1 : i32
      %sub3A_208 = arith.subi %add3A_200, %sub3A_207 : i32
      %lt3A_209 = arith.cmpi slt, %sub3A_208, %select_n3A : i32
      %and3A_210 = arith.andi %ge3A_206, %lt3A_209 : i1
      %convert_element_type3A_211 = arith.extui %and3A_210 : i1 to i32
      %cond3A_212 = arith.constant 0 : i32
      %cond3A_213 = arith.cmpi ne, %convert_element_type3A_211, %cond3A_212 : i32
      scf.if %cond3A_213 {
        %dma_wait3A_214 = arith.constant 0 : i32
        %dma_wait3A_215 = arith.constant 0 : i32
        %dma_wait3A_216 = tpu.memref_slice %arg2[%dma_wait3A_214, %dma_wait3A_215] : memref<10240x128xf32, #tpu.memory_space<hbm>> -> memref<128x128xf32, #tpu.memory_space<hbm>>
        %dma_wait3A_217 = arith.constant 0 : i32
        %dma_wait3A_218 = arith.constant 0 : i32
        %dma_wait3A_219 = tpu.memref_slice %arg2[%dma_wait3A_217, %dma_wait3A_218] : memref<10240x128xf32, #tpu.memory_space<hbm>> -> memref<128x128xf32, #tpu.memory_space<hbm>>
        tpu.wait_dma2 semaphore(%arg14 : memref<!tpu.dma_semaphore, #tpu.memory_space<semaphore_mem>>) src(%dma_wait3A_219 : memref<128x128xf32, #tpu.memory_space<hbm>>) dst(%arg11 : memref<128x128xf32, #tpu.memory_space<vmem>>)
        %dma_start3A_220 = arith.constant 0 : i32
        %dma_start3A_221 = arith.constant 0 : i32
        %dma_start3A_222 = tpu.memref_slice %arg19[%dma_start3A_220, %dma_start3A_221] : memref<1152x128xf32, #tpu.memory_space<vmem_shared>> -> memref<1152x128xf32, #tpu.memory_space<vmem_shared>>
        tpu.enqueue_indirect_dma source(%arg11 : memref<128x128xf32, #tpu.memory_space<vmem>>) target(%dma_start3A_222 : memref<1152x128xf32, #tpu.memory_space<vmem_shared>>) offsets(%arg9 : memref<128xi32, #tpu.memory_space<vmem>>) semaphore(%arg16 : memref<!tpu.dma_semaphore, #tpu.memory_space<semaphore_mem>>) {add = true}
      } else {
      }
    }
    %rem3A_127 = arith.constant 2 : i32
    %rem3A_128 = arith.remsi %select_n3A, %rem3A_127 : i32
    %ge3A = arith.constant 2 : i32
    %ge3A_129 = arith.cmpi sge, %select_n3A, %ge3A : i32
    %eq3A = arith.constant 0 : i32
    %eq3A_130 = arith.cmpi eq, %rem3A_128, %eq3A : i32
    %and3A_131 = arith.andi %ge3A_129, %eq3A_130 : i1
    %convert_element_type3A = arith.extui %and3A_131 : i1 to i32
    %cond3A = arith.constant 0 : i32
    %cond3A_132 = arith.cmpi ne, %convert_element_type3A, %cond3A : i32
    scf.if %cond3A_132 {
      %dma_wait3A_182 = arith.constant 0 : i32
      %dma_wait3A_183 = arith.constant 0 : i32
      %dma_wait3A_184 = tpu.memref_slice %arg2[%dma_wait3A_182, %dma_wait3A_183] : memref<10240x128xf32, #tpu.memory_space<hbm>> -> memref<128x128xf32, #tpu.memory_space<hbm>>
      %dma_wait3A_185 = arith.constant 0 : i32
      %dma_wait3A_186 = arith.constant 0 : i32
      %dma_wait3A_187 = tpu.memref_slice %arg2[%dma_wait3A_185, %dma_wait3A_186] : memref<10240x128xf32, #tpu.memory_space<hbm>> -> memref<128x128xf32, #tpu.memory_space<hbm>>
      tpu.wait_dma2 semaphore(%arg16 : memref<!tpu.dma_semaphore, #tpu.memory_space<semaphore_mem>>) src(%dma_wait3A_187 : memref<128x128xf32, #tpu.memory_space<hbm>>) dst(%arg11 : memref<128x128xf32, #tpu.memory_space<vmem>>)
    } else {
    }
    %ge3A_133 = arith.constant 1 : i32
    %ge3A_134 = arith.cmpi sge, %select_n3A, %ge3A_133 : i32
    %eq3A_135 = arith.constant 1 : i32
    %eq3A_136 = arith.cmpi eq, %rem3A_128, %eq3A_135 : i32
    %and3A_137 = arith.andi %ge3A_134, %eq3A_136 : i1
    %convert_element_type3A_138 = arith.extui %and3A_137 : i1 to i32
    %cond3A_139 = arith.constant 0 : i32
    %cond3A_140 = arith.cmpi ne, %convert_element_type3A_138, %cond3A_139 : i32
    scf.if %cond3A_140 {
      %dma_wait3A_182 = arith.constant 0 : i32
      %dma_wait3A_183 = arith.constant 0 : i32
      %dma_wait3A_184 = tpu.memref_slice %arg2[%dma_wait3A_182, %dma_wait3A_183] : memref<10240x128xf32, #tpu.memory_space<hbm>> -> memref<128x128xf32, #tpu.memory_space<hbm>>
      %dma_wait3A_185 = arith.constant 0 : i32
      %dma_wait3A_186 = arith.constant 0 : i32
      %dma_wait3A_187 = tpu.memref_slice %arg2[%dma_wait3A_185, %dma_wait3A_186] : memref<10240x128xf32, #tpu.memory_space<hbm>> -> memref<128x128xf32, #tpu.memory_space<hbm>>
      tpu.wait_dma2 semaphore(%arg16 : memref<!tpu.dma_semaphore, #tpu.memory_space<semaphore_mem>>) src(%dma_wait3A_187 : memref<128x128xf32, #tpu.memory_space<hbm>>) dst(%arg11 : memref<128x128xf32, #tpu.memory_space<vmem>>)
    } else {
    }
    %ge3A_141 = arith.constant 2 : i32
    %ge3A_142 = arith.cmpi sge, %select_n3A, %ge3A_141 : i32
    %eq3A_143 = arith.constant 1 : i32
    %eq3A_144 = arith.cmpi eq, %rem3A_128, %eq3A_143 : i32
    %and3A_145 = arith.andi %ge3A_142, %eq3A_144 : i1
    %convert_element_type3A_146 = arith.extui %and3A_145 : i1 to i32
    %cond3A_147 = arith.constant 0 : i32
    %cond3A_148 = arith.cmpi ne, %convert_element_type3A_146, %cond3A_147 : i32
    scf.if %cond3A_148 {
      %dma_wait3A_182 = arith.constant 0 : i32
      %dma_wait3A_183 = arith.constant 0 : i32
      %dma_wait3A_184 = tpu.memref_slice %arg2[%dma_wait3A_182, %dma_wait3A_183] : memref<10240x128xf32, #tpu.memory_space<hbm>> -> memref<128x128xf32, #tpu.memory_space<hbm>>
      %dma_wait3A_185 = arith.constant 0 : i32
      %dma_wait3A_186 = arith.constant 0 : i32
      %dma_wait3A_187 = tpu.memref_slice %arg2[%dma_wait3A_185, %dma_wait3A_186] : memref<10240x128xf32, #tpu.memory_space<hbm>> -> memref<128x128xf32, #tpu.memory_space<hbm>>
      tpu.wait_dma2 semaphore(%arg17 : memref<!tpu.dma_semaphore, #tpu.memory_space<semaphore_mem>>) src(%dma_wait3A_187 : memref<128x128xf32, #tpu.memory_space<hbm>>) dst(%arg12 : memref<128x128xf32, #tpu.memory_space<vmem>>)
    } else {
    }
    %ge3A_149 = arith.constant 1 : i32
    %ge3A_150 = arith.cmpi sge, %select_n3A, %ge3A_149 : i32
    %eq3A_151 = arith.constant 0 : i32
    %eq3A_152 = arith.cmpi eq, %rem3A_128, %eq3A_151 : i32
    %and3A_153 = arith.andi %ge3A_150, %eq3A_152 : i1
    %convert_element_type3A_154 = arith.extui %and3A_153 : i1 to i32
    %cond3A_155 = arith.constant 0 : i32
    %cond3A_156 = arith.cmpi ne, %convert_element_type3A_154, %cond3A_155 : i32
    scf.if %cond3A_156 {
      %dma_wait3A_182 = arith.constant 0 : i32
      %dma_wait3A_183 = arith.constant 0 : i32
      %dma_wait3A_184 = tpu.memref_slice %arg2[%dma_wait3A_182, %dma_wait3A_183] : memref<10240x128xf32, #tpu.memory_space<hbm>> -> memref<128x128xf32, #tpu.memory_space<hbm>>
      %dma_wait3A_185 = arith.constant 0 : i32
      %dma_wait3A_186 = arith.constant 0 : i32
      %dma_wait3A_187 = tpu.memref_slice %arg2[%dma_wait3A_185, %dma_wait3A_186] : memref<10240x128xf32, #tpu.memory_space<hbm>> -> memref<128x128xf32, #tpu.memory_space<hbm>>
      tpu.wait_dma2 semaphore(%arg17 : memref<!tpu.dma_semaphore, #tpu.memory_space<semaphore_mem>>) src(%dma_wait3A_187 : memref<128x128xf32, #tpu.memory_space<hbm>>) dst(%arg12 : memref<128x128xf32, #tpu.memory_space<vmem>>)
    } else {
    }
    %barrier3A_157 = arith.constant 0 : index
    tpu.barrier barrier_id(%barrier3A_157)
    %dma_start3A_158 = arith.constant 0 : i32
    %dma_start3A_159 = tpu.memref_slice %arg6[%arg0, %mul3A_8, %dma_start3A_158] : memref<2x1152x128xf32, #tpu.memory_space<hbm>> -> memref<1x64x128xf32, #tpu.memory_space<hbm>>
    %dma_start3A_160 = tpu.memref_squeeze %dma_start3A_159 : memref<1x64x128xf32, #tpu.memory_space<hbm>> -> memref<64x128xf32, #tpu.memory_space<hbm>>
    %dma_start3A_161 = arith.constant 0 : i32
    %dma_start3A_162 = tpu.memref_slice %arg19[%mul3A_8, %dma_start3A_161] : memref<1152x128xf32, #tpu.memory_space<vmem_shared>> -> memref<64x128xf32, #tpu.memory_space<vmem_shared>>
    tpu.enqueue_dma source(%dma_start3A_162 : memref<64x128xf32, #tpu.memory_space<vmem_shared>>) target(%dma_start3A_160 : memref<64x128xf32, #tpu.memory_space<hbm>>) target_semaphore(%arg18 : memref<!tpu.dma_semaphore, #tpu.memory_space<semaphore_mem>>)
    %add3A_163 = arith.constant 64 : i32
    %add3A_164 = arith.addi %mul3A_8, %add3A_163 : i32
    %add3A_165 = arith.constant 64 : i32
    %add3A_166 = arith.addi %mul3A_8, %add3A_165 : i32
    %dma_start3A_167 = arith.constant 0 : i32
    %dma_start3A_168 = tpu.memref_slice %arg6[%arg0, %add3A_166, %dma_start3A_167] : memref<2x1152x128xf32, #tpu.memory_space<hbm>> -> memref<1x8x128xf32, #tpu.memory_space<hbm>>
    %dma_start3A_169 = tpu.memref_squeeze %dma_start3A_168 : memref<1x8x128xf32, #tpu.memory_space<hbm>> -> memref<8x128xf32, #tpu.memory_space<hbm>>
    %dma_start3A_170 = arith.constant 0 : i32
    %dma_start3A_171 = tpu.memref_slice %arg19[%add3A_164, %dma_start3A_170] : memref<1152x128xf32, #tpu.memory_space<vmem_shared>> -> memref<8x128xf32, #tpu.memory_space<vmem_shared>>
    tpu.enqueue_dma source(%dma_start3A_171 : memref<8x128xf32, #tpu.memory_space<vmem_shared>>) target(%dma_start3A_169 : memref<8x128xf32, #tpu.memory_space<hbm>>) target_semaphore(%arg18 : memref<!tpu.dma_semaphore, #tpu.memory_space<semaphore_mem>>)
    %dma_wait3A_172 = arith.constant 0 : i32
    %dma_wait3A_173 = tpu.memref_slice %arg6[%arg0, %mul3A_8, %dma_wait3A_172] : memref<2x1152x128xf32, #tpu.memory_space<hbm>> -> memref<1x64x128xf32, #tpu.memory_space<hbm>>
    %dma_wait3A_174 = tpu.memref_squeeze %dma_wait3A_173 : memref<1x64x128xf32, #tpu.memory_space<hbm>> -> memref<64x128xf32, #tpu.memory_space<hbm>>
    %dma_wait3A_175 = arith.constant 0 : i32
    %dma_wait3A_176 = tpu.memref_slice %arg19[%mul3A_8, %dma_wait3A_175] : memref<1152x128xf32, #tpu.memory_space<vmem_shared>> -> memref<64x128xf32, #tpu.memory_space<vmem_shared>>
    tpu.wait_dma2 semaphore(%arg18 : memref<!tpu.dma_semaphore, #tpu.memory_space<semaphore_mem>>) src(%dma_wait3A_176 : memref<64x128xf32, #tpu.memory_space<vmem_shared>>) dst(%dma_wait3A_174 : memref<64x128xf32, #tpu.memory_space<hbm>>)
    %dma_wait3A_177 = arith.constant 0 : i32
    %dma_wait3A_178 = tpu.memref_slice %arg6[%arg0, %add3A_166, %dma_wait3A_177] : memref<2x1152x128xf32, #tpu.memory_space<hbm>> -> memref<1x8x128xf32, #tpu.memory_space<hbm>>
    %dma_wait3A_179 = tpu.memref_squeeze %dma_wait3A_178 : memref<1x8x128xf32, #tpu.memory_space<hbm>> -> memref<8x128xf32, #tpu.memory_space<hbm>>
    %dma_wait3A_180 = arith.constant 0 : i32
    %dma_wait3A_181 = tpu.memref_slice %arg19[%add3A_164, %dma_wait3A_180] : memref<1152x128xf32, #tpu.memory_space<vmem_shared>> -> memref<8x128xf32, #tpu.memory_space<vmem_shared>>
    tpu.wait_dma2 semaphore(%arg18 : memref<!tpu.dma_semaphore, #tpu.memory_space<semaphore_mem>>) src(%dma_wait3A_181 : memref<8x128xf32, #tpu.memory_space<vmem_shared>>) dst(%dma_wait3A_179 : memref<8x128xf32, #tpu.memory_space<hbm>>)
    return
  }
}

#map = affine_map<(d0, d1) -> (0, 0)>
#map1 = affine_map<(d0, d1) -> (0)>
#map2 = affine_map<(d0, d1) -> (0, 0, 0)>
module attributes {stable_mosaic.version = 14 : i64} {
  func.func @_scat1(%arg0: i32, %arg1: i32, %arg2: memref<10240x128xf32, #tpu.memory_space<hbm>>, %arg3: memref<320000xi32, #tpu.memory_space<hbm>>, %arg4: memref<2x10240x128xf32, #tpu.memory_space<hbm>>, %arg5: memref<128xi32, #tpu.memory_space<vmem>>, %arg6: memref<128xi32, #tpu.memory_space<vmem>>, %arg7: memref<128xi32, #tpu.memory_space<vmem>>, %arg8: memref<128xi32, #tpu.memory_space<vmem>>, %arg9: memref<128xi32, #tpu.memory_space<vmem>>, %arg10: memref<128xi32, #tpu.memory_space<vmem>>, %arg11: memref<128x128xf32, #tpu.memory_space<vmem>>, %arg12: memref<128x128xf32, #tpu.memory_space<vmem>>, %arg13: memref<16x128xf32, #tpu.memory_space<vmem>>, %arg14: memref<!tpu.dma_semaphore, #tpu.memory_space<semaphore_mem>>, %arg15: memref<!tpu.dma_semaphore, #tpu.memory_space<semaphore_mem>>, %arg16: memref<!tpu.dma_semaphore, #tpu.memory_space<semaphore_mem>>, %arg17: memref<!tpu.dma_semaphore, #tpu.memory_space<semaphore_mem>>, %arg18: memref<!tpu.dma_semaphore, #tpu.memory_space<semaphore_mem>>, %arg19: memref<10240x128xf32, #tpu.memory_space<vmem_shared>>) attributes {dimension_semantics = [#tpu.dimension_semantics<core_parallel>, #tpu.dimension_semantics<subcore_parallel>], iteration_bounds = array<i64: 2, 16>, scalar_prefetch = 0 : i64, scratch_operands = 15 : i64, tpu.core_type = #tpu.core_type<sc_vector_subcore>, window_params = [{transform_indices = #map}, {transform_indices = #map1}, {transform_indices = #map2}]} {
    %mul3A = arith.constant 2 : i32
    %mul3A_0 = arith.muli %arg1, %mul3A : i32
    %add3A = arith.addi %mul3A_0, %arg0 : i32
    %broadcast_in_dim3A = arith.constant 0.000000e+00 : f32
    %broadcast_in_dim3A_1 = vector.broadcast %broadcast_in_dim3A : f32 to vector<16xf32>
    %scan3A = arith.constant 0 : i32
    %scan3A_2 = arith.constant 0 : i32
    %scan3A_3 = arith.constant 128 : i32
    %scan3A_4 = arith.addi %scan3A_2, %scan3A_3 : i32
    %scan3A_5 = arith.constant 1 : i32
    scf.for %scan3A_568 = %scan3A_2 to %scan3A_4 step %scan3A_5  : i32 {
      %jit3A_569 = arith.constant 8 : i32
      %div3A = arith.divsi %scan3A_568, %jit3A_569 : i32
      %sign3A = arith.constant 0 : i32
      %sign3A_570 = arith.cmpi sgt, %scan3A_568, %sign3A : i32
      %sign3A_571 = arith.extui %sign3A_570 : i1 to i32
      %sign3A_572 = arith.constant 0 : i32
      %sign3A_573 = arith.cmpi slt, %scan3A_568, %sign3A_572 : i32
      %sign3A_574 = arith.extui %sign3A_573 : i1 to i32
      %sign3A_575 = arith.subi %sign3A_571, %sign3A_574 : i32
      %sign3A_576 = arith.constant 0 : i32
      %sign3A_577 = arith.cmpi sgt, %jit3A_569, %sign3A_576 : i32
      %sign3A_578 = arith.extui %sign3A_577 : i1 to i32
      %sign3A_579 = arith.constant 0 : i32
      %sign3A_580 = arith.cmpi slt, %jit3A_569, %sign3A_579 : i32
      %sign3A_581 = arith.extui %sign3A_580 : i1 to i32
      %sign3A_582 = arith.subi %sign3A_578, %sign3A_581 : i32
      %ne3A = arith.cmpi ne, %sign3A_575, %sign3A_582 : i32
      %rem3A = arith.remsi %scan3A_568, %jit3A_569 : i32
      %ne3A_583 = arith.constant 0 : i32
      %ne3A_584 = arith.cmpi ne, %rem3A, %ne3A_583 : i32
      %and3A = arith.andi %ne3A, %ne3A_584 : i1
      %sub3A = arith.constant 1 : i32
      %sub3A_585 = arith.subi %div3A, %sub3A : i32
      %select_n3A_586 = arith.select %and3A, %sub3A_585, %div3A : i32
      %jit3A_587 = arith.constant 8 : i32
      %eq3A = arith.constant 0 : i32
      %eq3A_588 = arith.cmpi eq, %jit3A_587, %eq3A : i32
      %jit3A_589 = arith.constant 1 : i32
      %select_n3A_590 = arith.select %eq3A_588, %jit3A_589, %jit3A_587 : i32
      %rem3A_591 = arith.remsi %scan3A_568, %select_n3A_590 : i32
      %ne3A_592 = arith.constant 0 : i32
      %ne3A_593 = arith.cmpi ne, %rem3A_591, %ne3A_592 : i32
      %lt3A_594 = arith.constant 0 : i32
      %lt3A_595 = arith.cmpi slt, %rem3A_591, %lt3A_594 : i32
      %lt3A_596 = arith.constant 0 : i32
      %lt3A_597 = arith.cmpi slt, %select_n3A_590, %lt3A_596 : i32
      %ne3A_598 = arith.xori %lt3A_595, %lt3A_597 : i1
      %and3A_599 = arith.andi %ne3A_598, %ne3A_593 : i1
      %add3A_600 = arith.addi %rem3A_591, %select_n3A_590 : i32
      %select_n3A_601 = arith.select %and3A_599, %add3A_600, %rem3A_591 : i32
      %mul3A_602 = arith.constant 16 : i32
      %mul3A_603 = arith.muli %select_n3A_601, %mul3A_602 : i32
      %swap3A = arith.index_cast %select_n3A_586 : i32 to index
      %swap3A_604 = arith.index_cast %mul3A_603 : i32 to index
      %swap3A_605 = tpu.vector_load %arg13[%swap3A, %swap3A_604] {strides = array<i32>} : memref<16x128xf32, #tpu.memory_space<vmem>>, vector<16xf32>,
      tpu.vector_store %arg13[%swap3A, %swap3A_604], %broadcast_in_dim3A_1 {strides = array<i32>} : memref<16x128xf32, #tpu.memory_space<vmem>>, vector<16xf32>,
    }
    %scan3A_6 = arith.constant 128 : i32
    %mul3A_7 = arith.constant 640 : i32
    %mul3A_8 = arith.muli %arg1, %mul3A_7 : i32
    %add3A_9 = arith.constant 0 : i32
    %add3A_10 = arith.addi %mul3A_8, %add3A_9 : i32
    %dma_start3A = arith.constant 0 : i32
    %dma_start3A_11 = tpu.memref_slice %arg19[%add3A_10, %dma_start3A] : memref<10240x128xf32, #tpu.memory_space<vmem_shared>> -> memref<16x128xf32, #tpu.memory_space<vmem_shared>>
    %dma_start3A_12 = arith.constant 0 : i32
    %dma_start3A_13 = tpu.memref_slice %arg19[%add3A_10, %dma_start3A_12] : memref<10240x128xf32, #tpu.memory_space<vmem_shared>> -> memref<16x128xf32, #tpu.memory_space<vmem_shared>>
    tpu.enqueue_dma source(%arg13 : memref<16x128xf32, #tpu.memory_space<vmem>>) target(%dma_start3A_13 : memref<16x128xf32, #tpu.memory_space<vmem_shared>>) target_semaphore(%arg18 : memref<!tpu.dma_semaphore, #tpu.memory_space<semaphore_mem>>)
    %add3A_14 = arith.constant 16 : i32
    %add3A_15 = arith.addi %mul3A_8, %add3A_14 : i32
    %dma_start3A_16 = arith.constant 0 : i32
    %dma_start3A_17 = tpu.memref_slice %arg19[%add3A_15, %dma_start3A_16] : memref<10240x128xf32, #tpu.memory_space<vmem_shared>> -> memref<16x128xf32, #tpu.memory_space<vmem_shared>>
    %dma_start3A_18 = arith.constant 0 : i32
    %dma_start3A_19 = tpu.memref_slice %arg19[%add3A_15, %dma_start3A_18] : memref<10240x128xf32, #tpu.memory_space<vmem_shared>> -> memref<16x128xf32, #tpu.memory_space<vmem_shared>>
    tpu.enqueue_dma source(%arg13 : memref<16x128xf32, #tpu.memory_space<vmem>>) target(%dma_start3A_19 : memref<16x128xf32, #tpu.memory_space<vmem_shared>>) target_semaphore(%arg18 : memref<!tpu.dma_semaphore, #tpu.memory_space<semaphore_mem>>)
    %add3A_20 = arith.constant 32 : i32
    %add3A_21 = arith.addi %mul3A_8, %add3A_20 : i32
    %dma_start3A_22 = arith.constant 0 : i32
    %dma_start3A_23 = tpu.memref_slice %arg19[%add3A_21, %dma_start3A_22] : memref<10240x128xf32, #tpu.memory_space<vmem_shared>> -> memref<16x128xf32, #tpu.memory_space<vmem_shared>>
    %dma_start3A_24 = arith.constant 0 : i32
    %dma_start3A_25 = tpu.memref_slice %arg19[%add3A_21, %dma_start3A_24] : memref<10240x128xf32, #tpu.memory_space<vmem_shared>> -> memref<16x128xf32, #tpu.memory_space<vmem_shared>>
    tpu.enqueue_dma source(%arg13 : memref<16x128xf32, #tpu.memory_space<vmem>>) target(%dma_start3A_25 : memref<16x128xf32, #tpu.memory_space<vmem_shared>>) target_semaphore(%arg18 : memref<!tpu.dma_semaphore, #tpu.memory_space<semaphore_mem>>)
    %add3A_26 = arith.constant 48 : i32
    %add3A_27 = arith.addi %mul3A_8, %add3A_26 : i32
    %dma_start3A_28 = arith.constant 0 : i32
    %dma_start3A_29 = tpu.memref_slice %arg19[%add3A_27, %dma_start3A_28] : memref<10240x128xf32, #tpu.memory_space<vmem_shared>> -> memref<16x128xf32, #tpu.memory_space<vmem_shared>>
    %dma_start3A_30 = arith.constant 0 : i32
    %dma_start3A_31 = tpu.memref_slice %arg19[%add3A_27, %dma_start3A_30] : memref<10240x128xf32, #tpu.memory_space<vmem_shared>> -> memref<16x128xf32, #tpu.memory_space<vmem_shared>>
    tpu.enqueue_dma source(%arg13 : memref<16x128xf32, #tpu.memory_space<vmem>>) target(%dma_start3A_31 : memref<16x128xf32, #tpu.memory_space<vmem_shared>>) target_semaphore(%arg18 : memref<!tpu.dma_semaphore, #tpu.memory_space<semaphore_mem>>)
    %add3A_32 = arith.constant 64 : i32
    %add3A_33 = arith.addi %mul3A_8, %add3A_32 : i32
    %dma_start3A_34 = arith.constant 0 : i32
    %dma_start3A_35 = tpu.memref_slice %arg19[%add3A_33, %dma_start3A_34] : memref<10240x128xf32, #tpu.memory_space<vmem_shared>> -> memref<16x128xf32, #tpu.memory_space<vmem_shared>>
    %dma_start3A_36 = arith.constant 0 : i32
    %dma_start3A_37 = tpu.memref_slice %arg19[%add3A_33, %dma_start3A_36] : memref<10240x128xf32, #tpu.memory_space<vmem_shared>> -> memref<16x128xf32, #tpu.memory_space<vmem_shared>>
    tpu.enqueue_dma source(%arg13 : memref<16x128xf32, #tpu.memory_space<vmem>>) target(%dma_start3A_37 : memref<16x128xf32, #tpu.memory_space<vmem_shared>>) target_semaphore(%arg18 : memref<!tpu.dma_semaphore, #tpu.memory_space<semaphore_mem>>)
    %add3A_38 = arith.constant 80 : i32
    %add3A_39 = arith.addi %mul3A_8, %add3A_38 : i32
    %dma_start3A_40 = arith.constant 0 : i32
    %dma_start3A_41 = tpu.memref_slice %arg19[%add3A_39, %dma_start3A_40] : memref<10240x128xf32, #tpu.memory_space<vmem_shared>> -> memref<16x128xf32, #tpu.memory_space<vmem_shared>>
    %dma_start3A_42 = arith.constant 0 : i32
    %dma_start3A_43 = tpu.memref_slice %arg19[%add3A_39, %dma_start3A_42] : memref<10240x128xf32, #tpu.memory_space<vmem_shared>> -> memref<16x128xf32, #tpu.memory_space<vmem_shared>>
    tpu.enqueue_dma source(%arg13 : memref<16x128xf32, #tpu.memory_space<vmem>>) target(%dma_start3A_43 : memref<16x128xf32, #tpu.memory_space<vmem_shared>>) target_semaphore(%arg18 : memref<!tpu.dma_semaphore, #tpu.memory_space<semaphore_mem>>)
    %add3A_44 = arith.constant 96 : i32
    %add3A_45 = arith.addi %mul3A_8, %add3A_44 : i32
    %dma_start3A_46 = arith.constant 0 : i32
    %dma_start3A_47 = tpu.memref_slice %arg19[%add3A_45, %dma_start3A_46] : memref<10240x128xf32, #tpu.memory_space<vmem_shared>> -> memref<16x128xf32, #tpu.memory_space<vmem_shared>>
    %dma_start3A_48 = arith.constant 0 : i32
    %dma_start3A_49 = tpu.memref_slice %arg19[%add3A_45, %dma_start3A_48] : memref<10240x128xf32, #tpu.memory_space<vmem_shared>> -> memref<16x128xf32, #tpu.memory_space<vmem_shared>>
    tpu.enqueue_dma source(%arg13 : memref<16x128xf32, #tpu.memory_space<vmem>>) target(%dma_start3A_49 : memref<16x128xf32, #tpu.memory_space<vmem_shared>>) target_semaphore(%arg18 : memref<!tpu.dma_semaphore, #tpu.memory_space<semaphore_mem>>)
    %add3A_50 = arith.constant 112 : i32
    %add3A_51 = arith.addi %mul3A_8, %add3A_50 : i32
    %dma_start3A_52 = arith.constant 0 : i32
    %dma_start3A_53 = tpu.memref_slice %arg19[%add3A_51, %dma_start3A_52] : memref<10240x128xf32, #tpu.memory_space<vmem_shared>> -> memref<16x128xf32, #tpu.memory_space<vmem_shared>>
    %dma_start3A_54 = arith.constant 0 : i32
    %dma_start3A_55 = tpu.memref_slice %arg19[%add3A_51, %dma_start3A_54] : memref<10240x128xf32, #tpu.memory_space<vmem_shared>> -> memref<16x128xf32, #tpu.memory_space<vmem_shared>>
    tpu.enqueue_dma source(%arg13 : memref<16x128xf32, #tpu.memory_space<vmem>>) target(%dma_start3A_55 : memref<16x128xf32, #tpu.memory_space<vmem_shared>>) target_semaphore(%arg18 : memref<!tpu.dma_semaphore, #tpu.memory_space<semaphore_mem>>)
    %add3A_56 = arith.constant 128 : i32
    %add3A_57 = arith.addi %mul3A_8, %add3A_56 : i32
    %dma_start3A_58 = arith.constant 0 : i32
    %dma_start3A_59 = tpu.memref_slice %arg19[%add3A_57, %dma_start3A_58] : memref<10240x128xf32, #tpu.memory_space<vmem_shared>> -> memref<16x128xf32, #tpu.memory_space<vmem_shared>>
    %dma_start3A_60 = arith.constant 0 : i32
    %dma_start3A_61 = tpu.memref_slice %arg19[%add3A_57, %dma_start3A_60] : memref<10240x128xf32, #tpu.memory_space<vmem_shared>> -> memref<16x128xf32, #tpu.memory_space<vmem_shared>>
    tpu.enqueue_dma source(%arg13 : memref<16x128xf32, #tpu.memory_space<vmem>>) target(%dma_start3A_61 : memref<16x128xf32, #tpu.memory_space<vmem_shared>>) target_semaphore(%arg18 : memref<!tpu.dma_semaphore, #tpu.memory_space<semaphore_mem>>)
    %add3A_62 = arith.constant 144 : i32
    %add3A_63 = arith.addi %mul3A_8, %add3A_62 : i32
    %dma_start3A_64 = arith.constant 0 : i32
    %dma_start3A_65 = tpu.memref_slice %arg19[%add3A_63, %dma_start3A_64] : memref<10240x128xf32, #tpu.memory_space<vmem_shared>> -> memref<16x128xf32, #tpu.memory_space<vmem_shared>>
    %dma_start3A_66 = arith.constant 0 : i32
    %dma_start3A_67 = tpu.memref_slice %arg19[%add3A_63, %dma_start3A_66] : memref<10240x128xf32, #tpu.memory_space<vmem_shared>> -> memref<16x128xf32, #tpu.memory_space<vmem_shared>>
    tpu.enqueue_dma source(%arg13 : memref<16x128xf32, #tpu.memory_space<vmem>>) target(%dma_start3A_67 : memref<16x128xf32, #tpu.memory_space<vmem_shared>>) target_semaphore(%arg18 : memref<!tpu.dma_semaphore, #tpu.memory_space<semaphore_mem>>)
    %add3A_68 = arith.constant 160 : i32
    %add3A_69 = arith.addi %mul3A_8, %add3A_68 : i32
    %dma_start3A_70 = arith.constant 0 : i32
    %dma_start3A_71 = tpu.memref_slice %arg19[%add3A_69, %dma_start3A_70] : memref<10240x128xf32, #tpu.memory_space<vmem_shared>> -> memref<16x128xf32, #tpu.memory_space<vmem_shared>>
    %dma_start3A_72 = arith.constant 0 : i32
    %dma_start3A_73 = tpu.memref_slice %arg19[%add3A_69, %dma_start3A_72] : memref<10240x128xf32, #tpu.memory_space<vmem_shared>> -> memref<16x128xf32, #tpu.memory_space<vmem_shared>>
    tpu.enqueue_dma source(%arg13 : memref<16x128xf32, #tpu.memory_space<vmem>>) target(%dma_start3A_73 : memref<16x128xf32, #tpu.memory_space<vmem_shared>>) target_semaphore(%arg18 : memref<!tpu.dma_semaphore, #tpu.memory_space<semaphore_mem>>)
    %add3A_74 = arith.constant 176 : i32
    %add3A_75 = arith.addi %mul3A_8, %add3A_74 : i32
    %dma_start3A_76 = arith.constant 0 : i32
    %dma_start3A_77 = tpu.memref_slice %arg19[%add3A_75, %dma_start3A_76] : memref<10240x128xf32, #tpu.memory_space<vmem_shared>> -> memref<16x128xf32, #tpu.memory_space<vmem_shared>>
    %dma_start3A_78 = arith.constant 0 : i32
    %dma_start3A_79 = tpu.memref_slice %arg19[%add3A_75, %dma_start3A_78] : memref<10240x128xf32, #tpu.memory_space<vmem_shared>> -> memref<16x128xf32, #tpu.memory_space<vmem_shared>>
    tpu.enqueue_dma source(%arg13 : memref<16x128xf32, #tpu.memory_space<vmem>>) target(%dma_start3A_79 : memref<16x128xf32, #tpu.memory_space<vmem_shared>>) target_semaphore(%arg18 : memref<!tpu.dma_semaphore, #tpu.memory_space<semaphore_mem>>)
    %add3A_80 = arith.constant 192 : i32
    %add3A_81 = arith.addi %mul3A_8, %add3A_80 : i32
    %dma_start3A_82 = arith.constant 0 : i32
    %dma_start3A_83 = tpu.memref_slice %arg19[%add3A_81, %dma_start3A_82] : memref<10240x128xf32, #tpu.memory_space<vmem_shared>> -> memref<16x128xf32, #tpu.memory_space<vmem_shared>>
    %dma_start3A_84 = arith.constant 0 : i32
    %dma_start3A_85 = tpu.memref_slice %arg19[%add3A_81, %dma_start3A_84] : memref<10240x128xf32, #tpu.memory_space<vmem_shared>> -> memref<16x128xf32, #tpu.memory_space<vmem_shared>>
    tpu.enqueue_dma source(%arg13 : memref<16x128xf32, #tpu.memory_space<vmem>>) target(%dma_start3A_85 : memref<16x128xf32, #tpu.memory_space<vmem_shared>>) target_semaphore(%arg18 : memref<!tpu.dma_semaphore, #tpu.memory_space<semaphore_mem>>)
    %add3A_86 = arith.constant 208 : i32
    %add3A_87 = arith.addi %mul3A_8, %add3A_86 : i32
    %dma_start3A_88 = arith.constant 0 : i32
    %dma_start3A_89 = tpu.memref_slice %arg19[%add3A_87, %dma_start3A_88] : memref<10240x128xf32, #tpu.memory_space<vmem_shared>> -> memref<16x128xf32, #tpu.memory_space<vmem_shared>>
    %dma_start3A_90 = arith.constant 0 : i32
    %dma_start3A_91 = tpu.memref_slice %arg19[%add3A_87, %dma_start3A_90] : memref<10240x128xf32, #tpu.memory_space<vmem_shared>> -> memref<16x128xf32, #tpu.memory_space<vmem_shared>>
    tpu.enqueue_dma source(%arg13 : memref<16x128xf32, #tpu.memory_space<vmem>>) target(%dma_start3A_91 : memref<16x128xf32, #tpu.memory_space<vmem_shared>>) target_semaphore(%arg18 : memref<!tpu.dma_semaphore, #tpu.memory_space<semaphore_mem>>)
    %add3A_92 = arith.constant 224 : i32
    %add3A_93 = arith.addi %mul3A_8, %add3A_92 : i32
    %dma_start3A_94 = arith.constant 0 : i32
    %dma_start3A_95 = tpu.memref_slice %arg19[%add3A_93, %dma_start3A_94] : memref<10240x128xf32, #tpu.memory_space<vmem_shared>> -> memref<16x128xf32, #tpu.memory_space<vmem_shared>>
    %dma_start3A_96 = arith.constant 0 : i32
    %dma_start3A_97 = tpu.memref_slice %arg19[%add3A_93, %dma_start3A_96] : memref<10240x128xf32, #tpu.memory_space<vmem_shared>> -> memref<16x128xf32, #tpu.memory_space<vmem_shared>>
    tpu.enqueue_dma source(%arg13 : memref<16x128xf32, #tpu.memory_space<vmem>>) target(%dma_start3A_97 : memref<16x128xf32, #tpu.memory_space<vmem_shared>>) target_semaphore(%arg18 : memref<!tpu.dma_semaphore, #tpu.memory_space<semaphore_mem>>)
    %add3A_98 = arith.constant 240 : i32
    %add3A_99 = arith.addi %mul3A_8, %add3A_98 : i32
    %dma_start3A_100 = arith.constant 0 : i32
    %dma_start3A_101 = tpu.memref_slice %arg19[%add3A_99, %dma_start3A_100] : memref<10240x128xf32, #tpu.memory_space<vmem_shared>> -> memref<16x128xf32, #tpu.memory_space<vmem_shared>>
    %dma_start3A_102 = arith.constant 0 : i32
    %dma_start3A_103 = tpu.memref_slice %arg19[%add3A_99, %dma_start3A_102] : memref<10240x128xf32, #tpu.memory_space<vmem_shared>> -> memref<16x128xf32, #tpu.memory_space<vmem_shared>>
    tpu.enqueue_dma source(%arg13 : memref<16x128xf32, #tpu.memory_space<vmem>>) target(%dma_start3A_103 : memref<16x128xf32, #tpu.memory_space<vmem_shared>>) target_semaphore(%arg18 : memref<!tpu.dma_semaphore, #tpu.memory_space<semaphore_mem>>)
    %add3A_104 = arith.constant 256 : i32
    %add3A_105 = arith.addi %mul3A_8, %add3A_104 : i32
    %dma_start3A_106 = arith.constant 0 : i32
    %dma_start3A_107 = tpu.memref_slice %arg19[%add3A_105, %dma_start3A_106] : memref<10240x128xf32, #tpu.memory_space<vmem_shared>> -> memref<16x128xf32, #tpu.memory_space<vmem_shared>>
    %dma_start3A_108 = arith.constant 0 : i32
    %dma_start3A_109 = tpu.memref_slice %arg19[%add3A_105, %dma_start3A_108] : memref<10240x128xf32, #tpu.memory_space<vmem_shared>> -> memref<16x128xf32, #tpu.memory_space<vmem_shared>>
    tpu.enqueue_dma source(%arg13 : memref<16x128xf32, #tpu.memory_space<vmem>>) target(%dma_start3A_109 : memref<16x128xf32, #tpu.memory_space<vmem_shared>>) target_semaphore(%arg18 : memref<!tpu.dma_semaphore, #tpu.memory_space<semaphore_mem>>)
    %add3A_110 = arith.constant 272 : i32
    %add3A_111 = arith.addi %mul3A_8, %add3A_110 : i32
    %dma_start3A_112 = arith.constant 0 : i32
    %dma_start3A_113 = tpu.memref_slice %arg19[%add3A_111, %dma_start3A_112] : memref<10240x128xf32, #tpu.memory_space<vmem_shared>> -> memref<16x128xf32, #tpu.memory_space<vmem_shared>>
    %dma_start3A_114 = arith.constant 0 : i32
    %dma_start3A_115 = tpu.memref_slice %arg19[%add3A_111, %dma_start3A_114] : memref<10240x128xf32, #tpu.memory_space<vmem_shared>> -> memref<16x128xf32, #tpu.memory_space<vmem_shared>>
    tpu.enqueue_dma source(%arg13 : memref<16x128xf32, #tpu.memory_space<vmem>>) target(%dma_start3A_115 : memref<16x128xf32, #tpu.memory_space<vmem_shared>>) target_semaphore(%arg18 : memref<!tpu.dma_semaphore, #tpu.memory_space<semaphore_mem>>)
    %add3A_116 = arith.constant 288 : i32
    %add3A_117 = arith.addi %mul3A_8, %add3A_116 : i32
    %dma_start3A_118 = arith.constant 0 : i32
    %dma_start3A_119 = tpu.memref_slice %arg19[%add3A_117, %dma_start3A_118] : memref<10240x128xf32, #tpu.memory_space<vmem_shared>> -> memref<16x128xf32, #tpu.memory_space<vmem_shared>>
    %dma_start3A_120 = arith.constant 0 : i32
    %dma_start3A_121 = tpu.memref_slice %arg19[%add3A_117, %dma_start3A_120] : memref<10240x128xf32, #tpu.memory_space<vmem_shared>> -> memref<16x128xf32, #tpu.memory_space<vmem_shared>>
    tpu.enqueue_dma source(%arg13 : memref<16x128xf32, #tpu.memory_space<vmem>>) target(%dma_start3A_121 : memref<16x128xf32, #tpu.memory_space<vmem_shared>>) target_semaphore(%arg18 : memref<!tpu.dma_semaphore, #tpu.memory_space<semaphore_mem>>)
    %add3A_122 = arith.constant 304 : i32
    %add3A_123 = arith.addi %mul3A_8, %add3A_122 : i32
    %dma_start3A_124 = arith.constant 0 : i32
    %dma_start3A_125 = tpu.memref_slice %arg19[%add3A_123, %dma_start3A_124] : memref<10240x128xf32, #tpu.memory_space<vmem_shared>> -> memref<16x128xf32, #tpu.memory_space<vmem_shared>>
    %dma_start3A_126 = arith.constant 0 : i32
    %dma_start3A_127 = tpu.memref_slice %arg19[%add3A_123, %dma_start3A_126] : memref<10240x128xf32, #tpu.memory_space<vmem_shared>> -> memref<16x128xf32, #tpu.memory_space<vmem_shared>>
    tpu.enqueue_dma source(%arg13 : memref<16x128xf32, #tpu.memory_space<vmem>>) target(%dma_start3A_127 : memref<16x128xf32, #tpu.memory_space<vmem_shared>>) target_semaphore(%arg18 : memref<!tpu.dma_semaphore, #tpu.memory_space<semaphore_mem>>)
    %add3A_128 = arith.constant 320 : i32
    %add3A_129 = arith.addi %mul3A_8, %add3A_128 : i32
    %dma_start3A_130 = arith.constant 0 : i32
    %dma_start3A_131 = tpu.memref_slice %arg19[%add3A_129, %dma_start3A_130] : memref<10240x128xf32, #tpu.memory_space<vmem_shared>> -> memref<16x128xf32, #tpu.memory_space<vmem_shared>>
    %dma_start3A_132 = arith.constant 0 : i32
    %dma_start3A_133 = tpu.memref_slice %arg19[%add3A_129, %dma_start3A_132] : memref<10240x128xf32, #tpu.memory_space<vmem_shared>> -> memref<16x128xf32, #tpu.memory_space<vmem_shared>>
    tpu.enqueue_dma source(%arg13 : memref<16x128xf32, #tpu.memory_space<vmem>>) target(%dma_start3A_133 : memref<16x128xf32, #tpu.memory_space<vmem_shared>>) target_semaphore(%arg18 : memref<!tpu.dma_semaphore, #tpu.memory_space<semaphore_mem>>)
    %add3A_134 = arith.constant 336 : i32
    %add3A_135 = arith.addi %mul3A_8, %add3A_134 : i32
    %dma_start3A_136 = arith.constant 0 : i32
    %dma_start3A_137 = tpu.memref_slice %arg19[%add3A_135, %dma_start3A_136] : memref<10240x128xf32, #tpu.memory_space<vmem_shared>> -> memref<16x128xf32, #tpu.memory_space<vmem_shared>>
    %dma_start3A_138 = arith.constant 0 : i32
    %dma_start3A_139 = tpu.memref_slice %arg19[%add3A_135, %dma_start3A_138] : memref<10240x128xf32, #tpu.memory_space<vmem_shared>> -> memref<16x128xf32, #tpu.memory_space<vmem_shared>>
    tpu.enqueue_dma source(%arg13 : memref<16x128xf32, #tpu.memory_space<vmem>>) target(%dma_start3A_139 : memref<16x128xf32, #tpu.memory_space<vmem_shared>>) target_semaphore(%arg18 : memref<!tpu.dma_semaphore, #tpu.memory_space<semaphore_mem>>)
    %add3A_140 = arith.constant 352 : i32
    %add3A_141 = arith.addi %mul3A_8, %add3A_140 : i32
    %dma_start3A_142 = arith.constant 0 : i32
    %dma_start3A_143 = tpu.memref_slice %arg19[%add3A_141, %dma_start3A_142] : memref<10240x128xf32, #tpu.memory_space<vmem_shared>> -> memref<16x128xf32, #tpu.memory_space<vmem_shared>>
    %dma_start3A_144 = arith.constant 0 : i32
    %dma_start3A_145 = tpu.memref_slice %arg19[%add3A_141, %dma_start3A_144] : memref<10240x128xf32, #tpu.memory_space<vmem_shared>> -> memref<16x128xf32, #tpu.memory_space<vmem_shared>>
    tpu.enqueue_dma source(%arg13 : memref<16x128xf32, #tpu.memory_space<vmem>>) target(%dma_start3A_145 : memref<16x128xf32, #tpu.memory_space<vmem_shared>>) target_semaphore(%arg18 : memref<!tpu.dma_semaphore, #tpu.memory_space<semaphore_mem>>)
    %add3A_146 = arith.constant 368 : i32
    %add3A_147 = arith.addi %mul3A_8, %add3A_146 : i32
    %dma_start3A_148 = arith.constant 0 : i32
    %dma_start3A_149 = tpu.memref_slice %arg19[%add3A_147, %dma_start3A_148] : memref<10240x128xf32, #tpu.memory_space<vmem_shared>> -> memref<16x128xf32, #tpu.memory_space<vmem_shared>>
    %dma_start3A_150 = arith.constant 0 : i32
    %dma_start3A_151 = tpu.memref_slice %arg19[%add3A_147, %dma_start3A_150] : memref<10240x128xf32, #tpu.memory_space<vmem_shared>> -> memref<16x128xf32, #tpu.memory_space<vmem_shared>>
    tpu.enqueue_dma source(%arg13 : memref<16x128xf32, #tpu.memory_space<vmem>>) target(%dma_start3A_151 : memref<16x128xf32, #tpu.memory_space<vmem_shared>>) target_semaphore(%arg18 : memref<!tpu.dma_semaphore, #tpu.memory_space<semaphore_mem>>)
    %add3A_152 = arith.constant 384 : i32
    %add3A_153 = arith.addi %mul3A_8, %add3A_152 : i32
    %dma_start3A_154 = arith.constant 0 : i32
    %dma_start3A_155 = tpu.memref_slice %arg19[%add3A_153, %dma_start3A_154] : memref<10240x128xf32, #tpu.memory_space<vmem_shared>> -> memref<16x128xf32, #tpu.memory_space<vmem_shared>>
    %dma_start3A_156 = arith.constant 0 : i32
    %dma_start3A_157 = tpu.memref_slice %arg19[%add3A_153, %dma_start3A_156] : memref<10240x128xf32, #tpu.memory_space<vmem_shared>> -> memref<16x128xf32, #tpu.memory_space<vmem_shared>>
    tpu.enqueue_dma source(%arg13 : memref<16x128xf32, #tpu.memory_space<vmem>>) target(%dma_start3A_157 : memref<16x128xf32, #tpu.memory_space<vmem_shared>>) target_semaphore(%arg18 : memref<!tpu.dma_semaphore, #tpu.memory_space<semaphore_mem>>)
    %add3A_158 = arith.constant 400 : i32
    %add3A_159 = arith.addi %mul3A_8, %add3A_158 : i32
    %dma_start3A_160 = arith.constant 0 : i32
    %dma_start3A_161 = tpu.memref_slice %arg19[%add3A_159, %dma_start3A_160] : memref<10240x128xf32, #tpu.memory_space<vmem_shared>> -> memref<16x128xf32, #tpu.memory_space<vmem_shared>>
    %dma_start3A_162 = arith.constant 0 : i32
    %dma_start3A_163 = tpu.memref_slice %arg19[%add3A_159, %dma_start3A_162] : memref<10240x128xf32, #tpu.memory_space<vmem_shared>> -> memref<16x128xf32, #tpu.memory_space<vmem_shared>>
    tpu.enqueue_dma source(%arg13 : memref<16x128xf32, #tpu.memory_space<vmem>>) target(%dma_start3A_163 : memref<16x128xf32, #tpu.memory_space<vmem_shared>>) target_semaphore(%arg18 : memref<!tpu.dma_semaphore, #tpu.memory_space<semaphore_mem>>)
    %add3A_164 = arith.constant 416 : i32
    %add3A_165 = arith.addi %mul3A_8, %add3A_164 : i32
    %dma_start3A_166 = arith.constant 0 : i32
    %dma_start3A_167 = tpu.memref_slice %arg19[%add3A_165, %dma_start3A_166] : memref<10240x128xf32, #tpu.memory_space<vmem_shared>> -> memref<16x128xf32, #tpu.memory_space<vmem_shared>>
    %dma_start3A_168 = arith.constant 0 : i32
    %dma_start3A_169 = tpu.memref_slice %arg19[%add3A_165, %dma_start3A_168] : memref<10240x128xf32, #tpu.memory_space<vmem_shared>> -> memref<16x128xf32, #tpu.memory_space<vmem_shared>>
    tpu.enqueue_dma source(%arg13 : memref<16x128xf32, #tpu.memory_space<vmem>>) target(%dma_start3A_169 : memref<16x128xf32, #tpu.memory_space<vmem_shared>>) target_semaphore(%arg18 : memref<!tpu.dma_semaphore, #tpu.memory_space<semaphore_mem>>)
    %add3A_170 = arith.constant 432 : i32
    %add3A_171 = arith.addi %mul3A_8, %add3A_170 : i32
    %dma_start3A_172 = arith.constant 0 : i32
    %dma_start3A_173 = tpu.memref_slice %arg19[%add3A_171, %dma_start3A_172] : memref<10240x128xf32, #tpu.memory_space<vmem_shared>> -> memref<16x128xf32, #tpu.memory_space<vmem_shared>>
    %dma_start3A_174 = arith.constant 0 : i32
    %dma_start3A_175 = tpu.memref_slice %arg19[%add3A_171, %dma_start3A_174] : memref<10240x128xf32, #tpu.memory_space<vmem_shared>> -> memref<16x128xf32, #tpu.memory_space<vmem_shared>>
    tpu.enqueue_dma source(%arg13 : memref<16x128xf32, #tpu.memory_space<vmem>>) target(%dma_start3A_175 : memref<16x128xf32, #tpu.memory_space<vmem_shared>>) target_semaphore(%arg18 : memref<!tpu.dma_semaphore, #tpu.memory_space<semaphore_mem>>)
    %add3A_176 = arith.constant 448 : i32
    %add3A_177 = arith.addi %mul3A_8, %add3A_176 : i32
    %dma_start3A_178 = arith.constant 0 : i32
    %dma_start3A_179 = tpu.memref_slice %arg19[%add3A_177, %dma_start3A_178] : memref<10240x128xf32, #tpu.memory_space<vmem_shared>> -> memref<16x128xf32, #tpu.memory_space<vmem_shared>>
    %dma_start3A_180 = arith.constant 0 : i32
    %dma_start3A_181 = tpu.memref_slice %arg19[%add3A_177, %dma_start3A_180] : memref<10240x128xf32, #tpu.memory_space<vmem_shared>> -> memref<16x128xf32, #tpu.memory_space<vmem_shared>>
    tpu.enqueue_dma source(%arg13 : memref<16x128xf32, #tpu.memory_space<vmem>>) target(%dma_start3A_181 : memref<16x128xf32, #tpu.memory_space<vmem_shared>>) target_semaphore(%arg18 : memref<!tpu.dma_semaphore, #tpu.memory_space<semaphore_mem>>)
    %add3A_182 = arith.constant 464 : i32
    %add3A_183 = arith.addi %mul3A_8, %add3A_182 : i32
    %dma_start3A_184 = arith.constant 0 : i32
    %dma_start3A_185 = tpu.memref_slice %arg19[%add3A_183, %dma_start3A_184] : memref<10240x128xf32, #tpu.memory_space<vmem_shared>> -> memref<16x128xf32, #tpu.memory_space<vmem_shared>>
    %dma_start3A_186 = arith.constant 0 : i32
    %dma_start3A_187 = tpu.memref_slice %arg19[%add3A_183, %dma_start3A_186] : memref<10240x128xf32, #tpu.memory_space<vmem_shared>> -> memref<16x128xf32, #tpu.memory_space<vmem_shared>>
    tpu.enqueue_dma source(%arg13 : memref<16x128xf32, #tpu.memory_space<vmem>>) target(%dma_start3A_187 : memref<16x128xf32, #tpu.memory_space<vmem_shared>>) target_semaphore(%arg18 : memref<!tpu.dma_semaphore, #tpu.memory_space<semaphore_mem>>)
    %add3A_188 = arith.constant 480 : i32
    %add3A_189 = arith.addi %mul3A_8, %add3A_188 : i32
    %dma_start3A_190 = arith.constant 0 : i32
    %dma_start3A_191 = tpu.memref_slice %arg19[%add3A_189, %dma_start3A_190] : memref<10240x128xf32, #tpu.memory_space<vmem_shared>> -> memref<16x128xf32, #tpu.memory_space<vmem_shared>>
    %dma_start3A_192 = arith.constant 0 : i32
    %dma_start3A_193 = tpu.memref_slice %arg19[%add3A_189, %dma_start3A_192] : memref<10240x128xf32, #tpu.memory_space<vmem_shared>> -> memref<16x128xf32, #tpu.memory_space<vmem_shared>>
    tpu.enqueue_dma source(%arg13 : memref<16x128xf32, #tpu.memory_space<vmem>>) target(%dma_start3A_193 : memref<16x128xf32, #tpu.memory_space<vmem_shared>>) target_semaphore(%arg18 : memref<!tpu.dma_semaphore, #tpu.memory_space<semaphore_mem>>)
    %add3A_194 = arith.constant 496 : i32
    %add3A_195 = arith.addi %mul3A_8, %add3A_194 : i32
    %dma_start3A_196 = arith.constant 0 : i32
    %dma_start3A_197 = tpu.memref_slice %arg19[%add3A_195, %dma_start3A_196] : memref<10240x128xf32, #tpu.memory_space<vmem_shared>> -> memref<16x128xf32, #tpu.memory_space<vmem_shared>>
    %dma_start3A_198 = arith.constant 0 : i32
    %dma_start3A_199 = tpu.memref_slice %arg19[%add3A_195, %dma_start3A_198] : memref<10240x128xf32, #tpu.memory_space<vmem_shared>> -> memref<16x128xf32, #tpu.memory_space<vmem_shared>>
    tpu.enqueue_dma source(%arg13 : memref<16x128xf32, #tpu.memory_space<vmem>>) target(%dma_start3A_199 : memref<16x128xf32, #tpu.memory_space<vmem_shared>>) target_semaphore(%arg18 : memref<!tpu.dma_semaphore, #tpu.memory_space<semaphore_mem>>)
    %add3A_200 = arith.constant 512 : i32
    %add3A_201 = arith.addi %mul3A_8, %add3A_200 : i32
    %dma_start3A_202 = arith.constant 0 : i32
    %dma_start3A_203 = tpu.memref_slice %arg19[%add3A_201, %dma_start3A_202] : memref<10240x128xf32, #tpu.memory_space<vmem_shared>> -> memref<16x128xf32, #tpu.memory_space<vmem_shared>>
    %dma_start3A_204 = arith.constant 0 : i32
    %dma_start3A_205 = tpu.memref_slice %arg19[%add3A_201, %dma_start3A_204] : memref<10240x128xf32, #tpu.memory_space<vmem_shared>> -> memref<16x128xf32, #tpu.memory_space<vmem_shared>>
    tpu.enqueue_dma source(%arg13 : memref<16x128xf32, #tpu.memory_space<vmem>>) target(%dma_start3A_205 : memref<16x128xf32, #tpu.memory_space<vmem_shared>>) target_semaphore(%arg18 : memref<!tpu.dma_semaphore, #tpu.memory_space<semaphore_mem>>)
    %add3A_206 = arith.constant 528 : i32
    %add3A_207 = arith.addi %mul3A_8, %add3A_206 : i32
    %dma_start3A_208 = arith.constant 0 : i32
    %dma_start3A_209 = tpu.memref_slice %arg19[%add3A_207, %dma_start3A_208] : memref<10240x128xf32, #tpu.memory_space<vmem_shared>> -> memref<16x128xf32, #tpu.memory_space<vmem_shared>>
    %dma_start3A_210 = arith.constant 0 : i32
    %dma_start3A_211 = tpu.memref_slice %arg19[%add3A_207, %dma_start3A_210] : memref<10240x128xf32, #tpu.memory_space<vmem_shared>> -> memref<16x128xf32, #tpu.memory_space<vmem_shared>>
    tpu.enqueue_dma source(%arg13 : memref<16x128xf32, #tpu.memory_space<vmem>>) target(%dma_start3A_211 : memref<16x128xf32, #tpu.memory_space<vmem_shared>>) target_semaphore(%arg18 : memref<!tpu.dma_semaphore, #tpu.memory_space<semaphore_mem>>)
    %add3A_212 = arith.constant 544 : i32
    %add3A_213 = arith.addi %mul3A_8, %add3A_212 : i32
    %dma_start3A_214 = arith.constant 0 : i32
    %dma_start3A_215 = tpu.memref_slice %arg19[%add3A_213, %dma_start3A_214] : memref<10240x128xf32, #tpu.memory_space<vmem_shared>> -> memref<16x128xf32, #tpu.memory_space<vmem_shared>>
    %dma_start3A_216 = arith.constant 0 : i32
    %dma_start3A_217 = tpu.memref_slice %arg19[%add3A_213, %dma_start3A_216] : memref<10240x128xf32, #tpu.memory_space<vmem_shared>> -> memref<16x128xf32, #tpu.memory_space<vmem_shared>>
    tpu.enqueue_dma source(%arg13 : memref<16x128xf32, #tpu.memory_space<vmem>>) target(%dma_start3A_217 : memref<16x128xf32, #tpu.memory_space<vmem_shared>>) target_semaphore(%arg18 : memref<!tpu.dma_semaphore, #tpu.memory_space<semaphore_mem>>)
    %add3A_218 = arith.constant 560 : i32
    %add3A_219 = arith.addi %mul3A_8, %add3A_218 : i32
    %dma_start3A_220 = arith.constant 0 : i32
    %dma_start3A_221 = tpu.memref_slice %arg19[%add3A_219, %dma_start3A_220] : memref<10240x128xf32, #tpu.memory_space<vmem_shared>> -> memref<16x128xf32, #tpu.memory_space<vmem_shared>>
    %dma_start3A_222 = arith.constant 0 : i32
    %dma_start3A_223 = tpu.memref_slice %arg19[%add3A_219, %dma_start3A_222] : memref<10240x128xf32, #tpu.memory_space<vmem_shared>> -> memref<16x128xf32, #tpu.memory_space<vmem_shared>>
    tpu.enqueue_dma source(%arg13 : memref<16x128xf32, #tpu.memory_space<vmem>>) target(%dma_start3A_223 : memref<16x128xf32, #tpu.memory_space<vmem_shared>>) target_semaphore(%arg18 : memref<!tpu.dma_semaphore, #tpu.memory_space<semaphore_mem>>)
    %add3A_224 = arith.constant 576 : i32
    %add3A_225 = arith.addi %mul3A_8, %add3A_224 : i32
    %dma_start3A_226 = arith.constant 0 : i32
    %dma_start3A_227 = tpu.memref_slice %arg19[%add3A_225, %dma_start3A_226] : memref<10240x128xf32, #tpu.memory_space<vmem_shared>> -> memref<16x128xf32, #tpu.memory_space<vmem_shared>>
    %dma_start3A_228 = arith.constant 0 : i32
    %dma_start3A_229 = tpu.memref_slice %arg19[%add3A_225, %dma_start3A_228] : memref<10240x128xf32, #tpu.memory_space<vmem_shared>> -> memref<16x128xf32, #tpu.memory_space<vmem_shared>>
    tpu.enqueue_dma source(%arg13 : memref<16x128xf32, #tpu.memory_space<vmem>>) target(%dma_start3A_229 : memref<16x128xf32, #tpu.memory_space<vmem_shared>>) target_semaphore(%arg18 : memref<!tpu.dma_semaphore, #tpu.memory_space<semaphore_mem>>)
    %add3A_230 = arith.constant 592 : i32
    %add3A_231 = arith.addi %mul3A_8, %add3A_230 : i32
    %dma_start3A_232 = arith.constant 0 : i32
    %dma_start3A_233 = tpu.memref_slice %arg19[%add3A_231, %dma_start3A_232] : memref<10240x128xf32, #tpu.memory_space<vmem_shared>> -> memref<16x128xf32, #tpu.memory_space<vmem_shared>>
    %dma_start3A_234 = arith.constant 0 : i32
    %dma_start3A_235 = tpu.memref_slice %arg19[%add3A_231, %dma_start3A_234] : memref<10240x128xf32, #tpu.memory_space<vmem_shared>> -> memref<16x128xf32, #tpu.memory_space<vmem_shared>>
    tpu.enqueue_dma source(%arg13 : memref<16x128xf32, #tpu.memory_space<vmem>>) target(%dma_start3A_235 : memref<16x128xf32, #tpu.memory_space<vmem_shared>>) target_semaphore(%arg18 : memref<!tpu.dma_semaphore, #tpu.memory_space<semaphore_mem>>)
    %add3A_236 = arith.constant 608 : i32
    %add3A_237 = arith.addi %mul3A_8, %add3A_236 : i32
    %dma_start3A_238 = arith.constant 0 : i32
    %dma_start3A_239 = tpu.memref_slice %arg19[%add3A_237, %dma_start3A_238] : memref<10240x128xf32, #tpu.memory_space<vmem_shared>> -> memref<16x128xf32, #tpu.memory_space<vmem_shared>>
    %dma_start3A_240 = arith.constant 0 : i32
    %dma_start3A_241 = tpu.memref_slice %arg19[%add3A_237, %dma_start3A_240] : memref<10240x128xf32, #tpu.memory_space<vmem_shared>> -> memref<16x128xf32, #tpu.memory_space<vmem_shared>>
    tpu.enqueue_dma source(%arg13 : memref<16x128xf32, #tpu.memory_space<vmem>>) target(%dma_start3A_241 : memref<16x128xf32, #tpu.memory_space<vmem_shared>>) target_semaphore(%arg18 : memref<!tpu.dma_semaphore, #tpu.memory_space<semaphore_mem>>)
    %add3A_242 = arith.constant 624 : i32
    %add3A_243 = arith.addi %mul3A_8, %add3A_242 : i32
    %dma_start3A_244 = arith.constant 0 : i32
    %dma_start3A_245 = tpu.memref_slice %arg19[%add3A_243, %dma_start3A_244] : memref<10240x128xf32, #tpu.memory_space<vmem_shared>> -> memref<16x128xf32, #tpu.memory_space<vmem_shared>>
    %dma_start3A_246 = arith.constant 0 : i32
    %dma_start3A_247 = tpu.memref_slice %arg19[%add3A_243, %dma_start3A_246] : memref<10240x128xf32, #tpu.memory_space<vmem_shared>> -> memref<16x128xf32, #tpu.memory_space<vmem_shared>>
    tpu.enqueue_dma source(%arg13 : memref<16x128xf32, #tpu.memory_space<vmem>>) target(%dma_start3A_247 : memref<16x128xf32, #tpu.memory_space<vmem_shared>>) target_semaphore(%arg18 : memref<!tpu.dma_semaphore, #tpu.memory_space<semaphore_mem>>)
    %dma_wait3A = arith.constant 0 : i32
    %dma_wait3A_248 = tpu.memref_slice %arg19[%add3A_10, %dma_wait3A] : memref<10240x128xf32, #tpu.memory_space<vmem_shared>> -> memref<16x128xf32, #tpu.memory_space<vmem_shared>>
    %dma_wait3A_249 = arith.constant 0 : i32
    %dma_wait3A_250 = tpu.memref_slice %arg19[%add3A_10, %dma_wait3A_249] : memref<10240x128xf32, #tpu.memory_space<vmem_shared>> -> memref<16x128xf32, #tpu.memory_space<vmem_shared>>
    tpu.wait_dma2 semaphore(%arg18 : memref<!tpu.dma_semaphore, #tpu.memory_space<semaphore_mem>>) src(%arg13 : memref<16x128xf32, #tpu.memory_space<vmem>>) dst(%dma_wait3A_250 : memref<16x128xf32, #tpu.memory_space<vmem_shared>>)
    %dma_wait3A_251 = arith.constant 0 : i32
    %dma_wait3A_252 = tpu.memref_slice %arg19[%add3A_15, %dma_wait3A_251] : memref<10240x128xf32, #tpu.memory_space<vmem_shared>> -> memref<16x128xf32, #tpu.memory_space<vmem_shared>>
    %dma_wait3A_253 = arith.constant 0 : i32
    %dma_wait3A_254 = tpu.memref_slice %arg19[%add3A_15, %dma_wait3A_253] : memref<10240x128xf32, #tpu.memory_space<vmem_shared>> -> memref<16x128xf32, #tpu.memory_space<vmem_shared>>
    tpu.wait_dma2 semaphore(%arg18 : memref<!tpu.dma_semaphore, #tpu.memory_space<semaphore_mem>>) src(%arg13 : memref<16x128xf32, #tpu.memory_space<vmem>>) dst(%dma_wait3A_254 : memref<16x128xf32, #tpu.memory_space<vmem_shared>>)
    %dma_wait3A_255 = arith.constant 0 : i32
    %dma_wait3A_256 = tpu.memref_slice %arg19[%add3A_21, %dma_wait3A_255] : memref<10240x128xf32, #tpu.memory_space<vmem_shared>> -> memref<16x128xf32, #tpu.memory_space<vmem_shared>>
    %dma_wait3A_257 = arith.constant 0 : i32
    %dma_wait3A_258 = tpu.memref_slice %arg19[%add3A_21, %dma_wait3A_257] : memref<10240x128xf32, #tpu.memory_space<vmem_shared>> -> memref<16x128xf32, #tpu.memory_space<vmem_shared>>
    tpu.wait_dma2 semaphore(%arg18 : memref<!tpu.dma_semaphore, #tpu.memory_space<semaphore_mem>>) src(%arg13 : memref<16x128xf32, #tpu.memory_space<vmem>>) dst(%dma_wait3A_258 : memref<16x128xf32, #tpu.memory_space<vmem_shared>>)
    %dma_wait3A_259 = arith.constant 0 : i32
    %dma_wait3A_260 = tpu.memref_slice %arg19[%add3A_27, %dma_wait3A_259] : memref<10240x128xf32, #tpu.memory_space<vmem_shared>> -> memref<16x128xf32, #tpu.memory_space<vmem_shared>>
    %dma_wait3A_261 = arith.constant 0 : i32
    %dma_wait3A_262 = tpu.memref_slice %arg19[%add3A_27, %dma_wait3A_261] : memref<10240x128xf32, #tpu.memory_space<vmem_shared>> -> memref<16x128xf32, #tpu.memory_space<vmem_shared>>
    tpu.wait_dma2 semaphore(%arg18 : memref<!tpu.dma_semaphore, #tpu.memory_space<semaphore_mem>>) src(%arg13 : memref<16x128xf32, #tpu.memory_space<vmem>>) dst(%dma_wait3A_262 : memref<16x128xf32, #tpu.memory_space<vmem_shared>>)
    %dma_wait3A_263 = arith.constant 0 : i32
    %dma_wait3A_264 = tpu.memref_slice %arg19[%add3A_33, %dma_wait3A_263] : memref<10240x128xf32, #tpu.memory_space<vmem_shared>> -> memref<16x128xf32, #tpu.memory_space<vmem_shared>>
    %dma_wait3A_265 = arith.constant 0 : i32
    %dma_wait3A_266 = tpu.memref_slice %arg19[%add3A_33, %dma_wait3A_265] : memref<10240x128xf32, #tpu.memory_space<vmem_shared>> -> memref<16x128xf32, #tpu.memory_space<vmem_shared>>
    tpu.wait_dma2 semaphore(%arg18 : memref<!tpu.dma_semaphore, #tpu.memory_space<semaphore_mem>>) src(%arg13 : memref<16x128xf32, #tpu.memory_space<vmem>>) dst(%dma_wait3A_266 : memref<16x128xf32, #tpu.memory_space<vmem_shared>>)
    %dma_wait3A_267 = arith.constant 0 : i32
    %dma_wait3A_268 = tpu.memref_slice %arg19[%add3A_39, %dma_wait3A_267] : memref<10240x128xf32, #tpu.memory_space<vmem_shared>> -> memref<16x128xf32, #tpu.memory_space<vmem_shared>>
    %dma_wait3A_269 = arith.constant 0 : i32
    %dma_wait3A_270 = tpu.memref_slice %arg19[%add3A_39, %dma_wait3A_269] : memref<10240x128xf32, #tpu.memory_space<vmem_shared>> -> memref<16x128xf32, #tpu.memory_space<vmem_shared>>
    tpu.wait_dma2 semaphore(%arg18 : memref<!tpu.dma_semaphore, #tpu.memory_space<semaphore_mem>>) src(%arg13 : memref<16x128xf32, #tpu.memory_space<vmem>>) dst(%dma_wait3A_270 : memref<16x128xf32, #tpu.memory_space<vmem_shared>>)
    %dma_wait3A_271 = arith.constant 0 : i32
    %dma_wait3A_272 = tpu.memref_slice %arg19[%add3A_45, %dma_wait3A_271] : memref<10240x128xf32, #tpu.memory_space<vmem_shared>> -> memref<16x128xf32, #tpu.memory_space<vmem_shared>>
    %dma_wait3A_273 = arith.constant 0 : i32
    %dma_wait3A_274 = tpu.memref_slice %arg19[%add3A_45, %dma_wait3A_273] : memref<10240x128xf32, #tpu.memory_space<vmem_shared>> -> memref<16x128xf32, #tpu.memory_space<vmem_shared>>
    tpu.wait_dma2 semaphore(%arg18 : memref<!tpu.dma_semaphore, #tpu.memory_space<semaphore_mem>>) src(%arg13 : memref<16x128xf32, #tpu.memory_space<vmem>>) dst(%dma_wait3A_274 : memref<16x128xf32, #tpu.memory_space<vmem_shared>>)
    %dma_wait3A_275 = arith.constant 0 : i32
    %dma_wait3A_276 = tpu.memref_slice %arg19[%add3A_51, %dma_wait3A_275] : memref<10240x128xf32, #tpu.memory_space<vmem_shared>> -> memref<16x128xf32, #tpu.memory_space<vmem_shared>>
    %dma_wait3A_277 = arith.constant 0 : i32
    %dma_wait3A_278 = tpu.memref_slice %arg19[%add3A_51, %dma_wait3A_277] : memref<10240x128xf32, #tpu.memory_space<vmem_shared>> -> memref<16x128xf32, #tpu.memory_space<vmem_shared>>
    tpu.wait_dma2 semaphore(%arg18 : memref<!tpu.dma_semaphore, #tpu.memory_space<semaphore_mem>>) src(%arg13 : memref<16x128xf32, #tpu.memory_space<vmem>>) dst(%dma_wait3A_278 : memref<16x128xf32, #tpu.memory_space<vmem_shared>>)
    %dma_wait3A_279 = arith.constant 0 : i32
    %dma_wait3A_280 = tpu.memref_slice %arg19[%add3A_57, %dma_wait3A_279] : memref<10240x128xf32, #tpu.memory_space<vmem_shared>> -> memref<16x128xf32, #tpu.memory_space<vmem_shared>>
    %dma_wait3A_281 = arith.constant 0 : i32
    %dma_wait3A_282 = tpu.memref_slice %arg19[%add3A_57, %dma_wait3A_281] : memref<10240x128xf32, #tpu.memory_space<vmem_shared>> -> memref<16x128xf32, #tpu.memory_space<vmem_shared>>
    tpu.wait_dma2 semaphore(%arg18 : memref<!tpu.dma_semaphore, #tpu.memory_space<semaphore_mem>>) src(%arg13 : memref<16x128xf32, #tpu.memory_space<vmem>>) dst(%dma_wait3A_282 : memref<16x128xf32, #tpu.memory_space<vmem_shared>>)
    %dma_wait3A_283 = arith.constant 0 : i32
    %dma_wait3A_284 = tpu.memref_slice %arg19[%add3A_63, %dma_wait3A_283] : memref<10240x128xf32, #tpu.memory_space<vmem_shared>> -> memref<16x128xf32, #tpu.memory_space<vmem_shared>>
    %dma_wait3A_285 = arith.constant 0 : i32
    %dma_wait3A_286 = tpu.memref_slice %arg19[%add3A_63, %dma_wait3A_285] : memref<10240x128xf32, #tpu.memory_space<vmem_shared>> -> memref<16x128xf32, #tpu.memory_space<vmem_shared>>
    tpu.wait_dma2 semaphore(%arg18 : memref<!tpu.dma_semaphore, #tpu.memory_space<semaphore_mem>>) src(%arg13 : memref<16x128xf32, #tpu.memory_space<vmem>>) dst(%dma_wait3A_286 : memref<16x128xf32, #tpu.memory_space<vmem_shared>>)
    %dma_wait3A_287 = arith.constant 0 : i32
    %dma_wait3A_288 = tpu.memref_slice %arg19[%add3A_69, %dma_wait3A_287] : memref<10240x128xf32, #tpu.memory_space<vmem_shared>> -> memref<16x128xf32, #tpu.memory_space<vmem_shared>>
    %dma_wait3A_289 = arith.constant 0 : i32
    %dma_wait3A_290 = tpu.memref_slice %arg19[%add3A_69, %dma_wait3A_289] : memref<10240x128xf32, #tpu.memory_space<vmem_shared>> -> memref<16x128xf32, #tpu.memory_space<vmem_shared>>
    tpu.wait_dma2 semaphore(%arg18 : memref<!tpu.dma_semaphore, #tpu.memory_space<semaphore_mem>>) src(%arg13 : memref<16x128xf32, #tpu.memory_space<vmem>>) dst(%dma_wait3A_290 : memref<16x128xf32, #tpu.memory_space<vmem_shared>>)
    %dma_wait3A_291 = arith.constant 0 : i32
    %dma_wait3A_292 = tpu.memref_slice %arg19[%add3A_75, %dma_wait3A_291] : memref<10240x128xf32, #tpu.memory_space<vmem_shared>> -> memref<16x128xf32, #tpu.memory_space<vmem_shared>>
    %dma_wait3A_293 = arith.constant 0 : i32
    %dma_wait3A_294 = tpu.memref_slice %arg19[%add3A_75, %dma_wait3A_293] : memref<10240x128xf32, #tpu.memory_space<vmem_shared>> -> memref<16x128xf32, #tpu.memory_space<vmem_shared>>
    tpu.wait_dma2 semaphore(%arg18 : memref<!tpu.dma_semaphore, #tpu.memory_space<semaphore_mem>>) src(%arg13 : memref<16x128xf32, #tpu.memory_space<vmem>>) dst(%dma_wait3A_294 : memref<16x128xf32, #tpu.memory_space<vmem_shared>>)
    %dma_wait3A_295 = arith.constant 0 : i32
    %dma_wait3A_296 = tpu.memref_slice %arg19[%add3A_81, %dma_wait3A_295] : memref<10240x128xf32, #tpu.memory_space<vmem_shared>> -> memref<16x128xf32, #tpu.memory_space<vmem_shared>>
    %dma_wait3A_297 = arith.constant 0 : i32
    %dma_wait3A_298 = tpu.memref_slice %arg19[%add3A_81, %dma_wait3A_297] : memref<10240x128xf32, #tpu.memory_space<vmem_shared>> -> memref<16x128xf32, #tpu.memory_space<vmem_shared>>
    tpu.wait_dma2 semaphore(%arg18 : memref<!tpu.dma_semaphore, #tpu.memory_space<semaphore_mem>>) src(%arg13 : memref<16x128xf32, #tpu.memory_space<vmem>>) dst(%dma_wait3A_298 : memref<16x128xf32, #tpu.memory_space<vmem_shared>>)
    %dma_wait3A_299 = arith.constant 0 : i32
    %dma_wait3A_300 = tpu.memref_slice %arg19[%add3A_87, %dma_wait3A_299] : memref<10240x128xf32, #tpu.memory_space<vmem_shared>> -> memref<16x128xf32, #tpu.memory_space<vmem_shared>>
    %dma_wait3A_301 = arith.constant 0 : i32
    %dma_wait3A_302 = tpu.memref_slice %arg19[%add3A_87, %dma_wait3A_301] : memref<10240x128xf32, #tpu.memory_space<vmem_shared>> -> memref<16x128xf32, #tpu.memory_space<vmem_shared>>
    tpu.wait_dma2 semaphore(%arg18 : memref<!tpu.dma_semaphore, #tpu.memory_space<semaphore_mem>>) src(%arg13 : memref<16x128xf32, #tpu.memory_space<vmem>>) dst(%dma_wait3A_302 : memref<16x128xf32, #tpu.memory_space<vmem_shared>>)
    %dma_wait3A_303 = arith.constant 0 : i32
    %dma_wait3A_304 = tpu.memref_slice %arg19[%add3A_93, %dma_wait3A_303] : memref<10240x128xf32, #tpu.memory_space<vmem_shared>> -> memref<16x128xf32, #tpu.memory_space<vmem_shared>>
    %dma_wait3A_305 = arith.constant 0 : i32
    %dma_wait3A_306 = tpu.memref_slice %arg19[%add3A_93, %dma_wait3A_305] : memref<10240x128xf32, #tpu.memory_space<vmem_shared>> -> memref<16x128xf32, #tpu.memory_space<vmem_shared>>
    tpu.wait_dma2 semaphore(%arg18 : memref<!tpu.dma_semaphore, #tpu.memory_space<semaphore_mem>>) src(%arg13 : memref<16x128xf32, #tpu.memory_space<vmem>>) dst(%dma_wait3A_306 : memref<16x128xf32, #tpu.memory_space<vmem_shared>>)
    %dma_wait3A_307 = arith.constant 0 : i32
    %dma_wait3A_308 = tpu.memref_slice %arg19[%add3A_99, %dma_wait3A_307] : memref<10240x128xf32, #tpu.memory_space<vmem_shared>> -> memref<16x128xf32, #tpu.memory_space<vmem_shared>>
    %dma_wait3A_309 = arith.constant 0 : i32
    %dma_wait3A_310 = tpu.memref_slice %arg19[%add3A_99, %dma_wait3A_309] : memref<10240x128xf32, #tpu.memory_space<vmem_shared>> -> memref<16x128xf32, #tpu.memory_space<vmem_shared>>
    tpu.wait_dma2 semaphore(%arg18 : memref<!tpu.dma_semaphore, #tpu.memory_space<semaphore_mem>>) src(%arg13 : memref<16x128xf32, #tpu.memory_space<vmem>>) dst(%dma_wait3A_310 : memref<16x128xf32, #tpu.memory_space<vmem_shared>>)
    %dma_wait3A_311 = arith.constant 0 : i32
    %dma_wait3A_312 = tpu.memref_slice %arg19[%add3A_105, %dma_wait3A_311] : memref<10240x128xf32, #tpu.memory_space<vmem_shared>> -> memref<16x128xf32, #tpu.memory_space<vmem_shared>>
    %dma_wait3A_313 = arith.constant 0 : i32
    %dma_wait3A_314 = tpu.memref_slice %arg19[%add3A_105, %dma_wait3A_313] : memref<10240x128xf32, #tpu.memory_space<vmem_shared>> -> memref<16x128xf32, #tpu.memory_space<vmem_shared>>
    tpu.wait_dma2 semaphore(%arg18 : memref<!tpu.dma_semaphore, #tpu.memory_space<semaphore_mem>>) src(%arg13 : memref<16x128xf32, #tpu.memory_space<vmem>>) dst(%dma_wait3A_314 : memref<16x128xf32, #tpu.memory_space<vmem_shared>>)
    %dma_wait3A_315 = arith.constant 0 : i32
    %dma_wait3A_316 = tpu.memref_slice %arg19[%add3A_111, %dma_wait3A_315] : memref<10240x128xf32, #tpu.memory_space<vmem_shared>> -> memref<16x128xf32, #tpu.memory_space<vmem_shared>>
    %dma_wait3A_317 = arith.constant 0 : i32
    %dma_wait3A_318 = tpu.memref_slice %arg19[%add3A_111, %dma_wait3A_317] : memref<10240x128xf32, #tpu.memory_space<vmem_shared>> -> memref<16x128xf32, #tpu.memory_space<vmem_shared>>
    tpu.wait_dma2 semaphore(%arg18 : memref<!tpu.dma_semaphore, #tpu.memory_space<semaphore_mem>>) src(%arg13 : memref<16x128xf32, #tpu.memory_space<vmem>>) dst(%dma_wait3A_318 : memref<16x128xf32, #tpu.memory_space<vmem_shared>>)
    %dma_wait3A_319 = arith.constant 0 : i32
    %dma_wait3A_320 = tpu.memref_slice %arg19[%add3A_117, %dma_wait3A_319] : memref<10240x128xf32, #tpu.memory_space<vmem_shared>> -> memref<16x128xf32, #tpu.memory_space<vmem_shared>>
    %dma_wait3A_321 = arith.constant 0 : i32
    %dma_wait3A_322 = tpu.memref_slice %arg19[%add3A_117, %dma_wait3A_321] : memref<10240x128xf32, #tpu.memory_space<vmem_shared>> -> memref<16x128xf32, #tpu.memory_space<vmem_shared>>
    tpu.wait_dma2 semaphore(%arg18 : memref<!tpu.dma_semaphore, #tpu.memory_space<semaphore_mem>>) src(%arg13 : memref<16x128xf32, #tpu.memory_space<vmem>>) dst(%dma_wait3A_322 : memref<16x128xf32, #tpu.memory_space<vmem_shared>>)
    %dma_wait3A_323 = arith.constant 0 : i32
    %dma_wait3A_324 = tpu.memref_slice %arg19[%add3A_123, %dma_wait3A_323] : memref<10240x128xf32, #tpu.memory_space<vmem_shared>> -> memref<16x128xf32, #tpu.memory_space<vmem_shared>>
    %dma_wait3A_325 = arith.constant 0 : i32
    %dma_wait3A_326 = tpu.memref_slice %arg19[%add3A_123, %dma_wait3A_325] : memref<10240x128xf32, #tpu.memory_space<vmem_shared>> -> memref<16x128xf32, #tpu.memory_space<vmem_shared>>
    tpu.wait_dma2 semaphore(%arg18 : memref<!tpu.dma_semaphore, #tpu.memory_space<semaphore_mem>>) src(%arg13 : memref<16x128xf32, #tpu.memory_space<vmem>>) dst(%dma_wait3A_326 : memref<16x128xf32, #tpu.memory_space<vmem_shared>>)
    %dma_wait3A_327 = arith.constant 0 : i32
    %dma_wait3A_328 = tpu.memref_slice %arg19[%add3A_129, %dma_wait3A_327] : memref<10240x128xf32, #tpu.memory_space<vmem_shared>> -> memref<16x128xf32, #tpu.memory_space<vmem_shared>>
    %dma_wait3A_329 = arith.constant 0 : i32
    %dma_wait3A_330 = tpu.memref_slice %arg19[%add3A_129, %dma_wait3A_329] : memref<10240x128xf32, #tpu.memory_space<vmem_shared>> -> memref<16x128xf32, #tpu.memory_space<vmem_shared>>
    tpu.wait_dma2 semaphore(%arg18 : memref<!tpu.dma_semaphore, #tpu.memory_space<semaphore_mem>>) src(%arg13 : memref<16x128xf32, #tpu.memory_space<vmem>>) dst(%dma_wait3A_330 : memref<16x128xf32, #tpu.memory_space<vmem_shared>>)
    %dma_wait3A_331 = arith.constant 0 : i32
    %dma_wait3A_332 = tpu.memref_slice %arg19[%add3A_135, %dma_wait3A_331] : memref<10240x128xf32, #tpu.memory_space<vmem_shared>> -> memref<16x128xf32, #tpu.memory_space<vmem_shared>>
    %dma_wait3A_333 = arith.constant 0 : i32
    %dma_wait3A_334 = tpu.memref_slice %arg19[%add3A_135, %dma_wait3A_333] : memref<10240x128xf32, #tpu.memory_space<vmem_shared>> -> memref<16x128xf32, #tpu.memory_space<vmem_shared>>
    tpu.wait_dma2 semaphore(%arg18 : memref<!tpu.dma_semaphore, #tpu.memory_space<semaphore_mem>>) src(%arg13 : memref<16x128xf32, #tpu.memory_space<vmem>>) dst(%dma_wait3A_334 : memref<16x128xf32, #tpu.memory_space<vmem_shared>>)
    %dma_wait3A_335 = arith.constant 0 : i32
    %dma_wait3A_336 = tpu.memref_slice %arg19[%add3A_141, %dma_wait3A_335] : memref<10240x128xf32, #tpu.memory_space<vmem_shared>> -> memref<16x128xf32, #tpu.memory_space<vmem_shared>>
    %dma_wait3A_337 = arith.constant 0 : i32
    %dma_wait3A_338 = tpu.memref_slice %arg19[%add3A_141, %dma_wait3A_337] : memref<10240x128xf32, #tpu.memory_space<vmem_shared>> -> memref<16x128xf32, #tpu.memory_space<vmem_shared>>
    tpu.wait_dma2 semaphore(%arg18 : memref<!tpu.dma_semaphore, #tpu.memory_space<semaphore_mem>>) src(%arg13 : memref<16x128xf32, #tpu.memory_space<vmem>>) dst(%dma_wait3A_338 : memref<16x128xf32, #tpu.memory_space<vmem_shared>>)
    %dma_wait3A_339 = arith.constant 0 : i32
    %dma_wait3A_340 = tpu.memref_slice %arg19[%add3A_147, %dma_wait3A_339] : memref<10240x128xf32, #tpu.memory_space<vmem_shared>> -> memref<16x128xf32, #tpu.memory_space<vmem_shared>>
    %dma_wait3A_341 = arith.constant 0 : i32
    %dma_wait3A_342 = tpu.memref_slice %arg19[%add3A_147, %dma_wait3A_341] : memref<10240x128xf32, #tpu.memory_space<vmem_shared>> -> memref<16x128xf32, #tpu.memory_space<vmem_shared>>
    tpu.wait_dma2 semaphore(%arg18 : memref<!tpu.dma_semaphore, #tpu.memory_space<semaphore_mem>>) src(%arg13 : memref<16x128xf32, #tpu.memory_space<vmem>>) dst(%dma_wait3A_342 : memref<16x128xf32, #tpu.memory_space<vmem_shared>>)
    %dma_wait3A_343 = arith.constant 0 : i32
    %dma_wait3A_344 = tpu.memref_slice %arg19[%add3A_153, %dma_wait3A_343] : memref<10240x128xf32, #tpu.memory_space<vmem_shared>> -> memref<16x128xf32, #tpu.memory_space<vmem_shared>>
    %dma_wait3A_345 = arith.constant 0 : i32
    %dma_wait3A_346 = tpu.memref_slice %arg19[%add3A_153, %dma_wait3A_345] : memref<10240x128xf32, #tpu.memory_space<vmem_shared>> -> memref<16x128xf32, #tpu.memory_space<vmem_shared>>
    tpu.wait_dma2 semaphore(%arg18 : memref<!tpu.dma_semaphore, #tpu.memory_space<semaphore_mem>>) src(%arg13 : memref<16x128xf32, #tpu.memory_space<vmem>>) dst(%dma_wait3A_346 : memref<16x128xf32, #tpu.memory_space<vmem_shared>>)
    %dma_wait3A_347 = arith.constant 0 : i32
    %dma_wait3A_348 = tpu.memref_slice %arg19[%add3A_159, %dma_wait3A_347] : memref<10240x128xf32, #tpu.memory_space<vmem_shared>> -> memref<16x128xf32, #tpu.memory_space<vmem_shared>>
    %dma_wait3A_349 = arith.constant 0 : i32
    %dma_wait3A_350 = tpu.memref_slice %arg19[%add3A_159, %dma_wait3A_349] : memref<10240x128xf32, #tpu.memory_space<vmem_shared>> -> memref<16x128xf32, #tpu.memory_space<vmem_shared>>
    tpu.wait_dma2 semaphore(%arg18 : memref<!tpu.dma_semaphore, #tpu.memory_space<semaphore_mem>>) src(%arg13 : memref<16x128xf32, #tpu.memory_space<vmem>>) dst(%dma_wait3A_350 : memref<16x128xf32, #tpu.memory_space<vmem_shared>>)
    %dma_wait3A_351 = arith.constant 0 : i32
    %dma_wait3A_352 = tpu.memref_slice %arg19[%add3A_165, %dma_wait3A_351] : memref<10240x128xf32, #tpu.memory_space<vmem_shared>> -> memref<16x128xf32, #tpu.memory_space<vmem_shared>>
    %dma_wait3A_353 = arith.constant 0 : i32
    %dma_wait3A_354 = tpu.memref_slice %arg19[%add3A_165, %dma_wait3A_353] : memref<10240x128xf32, #tpu.memory_space<vmem_shared>> -> memref<16x128xf32, #tpu.memory_space<vmem_shared>>
    tpu.wait_dma2 semaphore(%arg18 : memref<!tpu.dma_semaphore, #tpu.memory_space<semaphore_mem>>) src(%arg13 : memref<16x128xf32, #tpu.memory_space<vmem>>) dst(%dma_wait3A_354 : memref<16x128xf32, #tpu.memory_space<vmem_shared>>)
    %dma_wait3A_355 = arith.constant 0 : i32
    %dma_wait3A_356 = tpu.memref_slice %arg19[%add3A_171, %dma_wait3A_355] : memref<10240x128xf32, #tpu.memory_space<vmem_shared>> -> memref<16x128xf32, #tpu.memory_space<vmem_shared>>
    %dma_wait3A_357 = arith.constant 0 : i32
    %dma_wait3A_358 = tpu.memref_slice %arg19[%add3A_171, %dma_wait3A_357] : memref<10240x128xf32, #tpu.memory_space<vmem_shared>> -> memref<16x128xf32, #tpu.memory_space<vmem_shared>>
    tpu.wait_dma2 semaphore(%arg18 : memref<!tpu.dma_semaphore, #tpu.memory_space<semaphore_mem>>) src(%arg13 : memref<16x128xf32, #tpu.memory_space<vmem>>) dst(%dma_wait3A_358 : memref<16x128xf32, #tpu.memory_space<vmem_shared>>)
    %dma_wait3A_359 = arith.constant 0 : i32
    %dma_wait3A_360 = tpu.memref_slice %arg19[%add3A_177, %dma_wait3A_359] : memref<10240x128xf32, #tpu.memory_space<vmem_shared>> -> memref<16x128xf32, #tpu.memory_space<vmem_shared>>
    %dma_wait3A_361 = arith.constant 0 : i32
    %dma_wait3A_362 = tpu.memref_slice %arg19[%add3A_177, %dma_wait3A_361] : memref<10240x128xf32, #tpu.memory_space<vmem_shared>> -> memref<16x128xf32, #tpu.memory_space<vmem_shared>>
    tpu.wait_dma2 semaphore(%arg18 : memref<!tpu.dma_semaphore, #tpu.memory_space<semaphore_mem>>) src(%arg13 : memref<16x128xf32, #tpu.memory_space<vmem>>) dst(%dma_wait3A_362 : memref<16x128xf32, #tpu.memory_space<vmem_shared>>)
    %dma_wait3A_363 = arith.constant 0 : i32
    %dma_wait3A_364 = tpu.memref_slice %arg19[%add3A_183, %dma_wait3A_363] : memref<10240x128xf32, #tpu.memory_space<vmem_shared>> -> memref<16x128xf32, #tpu.memory_space<vmem_shared>>
    %dma_wait3A_365 = arith.constant 0 : i32
    %dma_wait3A_366 = tpu.memref_slice %arg19[%add3A_183, %dma_wait3A_365] : memref<10240x128xf32, #tpu.memory_space<vmem_shared>> -> memref<16x128xf32, #tpu.memory_space<vmem_shared>>
    tpu.wait_dma2 semaphore(%arg18 : memref<!tpu.dma_semaphore, #tpu.memory_space<semaphore_mem>>) src(%arg13 : memref<16x128xf32, #tpu.memory_space<vmem>>) dst(%dma_wait3A_366 : memref<16x128xf32, #tpu.memory_space<vmem_shared>>)
    %dma_wait3A_367 = arith.constant 0 : i32
    %dma_wait3A_368 = tpu.memref_slice %arg19[%add3A_189, %dma_wait3A_367] : memref<10240x128xf32, #tpu.memory_space<vmem_shared>> -> memref<16x128xf32, #tpu.memory_space<vmem_shared>>
    %dma_wait3A_369 = arith.constant 0 : i32
    %dma_wait3A_370 = tpu.memref_slice %arg19[%add3A_189, %dma_wait3A_369] : memref<10240x128xf32, #tpu.memory_space<vmem_shared>> -> memref<16x128xf32, #tpu.memory_space<vmem_shared>>
    tpu.wait_dma2 semaphore(%arg18 : memref<!tpu.dma_semaphore, #tpu.memory_space<semaphore_mem>>) src(%arg13 : memref<16x128xf32, #tpu.memory_space<vmem>>) dst(%dma_wait3A_370 : memref<16x128xf32, #tpu.memory_space<vmem_shared>>)
    %dma_wait3A_371 = arith.constant 0 : i32
    %dma_wait3A_372 = tpu.memref_slice %arg19[%add3A_195, %dma_wait3A_371] : memref<10240x128xf32, #tpu.memory_space<vmem_shared>> -> memref<16x128xf32, #tpu.memory_space<vmem_shared>>
    %dma_wait3A_373 = arith.constant 0 : i32
    %dma_wait3A_374 = tpu.memref_slice %arg19[%add3A_195, %dma_wait3A_373] : memref<10240x128xf32, #tpu.memory_space<vmem_shared>> -> memref<16x128xf32, #tpu.memory_space<vmem_shared>>
    tpu.wait_dma2 semaphore(%arg18 : memref<!tpu.dma_semaphore, #tpu.memory_space<semaphore_mem>>) src(%arg13 : memref<16x128xf32, #tpu.memory_space<vmem>>) dst(%dma_wait3A_374 : memref<16x128xf32, #tpu.memory_space<vmem_shared>>)
    %dma_wait3A_375 = arith.constant 0 : i32
    %dma_wait3A_376 = tpu.memref_slice %arg19[%add3A_201, %dma_wait3A_375] : memref<10240x128xf32, #tpu.memory_space<vmem_shared>> -> memref<16x128xf32, #tpu.memory_space<vmem_shared>>
    %dma_wait3A_377 = arith.constant 0 : i32
    %dma_wait3A_378 = tpu.memref_slice %arg19[%add3A_201, %dma_wait3A_377] : memref<10240x128xf32, #tpu.memory_space<vmem_shared>> -> memref<16x128xf32, #tpu.memory_space<vmem_shared>>
    tpu.wait_dma2 semaphore(%arg18 : memref<!tpu.dma_semaphore, #tpu.memory_space<semaphore_mem>>) src(%arg13 : memref<16x128xf32, #tpu.memory_space<vmem>>) dst(%dma_wait3A_378 : memref<16x128xf32, #tpu.memory_space<vmem_shared>>)
    %dma_wait3A_379 = arith.constant 0 : i32
    %dma_wait3A_380 = tpu.memref_slice %arg19[%add3A_207, %dma_wait3A_379] : memref<10240x128xf32, #tpu.memory_space<vmem_shared>> -> memref<16x128xf32, #tpu.memory_space<vmem_shared>>
    %dma_wait3A_381 = arith.constant 0 : i32
    %dma_wait3A_382 = tpu.memref_slice %arg19[%add3A_207, %dma_wait3A_381] : memref<10240x128xf32, #tpu.memory_space<vmem_shared>> -> memref<16x128xf32, #tpu.memory_space<vmem_shared>>
    tpu.wait_dma2 semaphore(%arg18 : memref<!tpu.dma_semaphore, #tpu.memory_space<semaphore_mem>>) src(%arg13 : memref<16x128xf32, #tpu.memory_space<vmem>>) dst(%dma_wait3A_382 : memref<16x128xf32, #tpu.memory_space<vmem_shared>>)
    %dma_wait3A_383 = arith.constant 0 : i32
    %dma_wait3A_384 = tpu.memref_slice %arg19[%add3A_213, %dma_wait3A_383] : memref<10240x128xf32, #tpu.memory_space<vmem_shared>> -> memref<16x128xf32, #tpu.memory_space<vmem_shared>>
    %dma_wait3A_385 = arith.constant 0 : i32
    %dma_wait3A_386 = tpu.memref_slice %arg19[%add3A_213, %dma_wait3A_385] : memref<10240x128xf32, #tpu.memory_space<vmem_shared>> -> memref<16x128xf32, #tpu.memory_space<vmem_shared>>
    tpu.wait_dma2 semaphore(%arg18 : memref<!tpu.dma_semaphore, #tpu.memory_space<semaphore_mem>>) src(%arg13 : memref<16x128xf32, #tpu.memory_space<vmem>>) dst(%dma_wait3A_386 : memref<16x128xf32, #tpu.memory_space<vmem_shared>>)
    %dma_wait3A_387 = arith.constant 0 : i32
    %dma_wait3A_388 = tpu.memref_slice %arg19[%add3A_219, %dma_wait3A_387] : memref<10240x128xf32, #tpu.memory_space<vmem_shared>> -> memref<16x128xf32, #tpu.memory_space<vmem_shared>>
    %dma_wait3A_389 = arith.constant 0 : i32
    %dma_wait3A_390 = tpu.memref_slice %arg19[%add3A_219, %dma_wait3A_389] : memref<10240x128xf32, #tpu.memory_space<vmem_shared>> -> memref<16x128xf32, #tpu.memory_space<vmem_shared>>
    tpu.wait_dma2 semaphore(%arg18 : memref<!tpu.dma_semaphore, #tpu.memory_space<semaphore_mem>>) src(%arg13 : memref<16x128xf32, #tpu.memory_space<vmem>>) dst(%dma_wait3A_390 : memref<16x128xf32, #tpu.memory_space<vmem_shared>>)
    %dma_wait3A_391 = arith.constant 0 : i32
    %dma_wait3A_392 = tpu.memref_slice %arg19[%add3A_225, %dma_wait3A_391] : memref<10240x128xf32, #tpu.memory_space<vmem_shared>> -> memref<16x128xf32, #tpu.memory_space<vmem_shared>>
    %dma_wait3A_393 = arith.constant 0 : i32
    %dma_wait3A_394 = tpu.memref_slice %arg19[%add3A_225, %dma_wait3A_393] : memref<10240x128xf32, #tpu.memory_space<vmem_shared>> -> memref<16x128xf32, #tpu.memory_space<vmem_shared>>
    tpu.wait_dma2 semaphore(%arg18 : memref<!tpu.dma_semaphore, #tpu.memory_space<semaphore_mem>>) src(%arg13 : memref<16x128xf32, #tpu.memory_space<vmem>>) dst(%dma_wait3A_394 : memref<16x128xf32, #tpu.memory_space<vmem_shared>>)
    %dma_wait3A_395 = arith.constant 0 : i32
    %dma_wait3A_396 = tpu.memref_slice %arg19[%add3A_231, %dma_wait3A_395] : memref<10240x128xf32, #tpu.memory_space<vmem_shared>> -> memref<16x128xf32, #tpu.memory_space<vmem_shared>>
    %dma_wait3A_397 = arith.constant 0 : i32
    %dma_wait3A_398 = tpu.memref_slice %arg19[%add3A_231, %dma_wait3A_397] : memref<10240x128xf32, #tpu.memory_space<vmem_shared>> -> memref<16x128xf32, #tpu.memory_space<vmem_shared>>
    tpu.wait_dma2 semaphore(%arg18 : memref<!tpu.dma_semaphore, #tpu.memory_space<semaphore_mem>>) src(%arg13 : memref<16x128xf32, #tpu.memory_space<vmem>>) dst(%dma_wait3A_398 : memref<16x128xf32, #tpu.memory_space<vmem_shared>>)
    %dma_wait3A_399 = arith.constant 0 : i32
    %dma_wait3A_400 = tpu.memref_slice %arg19[%add3A_237, %dma_wait3A_399] : memref<10240x128xf32, #tpu.memory_space<vmem_shared>> -> memref<16x128xf32, #tpu.memory_space<vmem_shared>>
    %dma_wait3A_401 = arith.constant 0 : i32
    %dma_wait3A_402 = tpu.memref_slice %arg19[%add3A_237, %dma_wait3A_401] : memref<10240x128xf32, #tpu.memory_space<vmem_shared>> -> memref<16x128xf32, #tpu.memory_space<vmem_shared>>
    tpu.wait_dma2 semaphore(%arg18 : memref<!tpu.dma_semaphore, #tpu.memory_space<semaphore_mem>>) src(%arg13 : memref<16x128xf32, #tpu.memory_space<vmem>>) dst(%dma_wait3A_402 : memref<16x128xf32, #tpu.memory_space<vmem_shared>>)
    %dma_wait3A_403 = arith.constant 0 : i32
    %dma_wait3A_404 = tpu.memref_slice %arg19[%add3A_243, %dma_wait3A_403] : memref<10240x128xf32, #tpu.memory_space<vmem_shared>> -> memref<16x128xf32, #tpu.memory_space<vmem_shared>>
    %dma_wait3A_405 = arith.constant 0 : i32
    %dma_wait3A_406 = tpu.memref_slice %arg19[%add3A_243, %dma_wait3A_405] : memref<10240x128xf32, #tpu.memory_space<vmem_shared>> -> memref<16x128xf32, #tpu.memory_space<vmem_shared>>
    tpu.wait_dma2 semaphore(%arg18 : memref<!tpu.dma_semaphore, #tpu.memory_space<semaphore_mem>>) src(%arg13 : memref<16x128xf32, #tpu.memory_space<vmem>>) dst(%dma_wait3A_406 : memref<16x128xf32, #tpu.memory_space<vmem_shared>>)
    %barrier3A = arith.constant 0 : index
    tpu.barrier barrier_id(%barrier3A)
    %lt3A = arith.constant 4 : i32
    %lt3A_407 = arith.cmpi slt, %add3A, %lt3A : i32
    %jit3A = arith.constant 79 : i32
    %jit3A_408 = arith.constant 78 : i32
    %select_n3A = arith.select %lt3A_407, %jit3A, %jit3A_408 : i32
    %scan3A_409 = arith.constant 0 : i32
    %scan3A_410 = arith.constant 0 : i32
    %scan3A_411 = arith.constant 40 : i32
    %scan3A_412 = arith.addi %scan3A_410, %scan3A_411 : i32
    %scan3A_413 = arith.constant 1 : i32
    scf.for %scan3A_568 = %scan3A_410 to %scan3A_412 step %scan3A_413  : i32 {
      %mul3A_569 = arith.constant 2 : i32
      %mul3A_570 = arith.muli %mul3A_569, %scan3A_568 : i32
      %lt3A_571 = arith.cmpi slt, %mul3A_570, %select_n3A : i32
      %convert_element_type3A = arith.extui %lt3A_571 : i1 to i32
      %cond3A = arith.constant 0 : i32
      %cond3A_572 = arith.cmpi ne, %convert_element_type3A, %cond3A : i32
      scf.if %cond3A_572 {
        %mul3A_596 = arith.constant 32 : i32
        %mul3A_597 = arith.muli %mul3A_570, %mul3A_596 : i32
        %add3A_598 = arith.addi %add3A, %mul3A_597 : i32
        %mul3A_599 = arith.constant 128 : i32
        %mul3A_600 = arith.muli %add3A_598, %mul3A_599 : i32
        "tpu.region"() ({
          %run_scoped3A = tpu.sem_alloc : memref<!tpu.dma_semaphore, #tpu.memory_space<semaphore_mem>>
          %dma_start3A_702 = tpu.memref_slice %arg3[%mul3A_600] : memref<320000xi32, #tpu.memory_space<hbm>> -> memref<128xi32, #tpu.memory_space<hbm>>
          %dma_start3A_703 = tpu.memref_slice %arg3[%mul3A_600] : memref<320000xi32, #tpu.memory_space<hbm>> -> memref<128xi32, #tpu.memory_space<hbm>>
          tpu.enqueue_dma source(%dma_start3A_703 : memref<128xi32, #tpu.memory_space<hbm>>) target(%arg5 : memref<128xi32, #tpu.memory_space<vmem>>) target_semaphore(%run_scoped3A : memref<!tpu.dma_semaphore, #tpu.memory_space<semaphore_mem>>)
          %dma_wait3A_704 = tpu.memref_slice %arg3[%mul3A_600] : memref<320000xi32, #tpu.memory_space<hbm>> -> memref<128xi32, #tpu.memory_space<hbm>>
          %dma_wait3A_705 = tpu.memref_slice %arg3[%mul3A_600] : memref<320000xi32, #tpu.memory_space<hbm>> -> memref<128xi32, #tpu.memory_space<hbm>>
          tpu.wait_dma2 semaphore(%run_scoped3A : memref<!tpu.dma_semaphore, #tpu.memory_space<semaphore_mem>>) src(%dma_wait3A_705 : memref<128xi32, #tpu.memory_space<hbm>>) dst(%arg5 : memref<128xi32, #tpu.memory_space<vmem>>)
          tpu.yield
        }) : () -> ()
        %ge3A_601 = arith.constant 2 : i32
        %ge3A_602 = arith.cmpi sge, %mul3A_570, %ge3A_601 : i32
        %convert_element_type3A_603 = arith.extui %ge3A_602 : i1 to i32
        %cond3A_604 = arith.constant 0 : i32
        %cond3A_605 = arith.cmpi ne, %convert_element_type3A_603, %cond3A_604 : i32
        scf.if %cond3A_605 {
          %dma_wait3A_702 = arith.constant 0 : i32
          %dma_wait3A_703 = arith.constant 0 : i32
          %dma_wait3A_704 = tpu.memref_slice %arg2[%dma_wait3A_702, %dma_wait3A_703] : memref<10240x128xf32, #tpu.memory_space<hbm>> -> memref<128x128xf32, #tpu.memory_space<hbm>>
          %dma_wait3A_705 = arith.constant 0 : i32
          %dma_wait3A_706 = arith.constant 0 : i32
          %dma_wait3A_707 = tpu.memref_slice %arg2[%dma_wait3A_705, %dma_wait3A_706] : memref<10240x128xf32, #tpu.memory_space<hbm>> -> memref<128x128xf32, #tpu.memory_space<hbm>>
          tpu.wait_dma2 semaphore(%arg16 : memref<!tpu.dma_semaphore, #tpu.memory_space<semaphore_mem>>) src(%dma_wait3A_707 : memref<128x128xf32, #tpu.memory_space<hbm>>) dst(%arg11 : memref<128x128xf32, #tpu.memory_space<vmem>>)
        } else {
        }
        %get3A = arith.constant 0 : index
        %get3A_606 = tpu.vector_load %arg5[%get3A] {strides = array<i32>} : memref<128xi32, #tpu.memory_space<vmem>>, vector<16xi32>,
        %shift_right_arithmetic3A = arith.constant 14 : i32
        %shift_right_arithmetic3A_607 = vector.broadcast %shift_right_arithmetic3A : i32 to vector<16xi32>
        %shift_right_arithmetic3A_608 = arith.shrsi %get3A_606, %shift_right_arithmetic3A_607 : vector<16xi32>
        %swap3A = arith.constant 0 : index
        %swap3A_609 = tpu.vector_load %arg7[%swap3A] {strides = array<i32>} : memref<128xi32, #tpu.memory_space<vmem>>, vector<16xi32>,
        tpu.vector_store %arg7[%swap3A], %shift_right_arithmetic3A_608 {strides = array<i32>} : memref<128xi32, #tpu.memory_space<vmem>>, vector<16xi32>,
        %and3A_610 = arith.constant 16383 : i32
        %and3A_611 = vector.broadcast %and3A_610 : i32 to vector<16xi32>
        %and3A_612 = arith.andi %get3A_606, %and3A_611 : vector<16xi32>
        %swap3A_613 = arith.constant 0 : index
        %swap3A_614 = tpu.vector_load %arg9[%swap3A_613] {strides = array<i32>} : memref<128xi32, #tpu.memory_space<vmem>>, vector<16xi32>,
        tpu.vector_store %arg9[%swap3A_613], %and3A_612 {strides = array<i32>} : memref<128xi32, #tpu.memory_space<vmem>>, vector<16xi32>,
        %get3A_615 = arith.constant 16 : index
        %get3A_616 = tpu.vector_load %arg5[%get3A_615] {strides = array<i32>} : memref<128xi32, #tpu.memory_space<vmem>>, vector<16xi32>,
        %shift_right_arithmetic3A_617 = arith.constant 14 : i32
        %shift_right_arithmetic3A_618 = vector.broadcast %shift_right_arithmetic3A_617 : i32 to vector<16xi32>
        %shift_right_arithmetic3A_619 = arith.shrsi %get3A_616, %shift_right_arithmetic3A_618 : vector<16xi32>
        %swap3A_620 = arith.constant 16 : index
        %swap3A_621 = tpu.vector_load %arg7[%swap3A_620] {strides = array<i32>} : memref<128xi32, #tpu.memory_space<vmem>>, vector<16xi32>,
        tpu.vector_store %arg7[%swap3A_620], %shift_right_arithmetic3A_619 {strides = array<i32>} : memref<128xi32, #tpu.memory_space<vmem>>, vector<16xi32>,
        %and3A_622 = arith.constant 16383 : i32
        %and3A_623 = vector.broadcast %and3A_622 : i32 to vector<16xi32>
        %and3A_624 = arith.andi %get3A_616, %and3A_623 : vector<16xi32>
        %swap3A_625 = arith.constant 16 : index
        %swap3A_626 = tpu.vector_load %arg9[%swap3A_625] {strides = array<i32>} : memref<128xi32, #tpu.memory_space<vmem>>, vector<16xi32>,
        tpu.vector_store %arg9[%swap3A_625], %and3A_624 {strides = array<i32>} : memref<128xi32, #tpu.memory_space<vmem>>, vector<16xi32>,
        %get3A_627 = arith.constant 32 : index
        %get3A_628 = tpu.vector_load %arg5[%get3A_627] {strides = array<i32>} : memref<128xi32, #tpu.memory_space<vmem>>, vector<16xi32>,
        %shift_right_arithmetic3A_629 = arith.constant 14 : i32
        %shift_right_arithmetic3A_630 = vector.broadcast %shift_right_arithmetic3A_629 : i32 to vector<16xi32>
        %shift_right_arithmetic3A_631 = arith.shrsi %get3A_628, %shift_right_arithmetic3A_630 : vector<16xi32>
        %swap3A_632 = arith.constant 32 : index
        %swap3A_633 = tpu.vector_load %arg7[%swap3A_632] {strides = array<i32>} : memref<128xi32, #tpu.memory_space<vmem>>, vector<16xi32>,
        tpu.vector_store %arg7[%swap3A_632], %shift_right_arithmetic3A_631 {strides = array<i32>} : memref<128xi32, #tpu.memory_space<vmem>>, vector<16xi32>,
        %and3A_634 = arith.constant 16383 : i32
        %and3A_635 = vector.broadcast %and3A_634 : i32 to vector<16xi32>
        %and3A_636 = arith.andi %get3A_628, %and3A_635 : vector<16xi32>
        %swap3A_637 = arith.constant 32 : index
        %swap3A_638 = tpu.vector_load %arg9[%swap3A_637] {strides = array<i32>} : memref<128xi32, #tpu.memory_space<vmem>>, vector<16xi32>,
        tpu.vector_store %arg9[%swap3A_637], %and3A_636 {strides = array<i32>} : memref<128xi32, #tpu.memory_space<vmem>>, vector<16xi32>,
        %get3A_639 = arith.constant 48 : index
        %get3A_640 = tpu.vector_load %arg5[%get3A_639] {strides = array<i32>} : memref<128xi32, #tpu.memory_space<vmem>>, vector<16xi32>,
        %shift_right_arithmetic3A_641 = arith.constant 14 : i32
        %shift_right_arithmetic3A_642 = vector.broadcast %shift_right_arithmetic3A_641 : i32 to vector<16xi32>
        %shift_right_arithmetic3A_643 = arith.shrsi %get3A_640, %shift_right_arithmetic3A_642 : vector<16xi32>
        %swap3A_644 = arith.constant 48 : index
        %swap3A_645 = tpu.vector_load %arg7[%swap3A_644] {strides = array<i32>} : memref<128xi32, #tpu.memory_space<vmem>>, vector<16xi32>,
        tpu.vector_store %arg7[%swap3A_644], %shift_right_arithmetic3A_643 {strides = array<i32>} : memref<128xi32, #tpu.memory_space<vmem>>, vector<16xi32>,
        %and3A_646 = arith.constant 16383 : i32
        %and3A_647 = vector.broadcast %and3A_646 : i32 to vector<16xi32>
        %and3A_648 = arith.andi %get3A_640, %and3A_647 : vector<16xi32>
        %swap3A_649 = arith.constant 48 : index
        %swap3A_650 = tpu.vector_load %arg9[%swap3A_649] {strides = array<i32>} : memref<128xi32, #tpu.memory_space<vmem>>, vector<16xi32>,
        tpu.vector_store %arg9[%swap3A_649], %and3A_648 {strides = array<i32>} : memref<128xi32, #tpu.memory_space<vmem>>, vector<16xi32>,
        %get3A_651 = arith.constant 64 : index
        %get3A_652 = tpu.vector_load %arg5[%get3A_651] {strides = array<i32>} : memref<128xi32, #tpu.memory_space<vmem>>, vector<16xi32>,
        %shift_right_arithmetic3A_653 = arith.constant 14 : i32
        %shift_right_arithmetic3A_654 = vector.broadcast %shift_right_arithmetic3A_653 : i32 to vector<16xi32>
        %shift_right_arithmetic3A_655 = arith.shrsi %get3A_652, %shift_right_arithmetic3A_654 : vector<16xi32>
        %swap3A_656 = arith.constant 64 : index
        %swap3A_657 = tpu.vector_load %arg7[%swap3A_656] {strides = array<i32>} : memref<128xi32, #tpu.memory_space<vmem>>, vector<16xi32>,
        tpu.vector_store %arg7[%swap3A_656], %shift_right_arithmetic3A_655 {strides = array<i32>} : memref<128xi32, #tpu.memory_space<vmem>>, vector<16xi32>,
        %and3A_658 = arith.constant 16383 : i32
        %and3A_659 = vector.broadcast %and3A_658 : i32 to vector<16xi32>
        %and3A_660 = arith.andi %get3A_652, %and3A_659 : vector<16xi32>
        %swap3A_661 = arith.constant 64 : index
        %swap3A_662 = tpu.vector_load %arg9[%swap3A_661] {strides = array<i32>} : memref<128xi32, #tpu.memory_space<vmem>>, vector<16xi32>,
        tpu.vector_store %arg9[%swap3A_661], %and3A_660 {strides = array<i32>} : memref<128xi32, #tpu.memory_space<vmem>>, vector<16xi32>,
        %get3A_663 = arith.constant 80 : index
        %get3A_664 = tpu.vector_load %arg5[%get3A_663] {strides = array<i32>} : memref<128xi32, #tpu.memory_space<vmem>>, vector<16xi32>,
        %shift_right_arithmetic3A_665 = arith.constant 14 : i32
        %shift_right_arithmetic3A_666 = vector.broadcast %shift_right_arithmetic3A_665 : i32 to vector<16xi32>
        %shift_right_arithmetic3A_667 = arith.shrsi %get3A_664, %shift_right_arithmetic3A_666 : vector<16xi32>
        %swap3A_668 = arith.constant 80 : index
        %swap3A_669 = tpu.vector_load %arg7[%swap3A_668] {strides = array<i32>} : memref<128xi32, #tpu.memory_space<vmem>>, vector<16xi32>,
        tpu.vector_store %arg7[%swap3A_668], %shift_right_arithmetic3A_667 {strides = array<i32>} : memref<128xi32, #tpu.memory_space<vmem>>, vector<16xi32>,
        %and3A_670 = arith.constant 16383 : i32
        %and3A_671 = vector.broadcast %and3A_670 : i32 to vector<16xi32>
        %and3A_672 = arith.andi %get3A_664, %and3A_671 : vector<16xi32>
        %swap3A_673 = arith.constant 80 : index
        %swap3A_674 = tpu.vector_load %arg9[%swap3A_673] {strides = array<i32>} : memref<128xi32, #tpu.memory_space<vmem>>, vector<16xi32>,
        tpu.vector_store %arg9[%swap3A_673], %and3A_672 {strides = array<i32>} : memref<128xi32, #tpu.memory_space<vmem>>, vector<16xi32>,
        %get3A_675 = arith.constant 96 : index
        %get3A_676 = tpu.vector_load %arg5[%get3A_675] {strides = array<i32>} : memref<128xi32, #tpu.memory_space<vmem>>, vector<16xi32>,
        %shift_right_arithmetic3A_677 = arith.constant 14 : i32
        %shift_right_arithmetic3A_678 = vector.broadcast %shift_right_arithmetic3A_677 : i32 to vector<16xi32>
        %shift_right_arithmetic3A_679 = arith.shrsi %get3A_676, %shift_right_arithmetic3A_678 : vector<16xi32>
        %swap3A_680 = arith.constant 96 : index
        %swap3A_681 = tpu.vector_load %arg7[%swap3A_680] {strides = array<i32>} : memref<128xi32, #tpu.memory_space<vmem>>, vector<16xi32>,
        tpu.vector_store %arg7[%swap3A_680], %shift_right_arithmetic3A_679 {strides = array<i32>} : memref<128xi32, #tpu.memory_space<vmem>>, vector<16xi32>,
        %and3A_682 = arith.constant 16383 : i32
        %and3A_683 = vector.broadcast %and3A_682 : i32 to vector<16xi32>
        %and3A_684 = arith.andi %get3A_676, %and3A_683 : vector<16xi32>
        %swap3A_685 = arith.constant 96 : index
        %swap3A_686 = tpu.vector_load %arg9[%swap3A_685] {strides = array<i32>} : memref<128xi32, #tpu.memory_space<vmem>>, vector<16xi32>,
        tpu.vector_store %arg9[%swap3A_685], %and3A_684 {strides = array<i32>} : memref<128xi32, #tpu.memory_space<vmem>>, vector<16xi32>,
        %get3A_687 = arith.constant 112 : index
        %get3A_688 = tpu.vector_load %arg5[%get3A_687] {strides = array<i32>} : memref<128xi32, #tpu.memory_space<vmem>>, vector<16xi32>,
        %shift_right_arithmetic3A_689 = arith.constant 14 : i32
        %shift_right_arithmetic3A_690 = vector.broadcast %shift_right_arithmetic3A_689 : i32 to vector<16xi32>
        %shift_right_arithmetic3A_691 = arith.shrsi %get3A_688, %shift_right_arithmetic3A_690 : vector<16xi32>
        %swap3A_692 = arith.constant 112 : index
        %swap3A_693 = tpu.vector_load %arg7[%swap3A_692] {strides = array<i32>} : memref<128xi32, #tpu.memory_space<vmem>>, vector<16xi32>,
        tpu.vector_store %arg7[%swap3A_692], %shift_right_arithmetic3A_691 {strides = array<i32>} : memref<128xi32, #tpu.memory_space<vmem>>, vector<16xi32>,
        %and3A_694 = arith.constant 16383 : i32
        %and3A_695 = vector.broadcast %and3A_694 : i32 to vector<16xi32>
        %and3A_696 = arith.andi %get3A_688, %and3A_695 : vector<16xi32>
        %swap3A_697 = arith.constant 112 : index
        %swap3A_698 = tpu.vector_load %arg9[%swap3A_697] {strides = array<i32>} : memref<128xi32, #tpu.memory_space<vmem>>, vector<16xi32>,
        tpu.vector_store %arg9[%swap3A_697], %and3A_696 {strides = array<i32>} : memref<128xi32, #tpu.memory_space<vmem>>, vector<16xi32>,
        %dma_start3A_699 = arith.constant 0 : i32
        %dma_start3A_700 = arith.constant 0 : i32
        %dma_start3A_701 = tpu.memref_slice %arg2[%dma_start3A_699, %dma_start3A_700] : memref<10240x128xf32, #tpu.memory_space<hbm>> -> memref<10240x128xf32, #tpu.memory_space<hbm>>
        tpu.enqueue_indirect_dma source(%dma_start3A_701 : memref<10240x128xf32, #tpu.memory_space<hbm>>) target(%arg11 : memref<128x128xf32, #tpu.memory_space<vmem>>) offsets(%arg7 : memref<128xi32, #tpu.memory_space<vmem>>) semaphore(%arg14 : memref<!tpu.dma_semaphore, #tpu.memory_space<semaphore_mem>>)
      } else {
      }
      %ge3A = arith.constant 1 : i32
      %ge3A_573 = arith.cmpi sge, %mul3A_570, %ge3A : i32
      %sub3A = arith.constant 1 : i32
      %sub3A_574 = arith.subi %mul3A_570, %sub3A : i32
      %lt3A_575 = arith.cmpi slt, %sub3A_574, %select_n3A : i32
      %and3A = arith.andi %ge3A_573, %lt3A_575 : i1
      %convert_element_type3A_576 = arith.extui %and3A : i1 to i32
      %cond3A_577 = arith.constant 0 : i32
      %cond3A_578 = arith.cmpi ne, %convert_element_type3A_576, %cond3A_577 : i32
      scf.if %cond3A_578 {
        %dma_wait3A_596 = arith.constant 0 : i32
        %dma_wait3A_597 = arith.constant 0 : i32
        %dma_wait3A_598 = tpu.memref_slice %arg2[%dma_wait3A_596, %dma_wait3A_597] : memref<10240x128xf32, #tpu.memory_space<hbm>> -> memref<128x128xf32, #tpu.memory_space<hbm>>
        %dma_wait3A_599 = arith.constant 0 : i32
        %dma_wait3A_600 = arith.constant 0 : i32
        %dma_wait3A_601 = tpu.memref_slice %arg2[%dma_wait3A_599, %dma_wait3A_600] : memref<10240x128xf32, #tpu.memory_space<hbm>> -> memref<128x128xf32, #tpu.memory_space<hbm>>
        tpu.wait_dma2 semaphore(%arg15 : memref<!tpu.dma_semaphore, #tpu.memory_space<semaphore_mem>>) src(%dma_wait3A_601 : memref<128x128xf32, #tpu.memory_space<hbm>>) dst(%arg12 : memref<128x128xf32, #tpu.memory_space<vmem>>)
        %dma_start3A_602 = arith.constant 0 : i32
        %dma_start3A_603 = arith.constant 0 : i32
        %dma_start3A_604 = tpu.memref_slice %arg19[%dma_start3A_602, %dma_start3A_603] : memref<10240x128xf32, #tpu.memory_space<vmem_shared>> -> memref<10240x128xf32, #tpu.memory_space<vmem_shared>>
        tpu.enqueue_indirect_dma source(%arg12 : memref<128x128xf32, #tpu.memory_space<vmem>>) target(%dma_start3A_604 : memref<10240x128xf32, #tpu.memory_space<vmem_shared>>) offsets(%arg10 : memref<128xi32, #tpu.memory_space<vmem>>) semaphore(%arg17 : memref<!tpu.dma_semaphore, #tpu.memory_space<semaphore_mem>>) {add = true}
      } else {
      }
      %mul3A_579 = arith.constant 2 : i32
      %mul3A_580 = arith.muli %mul3A_579, %scan3A_568 : i32
      %add3A_581 = arith.constant 1 : i32
      %add3A_582 = arith.addi %mul3A_580, %add3A_581 : i32
      %lt3A_583 = arith.cmpi slt, %add3A_582, %select_n3A : i32
      %convert_element_type3A_584 = arith.extui %lt3A_583 : i1 to i32
      %cond3A_585 = arith.constant 0 : i32
      %cond3A_586 = arith.cmpi ne, %convert_element_type3A_584, %cond3A_585 : i32
      scf.if %cond3A_586 {
        %mul3A_596 = arith.constant 32 : i32
        %mul3A_597 = arith.muli %add3A_582, %mul3A_596 : i32
        %add3A_598 = arith.addi %add3A, %mul3A_597 : i32
        %mul3A_599 = arith.constant 128 : i32
        %mul3A_600 = arith.muli %add3A_598, %mul3A_599 : i32
        "tpu.region"() ({
          %run_scoped3A = tpu.sem_alloc : memref<!tpu.dma_semaphore, #tpu.memory_space<semaphore_mem>>
          %dma_start3A_702 = tpu.memref_slice %arg3[%mul3A_600] : memref<320000xi32, #tpu.memory_space<hbm>> -> memref<128xi32, #tpu.memory_space<hbm>>
          %dma_start3A_703 = tpu.memref_slice %arg3[%mul3A_600] : memref<320000xi32, #tpu.memory_space<hbm>> -> memref<128xi32, #tpu.memory_space<hbm>>
          tpu.enqueue_dma source(%dma_start3A_703 : memref<128xi32, #tpu.memory_space<hbm>>) target(%arg6 : memref<128xi32, #tpu.memory_space<vmem>>) target_semaphore(%run_scoped3A : memref<!tpu.dma_semaphore, #tpu.memory_space<semaphore_mem>>)
          %dma_wait3A_704 = tpu.memref_slice %arg3[%mul3A_600] : memref<320000xi32, #tpu.memory_space<hbm>> -> memref<128xi32, #tpu.memory_space<hbm>>
          %dma_wait3A_705 = tpu.memref_slice %arg3[%mul3A_600] : memref<320000xi32, #tpu.memory_space<hbm>> -> memref<128xi32, #tpu.memory_space<hbm>>
          tpu.wait_dma2 semaphore(%run_scoped3A : memref<!tpu.dma_semaphore, #tpu.memory_space<semaphore_mem>>) src(%dma_wait3A_705 : memref<128xi32, #tpu.memory_space<hbm>>) dst(%arg6 : memref<128xi32, #tpu.memory_space<vmem>>)
          tpu.yield
        }) : () -> ()
        %ge3A_601 = arith.constant 2 : i32
        %ge3A_602 = arith.cmpi sge, %add3A_582, %ge3A_601 : i32
        %convert_element_type3A_603 = arith.extui %ge3A_602 : i1 to i32
        %cond3A_604 = arith.constant 0 : i32
        %cond3A_605 = arith.cmpi ne, %convert_element_type3A_603, %cond3A_604 : i32
        scf.if %cond3A_605 {
          %dma_wait3A_702 = arith.constant 0 : i32
          %dma_wait3A_703 = arith.constant 0 : i32
          %dma_wait3A_704 = tpu.memref_slice %arg2[%dma_wait3A_702, %dma_wait3A_703] : memref<10240x128xf32, #tpu.memory_space<hbm>> -> memref<128x128xf32, #tpu.memory_space<hbm>>
          %dma_wait3A_705 = arith.constant 0 : i32
          %dma_wait3A_706 = arith.constant 0 : i32
          %dma_wait3A_707 = tpu.memref_slice %arg2[%dma_wait3A_705, %dma_wait3A_706] : memref<10240x128xf32, #tpu.memory_space<hbm>> -> memref<128x128xf32, #tpu.memory_space<hbm>>
          tpu.wait_dma2 semaphore(%arg17 : memref<!tpu.dma_semaphore, #tpu.memory_space<semaphore_mem>>) src(%dma_wait3A_707 : memref<128x128xf32, #tpu.memory_space<hbm>>) dst(%arg12 : memref<128x128xf32, #tpu.memory_space<vmem>>)
        } else {
        }
        %get3A = arith.constant 0 : index
        %get3A_606 = tpu.vector_load %arg6[%get3A] {strides = array<i32>} : memref<128xi32, #tpu.memory_space<vmem>>, vector<16xi32>,
        %shift_right_arithmetic3A = arith.constant 14 : i32
        %shift_right_arithmetic3A_607 = vector.broadcast %shift_right_arithmetic3A : i32 to vector<16xi32>
        %shift_right_arithmetic3A_608 = arith.shrsi %get3A_606, %shift_right_arithmetic3A_607 : vector<16xi32>
        %swap3A = arith.constant 0 : index
        %swap3A_609 = tpu.vector_load %arg8[%swap3A] {strides = array<i32>} : memref<128xi32, #tpu.memory_space<vmem>>, vector<16xi32>,
        tpu.vector_store %arg8[%swap3A], %shift_right_arithmetic3A_608 {strides = array<i32>} : memref<128xi32, #tpu.memory_space<vmem>>, vector<16xi32>,
        %and3A_610 = arith.constant 16383 : i32
        %and3A_611 = vector.broadcast %and3A_610 : i32 to vector<16xi32>
        %and3A_612 = arith.andi %get3A_606, %and3A_611 : vector<16xi32>
        %swap3A_613 = arith.constant 0 : index
        %swap3A_614 = tpu.vector_load %arg10[%swap3A_613] {strides = array<i32>} : memref<128xi32, #tpu.memory_space<vmem>>, vector<16xi32>,
        tpu.vector_store %arg10[%swap3A_613], %and3A_612 {strides = array<i32>} : memref<128xi32, #tpu.memory_space<vmem>>, vector<16xi32>,
        %get3A_615 = arith.constant 16 : index
        %get3A_616 = tpu.vector_load %arg6[%get3A_615] {strides = array<i32>} : memref<128xi32, #tpu.memory_space<vmem>>, vector<16xi32>,
        %shift_right_arithmetic3A_617 = arith.constant 14 : i32
        %shift_right_arithmetic3A_618 = vector.broadcast %shift_right_arithmetic3A_617 : i32 to vector<16xi32>
        %shift_right_arithmetic3A_619 = arith.shrsi %get3A_616, %shift_right_arithmetic3A_618 : vector<16xi32>
        %swap3A_620 = arith.constant 16 : index
        %swap3A_621 = tpu.vector_load %arg8[%swap3A_620] {strides = array<i32>} : memref<128xi32, #tpu.memory_space<vmem>>, vector<16xi32>,
        tpu.vector_store %arg8[%swap3A_620], %shift_right_arithmetic3A_619 {strides = array<i32>} : memref<128xi32, #tpu.memory_space<vmem>>, vector<16xi32>,
        %and3A_622 = arith.constant 16383 : i32
        %and3A_623 = vector.broadcast %and3A_622 : i32 to vector<16xi32>
        %and3A_624 = arith.andi %get3A_616, %and3A_623 : vector<16xi32>
        %swap3A_625 = arith.constant 16 : index
        %swap3A_626 = tpu.vector_load %arg10[%swap3A_625] {strides = array<i32>} : memref<128xi32, #tpu.memory_space<vmem>>, vector<16xi32>,
        tpu.vector_store %arg10[%swap3A_625], %and3A_624 {strides = array<i32>} : memref<128xi32, #tpu.memory_space<vmem>>, vector<16xi32>,
        %get3A_627 = arith.constant 32 : index
        %get3A_628 = tpu.vector_load %arg6[%get3A_627] {strides = array<i32>} : memref<128xi32, #tpu.memory_space<vmem>>, vector<16xi32>,
        %shift_right_arithmetic3A_629 = arith.constant 14 : i32
        %shift_right_arithmetic3A_630 = vector.broadcast %shift_right_arithmetic3A_629 : i32 to vector<16xi32>
        %shift_right_arithmetic3A_631 = arith.shrsi %get3A_628, %shift_right_arithmetic3A_630 : vector<16xi32>
        %swap3A_632 = arith.constant 32 : index
        %swap3A_633 = tpu.vector_load %arg8[%swap3A_632] {strides = array<i32>} : memref<128xi32, #tpu.memory_space<vmem>>, vector<16xi32>,
        tpu.vector_store %arg8[%swap3A_632], %shift_right_arithmetic3A_631 {strides = array<i32>} : memref<128xi32, #tpu.memory_space<vmem>>, vector<16xi32>,
        %and3A_634 = arith.constant 16383 : i32
        %and3A_635 = vector.broadcast %and3A_634 : i32 to vector<16xi32>
        %and3A_636 = arith.andi %get3A_628, %and3A_635 : vector<16xi32>
        %swap3A_637 = arith.constant 32 : index
        %swap3A_638 = tpu.vector_load %arg10[%swap3A_637] {strides = array<i32>} : memref<128xi32, #tpu.memory_space<vmem>>, vector<16xi32>,
        tpu.vector_store %arg10[%swap3A_637], %and3A_636 {strides = array<i32>} : memref<128xi32, #tpu.memory_space<vmem>>, vector<16xi32>,
        %get3A_639 = arith.constant 48 : index
        %get3A_640 = tpu.vector_load %arg6[%get3A_639] {strides = array<i32>} : memref<128xi32, #tpu.memory_space<vmem>>, vector<16xi32>,
        %shift_right_arithmetic3A_641 = arith.constant 14 : i32
        %shift_right_arithmetic3A_642 = vector.broadcast %shift_right_arithmetic3A_641 : i32 to vector<16xi32>
        %shift_right_arithmetic3A_643 = arith.shrsi %get3A_640, %shift_right_arithmetic3A_642 : vector<16xi32>
        %swap3A_644 = arith.constant 48 : index
        %swap3A_645 = tpu.vector_load %arg8[%swap3A_644] {strides = array<i32>} : memref<128xi32, #tpu.memory_space<vmem>>, vector<16xi32>,
        tpu.vector_store %arg8[%swap3A_644], %shift_right_arithmetic3A_643 {strides = array<i32>} : memref<128xi32, #tpu.memory_space<vmem>>, vector<16xi32>,
        %and3A_646 = arith.constant 16383 : i32
        %and3A_647 = vector.broadcast %and3A_646 : i32 to vector<16xi32>
        %and3A_648 = arith.andi %get3A_640, %and3A_647 : vector<16xi32>
        %swap3A_649 = arith.constant 48 : index
        %swap3A_650 = tpu.vector_load %arg10[%swap3A_649] {strides = array<i32>} : memref<128xi32, #tpu.memory_space<vmem>>, vector<16xi32>,
        tpu.vector_store %arg10[%swap3A_649], %and3A_648 {strides = array<i32>} : memref<128xi32, #tpu.memory_space<vmem>>, vector<16xi32>,
        %get3A_651 = arith.constant 64 : index
        %get3A_652 = tpu.vector_load %arg6[%get3A_651] {strides = array<i32>} : memref<128xi32, #tpu.memory_space<vmem>>, vector<16xi32>,
        %shift_right_arithmetic3A_653 = arith.constant 14 : i32
        %shift_right_arithmetic3A_654 = vector.broadcast %shift_right_arithmetic3A_653 : i32 to vector<16xi32>
        %shift_right_arithmetic3A_655 = arith.shrsi %get3A_652, %shift_right_arithmetic3A_654 : vector<16xi32>
        %swap3A_656 = arith.constant 64 : index
        %swap3A_657 = tpu.vector_load %arg8[%swap3A_656] {strides = array<i32>} : memref<128xi32, #tpu.memory_space<vmem>>, vector<16xi32>,
        tpu.vector_store %arg8[%swap3A_656], %shift_right_arithmetic3A_655 {strides = array<i32>} : memref<128xi32, #tpu.memory_space<vmem>>, vector<16xi32>,
        %and3A_658 = arith.constant 16383 : i32
        %and3A_659 = vector.broadcast %and3A_658 : i32 to vector<16xi32>
        %and3A_660 = arith.andi %get3A_652, %and3A_659 : vector<16xi32>
        %swap3A_661 = arith.constant 64 : index
        %swap3A_662 = tpu.vector_load %arg10[%swap3A_661] {strides = array<i32>} : memref<128xi32, #tpu.memory_space<vmem>>, vector<16xi32>,
        tpu.vector_store %arg10[%swap3A_661], %and3A_660 {strides = array<i32>} : memref<128xi32, #tpu.memory_space<vmem>>, vector<16xi32>,
        %get3A_663 = arith.constant 80 : index
        %get3A_664 = tpu.vector_load %arg6[%get3A_663] {strides = array<i32>} : memref<128xi32, #tpu.memory_space<vmem>>, vector<16xi32>,
        %shift_right_arithmetic3A_665 = arith.constant 14 : i32
        %shift_right_arithmetic3A_666 = vector.broadcast %shift_right_arithmetic3A_665 : i32 to vector<16xi32>
        %shift_right_arithmetic3A_667 = arith.shrsi %get3A_664, %shift_right_arithmetic3A_666 : vector<16xi32>
        %swap3A_668 = arith.constant 80 : index
        %swap3A_669 = tpu.vector_load %arg8[%swap3A_668] {strides = array<i32>} : memref<128xi32, #tpu.memory_space<vmem>>, vector<16xi32>,
        tpu.vector_store %arg8[%swap3A_668], %shift_right_arithmetic3A_667 {strides = array<i32>} : memref<128xi32, #tpu.memory_space<vmem>>, vector<16xi32>,
        %and3A_670 = arith.constant 16383 : i32
        %and3A_671 = vector.broadcast %and3A_670 : i32 to vector<16xi32>
        %and3A_672 = arith.andi %get3A_664, %and3A_671 : vector<16xi32>
        %swap3A_673 = arith.constant 80 : index
        %swap3A_674 = tpu.vector_load %arg10[%swap3A_673] {strides = array<i32>} : memref<128xi32, #tpu.memory_space<vmem>>, vector<16xi32>,
        tpu.vector_store %arg10[%swap3A_673], %and3A_672 {strides = array<i32>} : memref<128xi32, #tpu.memory_space<vmem>>, vector<16xi32>,
        %get3A_675 = arith.constant 96 : index
        %get3A_676 = tpu.vector_load %arg6[%get3A_675] {strides = array<i32>} : memref<128xi32, #tpu.memory_space<vmem>>, vector<16xi32>,
        %shift_right_arithmetic3A_677 = arith.constant 14 : i32
        %shift_right_arithmetic3A_678 = vector.broadcast %shift_right_arithmetic3A_677 : i32 to vector<16xi32>
        %shift_right_arithmetic3A_679 = arith.shrsi %get3A_676, %shift_right_arithmetic3A_678 : vector<16xi32>
        %swap3A_680 = arith.constant 96 : index
        %swap3A_681 = tpu.vector_load %arg8[%swap3A_680] {strides = array<i32>} : memref<128xi32, #tpu.memory_space<vmem>>, vector<16xi32>,
        tpu.vector_store %arg8[%swap3A_680], %shift_right_arithmetic3A_679 {strides = array<i32>} : memref<128xi32, #tpu.memory_space<vmem>>, vector<16xi32>,
        %and3A_682 = arith.constant 16383 : i32
        %and3A_683 = vector.broadcast %and3A_682 : i32 to vector<16xi32>
        %and3A_684 = arith.andi %get3A_676, %and3A_683 : vector<16xi32>
        %swap3A_685 = arith.constant 96 : index
        %swap3A_686 = tpu.vector_load %arg10[%swap3A_685] {strides = array<i32>} : memref<128xi32, #tpu.memory_space<vmem>>, vector<16xi32>,
        tpu.vector_store %arg10[%swap3A_685], %and3A_684 {strides = array<i32>} : memref<128xi32, #tpu.memory_space<vmem>>, vector<16xi32>,
        %get3A_687 = arith.constant 112 : index
        %get3A_688 = tpu.vector_load %arg6[%get3A_687] {strides = array<i32>} : memref<128xi32, #tpu.memory_space<vmem>>, vector<16xi32>,
        %shift_right_arithmetic3A_689 = arith.constant 14 : i32
        %shift_right_arithmetic3A_690 = vector.broadcast %shift_right_arithmetic3A_689 : i32 to vector<16xi32>
        %shift_right_arithmetic3A_691 = arith.shrsi %get3A_688, %shift_right_arithmetic3A_690 : vector<16xi32>
        %swap3A_692 = arith.constant 112 : index
        %swap3A_693 = tpu.vector_load %arg8[%swap3A_692] {strides = array<i32>} : memref<128xi32, #tpu.memory_space<vmem>>, vector<16xi32>,
        tpu.vector_store %arg8[%swap3A_692], %shift_right_arithmetic3A_691 {strides = array<i32>} : memref<128xi32, #tpu.memory_space<vmem>>, vector<16xi32>,
        %and3A_694 = arith.constant 16383 : i32
        %and3A_695 = vector.broadcast %and3A_694 : i32 to vector<16xi32>
        %and3A_696 = arith.andi %get3A_688, %and3A_695 : vector<16xi32>
        %swap3A_697 = arith.constant 112 : index
        %swap3A_698 = tpu.vector_load %arg10[%swap3A_697] {strides = array<i32>} : memref<128xi32, #tpu.memory_space<vmem>>, vector<16xi32>,
        tpu.vector_store %arg10[%swap3A_697], %and3A_696 {strides = array<i32>} : memref<128xi32, #tpu.memory_space<vmem>>, vector<16xi32>,
        %dma_start3A_699 = arith.constant 0 : i32
        %dma_start3A_700 = arith.constant 0 : i32
        %dma_start3A_701 = tpu.memref_slice %arg2[%dma_start3A_699, %dma_start3A_700] : memref<10240x128xf32, #tpu.memory_space<hbm>> -> memref<10240x128xf32, #tpu.memory_space<hbm>>
        tpu.enqueue_indirect_dma source(%dma_start3A_701 : memref<10240x128xf32, #tpu.memory_space<hbm>>) target(%arg12 : memref<128x128xf32, #tpu.memory_space<vmem>>) offsets(%arg8 : memref<128xi32, #tpu.memory_space<vmem>>) semaphore(%arg15 : memref<!tpu.dma_semaphore, #tpu.memory_space<semaphore_mem>>)
      } else {
      }
      %ge3A_587 = arith.constant 1 : i32
      %ge3A_588 = arith.cmpi sge, %add3A_582, %ge3A_587 : i32
      %sub3A_589 = arith.constant 1 : i32
      %sub3A_590 = arith.subi %add3A_582, %sub3A_589 : i32
      %lt3A_591 = arith.cmpi slt, %sub3A_590, %select_n3A : i32
      %and3A_592 = arith.andi %ge3A_588, %lt3A_591 : i1
      %convert_element_type3A_593 = arith.extui %and3A_592 : i1 to i32
      %cond3A_594 = arith.constant 0 : i32
      %cond3A_595 = arith.cmpi ne, %convert_element_type3A_593, %cond3A_594 : i32
      scf.if %cond3A_595 {
        %dma_wait3A_596 = arith.constant 0 : i32
        %dma_wait3A_597 = arith.constant 0 : i32
        %dma_wait3A_598 = tpu.memref_slice %arg2[%dma_wait3A_596, %dma_wait3A_597] : memref<10240x128xf32, #tpu.memory_space<hbm>> -> memref<128x128xf32, #tpu.memory_space<hbm>>
        %dma_wait3A_599 = arith.constant 0 : i32
        %dma_wait3A_600 = arith.constant 0 : i32
        %dma_wait3A_601 = tpu.memref_slice %arg2[%dma_wait3A_599, %dma_wait3A_600] : memref<10240x128xf32, #tpu.memory_space<hbm>> -> memref<128x128xf32, #tpu.memory_space<hbm>>
        tpu.wait_dma2 semaphore(%arg14 : memref<!tpu.dma_semaphore, #tpu.memory_space<semaphore_mem>>) src(%dma_wait3A_601 : memref<128x128xf32, #tpu.memory_space<hbm>>) dst(%arg11 : memref<128x128xf32, #tpu.memory_space<vmem>>)
        %dma_start3A_602 = arith.constant 0 : i32
        %dma_start3A_603 = arith.constant 0 : i32
        %dma_start3A_604 = tpu.memref_slice %arg19[%dma_start3A_602, %dma_start3A_603] : memref<10240x128xf32, #tpu.memory_space<vmem_shared>> -> memref<10240x128xf32, #tpu.memory_space<vmem_shared>>
        tpu.enqueue_indirect_dma source(%arg11 : memref<128x128xf32, #tpu.memory_space<vmem>>) target(%dma_start3A_604 : memref<10240x128xf32, #tpu.memory_space<vmem_shared>>) offsets(%arg9 : memref<128xi32, #tpu.memory_space<vmem>>) semaphore(%arg16 : memref<!tpu.dma_semaphore, #tpu.memory_space<semaphore_mem>>) {add = true}
      } else {
      }
    }
    %scan3A_414 = arith.constant 40 : i32
    %dma_wait3A_415 = arith.constant 0 : i32
    %dma_wait3A_416 = arith.constant 0 : i32
    %dma_wait3A_417 = tpu.memref_slice %arg2[%dma_wait3A_415, %dma_wait3A_416] : memref<10240x128xf32, #tpu.memory_space<hbm>> -> memref<128x128xf32, #tpu.memory_space<hbm>>
    %dma_wait3A_418 = arith.constant 0 : i32
    %dma_wait3A_419 = arith.constant 0 : i32
    %dma_wait3A_420 = tpu.memref_slice %arg2[%dma_wait3A_418, %dma_wait3A_419] : memref<10240x128xf32, #tpu.memory_space<hbm>> -> memref<128x128xf32, #tpu.memory_space<hbm>>
    tpu.wait_dma2 semaphore(%arg16 : memref<!tpu.dma_semaphore, #tpu.memory_space<semaphore_mem>>) src(%dma_wait3A_420 : memref<128x128xf32, #tpu.memory_space<hbm>>) dst(%arg11 : memref<128x128xf32, #tpu.memory_space<vmem>>)
    %dma_wait3A_421 = arith.constant 0 : i32
    %dma_wait3A_422 = arith.constant 0 : i32
    %dma_wait3A_423 = tpu.memref_slice %arg2[%dma_wait3A_421, %dma_wait3A_422] : memref<10240x128xf32, #tpu.memory_space<hbm>> -> memref<128x128xf32, #tpu.memory_space<hbm>>
    %dma_wait3A_424 = arith.constant 0 : i32
    %dma_wait3A_425 = arith.constant 0 : i32
    %dma_wait3A_426 = tpu.memref_slice %arg2[%dma_wait3A_424, %dma_wait3A_425] : memref<10240x128xf32, #tpu.memory_space<hbm>> -> memref<128x128xf32, #tpu.memory_space<hbm>>
    tpu.wait_dma2 semaphore(%arg17 : memref<!tpu.dma_semaphore, #tpu.memory_space<semaphore_mem>>) src(%dma_wait3A_426 : memref<128x128xf32, #tpu.memory_space<hbm>>) dst(%arg12 : memref<128x128xf32, #tpu.memory_space<vmem>>)
    %barrier3A_427 = arith.constant 0 : index
    tpu.barrier barrier_id(%barrier3A_427)
    %add3A_428 = arith.constant 0 : i32
    %add3A_429 = arith.addi %mul3A_8, %add3A_428 : i32
    %add3A_430 = arith.constant 0 : i32
    %add3A_431 = arith.addi %mul3A_8, %add3A_430 : i32
    %dma_start3A_432 = arith.constant 0 : i32
    %dma_start3A_433 = tpu.memref_slice %arg4[%arg0, %add3A_431, %dma_start3A_432] : memref<2x10240x128xf32, #tpu.memory_space<hbm>> -> memref<1x64x128xf32, #tpu.memory_space<hbm>>
    %dma_start3A_434 = tpu.memref_squeeze %dma_start3A_433 : memref<1x64x128xf32, #tpu.memory_space<hbm>> -> memref<64x128xf32, #tpu.memory_space<hbm>>
    %dma_start3A_435 = arith.constant 0 : i32
    %dma_start3A_436 = tpu.memref_slice %arg19[%add3A_429, %dma_start3A_435] : memref<10240x128xf32, #tpu.memory_space<vmem_shared>> -> memref<64x128xf32, #tpu.memory_space<vmem_shared>>
    tpu.enqueue_dma source(%dma_start3A_436 : memref<64x128xf32, #tpu.memory_space<vmem_shared>>) target(%dma_start3A_434 : memref<64x128xf32, #tpu.memory_space<hbm>>) target_semaphore(%arg18 : memref<!tpu.dma_semaphore, #tpu.memory_space<semaphore_mem>>)
    %add3A_437 = arith.constant 64 : i32
    %add3A_438 = arith.addi %mul3A_8, %add3A_437 : i32
    %add3A_439 = arith.constant 64 : i32
    %add3A_440 = arith.addi %mul3A_8, %add3A_439 : i32
    %dma_start3A_441 = arith.constant 0 : i32
    %dma_start3A_442 = tpu.memref_slice %arg4[%arg0, %add3A_440, %dma_start3A_441] : memref<2x10240x128xf32, #tpu.memory_space<hbm>> -> memref<1x64x128xf32, #tpu.memory_space<hbm>>
    %dma_start3A_443 = tpu.memref_squeeze %dma_start3A_442 : memref<1x64x128xf32, #tpu.memory_space<hbm>> -> memref<64x128xf32, #tpu.memory_space<hbm>>
    %dma_start3A_444 = arith.constant 0 : i32
    %dma_start3A_445 = tpu.memref_slice %arg19[%add3A_438, %dma_start3A_444] : memref<10240x128xf32, #tpu.memory_space<vmem_shared>> -> memref<64x128xf32, #tpu.memory_space<vmem_shared>>
    tpu.enqueue_dma source(%dma_start3A_445 : memref<64x128xf32, #tpu.memory_space<vmem_shared>>) target(%dma_start3A_443 : memref<64x128xf32, #tpu.memory_space<hbm>>) target_semaphore(%arg18 : memref<!tpu.dma_semaphore, #tpu.memory_space<semaphore_mem>>)
    %add3A_446 = arith.constant 128 : i32
    %add3A_447 = arith.addi %mul3A_8, %add3A_446 : i32
    %add3A_448 = arith.constant 128 : i32
    %add3A_449 = arith.addi %mul3A_8, %add3A_448 : i32
    %dma_start3A_450 = arith.constant 0 : i32
    %dma_start3A_451 = tpu.memref_slice %arg4[%arg0, %add3A_449, %dma_start3A_450] : memref<2x10240x128xf32, #tpu.memory_space<hbm>> -> memref<1x64x128xf32, #tpu.memory_space<hbm>>
    %dma_start3A_452 = tpu.memref_squeeze %dma_start3A_451 : memref<1x64x128xf32, #tpu.memory_space<hbm>> -> memref<64x128xf32, #tpu.memory_space<hbm>>
    %dma_start3A_453 = arith.constant 0 : i32
    %dma_start3A_454 = tpu.memref_slice %arg19[%add3A_447, %dma_start3A_453] : memref<10240x128xf32, #tpu.memory_space<vmem_shared>> -> memref<64x128xf32, #tpu.memory_space<vmem_shared>>
    tpu.enqueue_dma source(%dma_start3A_454 : memref<64x128xf32, #tpu.memory_space<vmem_shared>>) target(%dma_start3A_452 : memref<64x128xf32, #tpu.memory_space<hbm>>) target_semaphore(%arg18 : memref<!tpu.dma_semaphore, #tpu.memory_space<semaphore_mem>>)
    %add3A_455 = arith.constant 192 : i32
    %add3A_456 = arith.addi %mul3A_8, %add3A_455 : i32
    %add3A_457 = arith.constant 192 : i32
    %add3A_458 = arith.addi %mul3A_8, %add3A_457 : i32
    %dma_start3A_459 = arith.constant 0 : i32
    %dma_start3A_460 = tpu.memref_slice %arg4[%arg0, %add3A_458, %dma_start3A_459] : memref<2x10240x128xf32, #tpu.memory_space<hbm>> -> memref<1x64x128xf32, #tpu.memory_space<hbm>>
    %dma_start3A_461 = tpu.memref_squeeze %dma_start3A_460 : memref<1x64x128xf32, #tpu.memory_space<hbm>> -> memref<64x128xf32, #tpu.memory_space<hbm>>
    %dma_start3A_462 = arith.constant 0 : i32
    %dma_start3A_463 = tpu.memref_slice %arg19[%add3A_456, %dma_start3A_462] : memref<10240x128xf32, #tpu.memory_space<vmem_shared>> -> memref<64x128xf32, #tpu.memory_space<vmem_shared>>
    tpu.enqueue_dma source(%dma_start3A_463 : memref<64x128xf32, #tpu.memory_space<vmem_shared>>) target(%dma_start3A_461 : memref<64x128xf32, #tpu.memory_space<hbm>>) target_semaphore(%arg18 : memref<!tpu.dma_semaphore, #tpu.memory_space<semaphore_mem>>)
    %add3A_464 = arith.constant 256 : i32
    %add3A_465 = arith.addi %mul3A_8, %add3A_464 : i32
    %add3A_466 = arith.constant 256 : i32
    %add3A_467 = arith.addi %mul3A_8, %add3A_466 : i32
    %dma_start3A_468 = arith.constant 0 : i32
    %dma_start3A_469 = tpu.memref_slice %arg4[%arg0, %add3A_467, %dma_start3A_468] : memref<2x10240x128xf32, #tpu.memory_space<hbm>> -> memref<1x64x128xf32, #tpu.memory_space<hbm>>
    %dma_start3A_470 = tpu.memref_squeeze %dma_start3A_469 : memref<1x64x128xf32, #tpu.memory_space<hbm>> -> memref<64x128xf32, #tpu.memory_space<hbm>>
    %dma_start3A_471 = arith.constant 0 : i32
    %dma_start3A_472 = tpu.memref_slice %arg19[%add3A_465, %dma_start3A_471] : memref<10240x128xf32, #tpu.memory_space<vmem_shared>> -> memref<64x128xf32, #tpu.memory_space<vmem_shared>>
    tpu.enqueue_dma source(%dma_start3A_472 : memref<64x128xf32, #tpu.memory_space<vmem_shared>>) target(%dma_start3A_470 : memref<64x128xf32, #tpu.memory_space<hbm>>) target_semaphore(%arg18 : memref<!tpu.dma_semaphore, #tpu.memory_space<semaphore_mem>>)
    %add3A_473 = arith.constant 320 : i32
    %add3A_474 = arith.addi %mul3A_8, %add3A_473 : i32
    %add3A_475 = arith.constant 320 : i32
    %add3A_476 = arith.addi %mul3A_8, %add3A_475 : i32
    %dma_start3A_477 = arith.constant 0 : i32
    %dma_start3A_478 = tpu.memref_slice %arg4[%arg0, %add3A_476, %dma_start3A_477] : memref<2x10240x128xf32, #tpu.memory_space<hbm>> -> memref<1x64x128xf32, #tpu.memory_space<hbm>>
    %dma_start3A_479 = tpu.memref_squeeze %dma_start3A_478 : memref<1x64x128xf32, #tpu.memory_space<hbm>> -> memref<64x128xf32, #tpu.memory_space<hbm>>
    %dma_start3A_480 = arith.constant 0 : i32
    %dma_start3A_481 = tpu.memref_slice %arg19[%add3A_474, %dma_start3A_480] : memref<10240x128xf32, #tpu.memory_space<vmem_shared>> -> memref<64x128xf32, #tpu.memory_space<vmem_shared>>
    tpu.enqueue_dma source(%dma_start3A_481 : memref<64x128xf32, #tpu.memory_space<vmem_shared>>) target(%dma_start3A_479 : memref<64x128xf32, #tpu.memory_space<hbm>>) target_semaphore(%arg18 : memref<!tpu.dma_semaphore, #tpu.memory_space<semaphore_mem>>)
    %add3A_482 = arith.constant 384 : i32
    %add3A_483 = arith.addi %mul3A_8, %add3A_482 : i32
    %add3A_484 = arith.constant 384 : i32
    %add3A_485 = arith.addi %mul3A_8, %add3A_484 : i32
    %dma_start3A_486 = arith.constant 0 : i32
    %dma_start3A_487 = tpu.memref_slice %arg4[%arg0, %add3A_485, %dma_start3A_486] : memref<2x10240x128xf32, #tpu.memory_space<hbm>> -> memref<1x64x128xf32, #tpu.memory_space<hbm>>
    %dma_start3A_488 = tpu.memref_squeeze %dma_start3A_487 : memref<1x64x128xf32, #tpu.memory_space<hbm>> -> memref<64x128xf32, #tpu.memory_space<hbm>>
    %dma_start3A_489 = arith.constant 0 : i32
    %dma_start3A_490 = tpu.memref_slice %arg19[%add3A_483, %dma_start3A_489] : memref<10240x128xf32, #tpu.memory_space<vmem_shared>> -> memref<64x128xf32, #tpu.memory_space<vmem_shared>>
    tpu.enqueue_dma source(%dma_start3A_490 : memref<64x128xf32, #tpu.memory_space<vmem_shared>>) target(%dma_start3A_488 : memref<64x128xf32, #tpu.memory_space<hbm>>) target_semaphore(%arg18 : memref<!tpu.dma_semaphore, #tpu.memory_space<semaphore_mem>>)
    %add3A_491 = arith.constant 448 : i32
    %add3A_492 = arith.addi %mul3A_8, %add3A_491 : i32
    %add3A_493 = arith.constant 448 : i32
    %add3A_494 = arith.addi %mul3A_8, %add3A_493 : i32
    %dma_start3A_495 = arith.constant 0 : i32
    %dma_start3A_496 = tpu.memref_slice %arg4[%arg0, %add3A_494, %dma_start3A_495] : memref<2x10240x128xf32, #tpu.memory_space<hbm>> -> memref<1x64x128xf32, #tpu.memory_space<hbm>>
    %dma_start3A_497 = tpu.memref_squeeze %dma_start3A_496 : memref<1x64x128xf32, #tpu.memory_space<hbm>> -> memref<64x128xf32, #tpu.memory_space<hbm>>
    %dma_start3A_498 = arith.constant 0 : i32
    %dma_start3A_499 = tpu.memref_slice %arg19[%add3A_492, %dma_start3A_498] : memref<10240x128xf32, #tpu.memory_space<vmem_shared>> -> memref<64x128xf32, #tpu.memory_space<vmem_shared>>
    tpu.enqueue_dma source(%dma_start3A_499 : memref<64x128xf32, #tpu.memory_space<vmem_shared>>) target(%dma_start3A_497 : memref<64x128xf32, #tpu.memory_space<hbm>>) target_semaphore(%arg18 : memref<!tpu.dma_semaphore, #tpu.memory_space<semaphore_mem>>)
    %add3A_500 = arith.constant 512 : i32
    %add3A_501 = arith.addi %mul3A_8, %add3A_500 : i32
    %add3A_502 = arith.constant 512 : i32
    %add3A_503 = arith.addi %mul3A_8, %add3A_502 : i32
    %dma_start3A_504 = arith.constant 0 : i32
    %dma_start3A_505 = tpu.memref_slice %arg4[%arg0, %add3A_503, %dma_start3A_504] : memref<2x10240x128xf32, #tpu.memory_space<hbm>> -> memref<1x64x128xf32, #tpu.memory_space<hbm>>
    %dma_start3A_506 = tpu.memref_squeeze %dma_start3A_505 : memref<1x64x128xf32, #tpu.memory_space<hbm>> -> memref<64x128xf32, #tpu.memory_space<hbm>>
    %dma_start3A_507 = arith.constant 0 : i32
    %dma_start3A_508 = tpu.memref_slice %arg19[%add3A_501, %dma_start3A_507] : memref<10240x128xf32, #tpu.memory_space<vmem_shared>> -> memref<64x128xf32, #tpu.memory_space<vmem_shared>>
    tpu.enqueue_dma source(%dma_start3A_508 : memref<64x128xf32, #tpu.memory_space<vmem_shared>>) target(%dma_start3A_506 : memref<64x128xf32, #tpu.memory_space<hbm>>) target_semaphore(%arg18 : memref<!tpu.dma_semaphore, #tpu.memory_space<semaphore_mem>>)
    %add3A_509 = arith.constant 576 : i32
    %add3A_510 = arith.addi %mul3A_8, %add3A_509 : i32
    %add3A_511 = arith.constant 576 : i32
    %add3A_512 = arith.addi %mul3A_8, %add3A_511 : i32
    %dma_start3A_513 = arith.constant 0 : i32
    %dma_start3A_514 = tpu.memref_slice %arg4[%arg0, %add3A_512, %dma_start3A_513] : memref<2x10240x128xf32, #tpu.memory_space<hbm>> -> memref<1x64x128xf32, #tpu.memory_space<hbm>>
    %dma_start3A_515 = tpu.memref_squeeze %dma_start3A_514 : memref<1x64x128xf32, #tpu.memory_space<hbm>> -> memref<64x128xf32, #tpu.memory_space<hbm>>
    %dma_start3A_516 = arith.constant 0 : i32
    %dma_start3A_517 = tpu.memref_slice %arg19[%add3A_510, %dma_start3A_516] : memref<10240x128xf32, #tpu.memory_space<vmem_shared>> -> memref<64x128xf32, #tpu.memory_space<vmem_shared>>
    tpu.enqueue_dma source(%dma_start3A_517 : memref<64x128xf32, #tpu.memory_space<vmem_shared>>) target(%dma_start3A_515 : memref<64x128xf32, #tpu.memory_space<hbm>>) target_semaphore(%arg18 : memref<!tpu.dma_semaphore, #tpu.memory_space<semaphore_mem>>)
    %dma_wait3A_518 = arith.constant 0 : i32
    %dma_wait3A_519 = tpu.memref_slice %arg4[%arg0, %add3A_431, %dma_wait3A_518] : memref<2x10240x128xf32, #tpu.memory_space<hbm>> -> memref<1x64x128xf32, #tpu.memory_space<hbm>>
    %dma_wait3A_520 = tpu.memref_squeeze %dma_wait3A_519 : memref<1x64x128xf32, #tpu.memory_space<hbm>> -> memref<64x128xf32, #tpu.memory_space<hbm>>
    %dma_wait3A_521 = arith.constant 0 : i32
    %dma_wait3A_522 = tpu.memref_slice %arg19[%add3A_429, %dma_wait3A_521] : memref<10240x128xf32, #tpu.memory_space<vmem_shared>> -> memref<64x128xf32, #tpu.memory_space<vmem_shared>>
    tpu.wait_dma2 semaphore(%arg18 : memref<!tpu.dma_semaphore, #tpu.memory_space<semaphore_mem>>) src(%dma_wait3A_522 : memref<64x128xf32, #tpu.memory_space<vmem_shared>>) dst(%dma_wait3A_520 : memref<64x128xf32, #tpu.memory_space<hbm>>)
    %dma_wait3A_523 = arith.constant 0 : i32
    %dma_wait3A_524 = tpu.memref_slice %arg4[%arg0, %add3A_440, %dma_wait3A_523] : memref<2x10240x128xf32, #tpu.memory_space<hbm>> -> memref<1x64x128xf32, #tpu.memory_space<hbm>>
    %dma_wait3A_525 = tpu.memref_squeeze %dma_wait3A_524 : memref<1x64x128xf32, #tpu.memory_space<hbm>> -> memref<64x128xf32, #tpu.memory_space<hbm>>
    %dma_wait3A_526 = arith.constant 0 : i32
    %dma_wait3A_527 = tpu.memref_slice %arg19[%add3A_438, %dma_wait3A_526] : memref<10240x128xf32, #tpu.memory_space<vmem_shared>> -> memref<64x128xf32, #tpu.memory_space<vmem_shared>>
    tpu.wait_dma2 semaphore(%arg18 : memref<!tpu.dma_semaphore, #tpu.memory_space<semaphore_mem>>) src(%dma_wait3A_527 : memref<64x128xf32, #tpu.memory_space<vmem_shared>>) dst(%dma_wait3A_525 : memref<64x128xf32, #tpu.memory_space<hbm>>)
    %dma_wait3A_528 = arith.constant 0 : i32
    %dma_wait3A_529 = tpu.memref_slice %arg4[%arg0, %add3A_449, %dma_wait3A_528] : memref<2x10240x128xf32, #tpu.memory_space<hbm>> -> memref<1x64x128xf32, #tpu.memory_space<hbm>>
    %dma_wait3A_530 = tpu.memref_squeeze %dma_wait3A_529 : memref<1x64x128xf32, #tpu.memory_space<hbm>> -> memref<64x128xf32, #tpu.memory_space<hbm>>
    %dma_wait3A_531 = arith.constant 0 : i32
    %dma_wait3A_532 = tpu.memref_slice %arg19[%add3A_447, %dma_wait3A_531] : memref<10240x128xf32, #tpu.memory_space<vmem_shared>> -> memref<64x128xf32, #tpu.memory_space<vmem_shared>>
    tpu.wait_dma2 semaphore(%arg18 : memref<!tpu.dma_semaphore, #tpu.memory_space<semaphore_mem>>) src(%dma_wait3A_532 : memref<64x128xf32, #tpu.memory_space<vmem_shared>>) dst(%dma_wait3A_530 : memref<64x128xf32, #tpu.memory_space<hbm>>)
    %dma_wait3A_533 = arith.constant 0 : i32
    %dma_wait3A_534 = tpu.memref_slice %arg4[%arg0, %add3A_458, %dma_wait3A_533] : memref<2x10240x128xf32, #tpu.memory_space<hbm>> -> memref<1x64x128xf32, #tpu.memory_space<hbm>>
    %dma_wait3A_535 = tpu.memref_squeeze %dma_wait3A_534 : memref<1x64x128xf32, #tpu.memory_space<hbm>> -> memref<64x128xf32, #tpu.memory_space<hbm>>
    %dma_wait3A_536 = arith.constant 0 : i32
    %dma_wait3A_537 = tpu.memref_slice %arg19[%add3A_456, %dma_wait3A_536] : memref<10240x128xf32, #tpu.memory_space<vmem_shared>> -> memref<64x128xf32, #tpu.memory_space<vmem_shared>>
    tpu.wait_dma2 semaphore(%arg18 : memref<!tpu.dma_semaphore, #tpu.memory_space<semaphore_mem>>) src(%dma_wait3A_537 : memref<64x128xf32, #tpu.memory_space<vmem_shared>>) dst(%dma_wait3A_535 : memref<64x128xf32, #tpu.memory_space<hbm>>)
    %dma_wait3A_538 = arith.constant 0 : i32
    %dma_wait3A_539 = tpu.memref_slice %arg4[%arg0, %add3A_467, %dma_wait3A_538] : memref<2x10240x128xf32, #tpu.memory_space<hbm>> -> memref<1x64x128xf32, #tpu.memory_space<hbm>>
    %dma_wait3A_540 = tpu.memref_squeeze %dma_wait3A_539 : memref<1x64x128xf32, #tpu.memory_space<hbm>> -> memref<64x128xf32, #tpu.memory_space<hbm>>
    %dma_wait3A_541 = arith.constant 0 : i32
    %dma_wait3A_542 = tpu.memref_slice %arg19[%add3A_465, %dma_wait3A_541] : memref<10240x128xf32, #tpu.memory_space<vmem_shared>> -> memref<64x128xf32, #tpu.memory_space<vmem_shared>>
    tpu.wait_dma2 semaphore(%arg18 : memref<!tpu.dma_semaphore, #tpu.memory_space<semaphore_mem>>) src(%dma_wait3A_542 : memref<64x128xf32, #tpu.memory_space<vmem_shared>>) dst(%dma_wait3A_540 : memref<64x128xf32, #tpu.memory_space<hbm>>)
    %dma_wait3A_543 = arith.constant 0 : i32
    %dma_wait3A_544 = tpu.memref_slice %arg4[%arg0, %add3A_476, %dma_wait3A_543] : memref<2x10240x128xf32, #tpu.memory_space<hbm>> -> memref<1x64x128xf32, #tpu.memory_space<hbm>>
    %dma_wait3A_545 = tpu.memref_squeeze %dma_wait3A_544 : memref<1x64x128xf32, #tpu.memory_space<hbm>> -> memref<64x128xf32, #tpu.memory_space<hbm>>
    %dma_wait3A_546 = arith.constant 0 : i32
    %dma_wait3A_547 = tpu.memref_slice %arg19[%add3A_474, %dma_wait3A_546] : memref<10240x128xf32, #tpu.memory_space<vmem_shared>> -> memref<64x128xf32, #tpu.memory_space<vmem_shared>>
    tpu.wait_dma2 semaphore(%arg18 : memref<!tpu.dma_semaphore, #tpu.memory_space<semaphore_mem>>) src(%dma_wait3A_547 : memref<64x128xf32, #tpu.memory_space<vmem_shared>>) dst(%dma_wait3A_545 : memref<64x128xf32, #tpu.memory_space<hbm>>)
    %dma_wait3A_548 = arith.constant 0 : i32
    %dma_wait3A_549 = tpu.memref_slice %arg4[%arg0, %add3A_485, %dma_wait3A_548] : memref<2x10240x128xf32, #tpu.memory_space<hbm>> -> memref<1x64x128xf32, #tpu.memory_space<hbm>>
    %dma_wait3A_550 = tpu.memref_squeeze %dma_wait3A_549 : memref<1x64x128xf32, #tpu.memory_space<hbm>> -> memref<64x128xf32, #tpu.memory_space<hbm>>
    %dma_wait3A_551 = arith.constant 0 : i32
    %dma_wait3A_552 = tpu.memref_slice %arg19[%add3A_483, %dma_wait3A_551] : memref<10240x128xf32, #tpu.memory_space<vmem_shared>> -> memref<64x128xf32, #tpu.memory_space<vmem_shared>>
    tpu.wait_dma2 semaphore(%arg18 : memref<!tpu.dma_semaphore, #tpu.memory_space<semaphore_mem>>) src(%dma_wait3A_552 : memref<64x128xf32, #tpu.memory_space<vmem_shared>>) dst(%dma_wait3A_550 : memref<64x128xf32, #tpu.memory_space<hbm>>)
    %dma_wait3A_553 = arith.constant 0 : i32
    %dma_wait3A_554 = tpu.memref_slice %arg4[%arg0, %add3A_494, %dma_wait3A_553] : memref<2x10240x128xf32, #tpu.memory_space<hbm>> -> memref<1x64x128xf32, #tpu.memory_space<hbm>>
    %dma_wait3A_555 = tpu.memref_squeeze %dma_wait3A_554 : memref<1x64x128xf32, #tpu.memory_space<hbm>> -> memref<64x128xf32, #tpu.memory_space<hbm>>
    %dma_wait3A_556 = arith.constant 0 : i32
    %dma_wait3A_557 = tpu.memref_slice %arg19[%add3A_492, %dma_wait3A_556] : memref<10240x128xf32, #tpu.memory_space<vmem_shared>> -> memref<64x128xf32, #tpu.memory_space<vmem_shared>>
    tpu.wait_dma2 semaphore(%arg18 : memref<!tpu.dma_semaphore, #tpu.memory_space<semaphore_mem>>) src(%dma_wait3A_557 : memref<64x128xf32, #tpu.memory_space<vmem_shared>>) dst(%dma_wait3A_555 : memref<64x128xf32, #tpu.memory_space<hbm>>)
    %dma_wait3A_558 = arith.constant 0 : i32
    %dma_wait3A_559 = tpu.memref_slice %arg4[%arg0, %add3A_503, %dma_wait3A_558] : memref<2x10240x128xf32, #tpu.memory_space<hbm>> -> memref<1x64x128xf32, #tpu.memory_space<hbm>>
    %dma_wait3A_560 = tpu.memref_squeeze %dma_wait3A_559 : memref<1x64x128xf32, #tpu.memory_space<hbm>> -> memref<64x128xf32, #tpu.memory_space<hbm>>
    %dma_wait3A_561 = arith.constant 0 : i32
    %dma_wait3A_562 = tpu.memref_slice %arg19[%add3A_501, %dma_wait3A_561] : memref<10240x128xf32, #tpu.memory_space<vmem_shared>> -> memref<64x128xf32, #tpu.memory_space<vmem_shared>>
    tpu.wait_dma2 semaphore(%arg18 : memref<!tpu.dma_semaphore, #tpu.memory_space<semaphore_mem>>) src(%dma_wait3A_562 : memref<64x128xf32, #tpu.memory_space<vmem_shared>>) dst(%dma_wait3A_560 : memref<64x128xf32, #tpu.memory_space<hbm>>)
    %dma_wait3A_563 = arith.constant 0 : i32
    %dma_wait3A_564 = tpu.memref_slice %arg4[%arg0, %add3A_512, %dma_wait3A_563] : memref<2x10240x128xf32, #tpu.memory_space<hbm>> -> memref<1x64x128xf32, #tpu.memory_space<hbm>>
    %dma_wait3A_565 = tpu.memref_squeeze %dma_wait3A_564 : memref<1x64x128xf32, #tpu.memory_space<hbm>> -> memref<64x128xf32, #tpu.memory_space<hbm>>
    %dma_wait3A_566 = arith.constant 0 : i32
    %dma_wait3A_567 = tpu.memref_slice %arg19[%add3A_510, %dma_wait3A_566] : memref<10240x128xf32, #tpu.memory_space<vmem_shared>> -> memref<64x128xf32, #tpu.memory_space<vmem_shared>>
    tpu.wait_dma2 semaphore(%arg18 : memref<!tpu.dma_semaphore, #tpu.memory_space<semaphore_mem>>) src(%dma_wait3A_567 : memref<64x128xf32, #tpu.memory_space<vmem_shared>>) dst(%dma_wait3A_565 : memref<64x128xf32, #tpu.memory_space<hbm>>)
    return
  }
}

#map = affine_map<(d0, d1) -> (0)>
#map1 = affine_map<(d0, d1) -> (0, 0)>
module attributes {stable_mosaic.version = 14 : i64} {
  func.func @_stage_a(%arg0: i32, %arg1: i32, %arg2: memref<320000xi32, #tpu.memory_space<hbm>>, %arg3: memref<320000xi32, #tpu.memory_space<hbm>>, %arg4: memref<32x10240xf32, #tpu.memory_space<hbm>>, %arg5: memref<32x10240xf32, #tpu.memory_space<hbm>>, %arg6: memref<32x10240xi32, #tpu.memory_space<hbm>>, %arg7: memref<32x10240xi32, #tpu.memory_space<hbm>>, %arg8: memref<32x16xi32, #tpu.memory_space<hbm>>, %arg9: memref<10000xi32, #tpu.memory_space<vmem>>, %arg10: memref<10000xi32, #tpu.memory_space<vmem>>, %arg11: memref<10240xf32, #tpu.memory_space<vmem>>, %arg12: memref<10240xf32, #tpu.memory_space<vmem>>, %arg13: memref<10240xi32, #tpu.memory_space<vmem>>, %arg14: memref<10240xi32, #tpu.memory_space<vmem>>, %arg15: memref<16xi32, #tpu.memory_space<vmem>>) attributes {dimension_semantics = [#tpu.dimension_semantics<core_parallel>, #tpu.dimension_semantics<subcore_parallel>], iteration_bounds = array<i64: 2, 16>, scalar_prefetch = 0 : i64, scratch_operands = 7 : i64, tpu.core_type = #tpu.core_type<sc_vector_subcore>, window_params = [{transform_indices = #map}, {transform_indices = #map}, {transform_indices = #map1}, {transform_indices = #map1}, {transform_indices = #map1}, {transform_indices = #map1}, {transform_indices = #map1}]} {
    %mul3A = arith.constant 2 : i32
    %mul3A_0 = arith.muli %arg1, %mul3A : i32
    %add3A = arith.addi %mul3A_0, %arg0 : i32
    %rem3A = arith.constant 1 : i32
    %rem3A_1 = arith.remsi %add3A, %rem3A : i32
    %mul3A_2 = arith.constant 1152 : i32
    %mul3A_3 = arith.muli %rem3A_1, %mul3A_2 : i32
    %mul3A_4 = arith.constant 10000 : i32
    %mul3A_5 = arith.muli %add3A, %mul3A_4 : i32
    "tpu.region"() ({
      %run_scoped3A = tpu.sem_alloc : memref<!tpu.dma_semaphore, #tpu.memory_space<semaphore_mem>>
      %dma_start3A = tpu.memref_slice %arg2[%mul3A_5] : memref<320000xi32, #tpu.memory_space<hbm>> -> memref<10000xi32, #tpu.memory_space<hbm>>
      %dma_start3A_127 = tpu.memref_slice %arg2[%mul3A_5] : memref<320000xi32, #tpu.memory_space<hbm>> -> memref<10000xi32, #tpu.memory_space<hbm>>
      tpu.enqueue_dma source(%dma_start3A_127 : memref<10000xi32, #tpu.memory_space<hbm>>) target(%arg9 : memref<10000xi32, #tpu.memory_space<vmem>>) target_semaphore(%run_scoped3A : memref<!tpu.dma_semaphore, #tpu.memory_space<semaphore_mem>>)
      %dma_wait3A = tpu.memref_slice %arg2[%mul3A_5] : memref<320000xi32, #tpu.memory_space<hbm>> -> memref<10000xi32, #tpu.memory_space<hbm>>
      %dma_wait3A_128 = tpu.memref_slice %arg2[%mul3A_5] : memref<320000xi32, #tpu.memory_space<hbm>> -> memref<10000xi32, #tpu.memory_space<hbm>>
      tpu.wait_dma2 semaphore(%run_scoped3A : memref<!tpu.dma_semaphore, #tpu.memory_space<semaphore_mem>>) src(%dma_wait3A_128 : memref<10000xi32, #tpu.memory_space<hbm>>) dst(%arg9 : memref<10000xi32, #tpu.memory_space<vmem>>)
      tpu.yield
    }) : () -> ()
    "tpu.region"() ({
      %run_scoped3A = tpu.sem_alloc : memref<!tpu.dma_semaphore, #tpu.memory_space<semaphore_mem>>
      %dma_start3A = tpu.memref_slice %arg3[%mul3A_5] : memref<320000xi32, #tpu.memory_space<hbm>> -> memref<10000xi32, #tpu.memory_space<hbm>>
      %dma_start3A_127 = tpu.memref_slice %arg3[%mul3A_5] : memref<320000xi32, #tpu.memory_space<hbm>> -> memref<10000xi32, #tpu.memory_space<hbm>>
      tpu.enqueue_dma source(%dma_start3A_127 : memref<10000xi32, #tpu.memory_space<hbm>>) target(%arg10 : memref<10000xi32, #tpu.memory_space<vmem>>) target_semaphore(%run_scoped3A : memref<!tpu.dma_semaphore, #tpu.memory_space<semaphore_mem>>)
      %dma_wait3A = tpu.memref_slice %arg3[%mul3A_5] : memref<320000xi32, #tpu.memory_space<hbm>> -> memref<10000xi32, #tpu.memory_space<hbm>>
      %dma_wait3A_128 = tpu.memref_slice %arg3[%mul3A_5] : memref<320000xi32, #tpu.memory_space<hbm>> -> memref<10000xi32, #tpu.memory_space<hbm>>
      tpu.wait_dma2 semaphore(%run_scoped3A : memref<!tpu.dma_semaphore, #tpu.memory_space<semaphore_mem>>) src(%dma_wait3A_128 : memref<10000xi32, #tpu.memory_space<hbm>>) dst(%arg10 : memref<10000xi32, #tpu.memory_space<vmem>>)
      tpu.yield
    }) : () -> ()
    %broadcast_in_dim3A = arith.constant 0.000000e+00 : f32
    %broadcast_in_dim3A_6 = vector.broadcast %broadcast_in_dim3A : f32 to vector<16xf32>
    %scan3A = arith.constant 0 : i32
    %scan3A_7 = arith.constant 0 : i32
    %scan3A_8 = arith.constant 640 : i32
    %scan3A_9 = arith.addi %scan3A_7, %scan3A_8 : i32
    %scan3A_10 = arith.constant 1 : i32
    scf.for %scan3A_127 = %scan3A_7 to %scan3A_9 step %scan3A_10  : i32 {
      %mul3A_128 = arith.constant 16 : i32
      %mul3A_129 = arith.muli %scan3A_127, %mul3A_128 : i32
      %swap3A_130 = arith.index_cast %mul3A_129 : i32 to index
      %swap3A_131 = tpu.vector_load %arg11[%swap3A_130] {strides = array<i32>} : memref<10240xf32, #tpu.memory_space<vmem>>, vector<16xf32>,
      tpu.vector_store %arg11[%swap3A_130], %broadcast_in_dim3A_6 {strides = array<i32>} : memref<10240xf32, #tpu.memory_space<vmem>>, vector<16xf32>,
      %mul3A_132 = arith.constant 16 : i32
      %mul3A_133 = arith.muli %scan3A_127, %mul3A_132 : i32
      %swap3A_134 = arith.index_cast %mul3A_133 : i32 to index
      %swap3A_135 = tpu.vector_load %arg12[%swap3A_134] {strides = array<i32>} : memref<10240xf32, #tpu.memory_space<vmem>>, vector<16xf32>,
      tpu.vector_store %arg12[%swap3A_134], %broadcast_in_dim3A_6 {strides = array<i32>} : memref<10240xf32, #tpu.memory_space<vmem>>, vector<16xf32>,
    }
    %scan3A_11 = arith.constant 640 : i32
    %broadcast_in_dim3A_12 = arith.constant 1.000000e+00 : f32
    %broadcast_in_dim3A_13 = vector.broadcast %broadcast_in_dim3A_12 : f32 to vector<16xf32>
    %broadcast_in_dim3A_14 = arith.constant 0 : i32
    %broadcast_in_dim3A_15 = vector.broadcast %broadcast_in_dim3A_14 : i32 to vector<16xi32>
    %scan3A_16 = arith.constant 0 : i32
    %scan3A_17 = arith.constant 625 : i32
    %scan3A_18 = arith.addi %scan3A_16, %scan3A_17 : i32
    %scan3A_19 = arith.constant 1 : i32
    %scan3A_20 = scf.for %scan3A_127 = %scan3A_16 to %scan3A_18 step %scan3A_19 iter_args(%scan3A_128 = %broadcast_in_dim3A_15) -> (vector<16xi32>)  : i32 {
      %mul3A_129 = arith.constant 16 : i32
      %mul3A_130 = arith.muli %scan3A_127, %mul3A_129 : i32
      %get3A = arith.index_cast %mul3A_130 : i32 to index
      %get3A_131 = tpu.vector_load %arg9[%get3A] {strides = array<i32>} : memref<10000xi32, #tpu.memory_space<vmem>>, vector<16xi32>,
      %mul3A_132 = arith.constant 16 : i32
      %mul3A_133 = arith.muli %scan3A_127, %mul3A_132 : i32
      %get3A_134 = arith.index_cast %mul3A_133 : i32 to index
      %get3A_135 = tpu.vector_load %arg10[%get3A_134] {strides = array<i32>} : memref<10000xi32, #tpu.memory_space<vmem>>, vector<16xi32>,
      tpu.vector_store_idx %arg11[%get3A_131], %broadcast_in_dim3A_13 {add = true} : memref<10240xf32, #tpu.memory_space<vmem>>[vector<16xi32>], vector<16xf32>,
      tpu.vector_store_idx %arg12[%get3A_135], %broadcast_in_dim3A_13 {add = true} : memref<10240xf32, #tpu.memory_space<vmem>>[vector<16xi32>], vector<16xf32>,
      %lt3A = arith.constant 1024 : i32
      %lt3A_136 = vector.broadcast %lt3A : i32 to vector<16xi32>
      %lt3A_137 = arith.cmpi slt, %get3A_135, %lt3A_136 : vector<16xi32>
      %convert_element_type3A = arith.extui %lt3A_137 : vector<16xi1> to vector<16xi32>
      %broadcast_in_dim3A_138 = arith.constant true
      %broadcast_in_dim3A_139 = vector.broadcast %broadcast_in_dim3A_138 : i1 to vector<16xi1>
      %masked_cumsum3A = tpu.scan <sum>, %convert_element_type3A masked %broadcast_in_dim3A_139 : vector<16xi32>, vector<16xi1> -> vector<16xi32>
      %add3A_140 = arith.addi %scan3A_128, %masked_cumsum3A : vector<16xi32>
      %sub3A = arith.constant 1 : i32
      %sub3A_141 = vector.broadcast %sub3A : i32 to vector<16xi32>
      %sub3A_142 = arith.subi %add3A_140, %sub3A_141 : vector<16xi32>
      tpu.vector_store_idx %arg13[%sub3A_142], %get3A_131 masked %lt3A_137 : memref<10240xi32, #tpu.memory_space<vmem>>[vector<16xi32>], vector<16xi32>, vector<16xi1>
      %add3A_143 = vector.broadcast %mul3A_3 : i32 to vector<16xi32>
      %add3A_144 = arith.addi %get3A_135, %add3A_143 : vector<16xi32>
      tpu.vector_store_idx %arg14[%sub3A_142], %add3A_144 masked %lt3A_137 : memref<10240xi32, #tpu.memory_space<vmem>>[vector<16xi32>], vector<16xi32>, vector<16xi1>
      %all_reduce_population_count3A = tpu.all_reduce %lt3A_137 {dim = 0 : i64, kind = #tpu.reduction_kind<sum>} : vector<16xi1> -> vector<16xi32>
      %add3A_145 = arith.addi %scan3A_128, %all_reduce_population_count3A : vector<16xi32>
      scf.yield %add3A_145 : vector<16xi32>
    }
    %scan3A_21 = arith.constant 625 : i32
    %iota3A = tpu.iota {dimensions = array<i32: 0>} : vector<16xi32>
    %add3A_22 = arith.addi %scan3A_20, %iota3A : vector<16xi32>
    %add3A_23 = arith.constant 0 : i32
    %add3A_24 = vector.broadcast %add3A_23 : i32 to vector<16xi32>
    %add3A_25 = arith.addi %add3A_22, %add3A_24 : vector<16xi32>
    %broadcast_in_dim3A_26 = arith.constant 0 : i32
    %broadcast_in_dim3A_27 = vector.broadcast %broadcast_in_dim3A_26 : i32 to vector<16xi32>
    tpu.vector_store_idx %arg13[%add3A_25], %broadcast_in_dim3A_27 : memref<10240xi32, #tpu.memory_space<vmem>>[vector<16xi32>], vector<16xi32>,
    %add3A_28 = arith.constant 1024 : i32
    %add3A_29 = arith.addi %add3A_28, %mul3A_3 : i32
    %add3A_30 = vector.broadcast %add3A_29 : i32 to vector<16xi32>
    %add3A_31 = arith.addi %add3A_30, %iota3A : vector<16xi32>
    %add3A_32 = arith.constant 0 : i32
    %add3A_33 = vector.broadcast %add3A_32 : i32 to vector<16xi32>
    %add3A_34 = arith.addi %add3A_31, %add3A_33 : vector<16xi32>
    tpu.vector_store_idx %arg14[%add3A_25], %add3A_34 : memref<10240xi32, #tpu.memory_space<vmem>>[vector<16xi32>], vector<16xi32>,
    %add3A_35 = arith.addi %scan3A_20, %iota3A : vector<16xi32>
    %add3A_36 = arith.constant 16 : i32
    %add3A_37 = vector.broadcast %add3A_36 : i32 to vector<16xi32>
    %add3A_38 = arith.addi %add3A_35, %add3A_37 : vector<16xi32>
    %broadcast_in_dim3A_39 = arith.constant 0 : i32
    %broadcast_in_dim3A_40 = vector.broadcast %broadcast_in_dim3A_39 : i32 to vector<16xi32>
    tpu.vector_store_idx %arg13[%add3A_38], %broadcast_in_dim3A_40 : memref<10240xi32, #tpu.memory_space<vmem>>[vector<16xi32>], vector<16xi32>,
    %add3A_41 = arith.constant 1024 : i32
    %add3A_42 = arith.addi %add3A_41, %mul3A_3 : i32
    %add3A_43 = vector.broadcast %add3A_42 : i32 to vector<16xi32>
    %add3A_44 = arith.addi %add3A_43, %iota3A : vector<16xi32>
    %add3A_45 = arith.constant 16 : i32
    %add3A_46 = vector.broadcast %add3A_45 : i32 to vector<16xi32>
    %add3A_47 = arith.addi %add3A_44, %add3A_46 : vector<16xi32>
    tpu.vector_store_idx %arg14[%add3A_38], %add3A_47 : memref<10240xi32, #tpu.memory_space<vmem>>[vector<16xi32>], vector<16xi32>,
    %add3A_48 = arith.addi %scan3A_20, %iota3A : vector<16xi32>
    %add3A_49 = arith.constant 32 : i32
    %add3A_50 = vector.broadcast %add3A_49 : i32 to vector<16xi32>
    %add3A_51 = arith.addi %add3A_48, %add3A_50 : vector<16xi32>
    %broadcast_in_dim3A_52 = arith.constant 0 : i32
    %broadcast_in_dim3A_53 = vector.broadcast %broadcast_in_dim3A_52 : i32 to vector<16xi32>
    tpu.vector_store_idx %arg13[%add3A_51], %broadcast_in_dim3A_53 : memref<10240xi32, #tpu.memory_space<vmem>>[vector<16xi32>], vector<16xi32>,
    %add3A_54 = arith.constant 1024 : i32
    %add3A_55 = arith.addi %add3A_54, %mul3A_3 : i32
    %add3A_56 = vector.broadcast %add3A_55 : i32 to vector<16xi32>
    %add3A_57 = arith.addi %add3A_56, %iota3A : vector<16xi32>
    %add3A_58 = arith.constant 32 : i32
    %add3A_59 = vector.broadcast %add3A_58 : i32 to vector<16xi32>
    %add3A_60 = arith.addi %add3A_57, %add3A_59 : vector<16xi32>
    tpu.vector_store_idx %arg14[%add3A_51], %add3A_60 : memref<10240xi32, #tpu.memory_space<vmem>>[vector<16xi32>], vector<16xi32>,
    %add3A_61 = arith.addi %scan3A_20, %iota3A : vector<16xi32>
    %add3A_62 = arith.constant 48 : i32
    %add3A_63 = vector.broadcast %add3A_62 : i32 to vector<16xi32>
    %add3A_64 = arith.addi %add3A_61, %add3A_63 : vector<16xi32>
    %broadcast_in_dim3A_65 = arith.constant 0 : i32
    %broadcast_in_dim3A_66 = vector.broadcast %broadcast_in_dim3A_65 : i32 to vector<16xi32>
    tpu.vector_store_idx %arg13[%add3A_64], %broadcast_in_dim3A_66 : memref<10240xi32, #tpu.memory_space<vmem>>[vector<16xi32>], vector<16xi32>,
    %add3A_67 = arith.constant 1024 : i32
    %add3A_68 = arith.addi %add3A_67, %mul3A_3 : i32
    %add3A_69 = vector.broadcast %add3A_68 : i32 to vector<16xi32>
    %add3A_70 = arith.addi %add3A_69, %iota3A : vector<16xi32>
    %add3A_71 = arith.constant 48 : i32
    %add3A_72 = vector.broadcast %add3A_71 : i32 to vector<16xi32>
    %add3A_73 = arith.addi %add3A_70, %add3A_72 : vector<16xi32>
    tpu.vector_store_idx %arg14[%add3A_64], %add3A_73 : memref<10240xi32, #tpu.memory_space<vmem>>[vector<16xi32>], vector<16xi32>,
    %add3A_74 = arith.addi %scan3A_20, %iota3A : vector<16xi32>
    %add3A_75 = arith.constant 64 : i32
    %add3A_76 = vector.broadcast %add3A_75 : i32 to vector<16xi32>
    %add3A_77 = arith.addi %add3A_74, %add3A_76 : vector<16xi32>
    %broadcast_in_dim3A_78 = arith.constant 0 : i32
    %broadcast_in_dim3A_79 = vector.broadcast %broadcast_in_dim3A_78 : i32 to vector<16xi32>
    tpu.vector_store_idx %arg13[%add3A_77], %broadcast_in_dim3A_79 : memref<10240xi32, #tpu.memory_space<vmem>>[vector<16xi32>], vector<16xi32>,
    %add3A_80 = arith.constant 1024 : i32
    %add3A_81 = arith.addi %add3A_80, %mul3A_3 : i32
    %add3A_82 = vector.broadcast %add3A_81 : i32 to vector<16xi32>
    %add3A_83 = arith.addi %add3A_82, %iota3A : vector<16xi32>
    %add3A_84 = arith.constant 64 : i32
    %add3A_85 = vector.broadcast %add3A_84 : i32 to vector<16xi32>
    %add3A_86 = arith.addi %add3A_83, %add3A_85 : vector<16xi32>
    tpu.vector_store_idx %arg14[%add3A_77], %add3A_86 : memref<10240xi32, #tpu.memory_space<vmem>>[vector<16xi32>], vector<16xi32>,
    %add3A_87 = arith.addi %scan3A_20, %iota3A : vector<16xi32>
    %add3A_88 = arith.constant 80 : i32
    %add3A_89 = vector.broadcast %add3A_88 : i32 to vector<16xi32>
    %add3A_90 = arith.addi %add3A_87, %add3A_89 : vector<16xi32>
    %broadcast_in_dim3A_91 = arith.constant 0 : i32
    %broadcast_in_dim3A_92 = vector.broadcast %broadcast_in_dim3A_91 : i32 to vector<16xi32>
    tpu.vector_store_idx %arg13[%add3A_90], %broadcast_in_dim3A_92 : memref<10240xi32, #tpu.memory_space<vmem>>[vector<16xi32>], vector<16xi32>,
    %add3A_93 = arith.constant 1024 : i32
    %add3A_94 = arith.addi %add3A_93, %mul3A_3 : i32
    %add3A_95 = vector.broadcast %add3A_94 : i32 to vector<16xi32>
    %add3A_96 = arith.addi %add3A_95, %iota3A : vector<16xi32>
    %add3A_97 = arith.constant 80 : i32
    %add3A_98 = vector.broadcast %add3A_97 : i32 to vector<16xi32>
    %add3A_99 = arith.addi %add3A_96, %add3A_98 : vector<16xi32>
    tpu.vector_store_idx %arg14[%add3A_90], %add3A_99 : memref<10240xi32, #tpu.memory_space<vmem>>[vector<16xi32>], vector<16xi32>,
    %add3A_100 = arith.addi %scan3A_20, %iota3A : vector<16xi32>
    %add3A_101 = arith.constant 96 : i32
    %add3A_102 = vector.broadcast %add3A_101 : i32 to vector<16xi32>
    %add3A_103 = arith.addi %add3A_100, %add3A_102 : vector<16xi32>
    %broadcast_in_dim3A_104 = arith.constant 0 : i32
    %broadcast_in_dim3A_105 = vector.broadcast %broadcast_in_dim3A_104 : i32 to vector<16xi32>
    tpu.vector_store_idx %arg13[%add3A_103], %broadcast_in_dim3A_105 : memref<10240xi32, #tpu.memory_space<vmem>>[vector<16xi32>], vector<16xi32>,
    %add3A_106 = arith.constant 1024 : i32
    %add3A_107 = arith.addi %add3A_106, %mul3A_3 : i32
    %add3A_108 = vector.broadcast %add3A_107 : i32 to vector<16xi32>
    %add3A_109 = arith.addi %add3A_108, %iota3A : vector<16xi32>
    %add3A_110 = arith.constant 96 : i32
    %add3A_111 = vector.broadcast %add3A_110 : i32 to vector<16xi32>
    %add3A_112 = arith.addi %add3A_109, %add3A_111 : vector<16xi32>
    tpu.vector_store_idx %arg14[%add3A_103], %add3A_112 : memref<10240xi32, #tpu.memory_space<vmem>>[vector<16xi32>], vector<16xi32>,
    %add3A_113 = arith.addi %scan3A_20, %iota3A : vector<16xi32>
    %add3A_114 = arith.constant 112 : i32
    %add3A_115 = vector.broadcast %add3A_114 : i32 to vector<16xi32>
    %add3A_116 = arith.addi %add3A_113, %add3A_115 : vector<16xi32>
    %broadcast_in_dim3A_117 = arith.constant 0 : i32
    %broadcast_in_dim3A_118 = vector.broadcast %broadcast_in_dim3A_117 : i32 to vector<16xi32>
    tpu.vector_store_idx %arg13[%add3A_116], %broadcast_in_dim3A_118 : memref<10240xi32, #tpu.memory_space<vmem>>[vector<16xi32>], vector<16xi32>,
    %add3A_119 = arith.constant 1024 : i32
    %add3A_120 = arith.addi %add3A_119, %mul3A_3 : i32
    %add3A_121 = vector.broadcast %add3A_120 : i32 to vector<16xi32>
    %add3A_122 = arith.addi %add3A_121, %iota3A : vector<16xi32>
    %add3A_123 = arith.constant 112 : i32
    %add3A_124 = vector.broadcast %add3A_123 : i32 to vector<16xi32>
    %add3A_125 = arith.addi %add3A_122, %add3A_124 : vector<16xi32>
    tpu.vector_store_idx %arg14[%add3A_116], %add3A_125 : memref<10240xi32, #tpu.memory_space<vmem>>[vector<16xi32>], vector<16xi32>,
    %swap3A = arith.constant 0 : index
    %swap3A_126 = tpu.vector_load %arg15[%swap3A] {strides = array<i32>} : memref<16xi32, #tpu.memory_space<vmem>>, vector<16xi32>,
    tpu.vector_store %arg15[%swap3A], %scan3A_20 {strides = array<i32>} : memref<16xi32, #tpu.memory_space<vmem>>, vector<16xi32>,
    "tpu.region"() ({
      %run_scoped3A = tpu.sem_alloc : memref<!tpu.dma_semaphore, #tpu.memory_space<semaphore_mem>>
      %dma_start3A = arith.constant 0 : i32
      %dma_start3A_127 = tpu.memref_slice %arg8[%add3A, %dma_start3A] : memref<32x16xi32, #tpu.memory_space<hbm>> -> memref<1x16xi32, #tpu.memory_space<hbm>>
      %dma_start3A_128 = tpu.memref_squeeze %dma_start3A_127 : memref<1x16xi32, #tpu.memory_space<hbm>> -> memref<16xi32, #tpu.memory_space<hbm>>
      %dma_start3A_129 = arith.constant 0 : i32
      %dma_start3A_130 = tpu.memref_slice %arg8[%add3A, %dma_start3A_129] : memref<32x16xi32, #tpu.memory_space<hbm>> -> memref<1x16xi32, #tpu.memory_space<hbm>>
      %dma_start3A_131 = tpu.memref_squeeze %dma_start3A_130 : memref<1x16xi32, #tpu.memory_space<hbm>> -> memref<16xi32, #tpu.memory_space<hbm>>
      tpu.enqueue_dma source(%arg15 : memref<16xi32, #tpu.memory_space<vmem>>) target(%dma_start3A_131 : memref<16xi32, #tpu.memory_space<hbm>>) target_semaphore(%run_scoped3A : memref<!tpu.dma_semaphore, #tpu.memory_space<semaphore_mem>>)
      %dma_wait3A = arith.constant 0 : i32
      %dma_wait3A_132 = tpu.memref_slice %arg8[%add3A, %dma_wait3A] : memref<32x16xi32, #tpu.memory_space<hbm>> -> memref<1x16xi32, #tpu.memory_space<hbm>>
      %dma_wait3A_133 = tpu.memref_squeeze %dma_wait3A_132 : memref<1x16xi32, #tpu.memory_space<hbm>> -> memref<16xi32, #tpu.memory_space<hbm>>
      %dma_wait3A_134 = arith.constant 0 : i32
      %dma_wait3A_135 = tpu.memref_slice %arg8[%add3A, %dma_wait3A_134] : memref<32x16xi32, #tpu.memory_space<hbm>> -> memref<1x16xi32, #tpu.memory_space<hbm>>
      %dma_wait3A_136 = tpu.memref_squeeze %dma_wait3A_135 : memref<1x16xi32, #tpu.memory_space<hbm>> -> memref<16xi32, #tpu.memory_space<hbm>>
      tpu.wait_dma2 semaphore(%run_scoped3A : memref<!tpu.dma_semaphore, #tpu.memory_space<semaphore_mem>>) src(%arg15 : memref<16xi32, #tpu.memory_space<vmem>>) dst(%dma_wait3A_136 : memref<16xi32, #tpu.memory_space<hbm>>)
      tpu.yield
    }) : () -> ()
    "tpu.region"() ({
      %run_scoped3A = tpu.sem_alloc : memref<!tpu.dma_semaphore, #tpu.memory_space<semaphore_mem>>
      %dma_start3A = arith.constant 0 : i32
      %dma_start3A_127 = tpu.memref_slice %arg4[%add3A, %dma_start3A] : memref<32x10240xf32, #tpu.memory_space<hbm>> -> memref<1x10240xf32, #tpu.memory_space<hbm>>
      %dma_start3A_128 = tpu.memref_squeeze %dma_start3A_127 : memref<1x10240xf32, #tpu.memory_space<hbm>> -> memref<10240xf32, #tpu.memory_space<hbm>>
      %dma_start3A_129 = arith.constant 0 : i32
      %dma_start3A_130 = tpu.memref_slice %arg4[%add3A, %dma_start3A_129] : memref<32x10240xf32, #tpu.memory_space<hbm>> -> memref<1x10240xf32, #tpu.memory_space<hbm>>
      %dma_start3A_131 = tpu.memref_squeeze %dma_start3A_130 : memref<1x10240xf32, #tpu.memory_space<hbm>> -> memref<10240xf32, #tpu.memory_space<hbm>>
      tpu.enqueue_dma source(%arg11 : memref<10240xf32, #tpu.memory_space<vmem>>) target(%dma_start3A_131 : memref<10240xf32, #tpu.memory_space<hbm>>) target_semaphore(%run_scoped3A : memref<!tpu.dma_semaphore, #tpu.memory_space<semaphore_mem>>)
      %dma_wait3A = arith.constant 0 : i32
      %dma_wait3A_132 = tpu.memref_slice %arg4[%add3A, %dma_wait3A] : memref<32x10240xf32, #tpu.memory_space<hbm>> -> memref<1x10240xf32, #tpu.memory_space<hbm>>
      %dma_wait3A_133 = tpu.memref_squeeze %dma_wait3A_132 : memref<1x10240xf32, #tpu.memory_space<hbm>> -> memref<10240xf32, #tpu.memory_space<hbm>>
      %dma_wait3A_134 = arith.constant 0 : i32
      %dma_wait3A_135 = tpu.memref_slice %arg4[%add3A, %dma_wait3A_134] : memref<32x10240xf32, #tpu.memory_space<hbm>> -> memref<1x10240xf32, #tpu.memory_space<hbm>>
      %dma_wait3A_136 = tpu.memref_squeeze %dma_wait3A_135 : memref<1x10240xf32, #tpu.memory_space<hbm>> -> memref<10240xf32, #tpu.memory_space<hbm>>
      tpu.wait_dma2 semaphore(%run_scoped3A : memref<!tpu.dma_semaphore, #tpu.memory_space<semaphore_mem>>) src(%arg11 : memref<10240xf32, #tpu.memory_space<vmem>>) dst(%dma_wait3A_136 : memref<10240xf32, #tpu.memory_space<hbm>>)
      tpu.yield
    }) : () -> ()
    "tpu.region"() ({
      %run_scoped3A = tpu.sem_alloc : memref<!tpu.dma_semaphore, #tpu.memory_space<semaphore_mem>>
      %dma_start3A = arith.constant 0 : i32
      %dma_start3A_127 = tpu.memref_slice %arg5[%add3A, %dma_start3A] : memref<32x10240xf32, #tpu.memory_space<hbm>> -> memref<1x10240xf32, #tpu.memory_space<hbm>>
      %dma_start3A_128 = tpu.memref_squeeze %dma_start3A_127 : memref<1x10240xf32, #tpu.memory_space<hbm>> -> memref<10240xf32, #tpu.memory_space<hbm>>
      %dma_start3A_129 = arith.constant 0 : i32
      %dma_start3A_130 = tpu.memref_slice %arg5[%add3A, %dma_start3A_129] : memref<32x10240xf32, #tpu.memory_space<hbm>> -> memref<1x10240xf32, #tpu.memory_space<hbm>>
      %dma_start3A_131 = tpu.memref_squeeze %dma_start3A_130 : memref<1x10240xf32, #tpu.memory_space<hbm>> -> memref<10240xf32, #tpu.memory_space<hbm>>
      tpu.enqueue_dma source(%arg12 : memref<10240xf32, #tpu.memory_space<vmem>>) target(%dma_start3A_131 : memref<10240xf32, #tpu.memory_space<hbm>>) target_semaphore(%run_scoped3A : memref<!tpu.dma_semaphore, #tpu.memory_space<semaphore_mem>>)
      %dma_wait3A = arith.constant 0 : i32
      %dma_wait3A_132 = tpu.memref_slice %arg5[%add3A, %dma_wait3A] : memref<32x10240xf32, #tpu.memory_space<hbm>> -> memref<1x10240xf32, #tpu.memory_space<hbm>>
      %dma_wait3A_133 = tpu.memref_squeeze %dma_wait3A_132 : memref<1x10240xf32, #tpu.memory_space<hbm>> -> memref<10240xf32, #tpu.memory_space<hbm>>
      %dma_wait3A_134 = arith.constant 0 : i32
      %dma_wait3A_135 = tpu.memref_slice %arg5[%add3A, %dma_wait3A_134] : memref<32x10240xf32, #tpu.memory_space<hbm>> -> memref<1x10240xf32, #tpu.memory_space<hbm>>
      %dma_wait3A_136 = tpu.memref_squeeze %dma_wait3A_135 : memref<1x10240xf32, #tpu.memory_space<hbm>> -> memref<10240xf32, #tpu.memory_space<hbm>>
      tpu.wait_dma2 semaphore(%run_scoped3A : memref<!tpu.dma_semaphore, #tpu.memory_space<semaphore_mem>>) src(%arg12 : memref<10240xf32, #tpu.memory_space<vmem>>) dst(%dma_wait3A_136 : memref<10240xf32, #tpu.memory_space<hbm>>)
      tpu.yield
    }) : () -> ()
    "tpu.region"() ({
      %run_scoped3A = tpu.sem_alloc : memref<!tpu.dma_semaphore, #tpu.memory_space<semaphore_mem>>
      %dma_start3A = arith.constant 0 : i32
      %dma_start3A_127 = tpu.memref_slice %arg6[%add3A, %dma_start3A] : memref<32x10240xi32, #tpu.memory_space<hbm>> -> memref<1x10240xi32, #tpu.memory_space<hbm>>
      %dma_start3A_128 = tpu.memref_squeeze %dma_start3A_127 : memref<1x10240xi32, #tpu.memory_space<hbm>> -> memref<10240xi32, #tpu.memory_space<hbm>>
      %dma_start3A_129 = arith.constant 0 : i32
      %dma_start3A_130 = tpu.memref_slice %arg6[%add3A, %dma_start3A_129] : memref<32x10240xi32, #tpu.memory_space<hbm>> -> memref<1x10240xi32, #tpu.memory_space<hbm>>
      %dma_start3A_131 = tpu.memref_squeeze %dma_start3A_130 : memref<1x10240xi32, #tpu.memory_space<hbm>> -> memref<10240xi32, #tpu.memory_space<hbm>>
      tpu.enqueue_dma source(%arg13 : memref<10240xi32, #tpu.memory_space<vmem>>) target(%dma_start3A_131 : memref<10240xi32, #tpu.memory_space<hbm>>) target_semaphore(%run_scoped3A : memref<!tpu.dma_semaphore, #tpu.memory_space<semaphore_mem>>)
      %dma_wait3A = arith.constant 0 : i32
      %dma_wait3A_132 = tpu.memref_slice %arg6[%add3A, %dma_wait3A] : memref<32x10240xi32, #tpu.memory_space<hbm>> -> memref<1x10240xi32, #tpu.memory_space<hbm>>
      %dma_wait3A_133 = tpu.memref_squeeze %dma_wait3A_132 : memref<1x10240xi32, #tpu.memory_space<hbm>> -> memref<10240xi32, #tpu.memory_space<hbm>>
      %dma_wait3A_134 = arith.constant 0 : i32
      %dma_wait3A_135 = tpu.memref_slice %arg6[%add3A, %dma_wait3A_134] : memref<32x10240xi32, #tpu.memory_space<hbm>> -> memref<1x10240xi32, #tpu.memory_space<hbm>>
      %dma_wait3A_136 = tpu.memref_squeeze %dma_wait3A_135 : memref<1x10240xi32, #tpu.memory_space<hbm>> -> memref<10240xi32, #tpu.memory_space<hbm>>
      tpu.wait_dma2 semaphore(%run_scoped3A : memref<!tpu.dma_semaphore, #tpu.memory_space<semaphore_mem>>) src(%arg13 : memref<10240xi32, #tpu.memory_space<vmem>>) dst(%dma_wait3A_136 : memref<10240xi32, #tpu.memory_space<hbm>>)
      tpu.yield
    }) : () -> ()
    "tpu.region"() ({
      %run_scoped3A = tpu.sem_alloc : memref<!tpu.dma_semaphore, #tpu.memory_space<semaphore_mem>>
      %dma_start3A = arith.constant 0 : i32
      %dma_start3A_127 = tpu.memref_slice %arg7[%add3A, %dma_start3A] : memref<32x10240xi32, #tpu.memory_space<hbm>> -> memref<1x10240xi32, #tpu.memory_space<hbm>>
      %dma_start3A_128 = tpu.memref_squeeze %dma_start3A_127 : memref<1x10240xi32, #tpu.memory_space<hbm>> -> memref<10240xi32, #tpu.memory_space<hbm>>
      %dma_start3A_129 = arith.constant 0 : i32
      %dma_start3A_130 = tpu.memref_slice %arg7[%add3A, %dma_start3A_129] : memref<32x10240xi32, #tpu.memory_space<hbm>> -> memref<1x10240xi32, #tpu.memory_space<hbm>>
      %dma_start3A_131 = tpu.memref_squeeze %dma_start3A_130 : memref<1x10240xi32, #tpu.memory_space<hbm>> -> memref<10240xi32, #tpu.memory_space<hbm>>
      tpu.enqueue_dma source(%arg14 : memref<10240xi32, #tpu.memory_space<vmem>>) target(%dma_start3A_131 : memref<10240xi32, #tpu.memory_space<hbm>>) target_semaphore(%run_scoped3A : memref<!tpu.dma_semaphore, #tpu.memory_space<semaphore_mem>>)
      %dma_wait3A = arith.constant 0 : i32
      %dma_wait3A_132 = tpu.memref_slice %arg7[%add3A, %dma_wait3A] : memref<32x10240xi32, #tpu.memory_space<hbm>> -> memref<1x10240xi32, #tpu.memory_space<hbm>>
      %dma_wait3A_133 = tpu.memref_squeeze %dma_wait3A_132 : memref<1x10240xi32, #tpu.memory_space<hbm>> -> memref<10240xi32, #tpu.memory_space<hbm>>
      %dma_wait3A_134 = arith.constant 0 : i32
      %dma_wait3A_135 = tpu.memref_slice %arg7[%add3A, %dma_wait3A_134] : memref<32x10240xi32, #tpu.memory_space<hbm>> -> memref<1x10240xi32, #tpu.memory_space<hbm>>
      %dma_wait3A_136 = tpu.memref_squeeze %dma_wait3A_135 : memref<1x10240xi32, #tpu.memory_space<hbm>> -> memref<10240xi32, #tpu.memory_space<hbm>>
      tpu.wait_dma2 semaphore(%run_scoped3A : memref<!tpu.dma_semaphore, #tpu.memory_space<semaphore_mem>>) src(%arg14 : memref<10240xi32, #tpu.memory_space<vmem>>) dst(%dma_wait3A_136 : memref<10240xi32, #tpu.memory_space<hbm>>)
      tpu.yield
    }) : () -> ()
    return
  }
}

module attributes {stable_mosaic.version = 14 : i64} {
  func.func @_prep_body(%arg0: memref<10240x128xf32, #tpu.memory_space<vmem>>, %arg1: memref<32x10240xf32, #tpu.memory_space<vmem>>, %arg2: memref<32x10240xf32, #tpu.memory_space<vmem>>, %arg3: memref<10240x128xf32, #tpu.memory_space<vmem>>, %arg4: memref<10240x1xf32, #tpu.memory_space<vmem>>, %arg5: memref<10240x1xf32, #tpu.memory_space<vmem>>) attributes {dimension_semantics = [], scalar_prefetch = 0 : i64, scratch_operands = 0 : i64, tpu.core_type = #tpu.core_type<tc>} {
    %get3A = arith.constant 0 : index
    %get3A_0 = arith.constant 0 : index
    %get3A_1 = vector.load %arg1[%get3A, %get3A_0] : memref<32x10240xf32, #tpu.memory_space<vmem>>, vector<32x10240xf32>
    %reduce_sum3A = arith.constant dense<0.000000e+00> : vector<10240xf32>
    %reduce_sum3A_2 = vector.multi_reduction <add>, %get3A_1, %reduce_sum3A [0] : vector<32x10240xf32> to vector<10240xf32>
    %get3A_3 = arith.constant 0 : index
    %get3A_4 = arith.constant 0 : index
    %get3A_5 = vector.load %arg2[%get3A_3, %get3A_4] : memref<32x10240xf32, #tpu.memory_space<vmem>>, vector<32x10240xf32>
    %reduce_sum3A_6 = arith.constant dense<0.000000e+00> : vector<10240xf32>
    %reduce_sum3A_7 = vector.multi_reduction <add>, %get3A_5, %reduce_sum3A_6 [0] : vector<32x10240xf32> to vector<10240xf32>
    %max3A = arith.constant 1.000000e+00 : f32
    %max3A_8 = vector.broadcast %max3A : f32 to vector<10240xf32>
    %max3A_9 = arith.maximumf %reduce_sum3A_2, %max3A_8 : vector<10240xf32>
    %rsqrt3A = math.rsqrt %max3A_9 : vector<10240xf32>
    %max3A_10 = arith.constant 1.000000e+00 : f32
    %max3A_11 = vector.broadcast %max3A_10 : f32 to vector<10240xf32>
    %max3A_12 = arith.maximumf %reduce_sum3A_7, %max3A_11 : vector<10240xf32>
    %rsqrt3A_13 = math.rsqrt %max3A_12 : vector<10240xf32>
    %broadcast_in_dim3A = vector.shape_cast %rsqrt3A : vector<10240xf32> to vector<10240x1xf32>
    %swap3A = arith.constant 0 : index
    %swap3A_14 = arith.constant 0 : index
    %swap3A_15 = vector.load %arg4[%swap3A, %swap3A_14] : memref<10240x1xf32, #tpu.memory_space<vmem>>, vector<10240x1xf32>
    tpu.vector_store %arg4[%swap3A, %swap3A_14], %broadcast_in_dim3A {strides = array<i32>} : memref<10240x1xf32, #tpu.memory_space<vmem>>, vector<10240x1xf32>,
    %broadcast_in_dim3A_16 = vector.shape_cast %rsqrt3A_13 : vector<10240xf32> to vector<10240x1xf32>
    %swap3A_17 = arith.constant 0 : index
    %swap3A_18 = arith.constant 0 : index
    %swap3A_19 = vector.load %arg5[%swap3A_17, %swap3A_18] : memref<10240x1xf32, #tpu.memory_space<vmem>>, vector<10240x1xf32>
    tpu.vector_store %arg5[%swap3A_17, %swap3A_18], %broadcast_in_dim3A_16 {strides = array<i32>} : memref<10240x1xf32, #tpu.memory_space<vmem>>, vector<10240x1xf32>,
    %get3A_20 = arith.constant 0 : index
    %get3A_21 = arith.constant 0 : index
    %get3A_22 = vector.load %arg0[%get3A_20, %get3A_21] : memref<10240x128xf32, #tpu.memory_space<vmem>>, vector<10240x128xf32>
    %broadcast_in_dim3A_23 = vector.shape_cast %rsqrt3A : vector<10240xf32> to vector<10240x1xf32>
    %mul3A = vector.broadcast %broadcast_in_dim3A_23 : vector<10240x1xf32> to vector<10240x128xf32>
    %mul3A_24 = arith.mulf %get3A_22, %mul3A : vector<10240x128xf32>
    %swap3A_25 = arith.constant 0 : index
    %swap3A_26 = arith.constant 0 : index
    %swap3A_27 = vector.load %arg3[%swap3A_25, %swap3A_26] : memref<10240x128xf32, #tpu.memory_space<vmem>>, vector<10240x128xf32>
    tpu.vector_store %arg3[%swap3A_25, %swap3A_26], %mul3A_24 {strides = array<i32>} : memref<10240x128xf32, #tpu.memory_space<vmem>>, vector<10240x128xf32>,
    return
  }
}

module attributes {stable_mosaic.version = 14 : i64} {
  func.func @_mm1_body(%arg0: i32, %arg1: memref<2x1280x128xf32, #tpu.memory_space<vmem>>, %arg2: memref<1280x1xf32, #tpu.memory_space<vmem>>, %arg3: memref<1280x1xf32, #tpu.memory_space<vmem>>, %arg4: memref<128x128xf32, #tpu.memory_space<vmem>>, %arg5: memref<1x128xf32, #tpu.memory_space<vmem>>, %arg6: memref<1280x128xf32, #tpu.memory_space<vmem>>) attributes {dimension_semantics = [#tpu.dimension_semantics<arbitrary>], iteration_bounds = array<i64: 8>, scalar_prefetch = 0 : i64, scratch_operands = 0 : i64, tpu.core_type = #tpu.core_type<tc>, window_params = [{transform_indices = @transform_0, window_bounds = array<i64: 2, 1280, 128>}, {transform_indices = @transform_1, window_bounds = array<i64: 1280, 1>}, {transform_indices = @transform_2, window_bounds = array<i64: 1280, 1>}, {pipeline_mode = #tpu.pipeline_mode<synchronous>, transform_indices = @transform_3, window_bounds = array<i64: 128, 128>}, {pipeline_mode = #tpu.pipeline_mode<synchronous>, transform_indices = @transform_4, window_bounds = array<i64: 1, 128>}, {transform_indices = @transform_5, window_bounds = array<i64: 1280, 128>}]} {
    %get3A = arith.constant 0 : index
    %get3A_0 = arith.constant 0 : index
    %get3A_1 = arith.constant 0 : index
    %get3A_2 = vector.load %arg1[%get3A, %get3A_0, %get3A_1] : memref<2x1280x128xf32, #tpu.memory_space<vmem>>, vector<1x1280x128xf32>
    %get3A_3 = vector.shape_cast %get3A_2 : vector<1x1280x128xf32> to vector<1280x128xf32>
    %get3A_4 = arith.constant 1 : index
    %get3A_5 = arith.constant 0 : index
    %get3A_6 = arith.constant 0 : index
    %get3A_7 = vector.load %arg1[%get3A_4, %get3A_5, %get3A_6] : memref<2x1280x128xf32, #tpu.memory_space<vmem>>, vector<1x1280x128xf32>
    %get3A_8 = vector.shape_cast %get3A_7 : vector<1x1280x128xf32> to vector<1280x128xf32>
    %add3A = arith.addf %get3A_3, %get3A_8 : vector<1280x128xf32>
    %get3A_9 = arith.constant 0 : index
    %get3A_10 = arith.constant 0 : index
    %get3A_11 = vector.load %arg2[%get3A_9, %get3A_10] : memref<1280x1xf32, #tpu.memory_space<vmem>>, vector<1280x1xf32>
    %mul3A = vector.broadcast %get3A_11 : vector<1280x1xf32> to vector<1280x128xf32>
    %mul3A_12 = arith.mulf %add3A, %mul3A : vector<1280x128xf32>
    %get3A_13 = arith.constant 0 : index
    %get3A_14 = arith.constant 0 : index
    %get3A_15 = vector.load %arg4[%get3A_13, %get3A_14] : memref<128x128xf32, #tpu.memory_space<vmem>>, vector<128x128xf32>
    %dot_general3A = arith.constant dense<0.000000e+00> : vector<1280x128xf32>
    %dot_general3A_16 = tpu.matmul %mul3A_12, %get3A_15, %dot_general3A {dimension_numbers = #tpu.dot_dimension_numbers<[1], [0], [0], [1], [0, 0, 1, 1], [], []>, transpose_lhs_hint = false} : vector<1280x128xf32>, vector<128x128xf32>, vector<1280x128xf32> -> vector<1280x128xf32>
    %get3A_17 = arith.constant 0 : index
    %get3A_18 = arith.constant 0 : index
    %get3A_19 = vector.load %arg5[%get3A_17, %get3A_18] : memref<1x128xf32, #tpu.memory_space<vmem>>, vector<1x128xf32>
    %add3A_20 = vector.broadcast %get3A_19 : vector<1x128xf32> to vector<1280x128xf32>
    %add3A_21 = arith.addf %dot_general3A_16, %add3A_20 : vector<1280x128xf32>
    %gt3A = arith.constant 0.000000e+00 : f32
    %gt3A_22 = vector.broadcast %gt3A : f32 to vector<1280x128xf32>
    %gt3A_23 = arith.cmpf ogt, %add3A_21, %gt3A_22 : vector<1280x128xf32>
    %mul3A_24 = arith.constant 0.00999999977 : f32
    %mul3A_25 = vector.broadcast %mul3A_24 : f32 to vector<1280x128xf32>
    %mul3A_26 = arith.mulf %mul3A_25, %add3A_21 : vector<1280x128xf32>
    %select_n3A = arith.select %gt3A_23, %add3A_21, %mul3A_26 : vector<1280x128xi1>, vector<1280x128xf32>
    %get3A_27 = arith.constant 0 : index
    %get3A_28 = arith.constant 0 : index
    %get3A_29 = vector.load %arg3[%get3A_27, %get3A_28] : memref<1280x1xf32, #tpu.memory_space<vmem>>, vector<1280x1xf32>
    %mul3A_30 = vector.broadcast %get3A_29 : vector<1280x1xf32> to vector<1280x128xf32>
    %mul3A_31 = arith.mulf %select_n3A, %mul3A_30 : vector<1280x128xf32>
    %swap3A = arith.constant 0 : index
    %swap3A_32 = arith.constant 0 : index
    %swap3A_33 = vector.load %arg6[%swap3A, %swap3A_32] : memref<1280x128xf32, #tpu.memory_space<vmem>>, vector<1280x128xf32>
    tpu.vector_store %arg6[%swap3A, %swap3A_32], %mul3A_31 {strides = array<i32>} : memref<1280x128xf32, #tpu.memory_space<vmem>>, vector<1280x128xf32>,
    return
  }
  func.func @transform_0(%arg0: i32) -> (i32, i32, i32) {
    %c0_i32 = arith.constant 0 : i32
    %c0_i32_0 = arith.constant 0 : i32
    %c0_i32_1 = arith.constant 0 : i32
    return %c0_i32, %arg0, %c0_i32_0 : i32, i32, i32
  }
  func.func @transform_1(%arg0: i32) -> (i32, i32) {
    %c0_i32 = arith.constant 0 : i32
    %c0_i32_0 = arith.constant 0 : i32
    return %arg0, %c0_i32 : i32, i32
  }
  func.func @transform_2(%arg0: i32) -> (i32, i32) {
    %c0_i32 = arith.constant 0 : i32
    %c0_i32_0 = arith.constant 0 : i32
    return %arg0, %c0_i32 : i32, i32
  }
  func.func @transform_3(%arg0: i32) -> (i32, i32) {
    %c0_i32 = arith.constant 0 : i32
    %c0_i32_0 = arith.constant 0 : i32
    %c0_i32_1 = arith.constant 0 : i32
    return %c0_i32, %c0_i32_0 : i32, i32
  }
  func.func @transform_4(%arg0: i32) -> (i32, i32) {
    %c0_i32 = arith.constant 0 : i32
    %c0_i32_0 = arith.constant 0 : i32
    %c0_i32_1 = arith.constant 0 : i32
    return %c0_i32, %c0_i32_0 : i32, i32
  }
  func.func @transform_5(%arg0: i32) -> (i32, i32) {
    %c0_i32 = arith.constant 0 : i32
    %c0_i32_0 = arith.constant 0 : i32
    return %arg0, %c0_i32 : i32, i32
  }
}

module attributes {stable_mosaic.version = 14 : i64} {
  func.func @_fin_body(%arg0: memref<2x1x1024x128xf32, #tpu.memory_space<vmem>>, %arg1: memref<1024x1xf32, #tpu.memory_space<vmem>>, %arg2: memref<128x128xf32, #tpu.memory_space<vmem>>, %arg3: memref<1x128xf32, #tpu.memory_space<vmem>>, %arg4: memref<128x128xf32, #tpu.memory_space<vmem>>, %arg5: memref<1x128xf32, #tpu.memory_space<vmem>>, %arg6: memref<1x128xf32, #tpu.memory_space<vmem>>, %arg7: memref<1x128xf32, #tpu.memory_space<vmem>>) attributes {dimension_semantics = [], scalar_prefetch = 0 : i64, scratch_operands = 0 : i64, tpu.core_type = #tpu.core_type<tc>} {
    %get3A = arith.constant 0 : index
    %get3A_0 = arith.constant 0 : index
    %get3A_1 = arith.constant 0 : index
    %get3A_2 = arith.constant 0 : index
    %get3A_3 = vector.load %arg0[%get3A, %get3A_0, %get3A_1, %get3A_2] : memref<2x1x1024x128xf32, #tpu.memory_space<vmem>>, vector<1x1x1024x128xf32>
    %get3A_4 = vector.shape_cast %get3A_3 : vector<1x1x1024x128xf32> to vector<1024x128xf32>
    %get3A_5 = arith.constant 1 : index
    %get3A_6 = arith.constant 0 : index
    %get3A_7 = arith.constant 0 : index
    %get3A_8 = arith.constant 0 : index
    %get3A_9 = vector.load %arg0[%get3A_5, %get3A_6, %get3A_7, %get3A_8] : memref<2x1x1024x128xf32, #tpu.memory_space<vmem>>, vector<1x1x1024x128xf32>
    %get3A_10 = vector.shape_cast %get3A_9 : vector<1x1x1024x128xf32> to vector<1024x128xf32>
    %add3A = arith.addf %get3A_4, %get3A_10 : vector<1024x128xf32>
    %get3A_11 = arith.constant 0 : index
    %get3A_12 = arith.constant 0 : index
    %get3A_13 = vector.load %arg1[%get3A_11, %get3A_12] : memref<1024x1xf32, #tpu.memory_space<vmem>>, vector<1024x1xf32>
    %mul3A = vector.broadcast %get3A_13 : vector<1024x1xf32> to vector<1024x128xf32>
    %mul3A_14 = arith.mulf %add3A, %mul3A : vector<1024x128xf32>
    %get3A_15 = arith.constant 0 : index
    %get3A_16 = arith.constant 0 : index
    %get3A_17 = vector.load %arg2[%get3A_15, %get3A_16] : memref<128x128xf32, #tpu.memory_space<vmem>>, vector<128x128xf32>
    %dot_general3A = arith.constant dense<0.000000e+00> : vector<1024x128xf32>
    %dot_general3A_18 = tpu.matmul %mul3A_14, %get3A_17, %dot_general3A {dimension_numbers = #tpu.dot_dimension_numbers<[1], [0], [0], [1], [0, 0, 1, 1], [], []>, transpose_lhs_hint = false} : vector<1024x128xf32>, vector<128x128xf32>, vector<1024x128xf32> -> vector<1024x128xf32>
    %get3A_19 = arith.constant 0 : index
    %get3A_20 = arith.constant 0 : index
    %get3A_21 = vector.load %arg3[%get3A_19, %get3A_20] : memref<1x128xf32, #tpu.memory_space<vmem>>, vector<1x128xf32>
    %add3A_22 = vector.broadcast %get3A_21 : vector<1x128xf32> to vector<1024x128xf32>
    %add3A_23 = arith.addf %dot_general3A_18, %add3A_22 : vector<1024x128xf32>
    %gt3A = arith.constant 0.000000e+00 : f32
    %gt3A_24 = vector.broadcast %gt3A : f32 to vector<1024x128xf32>
    %gt3A_25 = arith.cmpf ogt, %add3A_23, %gt3A_24 : vector<1024x128xf32>
    %mul3A_26 = arith.constant 0.00999999977 : f32
    %mul3A_27 = vector.broadcast %mul3A_26 : f32 to vector<1024x128xf32>
    %mul3A_28 = arith.mulf %mul3A_27, %add3A_23 : vector<1024x128xf32>
    %select_n3A = arith.select %gt3A_25, %add3A_23, %mul3A_28 : vector<1024x128xi1>, vector<1024x128xf32>
    %reduce_sum3A = arith.constant dense<0.000000e+00> : vector<128xf32>
    %reduce_sum3A_29 = vector.multi_reduction <add>, %select_n3A, %reduce_sum3A [0] : vector<1024x128xf32> to vector<128xf32>
    %broadcast_in_dim3A = vector.shape_cast %reduce_sum3A_29 : vector<128xf32> to vector<1x128xf32>
    %get3A_30 = arith.constant 0 : index
    %get3A_31 = arith.constant 0 : index
    %get3A_32 = vector.load %arg6[%get3A_30, %get3A_31] : memref<1x128xf32, #tpu.memory_space<vmem>>, vector<1x128xf32>
    %mul3A_33 = arith.mulf %broadcast_in_dim3A, %get3A_32 : vector<1x128xf32>
    %get3A_34 = arith.constant 0 : index
    %get3A_35 = arith.constant 0 : index
    %get3A_36 = vector.load %arg4[%get3A_34, %get3A_35] : memref<128x128xf32, #tpu.memory_space<vmem>>, vector<128x128xf32>
    %dot_general3A_37 = arith.constant dense<0.000000e+00> : vector<1x128xf32>
    %dot_general3A_38 = tpu.matmul %mul3A_33, %get3A_36, %dot_general3A_37 {dimension_numbers = #tpu.dot_dimension_numbers<[1], [0], [0], [1], [0, 0, 1, 1], [], []>, transpose_lhs_hint = false} : vector<1x128xf32>, vector<128x128xf32>, vector<1x128xf32> -> vector<1x128xf32>
    %get3A_39 = arith.constant 0 : index
    %get3A_40 = arith.constant 0 : index
    %get3A_41 = vector.load %arg5[%get3A_39, %get3A_40] : memref<1x128xf32, #tpu.memory_space<vmem>>, vector<1x128xf32>
    %add3A_42 = arith.addf %dot_general3A_38, %get3A_41 : vector<1x128xf32>
    %swap3A = arith.constant 0 : index
    %swap3A_43 = arith.constant 0 : index
    %swap3A_44 = vector.load %arg7[%swap3A, %swap3A_43] : memref<1x128xf32, #tpu.memory_space<vmem>>, vector<1x128xf32>
    tpu.vector_store %arg7[%swap3A, %swap3A_43], %add3A_42 {strides = array<i32>} : memref<1x128xf32, #tpu.memory_space<vmem>>, vector<1x128xf32>,
    return
  }
}

</mosaic_0001>

<sc_bundles>
// kernel: kernel.11.cloned.1.call-start
scs
__scs_entry_jumppad:
0x0: {  	(pc) =	sbr.rel $0x88, $3  }
0x1: {  	(tag) =	ssettag $0x0;
	lr =	simm.s32 $0x1  }
0x2: {  	[smem:$0x3F98] =	sst lr;
	_ =	strace $0xD0000000  }
0x3: {  	_ = 	snop  }
0x4: {  	_ = 	snop  }
0x5: {  	_ = 	snop  }
0x6: {  	_ = 	snop  }
0x7: {  	_ = 	snop  }
__scs_overlays_trampoline_lowered:
0x8: {  	[smem:$0x3FA7] =	sst s0  }
0x9: {  	[smem:$0x3FA8] =	sst s1  }
0xa: {  	[smem:$0x3FA9] =	sst s2  }
0xb: {  	[smem:$0x3FAA] =	sst s3  }
0xc: {  	[smem:$0x3FAB] =	sst s4  }
0xd: {  	[smem:$0x3FAC] =	sst s5  }
0xe: {  	[smem:$0x3FAD] =	sst s6  }
0xf: {  	[smem:$0x3FAE] =	sst s7  }
0x10: {  	[smem:$0x3FAF] =	sst s8  }
0x11: {  	[smem:$0x3FB0] =	sst s9;
	s0 =	simm.s32 @!p0 $0x0  }
0x12: {  	s1 =	sld [smem:$0x3F96];
	s0 =	simm.s32 @p0 $0x1  }
0x13: {  	[smem:$0x3FB1] =	sst s0;
	s0 =	simm.s32 @!p1 $0x0  }
0x14: {  	s2 =	sld [smem:$0x3F95];
	s0 =	simm.s32 @p1 $0x1  }
0x15: {  	[smem:$0x3FB2] =	sst s0;
	s0 =	simm.s32 @!p2 $0x0  }
0x16: {  	s3 =	sld [smem:$0x3FDB];
	s0 =	simm.s32 @p2 $0x1  }
0x17: {  	s4 =	simm.s32 $0x1BF5;
	[smem:$0x3FB4] =	sst s0  }
0x18: {  	s0 =	sld [smem:$0x3F97];
	_ =	swait.ge [sflag:s4], $0x0  }
0x19: {  	s7 =	sld [smem:$0x3F98]  }
0x1a: {  	s8 =	sadd.s32 $0xFFFFE003, lr  }
0x1b: {  	s9 =	sadd.s32 $0xFFFFFEF7, lr;
	s5 =	simm.s32 $0xFFFFFFFF;
	p2 =	slt.u32 s8, $0xFFFFF086  }
0x1c: {  	p1 =	slt.u32 s9, $0xF7A;
	s5 =	simm.s32 @!p2 $0x0  }
0x1d: {  	s5 =	simm.s32 @p1 $0x1;
	p0 =	seq.s32 s7, s2  }
0x1e: {  	s7 =	smul.u32 @!p0 $0xF7A, s2;
	p2 =	seq.s32 @!p0 s5, $0x0  }
0x1f: {  	s9 =	smul.u32 $0xF7A, s1;
	s8 =	simm.s32 @!p0 $0x1BF5;
	p2 =	por !p2, p0  }
0x20: {  	[sflag:s8] =	ssyncset.s32 @!p0 $0xFFFFF086;
	s6 =	sadd.s32 @!p0 s3, s7;
	s7 =	simm.s32 @!p0 $0x108  }
0x21: {  	s3 =	sadd.s32 s3, s9;
	s6 =	sadd.s32 @!p0 $0x88, s6;
	s7 =	simm.s32 @p2 $0x1082  }
0x22: {  	[simem:s7], [sflag:s8] =	dma.local @!p0 [hbm:s6], $0xF7A  }
0x23: {  	s9 =	sor.u32 $0xD0000000, s2;
	s6 =	simm.s32 $0x108;
	_ =	swait.ge @!p0 [sflag:s8], $0x0  }
0x24: {  	s3 =	sadd.s32 $0x88, s3;
	s6 =	simm.s32 @!p1 $0x1082;
	[sflag:s4] =	ssyncset.s32 $0xFFFFF086  }
0x25: {  	[simem:s6], [sflag:s4] =	dma.local [hbm:s3], $0xF7A  }
0x26: {  	[smem:$0x3F98] =	sst s1;
	(tag) =	ssettag s2;
	_ =	strace s9  }
0x27: {  	s1 =	sld [smem:$0x3FA8]  }
0x28: {  	s2 =	sld [smem:$0x3FA9]  }
0x29: {  	s4 =	sld [smem:$0x3FAB]  }
0x2a: {  	p0 =	seq.s32 s5, $0x0;
	s5 =	sld [smem:$0x3FAC]  }
0x2b: {  	s6 =	sld [smem:$0x3FAD]  }
0x2c: {  	s7 =	sld [smem:$0x3FAE]  }
0x2d: {  	s3 =	simm.s32 $0x108;
	s8 =	sld [smem:$0x3FAF]  }
0x2e: {  	s3 =	simm.s32 @!p0 $0x1082;
	s9 =	sld [smem:$0x3FB0]  }
0x2f: {  	lr =	sadd.s32 s0, s3;
	s0 =	sld [smem:$0x3FA7]  }
0x30: {  	s3 =	sld [smem:$0x3FAA]  }
0x31: {  	[smem:$0x3FB3] =	sst s10  }
0x32: {  	s10 =	sld [smem:$0x3FB1];
	_ =	sdelay $0x3  }
0x33: {  	p0 =	seq.s32 s10, $0x1;
	s10 =	sld [smem:$0x3FB3];
	_ =	sdelay $0x3  }
0x34: {  	[smem:$0x3FB3] =	sst s10  }
0x35: {  	s10 =	sld [smem:$0x3FB2];
	_ =	sdelay $0x3  }
0x36: {  	p1 =	seq.s32 s10, $0x1;
	s10 =	sld [smem:$0x3FB3];
	_ =	sdelay $0x3  }
0x37: {  	[smem:$0x3FB3] =	sst s10  }
0x38: {  	s10 =	sld [smem:$0x3FB4]  }
0x39: {  	_ = 	snop;
	(pc) =	sbr.ind lr, $3  }
0x3a: {  	_ = 	snop  }
0x3b: {  	_ = 	snop  }
0x3c: {  	p2 =	seq.s32 s10, $0x1;
	s10 =	sld [smem:$0x3FB3]  }
0x3d: {  	_ =	shalt  }
0x3e: {  	_ =	shalt  }
0x3f: {  	_ =	shalt  }
0x40: {  	_ =	shalt  }
0x41: {  	_ =	shalt  }
0x42: {  	_ =	shalt  }
0x43: {  	_ =	shalt  }
0x44: {  	_ =	shalt  }
0x45: {  	_ =	shalt  }
0x46: {  	_ =	shalt  }
0x47: {  	_ =	shalt  }
0x48: {  	_ =	shalt  }
0x49: {  	_ =	shalt  }
0x4a: {  	_ =	shalt  }
0x4b: {  	_ =	shalt  }
0x4c: {  	_ =	shalt  }
0x4d: {  	_ =	shalt  }
0x4e: {  	_ =	shalt  }
0x4f: {  	_ =	shalt  }
0x50: {  	_ =	shalt  }
0x51: {  	_ =	shalt  }
0x52: {  	_ =	shalt  }
0x53: {  	_ =	shalt  }
0x54: {  	_ =	shalt  }
0x55: {  	_ =	shalt  }
0x56: {  	_ =	shalt  }
0x57: {  	_ =	shalt  }
0x58: {  	_ =	shalt  }
0x59: {  	_ =	shalt  }
0x5a: {  	_ =	shalt  }
0x5b: {  	_ =	shalt  }
0x5c: {  	_ =	shalt  }
0x5d: {  	_ =	shalt  }
0x5e: {  	_ =	shalt  }
0x5f: {  	_ =	shalt  }
0x60: {  	_ =	shalt  }
0x61: {  	_ =	shalt  }
0x62: {  	_ =	shalt  }
0x63: {  	_ =	shalt  }
0x64: {  	_ =	shalt  }
0x65: {  	_ =	shalt  }
0x66: {  	_ =	shalt  }
0x67: {  	_ =	shalt  }
0x68: {  	_ =	shalt  }
0x69: {  	_ =	shalt  }
0x6a: {  	_ =	shalt  }
0x6b: {  	_ =	shalt  }
0x6c: {  	_ =	shalt  }
0x6d: {  	_ =	shalt  }
0x6e: {  	_ =	shalt  }
0x6f: {  	_ =	shalt  }
0x70: {  	_ =	shalt  }
0x71: {  	_ =	shalt  }
0x72: {  	_ =	shalt  }
0x73: {  	_ =	shalt  }
0x74: {  	_ =	shalt  }
0x75: {  	_ =	shalt  }
0x76: {  	_ =	shalt  }
0x77: {  	_ =	shalt  }
0x78: {  	_ =	shalt  }
0x79: {  	_ =	shalt  }
0x7a: {  	_ =	shalt  }
0x7b: {  	_ =	shalt  }
0x7c: {  	_ =	shalt  }
0x7d: {  	_ =	shalt  }
0x7e: {  	_ =	shalt  }
0x7f: {  	_ =	shalt  }
0x80: {  	_ =	shalt  }
0x81: {  	_ =	shalt  }
0x82: {  	_ =	shalt  }
0x83: {  	_ =	shalt  }
0x84: {  	_ =	shalt  }
0x85: {  	_ =	shalt  }
0x86: {  	_ =	shalt  }
0x87: {  	_ =	shalt  }
.Lfunc_end0:
.L_simem_size_0:
called_computation.1_lowered:
.L_overlay_start_0:
0x88: {  	s2 =	sld [smem:$0x3FD9]  }
0x89: {  	s3 =	sld [smem:$0x3FFE];
	_ =	sdelay $0x1  }
0x8a: {  	s1 =	srdreg.scid  }
0x8b: {  	s0 =	sand.u32 $0x1, s1  }
0x8c: {  	s16 =	sshll.u32 s0, $0xA;
	s2 =	sadd.s32 s3, s2  }
0x8d: {  	s2 =	sadd.s32 s2, s16  }
0x8e: {  	[smem:$0x3FBF] =	sst s2  }
0x8f: {  	_ = 	snop  }
0x90: {  	(tm) =	ssettm $0x1  }
0x91: {  	s17 =	sld [smem:$0x3FFB];
	_ =	sdelay $0x3  }
0x92: {  	_ =	strace s17  }
0x93: {  	s2 =	sld [smem:$0x3FFC];
	_ =	sdelay $0x3  }
0x94: {  	_ =	strace s2  }
0x95: {  	s2 =	sld [smem:$0x3FFD];
	_ =	sdelay $0x3  }
0x96: {  	_ =	strace s2  }
0x97: {  	_ =	strace $0x8FFFFFFF  }
0x98: {  	s18 =	sld [smem:$0x3FDB];
	_ =	sdelay $0x1  }
0x99: {  	s19 =	simm.s32 $_scs_section_size  }
0x9a: {  	s4 =	simm.s32 $_size__tile_overlayer_lowered;
	s5 =	simm.s32 $_tile_overlayer_lowered  }
0x9b: {  	s22 =	simm.s32 $0x1BFF;
	s21 =	sshll.u32 s5, $0x1;
	s2 =	sadd.s32 s19, s18  }
0x9c: {  	s6 =	simm.s32 $0x0;
	s20 =	sshll.u32 s4, $0x1;
	s4 =	sadd.s32 s21, s2  }
0x9d: {  	[timem:s6], [sflag:s22] =	dma.local [hbm:s4], s20  }
0x9e: {  	_ =	swait.ge [sflag:s22], s20  }
0x9f: {  	s3 =	ssub.s32 $0x0, s20;
	[sflag:s22] =	ssyncset.done $0x0  }
0xa0: {  	[sflag:s22] =	ssyncadd.s32 s3;
	_ =	sdelay $0x1  }
0xa1: {  	s23 =	simm.s32 $0x1B8B  }
0xa2: {  	_ =	swait.ge [sflag:s23], $0x1  }
0xa3: {  	[sflag:s23] =	ssyncset.done $0x0  }
0xa4: {  	s25 =	simm.s32 $0x1B8E;
	s24 =	sld [smem:$0x3FFE];
	[sflag:s23] =	ssyncadd.s32 $0xFFFFFFFF  }
0xa5: {  	s26 =	simm.s32 $execute0_lowered;
	[smem:$0x3FD2] =	sst s25  }
0xa6: {  	s4 =	sshll.u32 s26, $0x1;
	_ =	strace $0x80000049;
	[dreg:$0x1] =	wrdreg $0xFFFFFFFF  }
0xa7: {  	s28 =	simm.s32 $_size_execute0_lowered;
	s2 =	sadd.s32 s2, s4;
	[dreg:$0x0] =	wrdreg $0x0  }
0xa8: {  	s4 =	sshll.u32 s28, $0x1;
	[dreg:$0x2] =	wrdreg s2  }
0xa9: {  	[dreg:$0x3] =	wrdreg s4  }
0xaa: {  	[dreg:$0x4] =	wrdreg $0xC0  }
0xab: {  	_ =	task [dreg:s6], $0x5FFFF  }
0xac: {  	[dreg:$0x1] =	wrdreg $0xFFFFFFFF  }
0xad: {  	[dreg:$0x0] =	wrdreg $0x60  }
0xae: {  	[dreg:$0x2] =	wrdreg s24  }
0xaf: {  	[dreg:$0x3] =	wrdreg $0x8B000  }
0xb0: {  	[dreg:$0x4] =	wrdreg $0x9  }
0xb1: {  	_ =	task.clear_ibuf [dreg:s6], $0x5FFFF;
	_ =	strace $0x90000049  }
0xb2: {  	s29 =	simm.s32 $0x9;
	_ =	strace $0x8000004B  }
0xb3: {  	_ =	swait.ge [sflag:s29], $0x1  }
0xb4: {  	[sflag:s29] =	ssyncadd.s32 $0xFFFFFFFF  }
0xb5: {  	_ =	strace $0x9000004B  }
0xb6: {  	_ =	sfence  }
0xb7: {  	s30 =	sld [smem:$0x0];
	_ =	sdelay $0x2  }
0xb8: {  	s31 =	sshll.u32 s1, $0xD;
	s1 =	sshrl.u32 s1, $0x2  }
0xb9: {  	s3 =	sand.u32 $0x4000, s31;
	s1 =	sadd.s32 s1, s30  }
0xba: {  	s0 =	sor.u32 s3, s0;
	s1 =	sshll.u32 s1, $0x11  }
0xbb: {  	s0 =	sor.u32 s1, s0  }
0xbc: {  	s0 =	sadd.s32 $0x8F2B, s0  }
0xbd: {  	[sflag:s0] =	ssyncadd.remote.s32 $0x1  }
0xbe: {  	_ =	sfence.sel $0xFFFF  }
0xbf: {  	[dreg:$0x0] =	wrdreg $0xFFFFFFFF;
	(pc) =	sbr.abs _section_cstart, $3  }
0xc0: {  	[dreg:$0x1] =	wrdreg $0xFFFFFFFF  }
0xc1: {  	_ =	task.clear_ibuf [dreg:s6], $0x2FFFF;
	_ =	strace $0x9FFFFFFF  }
0xc2: {  	(tm) =	ssettm $0x7FFFFFFF  }
0xc3: {  	_ =	shalt  }
tec
execute0_lowered:
.L_overlay_start_1:
0x0: {  	(tag) =	ssettag $0x1  }
0x1: {  	s0 =	srdreg.scid;
	s2 =	rddreg [dreg:$0x0]  }
0x2: {  	s1 =	rddreg [dreg:$0x1];
	s24 =	stileid.u32  }
0x3: {  	s6 =	simm.s32 $0x0;
	s3 =	sand.u32 $0x1, s0;
	s5 =	smul.u32 $0x14000, s24  }
0x4: {  	[smem:$0x7FF] =	sst s6;
	s30 =	sadd.s32 $0x70A00, s2;
	s0 =	ssub.s32 $0x2, s3  }
0x5: {  	s28 =	sshll.u32 s24, $0x5;
	s8 =	smul.u32 $0x140000, s3;
	s4 =	sshrl.u32 s0, $0x1  }
0x6: {  	s7 =	sadd.s32 $0x4000, s5;
	s9 =	sadd.s32 $0x6000, s5;
	s10 =	sadd.s32 $0x8000, s5  }
0x7: {  	s11 =	sadd.s32 $0xA000, s5;
	s12 =	sadd.s32 $0xC000, s5;
	s13 =	sadd.s32 $0xE000, s5  }
0x8: {  	s23 =	sadd.s32 $0x10000, s5;
	s0 =	ssub.s32 s0, s4;
	s4 =	sor.u32 $0x2000, s5  }
0x9: {  	s14 =	sadd.s32 s5, s8;
	s5 =	sadd.s32 $0x12000, s5;
	s15 =	sadd.s32 s8, s7  }
0xa: {  	s16 =	sadd.s32 s8, s9;
	s17 =	sadd.s32 s8, s10;
	s18 =	sadd.s32 s8, s11  }
0xb: {  	s19 =	sadd.s32 s8, s12;
	s22 =	sadd.s32 s8, s13;
	s25 =	sadd.s32 s8, s23  }
0xc: {  	s14 =	sshrl.u32 s14, $0x3;
	s31 =	sadd.s32 s8, s4;
	s15 =	sshrl.u32 s15, $0x3  }
0xd: {  	s16 =	sshrl.u32 s16, $0x3;
	s21 =	sshrl.u32 s19, $0x3;
	s14 =	sadd.s32 s30, s14  }
0xe: {  	s15 =	sadd.s32 s30, s15;
	[dreg:$0x3] =	wrdreg s14;
	s14 =	sshrl.u32 s31, $0x3  }
0xf: {  	s8 =	sadd.s32 s8, s5;
	[dreg:$0x5] =	wrdreg s15;
	s14 =	sadd.s32 s30, s14  }
0x10: {  	s8 =	sshrl.u32 s8, $0x3;
	[dreg:$0x4] =	wrdreg s14;
	s14 =	sadd.s32 s30, s16  }
0x11: {  	s6 =	sadd.s32 s30, s8;
	[dreg:$0x6] =	wrdreg s14;
	s14 =	sshrl.u32 s17, $0x3  }
0x12: {  	s15 =	sshrl.u32 s18, $0x3;
	[dreg:$0xc] =	wrdreg s6;
	s14 =	sadd.s32 s30, s14  }
0x13: {  	s20 =	sadd.s32 s30, s15;
	[dreg:$0x7] =	wrdreg s14;
	s14 =	sadd.s32 s30, s21  }
0x14: {  	s15 =	sshrl.u32 s25, $0x3;
	[dreg:$0x9] =	wrdreg s14;
	s14 =	sshrl.u32 s22, $0x3  }
0x15: {  	s26 =	sadd.s32 s30, s15;
	s14 =	sadd.s32 s30, s14;
	s30 =	smul.u32 $0x50000, s24  }
0x16: {  	s3 =	sshll.u32 s3, $0x4;
	s0 =	smax.u32 s0, $0x1;
	[dreg:$0x8] =	wrdreg s20  }
0x17: {  	s6 =	sadd.s32 s28, s2;
	[dreg:$0xb] =	wrdreg s26;
	s31 =	sshrl.u32 s30, $0x2  }
0x18: {  	s16 =	sadd.s32 s4, s1;
	[dreg:$0xa] =	wrdreg s14;
	s15 =	sadd.s32 s31, s1  }
0x19: {  	_ =	strace $0x8000004A;
	[dreg:$0xd] =	wrdreg s0;
	s4 =	sadd.s32 $0x800, s15  }
0x1a: {  	s25 =	sadd.s32 s5, s1;
	s5 =	sadd.s32 $0x1000, s15;
	[dreg:$0xe] =	wrdreg s4  }
0x1b: {  	s3 =	sadd.s32 s3, s6;
	s6 =	sadd.s32 $0x1800, s15;
	[dreg:$0xf] =	wrdreg s5  }
0x1c: {  	s17 =	sadd.s32 s7, s1;
	s7 =	sadd.s32 $0x2800, s15;
	[dreg:$0x10] =	wrdreg s6  }
0x1d: {  	s8 =	sadd.s32 $0x3000, s15;
	[dreg:$0x11] =	wrdreg s7  }
0x1e: {  	s18 =	sadd.s32 s9, s1;
	s9 =	sadd.s32 $0x3800, s15;
	[dreg:$0x12] =	wrdreg s8  }
0x1f: {  	s19 =	sadd.s32 s10, s1;
	s10 =	sadd.s32 $0x4800, s15;
	[dreg:$0x13] =	wrdreg s9  }
0x20: {  	s20 =	sadd.s32 s11, s1;
	s11 =	sadd.s32 $0x5000, s15;
	[dreg:$0x14] =	wrdreg s10  }
0x21: {  	s21 =	sadd.s32 s12, s1;
	s12 =	sadd.s32 $0x5800, s15;
	[dreg:$0x15] =	wrdreg s11  }
0x22: {  	s22 =	sadd.s32 s13, s1;
	s13 =	sadd.s32 $0x6800, s15;
	[dreg:$0x16] =	wrdreg s12  }
0x23: {  	s26 =	sadd.s32 $0x7000, s15;
	[dreg:$0x17] =	wrdreg s13  }
0x24: {  	s28 =	sadd.s32 $0x7800, s15;
	[dreg:$0x18] =	wrdreg s26  }
0x25: {  	s30 =	sadd.s32 $0x8800, s15;
	[dreg:$0x19] =	wrdreg s28  }
0x26: {  	s31 =	sadd.s32 $0x9000, s15;
	[dreg:$0x1a] =	wrdreg s30  }
0x27: {  	s0 =	sadd.s32 $0x66C00, s3;
	s3 =	sadd.s32 $0x9800, s15;
	[dreg:$0x1b] =	wrdreg s31  }
0x28: {  	[dreg:$0x1c] =	wrdreg s3;
	s4 =	sadd.s32 $0xA800, s15  }
0x29: {  	s5 =	sadd.s32 $0xB000, s15;
	[dreg:$0x1d] =	wrdreg s4  }
0x2a: {  	s6 =	sadd.s32 $0xB800, s15;
	[dreg:$0x1e] =	wrdreg s5  }
0x2b: {  	s7 =	sadd.s32 $0xC800, s15;
	[dreg:$0x1f] =	wrdreg s6  }
0x2c: {  	s8 =	sadd.s32 $0xD000, s15;
	[smem:$0x7F3] =	sst s7  }
0x2d: {  	s9 =	sadd.s32 $0xD800, s15;
	[smem:$0x7F4] =	sst s8  }
0x2e: {  	s10 =	sadd.s32 $0xE800, s15;
	[smem:$0x7F5] =	sst s9  }
0x2f: {  	s11 =	sadd.s32 $0xF000, s15;
	[smem:$0x7F6] =	sst s10  }
0x30: {  	s29 =	simm.s32 $0x0;
	s12 =	sadd.s32 $0xF800, s15;
	[smem:$0x7F7] =	sst s11  }
0x31: {  	p0 =	slt.u32 s24, $0x2;
	s13 =	sadd.s32 $0x10800, s15;
	[smem:$0x7F8] =	sst s12  }
0x32: {  	s23 =	sadd.s32 s23, s1;
	s26 =	sadd.s32 $0x11000, s15;
	[smem:$0x7F9] =	sst s13  }
0x33: {  	s24 =	simm.s32 $0x4F;
	s28 =	sadd.s32 $0x11800, s15;
	[smem:$0x7FA] =	sst s26  }
0x34: {  	s14 =	sadd.s32 $0x3EC00, s2;
	s30 =	sadd.s32 $0x12800, s15;
	[smem:$0x7FB] =	sst s28  }
0x35: {  	s24 =	simm.s32 @!p0 $0x4E;
	s31 =	sadd.s32 $0x13000, s15;
	[smem:$0x7FC] =	sst s30  }
0x36: {  	[smem:$0x7FD] =	sst s31;
	s9 =	sadd.s32 $0x13800, s15;
	s10 =	simm.s32 $0x8300  }
0x37: {  	v0 =	vimm.f32 $0.0e+00;
	s11 =	simm.s32 $0x5;
	s13 =	simm.s32 $0x3;
	s26 =	simm.s32 $0x4  }
.LBB2_1:
0x38: {  	s3 =	simm.s32 $0x0  }
0x39: {  	s2 =	sand.u32 $0x1E00, s3  }
0x3a: {  	s3 =	sand.u32 $0x70, s3;
	s4 =	sshrl.u32 s2, $0x2  }
0x3b: {  	s2 =	simm.s32 $0x40;
	s4 =	sor.u32 s3, s4;
	s3 =	simm.s32 $0x0  }
.LBB2_2:
0x3c: {  	p0 =	sne.s32 s2, $0x1FC0  }
0x3d: {  	[tilespmem:s4+$0x8300] =	vst v0;
	s3 =	sadd.s32 $0x10, s3;
	s4 =	smov.u32 s2;
	s2 =	sadd.s32 $0x40, s2  }
.Ltmp0:
0x3e: {  	(pc) =	sbr.rel @p0 .LBB2_2-.Ltmp0, $4  }
0x3f: {  	_ = 	snop  }
0x40: {  	s4 =	sand.u32 $0x1E00, s4  }
0x41: {  	s5 =	sand.u32 $0x70, s3;
	s4 =	sshrl.u32 s4, $0x2  }
0x42: {  	s4 =	sor.u32 s5, s4  }
0x43: {  	[tilespmem:s4+$0x8300] =	vst v0  }
0x44: {  	[spmem:s15] =	stream.linear.scatter [tilespmem:s10], [sflag:$0x5], $0x800, $0x38;
	[tilespmem:$0x1CB00] =	vst v63  }
0x45: {  	s2 =	rddreg [dreg:$0xe]  }
0x46: {  	[spmem:s2] =	stream.linear.scatter [tilespmem:s10], [sflag:$0x5], $0x800, $0x38;
	[tilespmem:$0x1CB00] =	vst v63  }
0x47: {  	s3 =	rddreg [dreg:$0xf]  }
0x48: {  	[spmem:s3] =	stream.linear.scatter [tilespmem:s10], [sflag:$0x5], $0x800, $0x38;
	[tilespmem:$0x1CB00] =	vst v63  }
0x49: {  	s4 =	rddreg [dreg:$0x10]  }
0x4a: {  	[spmem:s4] =	stream.linear.scatter [tilespmem:s10], [sflag:$0x5], $0x800, $0x38;
	[tilespmem:$0x1CB00] =	vst v63  }
0x4b: {  	_ = 	snop  }
0x4c: {  	[spmem:s16] =	stream.linear.scatter [tilespmem:s10], [sflag:$0x5], $0x800, $0x38;
	[tilespmem:$0x1CB00] =	vst v63  }
0x4d: {  	s5 =	rddreg [dreg:$0x11]  }
0x4e: {  	[spmem:s5] =	stream.linear.scatter [tilespmem:s10], [sflag:$0x5], $0x800, $0x38;
	[tilespmem:$0x1CB00] =	vst v63  }
0x4f: {  	s6 =	rddreg [dreg:$0x12]  }
0x50: {  	[spmem:s6] =	stream.linear.scatter [tilespmem:s10], [sflag:$0x5], $0x800, $0x38;
	[tilespmem:$0x1CB00] =	vst v63  }
0x51: {  	s7 =	rddreg [dreg:$0x13]  }
0x52: {  	[spmem:s7] =	stream.linear.scatter [tilespmem:s10], [sflag:$0x5], $0x800, $0x38;
	[tilespmem:$0x1CB00] =	vst v63  }
0x53: {  	_ = 	snop  }
0x54: {  	[spmem:s17] =	stream.linear.scatter [tilespmem:s10], [sflag:$0x5], $0x800, $0x38;
	[tilespmem:$0x1CB00] =	vst v63  }
0x55: {  	s8 =	rddreg [dreg:$0x14]  }
0x56: {  	[spmem:s8] =	stream.linear.scatter [tilespmem:s10], [sflag:$0x5], $0x800, $0x38;
	[tilespmem:$0x1CB00] =	vst v63  }
0x57: {  	s12 =	rddreg [dreg:$0x15]  }
0x58: {  	[spmem:s12] =	stream.linear.scatter [tilespmem:s10], [sflag:$0x5], $0x800, $0x38;
	[tilespmem:$0x1CB00] =	vst v63  }
0x59: {  	s3 =	rddreg [dreg:$0x16]  }
0x5a: {  	[spmem:s3] =	stream.linear.scatter [tilespmem:s10], [sflag:$0x5], $0x800, $0x38;
	[tilespmem:$0x1CB00] =	vst v63  }
0x5b: {  	_ = 	snop  }
0x5c: {  	[spmem:s18] =	stream.linear.scatter [tilespmem:s10], [sflag:$0x5], $0x800, $0x38;
	[tilespmem:$0x1CB00] =	vst v63  }
0x5d: {  	s4 =	rddreg [dreg:$0x17]  }
0x5e: {  	[spmem:s4] =	stream.linear.scatter [tilespmem:s10], [sflag:$0x5], $0x800, $0x38;
	[tilespmem:$0x1CB00] =	vst v63  }
0x5f: {  	s5 =	rddreg [dreg:$0x18]  }
0x60: {  	[spmem:s5] =	stream.linear.scatter [tilespmem:s10], [sflag:$0x5], $0x800, $0x38;
	[tilespmem:$0x1CB00] =	vst v63  }
0x61: {  	s6 =	rddreg [dreg:$0x19]  }
0x62: {  	[spmem:s6] =	stream.linear.scatter [tilespmem:s10], [sflag:$0x5], $0x800, $0x38;
	[tilespmem:$0x1CB00] =	vst v63  }
0x63: {  	_ = 	snop  }
0x64: {  	[spmem:s19] =	stream.linear.scatter [tilespmem:s10], [sflag:$0x5], $0x800, $0x38;
	[tilespmem:$0x1CB00] =	vst v63  }
0x65: {  	s7 =	rddreg [dreg:$0x1a]  }
0x66: {  	[spmem:s7] =	stream.linear.scatter [tilespmem:s10], [sflag:$0x5], $0x800, $0x38;
	[tilespmem:$0x1CB00] =	vst v63  }
0x67: {  	s8 =	rddreg [dreg:$0x1b]  }
0x68: {  	[spmem:s8] =	stream.linear.scatter [tilespmem:s10], [sflag:$0x5], $0x800, $0x38;
	[tilespmem:$0x1CB00] =	vst v63  }
0x69: {  	s12 =	rddreg [dreg:$0x1c]  }
0x6a: {  	[spmem:s12] =	stream.linear.scatter [tilespmem:s10], [sflag:$0x5], $0x800, $0x38;
	[tilespmem:$0x1CB00] =	vst v63  }
0x6b: {  	_ = 	snop  }
0x6c: {  	[spmem:s20] =	stream.linear.scatter [tilespmem:s10], [sflag:$0x5], $0x800, $0x38;
	[tilespmem:$0x1CB00] =	vst v63  }
0x6d: {  	s3 =	rddreg [dreg:$0x1d]  }
0x6e: {  	[spmem:s3] =	stream.linear.scatter [tilespmem:s10], [sflag:$0x5], $0x800, $0x38;
	[tilespmem:$0x1CB00] =	vst v63  }
0x6f: {  	s4 =	rddreg [dreg:$0x1e]  }
0x70: {  	[spmem:s4] =	stream.linear.scatter [tilespmem:s10], [sflag:$0x5], $0x800, $0x38;
	[tilespmem:$0x1CB00] =	vst v63  }
0x71: {  	s5 =	rddreg [dreg:$0x1f]  }
0x72: {  	[spmem:s5] =	stream.linear.scatter [tilespmem:s10], [sflag:$0x5], $0x800, $0x38;
	[tilespmem:$0x1CB00] =	vst v63  }
0x73: {  	s6 =	sld [smem:$0x7F3]  }
0x74: {  	[spmem:s21] =	stream.linear.scatter [tilespmem:s10], [sflag:$0x5], $0x800, $0x38;
	[tilespmem:$0x1CB00] =	vst v63  }
0x75: {  	s7 =	sld [smem:$0x7F4]  }
0x76: {  	[spmem:s6] =	stream.linear.scatter [tilespmem:s10], [sflag:$0x5], $0x800, $0x38;
	[tilespmem:$0x1CB00] =	vst v63  }
0x77: {  	s8 =	sld [smem:$0x7F5]  }
0x78: {  	[spmem:s7] =	stream.linear.scatter [tilespmem:s10], [sflag:$0x5], $0x800, $0x38;
	[tilespmem:$0x1CB00] =	vst v63  }
0x79: {  	_ = 	snop  }
0x7a: {  	[spmem:s8] =	stream.linear.scatter [tilespmem:s10], [sflag:$0x5], $0x800, $0x38;
	[tilespmem:$0x1CB00] =	vst v63  }
0x7b: {  	s12 =	sld [smem:$0x7F6]  }
0x7c: {  	[spmem:s22] =	stream.linear.scatter [tilespmem:s10], [sflag:$0x5], $0x800, $0x38;
	[tilespmem:$0x1CB00] =	vst v63  }
0x7d: {  	s3 =	sld [smem:$0x7F7]  }
0x7e: {  	[spmem:s12] =	stream.linear.scatter [tilespmem:s10], [sflag:$0x5], $0x800, $0x38;
	[tilespmem:$0x1CB00] =	vst v63  }
0x7f: {  	s4 =	sld [smem:$0x7F8]  }
0x80: {  	[spmem:s3] =	stream.linear.scatter [tilespmem:s10], [sflag:$0x5], $0x800, $0x38;
	[tilespmem:$0x1CB00] =	vst v63  }
0x81: {  	_ = 	snop  }
0x82: {  	[spmem:s4] =	stream.linear.scatter [tilespmem:s10], [sflag:$0x5], $0x800, $0x38;
	[tilespmem:$0x1CB00] =	vst v63  }
0x83: {  	s5 =	sld [smem:$0x7F9]  }
0x84: {  	[spmem:s23] =	stream.linear.scatter [tilespmem:s10], [sflag:$0x5], $0x800, $0x38;
	[tilespmem:$0x1CB00] =	vst v63  }
0x85: {  	s6 =	sld [smem:$0x7FA]  }
0x86: {  	[spmem:s5] =	stream.linear.scatter [tilespmem:s10], [sflag:$0x5], $0x800, $0x38;
	[tilespmem:$0x1CB00] =	vst v63  }
0x87: {  	s7 =	sld [smem:$0x7FB]  }
0x88: {  	[spmem:s6] =	stream.linear.scatter [tilespmem:s10], [sflag:$0x5], $0x800, $0x38;
	[tilespmem:$0x1CB00] =	vst v63  }
0x89: {  	_ = 	snop  }
0x8a: {  	[spmem:s7] =	stream.linear.scatter [tilespmem:s10], [sflag:$0x5], $0x800, $0x38;
	[tilespmem:$0x1CB00] =	vst v63  }
0x8b: {  	s8 =	sld [smem:$0x7FC]  }
0x8c: {  	[spmem:s25] =	stream.linear.scatter [tilespmem:s10], [sflag:$0x5], $0x800, $0x38;
	[tilespmem:$0x1CB00] =	vst v63  }
0x8d: {  	s12 =	sld [smem:$0x7FD]  }
0x8e: {  	[spmem:s8] =	stream.linear.scatter [tilespmem:s10], [sflag:$0x5], $0x800, $0x38;
	[tilespmem:$0x1CB00] =	vst v63  }
0x8f: {  	_ = 	snop  }
0x90: {  	[spmem:s12] =	stream.linear.scatter [tilespmem:s10], [sflag:$0x5], $0x800, $0x38;
	[tilespmem:$0x1CB00] =	vst v63  }
0x91: {  	_ = 	snop  }
0x92: {  	[spmem:s9] =	stream.linear.scatter [tilespmem:s10], [sflag:$0x5], $0x800, $0x38;
	[tilespmem:$0x1CB00] =	vst v63  }
0x93: {  	_ =	swait.ge [sflag:s11], $0x800  }
0x94: {  	[sflag:s11] =	ssyncset.done $0x0  }
0x95: {  	[sflag:s11] =	ssyncadd.s32 $0xFFFFF800  }
0x96: {  	_ =	swait.ge [sflag:s11], $0x800  }
0x97: {  	[sflag:s11] =	ssyncset.done $0x0  }
0x98: {  	[sflag:s11] =	ssyncadd.s32 $0xFFFFF800  }
0x99: {  	_ =	swait.ge [sflag:s11], $0x800  }
0x9a: {  	[sflag:s11] =	ssyncset.done $0x0  }
0x9b: {  	[sflag:s11] =	ssyncadd.s32 $0xFFFFF800  }
0x9c: {  	_ =	swait.ge [sflag:s11], $0x800  }
0x9d: {  	[sflag:s11] =	ssyncset.done $0x0  }
0x9e: {  	[sflag:s11] =	ssyncadd.s32 $0xFFFFF800  }
0x9f: {  	_ =	swait.ge [sflag:s11], $0x800  }
0xa0: {  	[sflag:s11] =	ssyncset.done $0x0  }
0xa1: {  	[sflag:s11] =	ssyncadd.s32 $0xFFFFF800  }
0xa2: {  	_ =	swait.ge [sflag:s11], $0x800  }
0xa3: {  	[sflag:s11] =	ssyncset.done $0x0  }
0xa4: {  	[sflag:s11] =	ssyncadd.s32 $0xFFFFF800  }
0xa5: {  	_ =	swait.ge [sflag:s11], $0x800  }
0xa6: {  	[sflag:s11] =	ssyncset.done $0x0  }
0xa7: {  	[sflag:s11] =	ssyncadd.s32 $0xFFFFF800  }
0xa8: {  	_ =	swait.ge [sflag:s11], $0x800  }
0xa9: {  	[sflag:s11] =	ssyncset.done $0x0  }
0xaa: {  	[sflag:s11] =	ssyncadd.s32 $0xFFFFF800  }
0xab: {  	_ =	swait.ge [sflag:s11], $0x800  }
0xac: {  	[sflag:s11] =	ssyncset.done $0x0  }
0xad: {  	[sflag:s11] =	ssyncadd.s32 $0xFFFFF800  }
0xae: {  	_ =	swait.ge [sflag:s11], $0x800  }
0xaf: {  	[sflag:s11] =	ssyncset.done $0x0  }
0xb0: {  	[sflag:s11] =	ssyncadd.s32 $0xFFFFF800  }
0xb1: {  	_ =	swait.ge [sflag:s11], $0x800  }
0xb2: {  	[sflag:s11] =	ssyncset.done $0x0  }
0xb3: {  	[sflag:s11] =	ssyncadd.s32 $0xFFFFF800  }
0xb4: {  	_ =	swait.ge [sflag:s11], $0x800  }
0xb5: {  	[sflag:s11] =	ssyncset.done $0x0  }
0xb6: {  	[sflag:s11] =	ssyncadd.s32 $0xFFFFF800  }
0xb7: {  	_ =	swait.ge [sflag:s11], $0x800  }
0xb8: {  	[sflag:s11] =	ssyncset.done $0x0  }
0xb9: {  	[sflag:s11] =	ssyncadd.s32 $0xFFFFF800  }
0xba: {  	_ =	swait.ge [sflag:s11], $0x800  }
0xbb: {  	[sflag:s11] =	ssyncset.done $0x0  }
0xbc: {  	[sflag:s11] =	ssyncadd.s32 $0xFFFFF800  }
0xbd: {  	_ =	swait.ge [sflag:s11], $0x800  }
0xbe: {  	[sflag:s11] =	ssyncset.done $0x0  }
0xbf: {  	[sflag:s11] =	ssyncadd.s32 $0xFFFFF800  }
0xc0: {  	_ =	swait.ge [sflag:s11], $0x800  }
0xc1: {  	[sflag:s11] =	ssyncset.done $0x0  }
0xc2: {  	[sflag:s11] =	ssyncadd.s32 $0xFFFFF800  }
0xc3: {  	_ =	swait.ge [sflag:s11], $0x800  }
0xc4: {  	[sflag:s11] =	ssyncset.done $0x0  }
0xc5: {  	[sflag:s11] =	ssyncadd.s32 $0xFFFFF800  }
0xc6: {  	_ =	swait.ge [sflag:s11], $0x800  }
0xc7: {  	[sflag:s11] =	ssyncset.done $0x0  }
0xc8: {  	[sflag:s11] =	ssyncadd.s32 $0xFFFFF800  }
0xc9: {  	_ =	swait.ge [sflag:s11], $0x800  }
0xca: {  	[sflag:s11] =	ssyncset.done $0x0  }
0xcb: {  	[sflag:s11] =	ssyncadd.s32 $0xFFFFF800  }
0xcc: {  	_ =	swait.ge [sflag:s11], $0x800  }
0xcd: {  	[sflag:s11] =	ssyncset.done $0x0  }
0xce: {  	[sflag:s11] =	ssyncadd.s32 $0xFFFFF800  }
0xcf: {  	_ =	swait.ge [sflag:s11], $0x800  }
0xd0: {  	[sflag:s11] =	ssyncset.done $0x0  }
0xd1: {  	[sflag:s11] =	ssyncadd.s32 $0xFFFFF800  }
0xd2: {  	_ =	swait.ge [sflag:s11], $0x800  }
0xd3: {  	[sflag:s11] =	ssyncset.done $0x0  }
0xd4: {  	[sflag:s11] =	ssyncadd.s32 $0xFFFFF800  }
0xd5: {  	_ =	swait.ge [sflag:s11], $0x800  }
0xd6: {  	[sflag:s11] =	ssyncset.done $0x0  }
0xd7: {  	[sflag:s11] =	ssyncadd.s32 $0xFFFFF800  }
0xd8: {  	_ =	swait.ge [sflag:s11], $0x800  }
0xd9: {  	[sflag:s11] =	ssyncset.done $0x0  }
0xda: {  	[sflag:s11] =	ssyncadd.s32 $0xFFFFF800  }
0xdb: {  	_ =	swait.ge [sflag:s11], $0x800  }
0xdc: {  	[sflag:s11] =	ssyncset.done $0x0  }
0xdd: {  	[sflag:s11] =	ssyncadd.s32 $0xFFFFF800  }
0xde: {  	_ =	swait.ge [sflag:s11], $0x800  }
0xdf: {  	[sflag:s11] =	ssyncset.done $0x0  }
0xe0: {  	[sflag:s11] =	ssyncadd.s32 $0xFFFFF800  }
0xe1: {  	_ =	swait.ge [sflag:s11], $0x800  }
0xe2: {  	[sflag:s11] =	ssyncset.done $0x0  }
0xe3: {  	[sflag:s11] =	ssyncadd.s32 $0xFFFFF800  }
0xe4: {  	_ =	swait.ge [sflag:s11], $0x800  }
0xe5: {  	[sflag:s11] =	ssyncset.done $0x0  }
0xe6: {  	[sflag:s11] =	ssyncadd.s32 $0xFFFFF800  }
0xe7: {  	_ =	swait.ge [sflag:s11], $0x800  }
0xe8: {  	[sflag:s11] =	ssyncset.done $0x0  }
0xe9: {  	[sflag:s11] =	ssyncadd.s32 $0xFFFFF800  }
0xea: {  	_ =	swait.ge [sflag:s11], $0x800  }
0xeb: {  	[sflag:s11] =	ssyncset.done $0x0  }
0xec: {  	[sflag:s11] =	ssyncadd.s32 $0xFFFFF800  }
0xed: {  	_ =	swait.ge [sflag:s11], $0x800  }
0xee: {  	[sflag:s11] =	ssyncset.done $0x0  }
0xef: {  	[sflag:s11] =	ssyncadd.s32 $0xFFFFF800  }
0xf0: {  	_ =	swait.ge [sflag:s11], $0x800  }
0xf1: {  	[sflag:s11] =	ssyncset.done $0x0  }
0xf2: {  	[sflag:s11] =	ssyncadd.s32 $0xFFFFF800  }
0xf3: {  	_ =	swait.ge [sflag:s11], $0x800  }
0xf4: {  	[sflag:s11] =	ssyncset.done $0x0  }
0xf5: {  	[sflag:s11] =	ssyncadd.s32 $0xFFFFF800  }
0xf6: {  	_ =	swait.ge [sflag:s11], $0x800  }
0xf7: {  	[sflag:s11] =	ssyncset.done $0x0  }
0xf8: {  	[sflag:s11] =	ssyncadd.s32 $0xFFFFF800  }
0xf9: {  	_ =	swait.ge [sflag:s11], $0x800  }
0xfa: {  	[sflag:s11] =	ssyncset.done $0x0  }
0xfb: {  	[sflag:s11] =	ssyncadd.s32 $0xFFFFF800  }
0xfc: {  	_ =	swait.ge [sflag:s11], $0x800  }
0xfd: {  	[sflag:s11] =	ssyncset.done $0x0  }
0xfe: {  	[sflag:s11] =	ssyncadd.s32 $0xFFFFF800  }
0xff: {  	_ =	swait.ge [sflag:s11], $0x800  }
0x100: {  	[sflag:s11] =	ssyncset.done $0x0  }
0x101: {  	[sflag:s11] =	ssyncadd.s32 $0xFFFFF800  }
0x102: {  	_ =	swait.ge [sflag:s11], $0x800  }
0x103: {  	[sflag:s11] =	ssyncset.done $0x0  }
0x104: {  	[sflag:s11] =	ssyncadd.s32 $0xFFFFF800  }
0x105: {  	_ =	swait.ge [sflag:s11], $0x800  }
0x106: {  	[sflag:s11] =	ssyncset.done $0x0  }
0x107: {  	[sflag:s11] =	ssyncadd.s32 $0xFFFFF800  }
0x108: {  	_ =	swait.ge [sflag:s11], $0x800  }
0x109: {  	[sflag:s11] =	ssyncset.done $0x0  }
0x10a: {  	p0 =	sle.u32 s24, $0x0;
	[sflag:s11] =	ssyncadd.s32 $0xFFFFF800  }
0x10b: {  	s2 =	simm.s32 @!p0 $0x0;
	s3 =	simm.s32 @!p0 $0x6;
	[bflag:$0x0] =	sbarrier.arrive $0xFFFF  }
0x10c: {  	[tilespmem:s2], [sflag:$0x6] =	stream.linear.gather @!p0 [hbm4b:s0+s2], $0x80, $0x38;
	[tilespmem:$0x1CB00] =	vst v63  }
0x10d: {  	p1 =	por @!p0 $0x1, $0x1;
	_ =	swait.ge @!p0 [sflag:s3], $0x80;
	p0 =	por p0, p0  }
0x10e: {  	[sflag:s3] =	ssyncset.done @!p0 $0x0;
	p1 =	por p1, p0  }
0x10f: {  	[sflag:s3] =	ssyncadd.s32 @!p0 $0xFFFFFF80;
	s2 =	simm.s32 @!p1 $0x3  }
0x110: {  	_ =	swait.ge @!p1 [sflag:s2], $0x4000  }
0x111: {  	[sflag:s2] =	ssyncset.done @!p1 $0x0  }
0x112: {  	[sflag:s2] =	ssyncadd.s32 @!p1 $0xFFFFC000  }
0x113: {  	v2 =	vld @!p0 [tilespmem:$0x60]  }
0x114: {  	v8 =	vld @!p0 [tilespmem:$0x70]  }
0x115: {  	v1 =	vld @!p0 [tilespmem:$0x0]  }
0x116: {  	v3 =	vld @!p0 [tilespmem:$0x30]  }
0x117: {  	v6 =	vld @!p0 [tilespmem:$0x40]  }
0x118: {  	s30 =	simm.s32 $0x1;
	v4 =	vld @!p0 [tilespmem:$0x20];
	v9 =	vshra.s32 @!p0 v2, $0xE  }
0x119: {  	s31 =	smov.u32 s0;
	s28 =	smov.u32 s0;
	s12 =	simm.s32 $0x3;
	v5 =	vld @!p0 [tilespmem:$0x50];
	v7 =	vand.u32 @!p0 $0x3FFF, v2;
	v2 =	vshra.s32 @!p0 v8, $0xE;
	v8 =	vand.u32 @!p0 $0x3FFF, v8;
	[tilespmem:$0x160] =	vst @!p0 v9  }
.LBB2_4:
0x11a: {  	v9 =	vld @!p0 [tilespmem:$0x10];
	s31 =	sadd.s32 $0x400, s31;
	s5 =	smov.u32 s12;
	s12 =	sadd.s32 $0x2, s12  }
0x11b: {  	p1 =	sne.s32 s12, $0x51;
	v10 =	vshra.s32 @!p0 v3, $0xE;
	v3 =	vand.u32 @!p0 $0x3FFF, v3;
	[tilespmem:$0x270] =	vst @!p0 v8  }
0x11c: {  	v8 =	vshra.s32 @!p0 v6, $0xE;
	v6 =	vand.u32 @!p0 $0x3FFF, v6;
	[tilespmem:$0x260] =	vst @!p0 v7  }
0x11d: {  	v7 =	vshra.s32 @!p0 v4, $0xE;
	v4 =	vand.u32 @!p0 $0x3FFF, v4;
	[tilespmem:$0x240] =	vst @!p0 v6  }
0x11e: {  	[tilespmem:$0x120] =	vst @!p0 v7;
	v6 =	vshra.s32 @!p0 v5, $0xE;
	v5 =	vand.u32 @!p0 $0x3FFF, v5  }
0x11f: {  	v7 =	vshra.s32 @!p0 v9, $0xE;
	v9 =	vand.u32 @!p0 $0x3FFF, v9;
	[tilespmem:$0x140] =	vst @!p0 v8  }
0x120: {  	[tilespmem:$0x150] =	vst @!p0 v6  }
0x121: {  	[tilespmem:$0x250] =	vst @!p0 v5  }
0x122: {  	[tilespmem:$0x220] =	vst @!p0 v4  }
0x123: {  	[tilespmem:$0x130] =	vst @!p0 v10  }
0x124: {  	[tilespmem:$0x230] =	vst @!p0 v3  }
0x125: {  	[tilespmem:$0x210] =	vst @!p0 v9  }
0x126: {  	[tilespmem:$0x110] =	vst @!p0 v7  }
0x127: {  	v3 =	vshra.s32 @!p0 v1, $0xE;
	v1 =	vand.u32 @!p0 $0x3FFF, v1;
	[tilespmem:$0x170] =	vst @!p0 v2  }
0x128: {  	s2 =	simm.s32 @!p0 $0x300;
	p3 =	seq.s32 s30, $0x1;
	[tilespmem:$0x100] =	vst @!p0 v3  }
0x129: {  	s3 =	simm.s32 @!p0 $0x80;
	s4 =	simm.s32 @!p0 $0x100;
	s6 =	simm.s32 @!p3 $0x2;
	[tilespmem:$0x200] =	vst @!p0 v1  }
0x12a: {  	[tilespmem:s2], [sflag:$0x1] =	stream.indirect.gather @!p0 [hbm4b:s14+s3], $0x80, s4, s3, $0xb8;
	[tilespmem:$0x1CB00] =	vst v63  }
0x12b: {  	s4 =	simm.s32 @!p3 $0x280;
	_ =	swait.ge @!p3 [sflag:s6], $0x4000  }
0x12c: {  	p2 =	sge.u32 s30, s24;
	s7 =	simm.s32 @!p3 $0x4300;
	[sflag:s6] =	ssyncset.done @!p3 $0x0  }
0x12d: {  	s8 =	simm.s32 @!p2 $0x6;
	[sflag:s6] =	ssyncadd.s32 @!p3 $0xFFFFC000;
	s6 =	simm.s32 @!p3 $0x80  }
0x12e: {  	[spmem:s1] =	stream.indirect.scatter.add.f32 @!p3 [tilespmem:s7], [sflag:$0x4], $0x80, s4, s6, $0xb8;
	[tilespmem:$0x1CB00] =	vst v63  }
0x12f: {  	s6 =	sadd.s32 @!p2 $0x200, s28;
	s7 =	simm.s32 @!p2 $0x0;
	s4 =	simm.s32 @!p2 $0x80  }
0x130: {  	[tilespmem:s4], [sflag:$0x6] =	stream.linear.gather @!p2 [hbm4b:s6+s7], $0x80, $0x38;
	[tilespmem:$0x1CB00] =	vst v63  }
0x131: {  	p3 =	seq.s32 @!p2 s30, $0x1;
	s30 =	smov.u32 s5;
	_ =	swait.ge @!p2 [sflag:s8], $0x80  }
0x132: {  	s28 =	smov.u32 s31;
	p3 =	por p3, p2;
	[sflag:s8] =	ssyncset.done @!p2 $0x0  }
0x133: {  	s5 =	simm.s32 @!p3 $0x4;
	[sflag:s8] =	ssyncadd.s32 @!p2 $0xFFFFFF80  }
0x134: {  	_ =	swait.ge @!p3 [sflag:s5], $0x4000  }
0x135: {  	[sflag:s5] =	ssyncset.done @!p3 $0x0  }
0x136: {  	[sflag:s5] =	ssyncadd.s32 @!p3 $0xFFFFC000  }
0x137: {  	v1 =	vld @!p2 [tilespmem:$0x80]  }
0x138: {  	v2 =	vld @!p2 [tilespmem:$0x90]  }
0x139: {  	v3 =	vld @!p2 [tilespmem:$0xA0]  }
0x13a: {  	v4 =	vld @!p2 [tilespmem:$0xB0]  }
0x13b: {  	v5 =	vld @!p2 [tilespmem:$0xD0]  }
0x13c: {  	v6 =	vshra.s32 @!p2 v1, $0xE;
	v1 =	vand.u32 @!p2 $0x3FFF, v1;
	v7 =	vld @!p2 [tilespmem:$0xE0]  }
0x13d: {  	[tilespmem:$0x180] =	vst @!p2 v6;
	v6 =	vshra.s32 @!p2 v2, $0xE;
	v2 =	vand.u32 @!p2 $0x3FFF, v2;
	v8 =	vld @!p2 [tilespmem:$0xF0]  }
0x13e: {  	[tilespmem:$0x290] =	vst @!p2 v2;
	v2 =	vshra.s32 @!p2 v3, $0xE;
	v3 =	vand.u32 @!p2 $0x3FFF, v3  }
0x13f: {  	[tilespmem:$0x1A0] =	vst @!p2 v2;
	v2 =	vshra.s32 @!p2 v4, $0xE;
	v4 =	vand.u32 @!p2 $0x3FFF, v4  }
0x140: {  	[tilespmem:$0x2A0] =	vst @!p2 v3;
	v3 =	vshra.s32 @!p2 v5, $0xE;
	v5 =	vand.u32 @!p2 $0x3FFF, v5  }
0x141: {  	[tilespmem:$0x1B0] =	vst @!p2 v2;
	v2 =	vshra.s32 @!p2 v7, $0xE  }
0x142: {  	[tilespmem:$0x2B0] =	vst @!p2 v4;
	v4 =	vand.u32 @!p2 $0x3FFF, v8  }
0x143: {  	[tilespmem:$0x190] =	vst @!p2 v6  }
0x144: {  	[tilespmem:$0x1D0] =	vst @!p2 v3;
	v3 =	vand.u32 @!p2 $0x3FFF, v7  }
0x145: {  	v6 =	vld @!p2 [tilespmem:$0xC0];
	[tilespmem:$0x2E0] =	vst @!p2 v3  }
0x146: {  	v3 =	vshra.s32 @!p2 v8, $0xE;
	[tilespmem:$0x2D0] =	vst @!p2 v5  }
0x147: {  	[tilespmem:$0x1F0] =	vst @!p2 v3  }
0x148: {  	[tilespmem:$0x1E0] =	vst @!p2 v2  }
0x149: {  	[tilespmem:$0x2F0] =	vst @!p2 v4  }
0x14a: {  	[tilespmem:$0x280] =	vst @!p2 v1;
	v1 =	vshra.s32 @!p2 v6, $0xE;
	v2 =	vand.u32 @!p2 $0x3FFF, v6  }
0x14b: {  	[tilespmem:$0x1C0] =	vst @!p2 v1  }
0x14c: {  	s6 =	simm.s32 @!p2 $0x4300;
	s7 =	simm.s32 @!p0 $0x1;
	s5 =	simm.s32 @!p2 $0x180;
	[tilespmem:$0x2C0] =	vst @!p2 v2  }
0x14d: {  	[tilespmem:s6], [sflag:$0x2] =	stream.indirect.gather @!p2 [hbm4b:s14+s4], $0x80, s5, s4, $0xb8;
	[tilespmem:$0x1CB00] =	vst v63  }
0x14e: {  	_ =	swait.ge @!p0 [sflag:s7], $0x4000  }
0x14f: {  	s4 =	sadd.s32 $0xFFFFFFFF, s30;
	[sflag:s7] =	ssyncset.done @!p0 $0x0  }
0x150: {  	p2 =	sge.u32 s4, s24;
	s4 =	simm.s32 @!p0 $0x200;
	[sflag:s7] =	ssyncadd.s32 @!p0 $0xFFFFC000  }
0x151: {  	[spmem:s1] =	stream.indirect.scatter.add.f32 @!p0 [tilespmem:s2], [sflag:$0x3], $0x80, s4, s3, $0xb8;
	[tilespmem:$0x1CB00] =	vst v63  }
0x152: {  	p3 =	seq.s32 @!p2 s30, $0x1;
	s2 =	simm.s32 @!p2 $0x0;
	s3 =	simm.s32 @!p2 $0x6  }
0x153: {  	[tilespmem:s2], [sflag:$0x6] =	stream.linear.gather @!p2 [hbm4b:s31+s2], $0x80, $0x38;
	[tilespmem:$0x1CB00] =	vst v63  }
0x154: {  	p0 =	por p2, p2;
	_ =	swait.ge @!p2 [sflag:s3], $0x80  }
0x155: {  	p2 =	por p3, p0;
	[sflag:s3] =	ssyncset.done @!p0 $0x0  }
0x156: {  	s2 =	simm.s32 @!p2 $0x3;
	[sflag:s3] =	ssyncadd.s32 @!p0 $0xFFFFFF80  }
0x157: {  	_ =	swait.ge @!p2 [sflag:s2], $0x4000  }
0x158: {  	[sflag:s2] =	ssyncset.done @!p2 $0x0  }
0x159: {  	[sflag:s2] =	ssyncadd.s32 @!p2 $0xFFFFC000  }
0x15a: {  	v2 =	vld @!p0 [tilespmem:$0x60]  }
0x15b: {  	v8 =	vld @!p0 [tilespmem:$0x70]  }
.Ltmp1:
0x15c: {  	v1 =	vld @!p0 [tilespmem:$0x0];
	(pc) =	sbr.rel @p1 .LBB2_4-.Ltmp1, $4  }
0x15d: {  	v3 =	vld @!p0 [tilespmem:$0x30]  }
0x15e: {  	v6 =	vld @!p0 [tilespmem:$0x40]  }
0x15f: {  	v4 =	vld @!p0 [tilespmem:$0x20];
	v9 =	vshra.s32 @!p0 v2, $0xE;
	v7 =	vand.u32 @!p0 $0x3FFF, v2  }
0x160: {  	v5 =	vld @!p0 [tilespmem:$0x50];
	[tilespmem:$0x160] =	vst @!p0 v9;
	v2 =	vshra.s32 @!p0 v8, $0xE;
	v8 =	vand.u32 @!p0 $0x3FFF, v8  }
0x161: {  	[tilespmem:$0x270] =	vst @!p0 v8  }
0x162: {  	[tilespmem:$0x260] =	vst @!p0 v7  }
0x163: {  	[tilespmem:$0x170] =	vst @!p0 v2;
	v8 =	vand.u32 @!p0 $0x3FFF, v6  }
0x164: {  	v6 =	vshra.s32 @!p0 v6, $0xE;
	[tilespmem:$0x240] =	vst @!p0 v8  }
0x165: {  	v7 =	vshra.s32 @!p0 v4, $0xE;
	[tilespmem:$0x140] =	vst @!p0 v6  }
0x166: {  	v4 =	vand.u32 @!p0 $0x3FFF, v4;
	[tilespmem:$0x120] =	vst @!p0 v7;
	v7 =	vld @!p0 [tilespmem:$0x10]  }
0x167: {  	v8 =	vshra.s32 @!p0 v5, $0xE;
	[tilespmem:$0x220] =	vst @!p0 v4  }
0x168: {  	v5 =	vand.u32 @!p0 $0x3FFF, v5;
	[tilespmem:$0x150] =	vst @!p0 v8  }
0x169: {  	[tilespmem:$0x250] =	vst @!p0 v5;
	v5 =	vshra.s32 @!p0 v3, $0xE  }
0x16a: {  	v3 =	vand.u32 @!p0 $0x3FFF, v3;
	[tilespmem:$0x130] =	vst @!p0 v5  }
0x16b: {  	[tilespmem:$0x230] =	vst @!p0 v3;
	v4 =	vand.u32 @!p0 $0x3FFF, v7  }
0x16c: {  	v3 =	vshra.s32 @!p0 v7, $0xE;
	[tilespmem:$0x210] =	vst @!p0 v4  }
0x16d: {  	[tilespmem:$0x110] =	vst @!p0 v3;
	v3 =	vshra.s32 @!p0 v1, $0xE  }
0x16e: {  	s2 =	simm.s32 @!p0 $0x300;
	p1 =	seq.s32 s30, $0x1;
	v1 =	vand.u32 @!p0 $0x3FFF, v1;
	[tilespmem:$0x100] =	vst @!p0 v3  }
0x16f: {  	s3 =	simm.s32 @!p0 $0x80;
	s4 =	simm.s32 @!p0 $0x100;
	s5 =	simm.s32 @!p1 $0x2;
	[tilespmem:$0x200] =	vst @!p0 v1  }
0x170: {  	[tilespmem:s2], [sflag:$0x1] =	stream.indirect.gather @!p0 [hbm4b:s14+s3], $0x80, s4, s3, $0xb8;
	[tilespmem:$0x1CB00] =	vst v63  }
0x171: {  	_ =	swait.ge @!p1 [sflag:s5], $0x4000  }
0x172: {  	s6 =	simm.s32 @!p1 $0x4300;
	[sflag:s5] =	ssyncset.done @!p1 $0x0  }
0x173: {  	s4 =	simm.s32 @!p1 $0x280;
	[sflag:s5] =	ssyncadd.s32 @!p1 $0xFFFFC000;
	s5 =	simm.s32 @!p1 $0x80  }
0x174: {  	[spmem:s1] =	stream.indirect.scatter.add.f32 @!p1 [tilespmem:s6], [sflag:$0x4], $0x80, s4, s5, $0xb8;
	[tilespmem:$0x1CB00] =	vst v63  }
0x175: {  	p1 =	sge.u32 s30, s24  }
0x176: {  	s4 =	sadd.s32 @!p1 $0x200, s28;
	s5 =	simm.s32 @!p1 $0x0;
	s6 =	simm.s32 @!p1 $0x80  }
0x177: {  	[tilespmem:s6], [sflag:$0x6] =	stream.linear.gather @!p1 [hbm4b:s4+s5], $0x80, $0x38;
	[tilespmem:$0x1CB00] =	vst v63  }
0x178: {  	s4 =	simm.s32 @!p1 $0x6  }
0x179: {  	p2 =	seq.s32 @!p1 s30, $0x1;
	_ =	swait.ge @!p1 [sflag:s4], $0x80  }
0x17a: {  	p2 =	por p2, p1;
	[sflag:s4] =	ssyncset.done @!p1 $0x0  }
0x17b: {  	[sflag:s4] =	ssyncadd.s32 @!p1 $0xFFFFFF80;
	s4 =	simm.s32 @!p2 $0x4  }
0x17c: {  	_ =	swait.ge @!p2 [sflag:s4], $0x4000  }
0x17d: {  	[sflag:s4] =	ssyncset.done @!p2 $0x0  }
0x17e: {  	[sflag:s4] =	ssyncadd.s32 @!p2 $0xFFFFC000  }
0x17f: {  	v1 =	vld @!p1 [tilespmem:$0x80];
	_ =	sdelay $0x1  }
0x180: {  	v2 =	vld @!p1 [tilespmem:$0x90];
	_ =	sdelay $0x1  }
0x181: {  	v3 =	vld @!p1 [tilespmem:$0xA0]  }
0x182: {  	v5 =	vshra.s32 @!p1 v1, $0xE  }
0x183: {  	v7 =	vld @!p1 [tilespmem:$0xE0];
	v1 =	vand.u32 @!p1 $0x3FFF, v1;
	[tilespmem:$0x180] =	vst @!p1 v5  }
0x184: {  	v4 =	vld @!p1 [tilespmem:$0xB0];
	v5 =	vand.u32 @!p1 $0x3FFF, v2;
	[tilespmem:$0x280] =	vst @!p1 v1  }
0x185: {  	v2 =	vshra.s32 @!p1 v2, $0xE;
	[tilespmem:$0x290] =	vst @!p1 v5  }
0x186: {  	v6 =	vld @!p1 [tilespmem:$0xD0];
	v5 =	vshra.s32 @!p1 v3, $0xE;
	[tilespmem:$0x190] =	vst @!p1 v2  }
0x187: {  	v3 =	vand.u32 @!p1 $0x3FFF, v3;
	[tilespmem:$0x1A0] =	vst @!p1 v5  }
0x188: {  	v2 =	vand.u32 @!p1 $0x3FFF, v7;
	[tilespmem:$0x2A0] =	vst @!p1 v3  }
0x189: {  	v5 =	vshra.s32 @!p1 v4, $0xE;
	v3 =	vld @!p1 [tilespmem:$0xF0];
	[tilespmem:$0x2E0] =	vst @!p1 v2  }
0x18a: {  	v4 =	vand.u32 @!p1 $0x3FFF, v4;
	[tilespmem:$0x1B0] =	vst @!p1 v5  }
0x18b: {  	[tilespmem:$0x2B0] =	vst @!p1 v4;
	v4 =	vshra.s32 @!p1 v6, $0xE;
	v5 =	vld @!p1 [tilespmem:$0xC0]  }
0x18c: {  	[tilespmem:$0x1D0] =	vst @!p1 v4;
	v4 =	vand.u32 @!p1 $0x3FFF, v6  }
0x18d: {  	[tilespmem:$0x2D0] =	vst @!p1 v4;
	v4 =	vshra.s32 @!p1 v7, $0xE  }
0x18e: {  	[tilespmem:$0x1E0] =	vst @!p1 v4;
	v2 =	vshra.s32 @!p1 v3, $0xE  }
0x18f: {  	[tilespmem:$0x1F0] =	vst @!p1 v2;
	v2 =	vand.u32 @!p1 $0x3FFF, v3  }
0x190: {  	v1 =	vshra.s32 @!p1 v5, $0xE;
	[tilespmem:$0x2F0] =	vst @!p1 v2  }
0x191: {  	v2 =	vand.u32 @!p1 $0x3FFF, v5;
	[tilespmem:$0x1C0] =	vst @!p1 v1  }
0x192: {  	s5 =	simm.s32 @!p1 $0x4300;
	s4 =	simm.s32 @!p1 $0x180;
	[tilespmem:$0x2C0] =	vst @!p1 v2  }
0x193: {  	[tilespmem:s5], [sflag:$0x2] =	stream.indirect.gather @!p1 [hbm4b:s14+s6], $0x80, s4, s6, $0xb8;
	[tilespmem:$0x1CB00] =	vst v63  }
0x194: {  	s4 =	simm.s32 @!p0 $0x1  }
0x195: {  	_ =	swait.ge @!p0 [sflag:s4], $0x4000  }
0x196: {  	[sflag:s4] =	ssyncset.done @!p0 $0x0  }
0x197: {  	[sflag:s4] =	ssyncadd.s32 @!p0 $0xFFFFC000;
	s4 =	simm.s32 @!p0 $0x200  }
0x198: {  	[spmem:s1] =	stream.indirect.scatter.add.f32 @!p0 [tilespmem:s2], [sflag:$0x3], $0x80, s4, s3, $0xb8;
	[tilespmem:$0x1CB00] =	vst v63  }
0x199: {  	_ =	swait.ge [sflag:s13], $0x4000  }
0x19a: {  	[sflag:s13] =	ssyncset.done $0x0  }
0x19b: {  	[sflag:s13] =	ssyncadd.s32 $0xFFFFC000  }
0x19c: {  	_ =	swait.ge [sflag:s26], $0x4000  }
0x19d: {  	[sflag:s26] =	ssyncset.done $0x0  }
0x19e: {  	s8 =	stileid.u32;
	[sflag:s26] =	ssyncadd.s32 $0xFFFFC000  }
0x19f: {  	s2 =	sshll.u32 s8, $0x6;
	[bflag:$0x0] =	sbarrier.arrive $0xFFFF  }
0x1a0: {  	s12 =	sshrl.u32 s15, $0x3;
	s2 =	sor.u32 $0x1C05, s2;
	s28 =	rddreg [dreg:$0x3]  }
0x1a1: {  	[hbm:s28], [sflag:s2] =	dma.local [spmem:s12], $0x400  }
0x1a2: {  	s30 =	sshrl.u32 s16, $0x3;
	s4 =	rddreg [dreg:$0x4]  }
0x1a3: {  	[hbm:s4], [sflag:s2] =	dma.local [spmem:s30], $0x400  }
0x1a4: {  	s31 =	sshrl.u32 s17, $0x3;
	s4 =	rddreg [dreg:$0x5]  }
0x1a5: {  	[hbm:s4], [sflag:s2] =	dma.local [spmem:s31], $0x400  }
0x1a6: {  	s5 =	sshrl.u32 s18, $0x3;
	s4 =	rddreg [dreg:$0x6]  }
0x1a7: {  	[hbm:s4], [sflag:s2] =	dma.local [spmem:s5], $0x400  }
0x1a8: {  	s6 =	sshrl.u32 s19, $0x3;
	s4 =	rddreg [dreg:$0x7]  }
0x1a9: {  	[hbm:s4], [sflag:s2] =	dma.local [spmem:s6], $0x400  }
0x1aa: {  	s7 =	sshrl.u32 s20, $0x3;
	s4 =	rddreg [dreg:$0x8]  }
0x1ab: {  	[hbm:s4], [sflag:s2] =	dma.local [spmem:s7], $0x400  }
0x1ac: {  	s8 =	sshrl.u32 s21, $0x3;
	s4 =	rddreg [dreg:$0x9]  }
0x1ad: {  	[hbm:s4], [sflag:s2] =	dma.local [spmem:s8], $0x400  }
0x1ae: {  	s12 =	sshrl.u32 s22, $0x3;
	s4 =	rddreg [dreg:$0xa]  }
0x1af: {  	[hbm:s4], [sflag:s2] =	dma.local [spmem:s12], $0x400  }
0x1b0: {  	s28 =	sshrl.u32 s23, $0x3;
	s4 =	rddreg [dreg:$0xb]  }
0x1b1: {  	[hbm:s4], [sflag:s2] =	dma.local [spmem:s28], $0x400  }
0x1b2: {  	s30 =	sshrl.u32 s25, $0x3;
	s4 =	rddreg [dreg:$0xc]  }
0x1b3: {  	[hbm:s4], [sflag:s2] =	dma.local [spmem:s30], $0x400  }
0x1b4: {  	_ =	swait.ge [sflag:s11], $0x400  }
0x1b5: {  	[sflag:s11] =	ssyncset.done $0x0  }
0x1b6: {  	[sflag:s11] =	ssyncadd.s32 $0xFFFFFC00  }
0x1b7: {  	_ =	swait.ge [sflag:s11], $0x400  }
0x1b8: {  	[sflag:s11] =	ssyncset.done $0x0  }
0x1b9: {  	[sflag:s11] =	ssyncadd.s32 $0xFFFFFC00  }
0x1ba: {  	_ =	swait.ge [sflag:s11], $0x400  }
0x1bb: {  	[sflag:s11] =	ssyncset.done $0x0  }
0x1bc: {  	[sflag:s11] =	ssyncadd.s32 $0xFFFFFC00  }
0x1bd: {  	_ =	swait.ge [sflag:s11], $0x400  }
0x1be: {  	[sflag:s11] =	ssyncset.done $0x0  }
0x1bf: {  	[sflag:s11] =	ssyncadd.s32 $0xFFFFFC00  }
0x1c0: {  	_ =	swait.ge [sflag:s11], $0x400  }
0x1c1: {  	[sflag:s11] =	ssyncset.done $0x0  }
0x1c2: {  	[sflag:s11] =	ssyncadd.s32 $0xFFFFFC00  }
0x1c3: {  	_ =	swait.ge [sflag:s11], $0x400  }
0x1c4: {  	[sflag:s11] =	ssyncset.done $0x0  }
0x1c5: {  	[sflag:s11] =	ssyncadd.s32 $0xFFFFFC00  }
0x1c6: {  	_ =	swait.ge [sflag:s11], $0x400  }
0x1c7: {  	[sflag:s11] =	ssyncset.done $0x0  }
0x1c8: {  	[sflag:s11] =	ssyncadd.s32 $0xFFFFFC00  }
0x1c9: {  	_ =	swait.ge [sflag:s11], $0x400  }
0x1ca: {  	[sflag:s11] =	ssyncset.done $0x0  }
0x1cb: {  	[sflag:s11] =	ssyncadd.s32 $0xFFFFFC00  }
0x1cc: {  	_ =	swait.ge [sflag:s11], $0x400  }
0x1cd: {  	[sflag:s11] =	ssyncset.done $0x0  }
0x1ce: {  	[sflag:s11] =	ssyncadd.s32 $0xFFFFFC00  }
0x1cf: {  	_ =	swait.ge [sflag:s11], $0x400  }
0x1d0: {  	s29 =	sadd.s32 $0x1, s29;
	s31 =	rddreg [dreg:$0xd]  }
0x1d1: {  	p0 =	sne.s32 s29, s31  }
.Ltmp2:
0x1d2: {  	_ = 	snop;
	(pc) =	sbr.rel @p0 .LBB2_1-.Ltmp2, $3  }
0x1d3: {  	_ =	sdelay $0x1  }
0x1d4: {  	[sflag:s11] =	ssyncset.done $0x0  }
0x1d5: {  	[sflag:s11] =	ssyncadd.s32 $0xFFFFFC00  }
0x1d6: {  	_ =	sfence.sel $0x180000  }
0x1d7: {  	[bflag:$0x0] =	sbarrier.arrive $0xFFFF  }
0x1d8: {  	_ =	strace $0x9000004A  }
0x1d9: {  	s0 =	stileid.u32;
	[bflag:$0x2] =	sbarrier.arrive $0xFFFF  }
0x1da: {  	p0 =	sne.s32 s0, $0x0;
	s0 =	rddreg [dreg:$0x2]  }
0x1db: {  	s0 =	sadd.s32 @!p0 $0x100000, s0  }
0x1dc: {  	[sflag:s0] =	ssyncadd.tile.s32 @!p0 $0x1;
	_ =	shalt  }
.Lfunc_end2:
_tile_overlayer_lowered:
.L_overlay_start_2:
0x1dd: {  	(tag) =	ssettag $0x2  }
0x1de: {  	s0 =	rddreg [dreg:$0x0];
	s2 =	stileid.u32  }
0x1df: {  	s1 =	rddreg [dreg:$0x1];
	p0 =	sne.s32 s2, $0x0  }
0x1e0: {  	s3 =	rddreg [dreg:$0x2];
	[bflag:$0x3] =	sbarrier.arrive $0xFFFF;
	s2 =	simm.s32 @!p0 $0x1C06  }
0x1e1: {  	[timem:s3], [sflag:s2] =	dma.local @!p0 [hbm:s0], s1  }
0x1e2: {  	s0 =	simm.s32 @!p0 $0x6  }
0x1e3: {  	_ =	swait.ge @!p0 [sflag:s0], s1  }
0x1e4: {  	s1 =	ssub.s32 @!p0 $0x0, s1;
	[sflag:s0] =	ssyncset.done @!p0 $0x0  }
0x1e5: {  	[sflag:s0] =	ssyncadd.s32 @!p0 s1  }
0x1e6: {  	[bflag:$0x3] =	sbarrier.arrive $0xFFFF  }
0x1e7: {  	_ =	shalt  }

// kernel: kernel.14.cloned.1.call-start
scs
__scs_entry_jumppad:
0x0: {  	(pc) =	sbr.rel $0x88, $3  }
0x1: {  	(tag) =	ssettag $0x0;
	lr =	simm.s32 $0x1  }
0x2: {  	[smem:$0x3F98] =	sst lr;
	_ =	strace $0xD0000000  }
0x3: {  	_ = 	snop  }
0x4: {  	_ = 	snop  }
0x5: {  	_ = 	snop  }
0x6: {  	_ = 	snop  }
0x7: {  	_ = 	snop  }
__scs_overlays_trampoline_lowered:
0x8: {  	[smem:$0x3FA7] =	sst s0  }
0x9: {  	[smem:$0x3FA8] =	sst s1  }
0xa: {  	[smem:$0x3FA9] =	sst s2  }
0xb: {  	[smem:$0x3FAA] =	sst s3  }
0xc: {  	[smem:$0x3FAB] =	sst s4  }
0xd: {  	[smem:$0x3FAC] =	sst s5  }
0xe: {  	[smem:$0x3FAD] =	sst s6  }
0xf: {  	[smem:$0x3FAE] =	sst s7  }
0x10: {  	[smem:$0x3FAF] =	sst s8  }
0x11: {  	[smem:$0x3FB0] =	sst s9;
	s0 =	simm.s32 @!p0 $0x0  }
0x12: {  	s1 =	sld [smem:$0x3F96];
	s0 =	simm.s32 @p0 $0x1  }
0x13: {  	[smem:$0x3FB1] =	sst s0;
	s0 =	simm.s32 @!p1 $0x0  }
0x14: {  	s2 =	sld [smem:$0x3F95];
	s0 =	simm.s32 @p1 $0x1  }
0x15: {  	[smem:$0x3FB2] =	sst s0;
	s0 =	simm.s32 @!p2 $0x0  }
0x16: {  	s3 =	sld [smem:$0x3FDB];
	s0 =	simm.s32 @p2 $0x1  }
0x17: {  	s4 =	simm.s32 $0x1BF5;
	[smem:$0x3FB4] =	sst s0  }
0x18: {  	s0 =	sld [smem:$0x3F97];
	_ =	swait.ge [sflag:s4], $0x0  }
0x19: {  	s7 =	sld [smem:$0x3F98]  }
0x1a: {  	s8 =	sadd.s32 $0xFFFFE003, lr  }
0x1b: {  	s9 =	sadd.s32 $0xFFFFFEF7, lr;
	s5 =	simm.s32 $0xFFFFFFFF;
	p2 =	slt.u32 s8, $0xFFFFF086  }
0x1c: {  	p1 =	slt.u32 s9, $0xF7A;
	s5 =	simm.s32 @!p2 $0x0  }
0x1d: {  	s5 =	simm.s32 @p1 $0x1;
	p0 =	seq.s32 s7, s2  }
0x1e: {  	s7 =	smul.u32 @!p0 $0xF7A, s2;
	p2 =	seq.s32 @!p0 s5, $0x0  }
0x1f: {  	s9 =	smul.u32 $0xF7A, s1;
	s8 =	simm.s32 @!p0 $0x1BF5;
	p2 =	por !p2, p0  }
0x20: {  	[sflag:s8] =	ssyncset.s32 @!p0 $0xFFFFF086;
	s6 =	sadd.s32 @!p0 s3, s7;
	s7 =	simm.s32 @!p0 $0x108  }
0x21: {  	s3 =	sadd.s32 s3, s9;
	s6 =	sadd.s32 @!p0 $0x88, s6;
	s7 =	simm.s32 @p2 $0x1082  }
0x22: {  	[simem:s7], [sflag:s8] =	dma.local @!p0 [hbm:s6], $0xF7A  }
0x23: {  	s9 =	sor.u32 $0xD0000000, s2;
	s6 =	simm.s32 $0x108;
	_ =	swait.ge @!p0 [sflag:s8], $0x0  }
0x24: {  	s3 =	sadd.s32 $0x88, s3;
	s6 =	simm.s32 @!p1 $0x1082;
	[sflag:s4] =	ssyncset.s32 $0xFFFFF086  }
0x25: {  	[simem:s6], [sflag:s4] =	dma.local [hbm:s3], $0xF7A  }
0x26: {  	[smem:$0x3F98] =	sst s1;
	(tag) =	ssettag s2;
	_ =	strace s9  }
0x27: {  	s1 =	sld [smem:$0x3FA8]  }
0x28: {  	s2 =	sld [smem:$0x3FA9]  }
0x29: {  	s4 =	sld [smem:$0x3FAB]  }
0x2a: {  	p0 =	seq.s32 s5, $0x0;
	s5 =	sld [smem:$0x3FAC]  }
0x2b: {  	s6 =	sld [smem:$0x3FAD]  }
0x2c: {  	s7 =	sld [smem:$0x3FAE]  }
0x2d: {  	s3 =	simm.s32 $0x108;
	s8 =	sld [smem:$0x3FAF]  }
0x2e: {  	s3 =	simm.s32 @!p0 $0x1082;
	s9 =	sld [smem:$0x3FB0]  }
0x2f: {  	lr =	sadd.s32 s0, s3;
	s0 =	sld [smem:$0x3FA7]  }
0x30: {  	s3 =	sld [smem:$0x3FAA]  }
0x31: {  	[smem:$0x3FB3] =	sst s10  }
0x32: {  	s10 =	sld [smem:$0x3FB1];
	_ =	sdelay $0x3  }
0x33: {  	p0 =	seq.s32 s10, $0x1;
	s10 =	sld [smem:$0x3FB3];
	_ =	sdelay $0x3  }
0x34: {  	[smem:$0x3FB3] =	sst s10  }
0x35: {  	s10 =	sld [smem:$0x3FB2];
	_ =	sdelay $0x3  }
0x36: {  	p1 =	seq.s32 s10, $0x1;
	s10 =	sld [smem:$0x3FB3];
	_ =	sdelay $0x3  }
0x37: {  	[smem:$0x3FB3] =	sst s10  }
0x38: {  	s10 =	sld [smem:$0x3FB4]  }
0x39: {  	_ = 	snop;
	(pc) =	sbr.ind lr, $3  }
0x3a: {  	_ = 	snop  }
0x3b: {  	_ = 	snop  }
0x3c: {  	p2 =	seq.s32 s10, $0x1;
	s10 =	sld [smem:$0x3FB3]  }
0x3d: {  	_ =	shalt  }
0x3e: {  	_ =	shalt  }
0x3f: {  	_ =	shalt  }
0x40: {  	_ =	shalt  }
0x41: {  	_ =	shalt  }
0x42: {  	_ =	shalt  }
0x43: {  	_ =	shalt  }
0x44: {  	_ =	shalt  }
0x45: {  	_ =	shalt  }
0x46: {  	_ =	shalt  }
0x47: {  	_ =	shalt  }
0x48: {  	_ =	shalt  }
0x49: {  	_ =	shalt  }
0x4a: {  	_ =	shalt  }
0x4b: {  	_ =	shalt  }
0x4c: {  	_ =	shalt  }
0x4d: {  	_ =	shalt  }
0x4e: {  	_ =	shalt  }
0x4f: {  	_ =	shalt  }
0x50: {  	_ =	shalt  }
0x51: {  	_ =	shalt  }
0x52: {  	_ =	shalt  }
0x53: {  	_ =	shalt  }
0x54: {  	_ =	shalt  }
0x55: {  	_ =	shalt  }
0x56: {  	_ =	shalt  }
0x57: {  	_ =	shalt  }
0x58: {  	_ =	shalt  }
0x59: {  	_ =	shalt  }
0x5a: {  	_ =	shalt  }
0x5b: {  	_ =	shalt  }
0x5c: {  	_ =	shalt  }
0x5d: {  	_ =	shalt  }
0x5e: {  	_ =	shalt  }
0x5f: {  	_ =	shalt  }
0x60: {  	_ =	shalt  }
0x61: {  	_ =	shalt  }
0x62: {  	_ =	shalt  }
0x63: {  	_ =	shalt  }
0x64: {  	_ =	shalt  }
0x65: {  	_ =	shalt  }
0x66: {  	_ =	shalt  }
0x67: {  	_ =	shalt  }
0x68: {  	_ =	shalt  }
0x69: {  	_ =	shalt  }
0x6a: {  	_ =	shalt  }
0x6b: {  	_ =	shalt  }
0x6c: {  	_ =	shalt  }
0x6d: {  	_ =	shalt  }
0x6e: {  	_ =	shalt  }
0x6f: {  	_ =	shalt  }
0x70: {  	_ =	shalt  }
0x71: {  	_ =	shalt  }
0x72: {  	_ =	shalt  }
0x73: {  	_ =	shalt  }
0x74: {  	_ =	shalt  }
0x75: {  	_ =	shalt  }
0x76: {  	_ =	shalt  }
0x77: {  	_ =	shalt  }
0x78: {  	_ =	shalt  }
0x79: {  	_ =	shalt  }
0x7a: {  	_ =	shalt  }
0x7b: {  	_ =	shalt  }
0x7c: {  	_ =	shalt  }
0x7d: {  	_ =	shalt  }
0x7e: {  	_ =	shalt  }
0x7f: {  	_ =	shalt  }
0x80: {  	_ =	shalt  }
0x81: {  	_ =	shalt  }
0x82: {  	_ =	shalt  }
0x83: {  	_ =	shalt  }
0x84: {  	_ =	shalt  }
0x85: {  	_ =	shalt  }
0x86: {  	_ =	shalt  }
0x87: {  	_ =	shalt  }
.Lfunc_end0:
.L_simem_size_0:
called_computation.2_lowered:
.L_overlay_start_0:
0x88: {  	s2 =	sld [smem:$0x3FD9]  }
0x89: {  	s3 =	sld [smem:$0x3FFE];
	_ =	sdelay $0x1  }
0x8a: {  	s1 =	srdreg.scid  }
0x8b: {  	s0 =	sand.u32 $0x1, s1  }
0x8c: {  	s16 =	sshll.u32 s0, $0xA;
	s2 =	sadd.s32 s3, s2  }
0x8d: {  	s2 =	sadd.s32 s2, s16  }
0x8e: {  	[smem:$0x3FBF] =	sst s2  }
0x8f: {  	_ = 	snop  }
0x90: {  	(tm) =	ssettm $0x1  }
0x91: {  	s17 =	sld [smem:$0x3FFB];
	_ =	sdelay $0x3  }
0x92: {  	_ =	strace s17  }
0x93: {  	s2 =	sld [smem:$0x3FFC];
	_ =	sdelay $0x3  }
0x94: {  	_ =	strace s2  }
0x95: {  	s2 =	sld [smem:$0x3FFD];
	_ =	sdelay $0x3  }
0x96: {  	_ =	strace s2  }
0x97: {  	_ =	strace $0x8FFFFFFF  }
0x98: {  	s18 =	sld [smem:$0x3FDB];
	_ =	sdelay $0x1  }
0x99: {  	s19 =	simm.s32 $_scs_section_size  }
0x9a: {  	s4 =	simm.s32 $_size__tile_overlayer_lowered;
	s5 =	simm.s32 $_tile_overlayer_lowered  }
0x9b: {  	s22 =	simm.s32 $0x1BFF;
	s21 =	sshll.u32 s5, $0x1;
	s2 =	sadd.s32 s19, s18  }
0x9c: {  	s6 =	simm.s32 $0x0;
	s20 =	sshll.u32 s4, $0x1;
	s4 =	sadd.s32 s21, s2  }
0x9d: {  	[timem:s6], [sflag:s22] =	dma.local [hbm:s4], s20  }
0x9e: {  	_ =	swait.ge [sflag:s22], s20  }
0x9f: {  	s3 =	ssub.s32 $0x0, s20;
	[sflag:s22] =	ssyncset.done $0x0  }
0xa0: {  	[sflag:s22] =	ssyncadd.s32 s3;
	_ =	sdelay $0x1  }
0xa1: {  	s23 =	simm.s32 $0x1B8B  }
0xa2: {  	_ =	swait.ge [sflag:s23], $0x1  }
0xa3: {  	[sflag:s23] =	ssyncset.done $0x0  }
0xa4: {  	s25 =	simm.s32 $0x1B8E;
	s24 =	sld [smem:$0x3FFE];
	[sflag:s23] =	ssyncadd.s32 $0xFFFFFFFF  }
0xa5: {  	s26 =	simm.s32 $execute0_lowered;
	[smem:$0x3FD2] =	sst s25  }
0xa6: {  	s4 =	sshll.u32 s26, $0x1;
	_ =	strace $0x8000004C;
	[dreg:$0x1] =	wrdreg $0xFFFFFFFF  }
0xa7: {  	s28 =	simm.s32 $_size_execute0_lowered;
	s2 =	sadd.s32 s2, s4;
	[dreg:$0x0] =	wrdreg $0x0  }
0xa8: {  	s4 =	sshll.u32 s28, $0x1;
	[dreg:$0x2] =	wrdreg s2  }
0xa9: {  	[dreg:$0x3] =	wrdreg s4  }
0xaa: {  	[dreg:$0x4] =	wrdreg $0xC0  }
0xab: {  	_ =	task [dreg:s6], $0x5FFFF  }
0xac: {  	[dreg:$0x1] =	wrdreg $0xFFFFFFFF  }
0xad: {  	[dreg:$0x0] =	wrdreg $0x60  }
0xae: {  	[dreg:$0x2] =	wrdreg s24  }
0xaf: {  	[dreg:$0x3] =	wrdreg $0x8A000  }
0xb0: {  	[dreg:$0x4] =	wrdreg $0x9  }
0xb1: {  	_ =	task.clear_ibuf [dreg:s6], $0x5FFFF;
	_ =	strace $0x9000004C  }
0xb2: {  	s29 =	simm.s32 $0x9;
	_ =	strace $0x8000004E  }
0xb3: {  	_ =	swait.ge [sflag:s29], $0x1  }
0xb4: {  	[sflag:s29] =	ssyncadd.s32 $0xFFFFFFFF  }
0xb5: {  	_ =	strace $0x9000004E  }
0xb6: {  	_ =	sfence  }
0xb7: {  	s30 =	sld [smem:$0x0];
	_ =	sdelay $0x2  }
0xb8: {  	s31 =	sshll.u32 s1, $0xD;
	s1 =	sshrl.u32 s1, $0x2  }
0xb9: {  	s3 =	sand.u32 $0x4000, s31;
	s1 =	sadd.s32 s1, s30  }
0xba: {  	s0 =	sor.u32 s3, s0;
	s1 =	sshll.u32 s1, $0x11  }
0xbb: {  	s0 =	sor.u32 s1, s0  }
0xbc: {  	s0 =	sadd.s32 $0x8F2B, s0  }
0xbd: {  	[sflag:s0] =	ssyncadd.remote.s32 $0x1  }
0xbe: {  	_ =	sfence.sel $0xFFFF  }
0xbf: {  	[dreg:$0x0] =	wrdreg $0xFFFFFFFF;
	(pc) =	sbr.abs _section_cstart, $3  }
0xc0: {  	[dreg:$0x1] =	wrdreg $0xFFFFFFFF  }
0xc1: {  	_ =	task.clear_ibuf [dreg:s6], $0x2FFFF;
	_ =	strace $0x9FFFFFFF  }
0xc2: {  	(tm) =	ssettm $0x7FFFFFFF  }
0xc3: {  	_ =	shalt  }
tec
execute0_lowered:
.L_overlay_start_1:
0x0: {  	(tag) =	ssettag $0x1  }
0x1: {  	s7 =	rddreg [dreg:$0x0]  }
0x2: {  	s1 =	rddreg [dreg:$0x1]  }
0x3: {  	s2 =	simm.s32 $0x0;
	s6 =	srdreg.scid;
	s0 =	stileid.u32  }
0x4: {  	s20 =	simm.s32 $0x5;
	s21 =	simm.s32 $0x0;
	[smem:$0x7FF] =	sst s2  }
0x5: {  	s4 =	sadd.s32 $0x3EC00, s7;
	s5 =	sadd.s32 $0x2E00, s7;
	s10 =	smul.u32 $0x9000, s0  }
0x6: {  	s12 =	sand.u32 $0x1, s6;
	s6 =	sadd.s32 $0xCE00, s7;
	s13 =	smul.u32 $0x2400, s0  }
0x7: {  	s8 =	sshll.u32 s0, $0x5;
	s14 =	sadd.s32 $0x16E00, s7;
	s18 =	smul.u32 $0x5000, s0  }
0x8: {  	_ =	strace $0x8000004D;
	s9 =	sshll.u32 s12, $0x4;
	s16 =	smul.u32 $0x24000, s12  }
0x9: {  	s28 =	ssub.s32 $0x2, s12;
	s19 =	smul.u32 $0x2800, s12;
	s8 =	sor.u32 s9, s8  }
0xa: {  	s29 =	sshrl.u32 s28, $0x1;
	s30 =	sshrl.u32 s10, $0x2;
	s17 =	sadd.s32 $0x2000, s13  }
0xb: {  	s8 =	sadd.s32 s8, s7;
	s15 =	ssub.s32 s28, s29;
	s13 =	sadd.s32 s13, s16  }
0xc: {  	s16 =	sadd.s32 s16, s17;
	s12 =	sadd.s32 s17, s1;
	s3 =	sadd.s32 $0x3EA00, s8  }
.Ltmp0:
0xd: {  	s8 =	sadd.s32 s30, s1;
	s13 =	sshrl.u32 s13, $0x3;
	(pc) =	sbr.rel .LBB2_1-.Ltmp0, $4  }
0xe: {  	s16 =	sshrl.u32 s16, $0x3;
	s15 =	smax.u32 s15, $0x1;
	[dreg:$0x3] =	wrdreg s3  }
0xf: {  	s31 =	sadd.s32 $0x800, s8;
	s10 =	sadd.s32 $0x1000, s8;
	s11 =	sadd.s32 $0x1800, s8  }
0x10: {  	s13 =	sadd.s32 s14, s13;
	s14 =	sadd.s32 s14, s16;
	s16 =	sadd.s32 s19, s18  }
0x11: {  	v0 =	vimm.f32 $0.0e+00;
	s18 =	simm.s32 $0x6;
	s19 =	simm.s32 $0x8200;
	[dreg:$0x4] =	wrdreg s31  }
.LBB2_13:
0x12: {  	s0 =	simm.s32 $0x3  }
0x13: {  	s0 =	simm.s32 @p1 $0x4  }
0x14: {  	_ =	swait.ge [sflag:s0], $0x4000  }
0x15: {  	p0 =	por $0x1, $0x1;
	[sflag:s0] =	ssyncset.done $0x0  }
0x16: {  	p2 =	por @!p1 p0, p0;
	[sflag:s0] =	ssyncadd.s32 $0xFFFFC000  }
.LBB2_14:
0x17: {  	p0 =	sne.s32 s23, $0x0  }
0x18: {  	p0 =	por !p2, p0  }
0x19: {  	s0 =	simm.s32 @!p0 $0x4  }
0x1a: {  	_ =	swait.ge @!p0 [sflag:s0], $0x4000  }
0x1b: {  	s30 =	stileid.u32;
	s3 =	sshrl.u32 s8, $0x3;
	[sflag:s0] =	ssyncset.done @!p0 $0x0  }
0x1c: {  	s31 =	sshrl.u32 s12, $0x3;
	[sflag:s0] =	ssyncadd.s32 @!p0 $0xFFFFC000;
	s0 =	sshll.u32 s30, $0x6  }
0x1d: {  	s21 =	sadd.s32 $0x1, s21;
	[bflag:$0x0] =	sbarrier.arrive $0xFFFF;
	s0 =	sor.u32 $0x1C05, s0  }
0x1e: {  	[hbm:s13], [sflag:s0] =	dma.local [spmem:s3], $0x400  }
0x1f: {  	[hbm:s14], [sflag:s0] =	dma.local [spmem:s31], $0x80  }
0x20: {  	p0 =	sne.s32 s21, s15;
	_ =	swait.ge [sflag:s20], $0x400  }
.Ltmp1:
0x21: {  	[sflag:s20] =	ssyncset.done $0x0;
	(pc) =	sbr.rel @!p0 .LBB2_15-.Ltmp1, $4  }
0x22: {  	[sflag:s20] =	ssyncadd.s32 $0xFFFFFC00  }
0x23: {  	_ =	swait.ge [sflag:s20], $0x80  }
0x24: {  	[sflag:s20] =	ssyncset.done $0x0  }
0x25: {  	[sflag:s20] =	ssyncadd.s32 $0xFFFFFF80  }
.LBB2_1:
0x26: {  	s0 =	rddreg [dreg:$0x3];
	s3 =	simm.s32 $0xAE00  }
0x27: {  	[tilespmem:s3], [sflag:$0x6] =	stream.linear.gather [hbm4b:s0+s2], $0x80, $0x38;
	[tilespmem:$0xAE80] =	vst v63  }
0x28: {  	s22 =	sand.u32 $0x3E00, s2;
	s23 =	sand.u32 $0x70, s2;
	_ =	swait.ge [sflag:s18], $0x80  }
0x29: {  	s24 =	sshrl.u32 s22, $0x2;
	s22 =	simm.s32 $0x40;
	[sflag:s18] =	ssyncset.done $0x0  }
0x2a: {  	s24 =	sor.u32 s23, s24;
	s23 =	simm.s32 $0x0;
	[sflag:s18] =	ssyncadd.s32 $0xFFFFFF80  }
.LBB2_2:
0x2b: {  	p0 =	sne.s32 s22, $0x3FC0  }
0x2c: {  	[tilespmem:s24+$0x8200] =	vst v0;
	s23 =	sadd.s32 $0x10, s23;
	s24 =	smov.u32 s22;
	s22 =	sadd.s32 $0x40, s22  }
.Ltmp2:
0x2d: {  	(pc) =	sbr.rel @p0 .LBB2_2-.Ltmp2, $4  }
0x2e: {  	_ = 	snop  }
0x2f: {  	s24 =	sand.u32 $0x3E00, s24  }
0x30: {  	s25 =	sand.u32 $0x70, s23;
	s24 =	sshrl.u32 s24, $0x2  }
0x31: {  	s24 =	sor.u32 s25, s24  }
0x32: {  	[tilespmem:s24+$0x8200] =	vst v0  }
0x33: {  	[spmem:s8] =	stream.linear.scatter [tilespmem:s19], [sflag:$0x5], $0x800, $0x38;
	[tilespmem:$0xAE80] =	vst v63  }
0x34: {  	s0 =	rddreg [dreg:$0x4]  }
0x35: {  	[spmem:s0] =	stream.linear.scatter [tilespmem:s19], [sflag:$0x5], $0x800, $0x38;
	[tilespmem:$0xAE80] =	vst v63  }
0x36: {  	_ = 	snop  }
0x37: {  	[spmem:s10] =	stream.linear.scatter [tilespmem:s19], [sflag:$0x5], $0x800, $0x38;
	[tilespmem:$0xAE80] =	vst v63  }
0x38: {  	_ = 	snop  }
0x39: {  	[spmem:s11] =	stream.linear.scatter [tilespmem:s19], [sflag:$0x5], $0x800, $0x38;
	[tilespmem:$0xAE80] =	vst v63  }
0x3a: {  	_ = 	snop  }
0x3b: {  	[spmem:s12] =	stream.linear.scatter [tilespmem:s19], [sflag:$0x5], $0x400, $0x38;
	[tilespmem:$0xAE80] =	vst v63  }
0x3c: {  	v1 =	vld [tilespmem:$0xAE00];
	_ =	sdelay $0x4  }
0x3d: {  	(v2sf) =	vpush v1, $0x0;
	_ =	sdelay $0xe  }
0x3e: {  	s22 =	spop (v2sf)  }
0x3f: {  	_ =	swait.ge [sflag:s20], $0x800;
	s22 =	sadd.s32 $0x7F, s22  }
0x40: {  	[sflag:s20] =	ssyncset.done $0x0;
	s23 =	sshra.s32 s22, $0x1F;
	s28 =	sand.u32 $0x7F, s22  }
0x41: {  	p0 =	slt.s32 s22, $0x1;
	[sflag:s20] =	ssyncadd.s32 $0xFFFFF800;
	p1 =	sne.s32 s28, $0x0  }
0x42: {  	s23 =	sshrl.u32 s23, $0x19;
	_ =	swait.ge [sflag:s20], $0x800;
	p0 =	por !p0, !p1  }
0x43: {  	s22 =	sadd.s32 s23, s22;
	s23 =	simm.s32 $0x1;
	p0 =	por !p0, !p0  }
0x44: {  	[sflag:s20] =	ssyncset.done $0x0;
	s22 =	sshra.s32 s22, $0x7;
	s23 =	simm.s32 @!p0 $0x0  }
0x45: {  	[sflag:s20] =	ssyncadd.s32 $0xFFFFF800;
	s22 =	ssub.s32 s22, s23  }
0x46: {  	s24 =	simm.s32 $0x1;
	_ =	swait.ge [sflag:s20], $0x800;
	s23 =	sand.u32 $0x1, s22  }
0x47: {  	s30 =	sadd.s32 $0x2, s22;
	p5 =	slt.s32 s22, $0xFFFFFFFF;
	p6 =	seq.s32 s23, $0x1  }
0x48: {  	[sflag:s20] =	ssyncset.done $0x0;
	s31 =	sshrl.u32 s30, $0x1F;
	p0 =	por !p5, !p6  }
0x49: {  	[sflag:s20] =	ssyncadd.s32 $0xFFFFF800;
	s23 =	sadd.s32 s31, s30;
	p0 =	por !p0, !p0  }
0x4a: {  	_ =	swait.ge [sflag:s20], $0x800;
	s23 =	sshra.s32 s23, $0x1;
	s24 =	simm.s32 @!p0 $0x0  }
0x4b: {  	[sflag:s20] =	ssyncset.done $0x0;
	s23 =	ssub.s32 s23, s24  }
0x4c: {  	[sflag:s20] =	ssyncadd.s32 $0xFFFFF800;
	p0 =	slt.s32 s23, $0x1  }
.Ltmp3:
0x4d: {  	_ =	swait.ge [sflag:s20], $0x400;
	(pc) =	sbr.rel @p0 .LBB2_11-.Ltmp3, $4  }
0x4e: {  	[sflag:s20] =	ssyncset.done $0x0  }
0x4f: {  	[sflag:s20] =	ssyncadd.s32 $0xFFFFFC00  }
0x50: {  	[bflag:$0x0] =	sbarrier.arrive $0xFFFF  }
0x51: {  	s29 =	simm.s32 $0x0  }
0x52: {  	s24 =	sadd.s32 $0xFFFFFFFF, s23  }
0x53: {  	p5 =	sne.s32 s24, $0x0  }
.Ltmp4:
0x54: {  	_ = 	snop;
	(pc) =	sbr.rel @!p5 .LBB2_5-.Ltmp4, $4  }
0x55: {  	_ = 	snop  }
0x56: {  	p0 =	sle.s32 s22, $0x0  }
0x57: {  	s23 =	simm.s32 $0x2;
	p1 =	por @!p0 $0x1, $0x1  }
0x58: {  	p2 =	por p0, p0;
	p0 =	por $0x0, $0x0;
	p3 =	por p1, p1  }
0x59: {  	s28 =	sshrl.u32 @!p2 s16, $0x3  }
0x5a: {  	s29 =	simm.s32 @!p2 $0x0;
	s30 =	simm.s32 @!p2 $0x6;
	s25 =	sadd.s32 @!p2 s5, s28  }
0x5b: {  	[tilespmem:s29], [sflag:$0x6] =	stream.linear.gather @!p2 [hbm4b:s25+s29], $0x80, $0x38;
	[tilespmem:$0xAE80] =	vst v63  }
0x5c: {  	_ =	swait.ge @!p2 [sflag:s30], $0x80  }
0x5d: {  	p0 =	por p3, p2;
	[sflag:s30] =	ssyncset.done @!p2 $0x0  }
0x5e: {  	s25 =	simm.s32 @!p0 $0x3;
	[sflag:s30] =	ssyncadd.s32 @!p2 $0xFFFFFF80  }
0x5f: {  	_ =	swait.ge @!p0 [sflag:s25], $0x4000  }
0x60: {  	p1 =	por p2, p2;
	[sflag:s25] =	ssyncset.done @!p0 $0x0  }
0x61: {  	s26 =	simm.s32 @!p1 $0x80;
	[sflag:s25] =	ssyncadd.s32 @!p0 $0xFFFFC000;
	s25 =	simm.s32 @!p1 $0x200  }
0x62: {  	[tilespmem:s25], [sflag:$0x1] =	stream.indirect.gather @!p1 [hbm4b:s4+s26], $0x80, s29, s26, $0xb8;
	[tilespmem:$0xAE80] =	vst v63  }
0x63: {  	s31 =	sadd.s32 @!p1 s6, s28;
	s28 =	simm.s32 @!p1 $0x100;
	p0 =	por $0x1, $0x1  }
0x64: {  	[tilespmem:s28], [sflag:$0x6] =	stream.linear.gather @!p1 [hbm4b:s31+s29], $0x80, $0x38;
	[tilespmem:$0xAE80] =	vst v63  }
0x65: {  	p2 =	slt.s32 @!p0 s22, $0x0;
	_ =	swait.ge @!p1 [sflag:s30], $0x80  }
0x66: {  	p0 =	por p2, p0;
	[sflag:s30] =	ssyncset.done @!p1 $0x0  }
0x67: {  	p3 =	sle.s32 s22, $0x1;
	s29 =	simm.s32 @!p0 $0x2;
	[sflag:s30] =	ssyncadd.s32 @!p1 $0xFFFFFF80  }
0x68: {  	s0 =	sadd.s32 @!p3 $0x80, s16;
	s17 =	simm.s32 @!p3 $0x6;
	_ =	swait.ge @!p0 [sflag:s29], $0x4000  }
0x69: {  	s0 =	sshrl.u32 @!p3 s0, $0x3;
	s31 =	simm.s32 @!p0 $0x4200;
	[sflag:s29] =	ssyncset.done @!p0 $0x0  }
0x6a: {  	s30 =	simm.s32 @!p0 $0x180;
	[sflag:s29] =	ssyncadd.s32 @!p0 $0xFFFFC000;
	s29 =	simm.s32 @!p0 $0x80  }
0x6b: {  	[spmem:s1] =	stream.indirect.scatter.add.f32 @!p0 [tilespmem:s31], [sflag:$0x4], $0x80, s30, s29, $0xb8;
	[tilespmem:$0xAE80] =	vst v63  }
0x6c: {  	s29 =	simm.s32 @!p3 $0x0;
	s30 =	simm.s32 @!p3 $0x80;
	s31 =	sadd.s32 @!p3 s5, s0  }
0x6d: {  	[tilespmem:s30], [sflag:$0x6] =	stream.linear.gather @!p3 [hbm4b:s31+s29], $0x80, $0x38;
	[tilespmem:$0xAE80] =	vst v63  }
0x6e: {  	p0 =	por @!p3 $0x1, $0x1;
	_ =	swait.ge @!p3 [sflag:s17], $0x80  }
0x6f: {  	p0 =	por p0, p3;
	[sflag:s17] =	ssyncset.done @!p3 $0x0  }
0x70: {  	s31 =	simm.s32 @!p0 $0x4;
	[sflag:s17] =	ssyncadd.s32 @!p3 $0xFFFFFF80  }
0x71: {  	_ =	swait.ge @!p0 [sflag:s31], $0x4000  }
0x72: {  	[sflag:s31] =	ssyncset.done @!p0 $0x0  }
0x73: {  	s3 =	simm.s32 @!p3 $0x4200;
	[sflag:s31] =	ssyncadd.s32 @!p0 $0xFFFFC000  }
0x74: {  	[tilespmem:s3], [sflag:$0x2] =	stream.indirect.gather @!p3 [hbm4b:s4+s30], $0x80, s30, s30, $0xb8;
	[tilespmem:$0xAE80] =	vst v63  }
0x75: {  	s0 =	sadd.s32 @!p3 s6, s0;
	s3 =	simm.s32 @!p3 $0x180  }
0x76: {  	[tilespmem:s3], [sflag:$0x6] =	stream.linear.gather @!p3 [hbm4b:s0+s29], $0x80, $0x38;
	[tilespmem:$0xAE80] =	vst v63  }
0x77: {  	s29 =	sadd.s32 $0xFFFFFFFF, s24  }
0x78: {  	p5 =	sne.s32 s29, $0x0  }
.Ltmp5:
0x79: {  	_ =	swait.ge @!p3 [sflag:s17], $0x80;
	(pc) =	sbr.rel @!p5 .LBB2_7-.Ltmp5, $4  }
0x7a: {  	p0 =	sle.s32 s22, $0x2;
	[sflag:s17] =	ssyncset.done @!p3 $0x0  }
0x7b: {  	s31 =	simm.s32 @!p1 $0x1;
	p4 =	por @!p0 $0x0, $0x0;
	[sflag:s17] =	ssyncadd.s32 @!p3 $0xFFFFFF80  }
0x7c: {  	p2 =	por p0, p0;
	s30 =	simm.s32 $0x4;
	_ =	swait.ge @!p1 [sflag:s31], $0x4000  }
0x7d: {  	s24 =	sadd.s32 $0x100, s16;
	p3 =	por p4, p4;
	[sflag:s31] =	ssyncset.done @!p1 $0x0  }
.LBB2_8:
0x7e: {  	p6 =	sge.s32 s30, s22;
	s0 =	sshrl.u32 @!p2 s24, $0x3;
	[sflag:s31] =	ssyncadd.s32 @!p1 $0xFFFFC000  }
0x7f: {  	[spmem:s1] =	stream.indirect.scatter.add.f32 @!p1 [tilespmem:s25], [sflag:$0x3], $0x80, s28, s26, $0xb8;
	[tilespmem:$0xAE80] =	vst v63  }
0x80: {  	s17 =	simm.s32 @!p2 $0x0;
	s31 =	simm.s32 @!p2 $0x6;
	s3 =	sadd.s32 @!p2 s5, s0  }
0x81: {  	[tilespmem:s17], [sflag:$0x6] =	stream.linear.gather @!p2 [hbm4b:s3+s17], $0x80, $0x38;
	[tilespmem:$0xAE80] =	vst v63  }
0x82: {  	s29 =	sadd.s32 $0xFFFFFFFF, s29;
	p0 =	seq.s32 @!p6 s30, $0x0;
	_ =	swait.ge @!p2 [sflag:s31], $0x80  }
0x83: {  	p4 =	por p3, p2;
	p5 =	sne.s32 s29, $0x0;
	[sflag:s31] =	ssyncset.done @!p2 $0x0  }
0x84: {  	p1 =	por p2, p2;
	s3 =	simm.s32 @!p4 $0x3;
	[sflag:s31] =	ssyncadd.s32 @!p2 $0xFFFFFF80  }
0x85: {  	p3 =	por p0, p0;
	p2 =	por p6, p6;
	_ =	swait.ge @!p4 [sflag:s3], $0x4000  }
0x86: {  	[sflag:s3] =	ssyncset.done @!p4 $0x0  }
0x87: {  	s26 =	simm.s32 @!p1 $0x80;
	s25 =	simm.s32 @!p1 $0x200;
	[sflag:s3] =	ssyncadd.s32 @!p4 $0xFFFFC000  }
0x88: {  	[tilespmem:s25], [sflag:$0x1] =	stream.indirect.gather @!p1 [hbm4b:s4+s26], $0x80, s17, s26, $0xb8;
	[tilespmem:$0xAE80] =	vst v63  }
0x89: {  	s0 =	sadd.s32 @!p1 s6, s0;
	s28 =	simm.s32 @!p1 $0x100;
	p0 =	seq.s32 s23, $0x0  }
0x8a: {  	[tilespmem:s28], [sflag:$0x6] =	stream.linear.gather @!p1 [hbm4b:s0+s17], $0x80, $0x38;
	[tilespmem:$0xAE80] =	vst v63  }
0x8b: {  	p4 =	sgt.s32 @!p0 s23, s22;
	_ =	swait.ge @!p1 [sflag:s31], $0x80  }
0x8c: {  	p0 =	por p4, p0;
	[sflag:s31] =	ssyncset.done @!p1 $0x0  }
0x8d: {  	s0 =	simm.s32 @!p0 $0x2;
	[sflag:s31] =	ssyncadd.s32 @!p1 $0xFFFFFF80  }
0x8e: {  	s3 =	simm.s32 @!p0 $0x180;
	s17 =	sadd.s32 $0x1, s23;
	_ =	swait.ge @!p0 [sflag:s0], $0x4000  }
0x8f: {  	p6 =	sge.s32 s17, s22;
	s31 =	simm.s32 @!p0 $0x4200;
	[sflag:s0] =	ssyncset.done @!p0 $0x0  }
0x90: {  	s17 =	sadd.s32 @!p6 $0x80, s24;
	[sflag:s0] =	ssyncadd.s32 @!p0 $0xFFFFC000;
	s0 =	simm.s32 @!p0 $0x80  }
0x91: {  	[spmem:s1] =	stream.indirect.scatter.add.f32 @!p0 [tilespmem:s31], [sflag:$0x4], $0x80, s3, s0, $0xb8;
	[tilespmem:$0xAE80] =	vst v63  }
0x92: {  	s0 =	sshrl.u32 @!p6 s17, $0x3;
	s3 =	simm.s32 @!p6 $0x0;
	s17 =	simm.s32 @!p6 $0x80  }
0x93: {  	s7 =	simm.s32 @!p6 $0x6;
	p0 =	seq.s32 @!p6 s23, $0x0;
	s23 =	sadd.s32 @!p6 s5, s0  }
0x94: {  	[tilespmem:s17], [sflag:$0x6] =	stream.linear.gather @!p6 [hbm4b:s23+s3], $0x80, $0x38;
	[tilespmem:$0xAE80] =	vst v63  }
0x95: {  	p0 =	por p0, p6;
	s0 =	sadd.s32 @!p6 s6, s0;
	_ =	swait.ge @!p6 [sflag:s7], $0x80  }
0x96: {  	s31 =	simm.s32 @!p0 $0x4;
	s23 =	smov.u32 s30;
	[sflag:s7] =	ssyncset.done @!p6 $0x0  }
0x97: {  	[sflag:s7] =	ssyncadd.s32 @!p6 $0xFFFFFF80  }
0x98: {  	_ =	swait.ge @!p0 [sflag:s31], $0x4000  }
0x99: {  	s9 =	simm.s32 @!p6 $0x4200;
	[sflag:s31] =	ssyncset.done @!p0 $0x0  }
0x9a: {  	[sflag:s31] =	ssyncadd.s32 @!p0 $0xFFFFC000;
	s31 =	simm.s32 @!p6 $0x180  }
0x9b: {  	[tilespmem:s9], [sflag:$0x2] =	stream.indirect.gather @!p6 [hbm4b:s4+s17], $0x80, s17, s17, $0xb8;
	[tilespmem:$0xAE80] =	vst v63  }
0x9c: {  	_ = 	snop  }
0x9d: {  	[tilespmem:s31], [sflag:$0x6] =	stream.linear.gather @!p6 [hbm4b:s0+s3], $0x80, $0x38;
	[tilespmem:$0xAE80] =	vst v63  }
.Ltmp6:
0x9e: {  	_ =	swait.ge @!p6 [sflag:s7], $0x80;
	(pc) =	sbr.rel @p5 .LBB2_8-.Ltmp6, $4  }
0x9f: {  	s31 =	simm.s32 @!p1 $0x1;
	[sflag:s7] =	ssyncset.done @!p6 $0x0  }
0xa0: {  	[sflag:s7] =	ssyncadd.s32 @!p6 $0xFFFFFF80  }
0xa1: {  	_ =	swait.ge @!p1 [sflag:s31], $0x4000  }
0xa2: {  	s24 =	sadd.s32 $0x100, s24;
	s30 =	sadd.s32 $0x2, s30;
	[sflag:s31] =	ssyncset.done @!p1 $0x0  }
0xa3: {  	s29 =	smov.u32 s23;
	p0 =	por $0x1, $0x1  }
.LBB2_10:
0xa4: {  	p0 =	por p1, !p0  }
0xa5: {  	s0 =	sshrl.u32 @!p2 s24, $0x3;
	[sflag:s31] =	ssyncadd.s32 @!p0 $0xFFFFC000  }
0xa6: {  	[spmem:s1] =	stream.indirect.scatter.add.f32 @!p0 [tilespmem:s25], [sflag:$0x3], $0x80, s28, s26, $0xb8;
	[tilespmem:$0xAE80] =	vst v63  }
0xa7: {  	s7 =	simm.s32 @!p2 $0x0;
	s9 =	simm.s32 @!p2 $0x6;
	s3 =	sadd.s32 @!p2 s5, s0  }
0xa8: {  	[tilespmem:s7], [sflag:$0x6] =	stream.linear.gather @!p2 [hbm4b:s3+s7], $0x80, $0x38;
	[tilespmem:$0xAE80] =	vst v63  }
0xa9: {  	_ =	swait.ge @!p2 [sflag:s9], $0x80  }
0xaa: {  	p0 =	por p3, p2;
	[sflag:s9] =	ssyncset.done @!p2 $0x0  }
0xab: {  	s3 =	simm.s32 @!p0 $0x3;
	[sflag:s9] =	ssyncadd.s32 @!p2 $0xFFFFFF80  }
0xac: {  	_ =	swait.ge @!p0 [sflag:s3], $0x4000  }
0xad: {  	p1 =	por p2, p2;
	[sflag:s3] =	ssyncset.done @!p0 $0x0  }
0xae: {  	s17 =	simm.s32 @!p1 $0x200;
	[sflag:s3] =	ssyncadd.s32 @!p0 $0xFFFFC000;
	s3 =	simm.s32 @!p1 $0x80  }
0xaf: {  	[tilespmem:s17], [sflag:$0x1] =	stream.indirect.gather @!p1 [hbm4b:s4+s3], $0x80, s7, s3, $0xb8;
	[tilespmem:$0xAE80] =	vst v63  }
0xb0: {  	s0 =	sadd.s32 @!p1 s6, s0;
	s23 =	simm.s32 @!p1 $0x100;
	p0 =	seq.s32 s29, $0x0  }
0xb1: {  	[tilespmem:s23], [sflag:$0x6] =	stream.linear.gather @!p1 [hbm4b:s0+s7], $0x80, $0x38;
	[tilespmem:$0xAE80] =	vst v63  }
0xb2: {  	p2 =	sgt.s32 @!p0 s29, s22;
	_ =	swait.ge @!p1 [sflag:s9], $0x80  }
0xb3: {  	p0 =	por p2, p0;
	[sflag:s9] =	ssyncset.done @!p1 $0x0  }
0xb4: {  	s31 =	sadd.s32 $0x1, s29;
	s0 =	simm.s32 @!p0 $0x2;
	[sflag:s9] =	ssyncadd.s32 @!p1 $0xFFFFFF80  }
0xb5: {  	p2 =	sge.s32 s31, s22;
	_ =	swait.ge @!p0 [sflag:s0], $0x4000  }
0xb6: {  	s7 =	simm.s32 @!p0 $0x180;
	s25 =	simm.s32 @!p0 $0x4200;
	[sflag:s0] =	ssyncset.done @!p0 $0x0  }
0xb7: {  	s9 =	sadd.s32 @!p2 $0x80, s24;
	[sflag:s0] =	ssyncadd.s32 @!p0 $0xFFFFC000;
	s0 =	simm.s32 @!p0 $0x80  }
0xb8: {  	[spmem:s1] =	stream.indirect.scatter.add.f32 @!p0 [tilespmem:s25], [sflag:$0x4], $0x80, s7, s0, $0xb8;
	[tilespmem:$0xAE80] =	vst v63  }
0xb9: {  	s0 =	sshrl.u32 @!p2 s9, $0x3;
	s7 =	simm.s32 @!p2 $0x0  }
0xba: {  	s9 =	simm.s32 @!p2 $0x80;
	s25 =	simm.s32 @!p2 $0x6;
	s24 =	sadd.s32 @!p2 s5, s0  }
0xbb: {  	[tilespmem:s9], [sflag:$0x6] =	stream.linear.gather @!p2 [hbm4b:s24+s7], $0x80, $0x38;
	[tilespmem:$0xAE80] =	vst v63  }
0xbc: {  	p0 =	seq.s32 @!p2 s29, $0x0;
	_ =	swait.ge @!p2 [sflag:s25], $0x80  }
0xbd: {  	p0 =	por p0, p2;
	[sflag:s25] =	ssyncset.done @!p2 $0x0  }
0xbe: {  	s24 =	simm.s32 @!p0 $0x4;
	[sflag:s25] =	ssyncadd.s32 @!p2 $0xFFFFFF80  }
0xbf: {  	_ =	swait.ge @!p0 [sflag:s24], $0x4000  }
0xc0: {  	[sflag:s24] =	ssyncset.done @!p0 $0x0  }
0xc1: {  	s26 =	simm.s32 @!p2 $0x4200;
	[sflag:s24] =	ssyncadd.s32 @!p0 $0xFFFFC000  }
0xc2: {  	[tilespmem:s26], [sflag:$0x2] =	stream.indirect.gather @!p2 [hbm4b:s4+s9], $0x80, s9, s9, $0xb8;
	[tilespmem:$0xAE80] =	vst v63  }
0xc3: {  	s0 =	sadd.s32 @!p2 s6, s0;
	s9 =	simm.s32 @!p2 $0x180  }
0xc4: {  	[tilespmem:s9], [sflag:$0x6] =	stream.linear.gather @!p2 [hbm4b:s0+s7], $0x80, $0x38;
	[tilespmem:$0xAE80] =	vst v63  }
0xc5: {  	_ =	swait.ge @!p2 [sflag:s25], $0x80  }
0xc6: {  	[sflag:s25] =	ssyncset.done @!p2 $0x0  }
0xc7: {  	s0 =	simm.s32 @!p1 $0x1;
	[sflag:s25] =	ssyncadd.s32 @!p2 $0xFFFFFF80  }
0xc8: {  	_ =	swait.ge @!p1 [sflag:s0], $0x4000  }
0xc9: {  	[sflag:s0] =	ssyncset.done @!p1 $0x0  }
0xca: {  	[sflag:s0] =	ssyncadd.s32 @!p1 $0xFFFFC000  }
0xcb: {  	[spmem:s1] =	stream.indirect.scatter.add.f32 @!p1 [tilespmem:s17], [sflag:$0x3], $0x80, s23, s3, $0xb8;
	[tilespmem:$0xAE80] =	vst v63  }
.LBB2_11:
0xcc: {  	s0 =	sshrl.u32 s22, $0x1F  }
0xcd: {  	s0 =	sadd.s32 s0, s22  }
0xce: {  	s0 =	sand.u32 $0xFFFFFFFE, s0  }
0xcf: {  	p0 =	slt.s32 s22, $0x2;
	s23 =	ssub.s32 s22, s0  }
0xd0: {  	p1 =	seq.s32 @!p0 s23, $0x0  }
0xd1: {  	p1 =	por p0, !p1  }
0xd2: {  	p0 =	slt.s32 @p1 s22, $0x1  }
0xd3: {  	p2 =	por p0, !p1  }
0xd4: {  	p2 =	sne.s32 @!p2 s23, $0x1  }
0xd5: {  	p3 =	por @p1 p2, p0  }
0xd6: {  	p4 =	seq.s32 @p1 s23, $0x1;
	p2 =	por @p1 !p2, p0;
	p3 =	por p3, !p1  }
0xd7: {  	p6 =	por !p2, !p1;
	p2 =	por p4, p4;
	p5 =	por @!p3 $0x1, $0x1  }
0xd8: {  	p0 =	por !p0, !p1;
	p2 =	por @!p6 p5, p5;
	p5 =	slt.s32 @p1 s22, $0x2  }
0xd9: {  	s0 =	simm.s32 @!p3 $0x3;
	p2 =	por @!p0 p4, p4;
	s3 =	simm.s32 @!p5 $0x0  }
0xda: {  	_ =	swait.ge @!p3 [sflag:s0], $0x4000;
	s3 =	simm.s32 @p5 $0x1;
	p2 =	por @p1 p5, !p2  }
0xdb: {  	[smem:$0x7FC] =	sst s3;
	s3 =	simm.s32 @!p2 $0x0  }
0xdc: {  	s3 =	simm.s32 @p2 $0x1  }
0xdd: {  	[smem:$0x7FD] =	sst s3  }
0xde: {  	s3 =	sld [smem:$0x7FD]  }
0xdf: {  	p4 =	sgt.s32 @p1 s22, $0x0  }
0xe0: {  	p5 =	por @!p3 $0x1, $0x1;
	p2 =	por p4, p4  }
0xe1: {  	p2 =	por @!p6 p5, p5;
	p6 =	seq.s32 s3, $0x1  }
0xe2: {  	p5 =	por !p1, !p6  }
.Ltmp7:
0xe3: {  	_ = 	snop;
	(pc) =	sbr.rel @p5 .LBB2_13-.Ltmp7, $3  }
0xe4: {  	_ =	sdelay $0x1  }
0xe5: {  	[sflag:s0] =	ssyncset.done @!p3 $0x0  }
0xe6: {  	[sflag:s0] =	ssyncadd.s32 @!p3 $0xFFFFC000;
	p2 =	por @!p0 p4, p4  }
0xe7: {  	s0 =	sld [smem:$0x7FC]  }
.Ltmp8:
0xe8: {  	_ = 	snop;
	(pc) =	sbr.rel .LBB2_14-.Ltmp8, $4  }
0xe9: {  	_ = 	snop  }
0xea: {  	p0 =	seq.s32 s0, $0x1  }
0xeb: {  	p0 =	por !p0, !p1  }
0xec: {  	p2 =	por @!p0 p2, p2  }
.LBB2_5:
.Ltmp9:
0xed: {  	(pc) =	sbr.rel .LBB2_10-.Ltmp9, $2  }
0xee: {  	_ =	sdelay $0x2  }
0xef: {  	s24 =	smov.u32 s16  }
.LBB2_7:
.Ltmp10:
0xf0: {  	(pc) =	sbr.rel .LBB2_10-.Ltmp10, $2  }
0xf1: {  	_ =	sdelay $0x2  }
0xf2: {  	s29 =	simm.s32 $0x2;
	p0 =	por $0x1, $0x1  }
.LBB2_15:
0xf3: {  	_ =	sfence.sel $0x180000  }
0xf4: {  	[bflag:$0x0] =	sbarrier.arrive $0xFFFF  }
0xf5: {  	_ =	strace $0x9000004D  }
0xf6: {  	s0 =	stileid.u32;
	[bflag:$0x2] =	sbarrier.arrive $0xFFFF  }
0xf7: {  	p0 =	sne.s32 s0, $0x0;
	s0 =	rddreg [dreg:$0x2]  }
0xf8: {  	s0 =	sadd.s32 @!p0 $0x100000, s0  }
0xf9: {  	[sflag:s0] =	ssyncadd.tile.s32 @!p0 $0x1;
	_ =	shalt  }
.Lfunc_end2:
_tile_overlayer_lowered:
.L_overlay_start_2:
0xfa: {  	(tag) =	ssettag $0x2  }
0xfb: {  	s0 =	rddreg [dreg:$0x0];
	s2 =	stileid.u32  }
0xfc: {  	s1 =	rddreg [dreg:$0x1];
	p0 =	sne.s32 s2, $0x0  }
0xfd: {  	s3 =	rddreg [dreg:$0x2];
	[bflag:$0x3] =	sbarrier.arrive $0xFFFF;
	s2 =	simm.s32 @!p0 $0x1C06  }
0xfe: {  	[timem:s3], [sflag:s2] =	dma.local @!p0 [hbm:s0], s1  }
0xff: {  	s0 =	simm.s32 @!p0 $0x6  }
0x100: {  	_ =	swait.ge @!p0 [sflag:s0], s1  }
0x101: {  	s1 =	ssub.s32 @!p0 $0x0, s1;
	[sflag:s0] =	ssyncset.done @!p0 $0x0  }
0x102: {  	[sflag:s0] =	ssyncadd.s32 @!p0 s1  }
0x103: {  	[bflag:$0x3] =	sbarrier.arrive $0xFFFF  }
0x104: {  	_ =	shalt  }

// kernel: kernel.8.cloned.1.call-start
scs
__scs_entry_jumppad:
0x0: {  	(pc) =	sbr.rel $0x88, $3  }
0x1: {  	(tag) =	ssettag $0x0;
	lr =	simm.s32 $0x1  }
0x2: {  	[smem:$0x3F98] =	sst lr;
	_ =	strace $0xD0000000  }
0x3: {  	_ = 	snop  }
0x4: {  	_ = 	snop  }
0x5: {  	_ = 	snop  }
0x6: {  	_ = 	snop  }
0x7: {  	_ = 	snop  }
__scs_overlays_trampoline_lowered:
0x8: {  	[smem:$0x3FA7] =	sst s0  }
0x9: {  	[smem:$0x3FA8] =	sst s1  }
0xa: {  	[smem:$0x3FA9] =	sst s2  }
0xb: {  	[smem:$0x3FAA] =	sst s3  }
0xc: {  	[smem:$0x3FAB] =	sst s4  }
0xd: {  	[smem:$0x3FAC] =	sst s5  }
0xe: {  	[smem:$0x3FAD] =	sst s6  }
0xf: {  	[smem:$0x3FAE] =	sst s7  }
0x10: {  	[smem:$0x3FAF] =	sst s8  }
0x11: {  	[smem:$0x3FB0] =	sst s9;
	s0 =	simm.s32 @!p0 $0x0  }
0x12: {  	s1 =	sld [smem:$0x3F96];
	s0 =	simm.s32 @p0 $0x1  }
0x13: {  	[smem:$0x3FB1] =	sst s0;
	s0 =	simm.s32 @!p1 $0x0  }
0x14: {  	s2 =	sld [smem:$0x3F95];
	s0 =	simm.s32 @p1 $0x1  }
0x15: {  	[smem:$0x3FB2] =	sst s0;
	s0 =	simm.s32 @!p2 $0x0  }
0x16: {  	s3 =	sld [smem:$0x3FDB];
	s0 =	simm.s32 @p2 $0x1  }
0x17: {  	s4 =	simm.s32 $0x1BF5;
	[smem:$0x3FB4] =	sst s0  }
0x18: {  	s0 =	sld [smem:$0x3F97];
	_ =	swait.ge [sflag:s4], $0x0  }
0x19: {  	s7 =	sld [smem:$0x3F98]  }
0x1a: {  	s8 =	sadd.s32 $0xFFFFE003, lr  }
0x1b: {  	s9 =	sadd.s32 $0xFFFFFEF7, lr;
	s5 =	simm.s32 $0xFFFFFFFF;
	p2 =	slt.u32 s8, $0xFFFFF086  }
0x1c: {  	p1 =	slt.u32 s9, $0xF7A;
	s5 =	simm.s32 @!p2 $0x0  }
0x1d: {  	s5 =	simm.s32 @p1 $0x1;
	p0 =	seq.s32 s7, s2  }
0x1e: {  	s7 =	smul.u32 @!p0 $0xF7A, s2;
	p2 =	seq.s32 @!p0 s5, $0x0  }
0x1f: {  	s9 =	smul.u32 $0xF7A, s1;
	s8 =	simm.s32 @!p0 $0x1BF5;
	p2 =	por !p2, p0  }
0x20: {  	[sflag:s8] =	ssyncset.s32 @!p0 $0xFFFFF086;
	s6 =	sadd.s32 @!p0 s3, s7;
	s7 =	simm.s32 @!p0 $0x108  }
0x21: {  	s3 =	sadd.s32 s3, s9;
	s6 =	sadd.s32 @!p0 $0x88, s6;
	s7 =	simm.s32 @p2 $0x1082  }
0x22: {  	[simem:s7], [sflag:s8] =	dma.local @!p0 [hbm:s6], $0xF7A  }
0x23: {  	s9 =	sor.u32 $0xD0000000, s2;
	s6 =	simm.s32 $0x108;
	_ =	swait.ge @!p0 [sflag:s8], $0x0  }
0x24: {  	s3 =	sadd.s32 $0x88, s3;
	s6 =	simm.s32 @!p1 $0x1082;
	[sflag:s4] =	ssyncset.s32 $0xFFFFF086  }
0x25: {  	[simem:s6], [sflag:s4] =	dma.local [hbm:s3], $0xF7A  }
0x26: {  	[smem:$0x3F98] =	sst s1;
	(tag) =	ssettag s2;
	_ =	strace s9  }
0x27: {  	s1 =	sld [smem:$0x3FA8]  }
0x28: {  	s2 =	sld [smem:$0x3FA9]  }
0x29: {  	s4 =	sld [smem:$0x3FAB]  }
0x2a: {  	p0 =	seq.s32 s5, $0x0;
	s5 =	sld [smem:$0x3FAC]  }
0x2b: {  	s6 =	sld [smem:$0x3FAD]  }
0x2c: {  	s7 =	sld [smem:$0x3FAE]  }
0x2d: {  	s3 =	simm.s32 $0x108;
	s8 =	sld [smem:$0x3FAF]  }
0x2e: {  	s3 =	simm.s32 @!p0 $0x1082;
	s9 =	sld [smem:$0x3FB0]  }
0x2f: {  	lr =	sadd.s32 s0, s3;
	s0 =	sld [smem:$0x3FA7]  }
0x30: {  	s3 =	sld [smem:$0x3FAA]  }
0x31: {  	[smem:$0x3FB3] =	sst s10  }
0x32: {  	s10 =	sld [smem:$0x3FB1];
	_ =	sdelay $0x3  }
0x33: {  	p0 =	seq.s32 s10, $0x1;
	s10 =	sld [smem:$0x3FB3];
	_ =	sdelay $0x3  }
0x34: {  	[smem:$0x3FB3] =	sst s10  }
0x35: {  	s10 =	sld [smem:$0x3FB2];
	_ =	sdelay $0x3  }
0x36: {  	p1 =	seq.s32 s10, $0x1;
	s10 =	sld [smem:$0x3FB3];
	_ =	sdelay $0x3  }
0x37: {  	[smem:$0x3FB3] =	sst s10  }
0x38: {  	s10 =	sld [smem:$0x3FB4]  }
0x39: {  	_ = 	snop;
	(pc) =	sbr.ind lr, $3  }
0x3a: {  	_ = 	snop  }
0x3b: {  	_ = 	snop  }
0x3c: {  	p2 =	seq.s32 s10, $0x1;
	s10 =	sld [smem:$0x3FB3]  }
0x3d: {  	_ =	shalt  }
0x3e: {  	_ =	shalt  }
0x3f: {  	_ =	shalt  }
0x40: {  	_ =	shalt  }
0x41: {  	_ =	shalt  }
0x42: {  	_ =	shalt  }
0x43: {  	_ =	shalt  }
0x44: {  	_ =	shalt  }
0x45: {  	_ =	shalt  }
0x46: {  	_ =	shalt  }
0x47: {  	_ =	shalt  }
0x48: {  	_ =	shalt  }
0x49: {  	_ =	shalt  }
0x4a: {  	_ =	shalt  }
0x4b: {  	_ =	shalt  }
0x4c: {  	_ =	shalt  }
0x4d: {  	_ =	shalt  }
0x4e: {  	_ =	shalt  }
0x4f: {  	_ =	shalt  }
0x50: {  	_ =	shalt  }
0x51: {  	_ =	shalt  }
0x52: {  	_ =	shalt  }
0x53: {  	_ =	shalt  }
0x54: {  	_ =	shalt  }
0x55: {  	_ =	shalt  }
0x56: {  	_ =	shalt  }
0x57: {  	_ =	shalt  }
0x58: {  	_ =	shalt  }
0x59: {  	_ =	shalt  }
0x5a: {  	_ =	shalt  }
0x5b: {  	_ =	shalt  }
0x5c: {  	_ =	shalt  }
0x5d: {  	_ =	shalt  }
0x5e: {  	_ =	shalt  }
0x5f: {  	_ =	shalt  }
0x60: {  	_ =	shalt  }
0x61: {  	_ =	shalt  }
0x62: {  	_ =	shalt  }
0x63: {  	_ =	shalt  }
0x64: {  	_ =	shalt  }
0x65: {  	_ =	shalt  }
0x66: {  	_ =	shalt  }
0x67: {  	_ =	shalt  }
0x68: {  	_ =	shalt  }
0x69: {  	_ =	shalt  }
0x6a: {  	_ =	shalt  }
0x6b: {  	_ =	shalt  }
0x6c: {  	_ =	shalt  }
0x6d: {  	_ =	shalt  }
0x6e: {  	_ =	shalt  }
0x6f: {  	_ =	shalt  }
0x70: {  	_ =	shalt  }
0x71: {  	_ =	shalt  }
0x72: {  	_ =	shalt  }
0x73: {  	_ =	shalt  }
0x74: {  	_ =	shalt  }
0x75: {  	_ =	shalt  }
0x76: {  	_ =	shalt  }
0x77: {  	_ =	shalt  }
0x78: {  	_ =	shalt  }
0x79: {  	_ =	shalt  }
0x7a: {  	_ =	shalt  }
0x7b: {  	_ =	shalt  }
0x7c: {  	_ =	shalt  }
0x7d: {  	_ =	shalt  }
0x7e: {  	_ =	shalt  }
0x7f: {  	_ =	shalt  }
0x80: {  	_ =	shalt  }
0x81: {  	_ =	shalt  }
0x82: {  	_ =	shalt  }
0x83: {  	_ =	shalt  }
0x84: {  	_ =	shalt  }
0x85: {  	_ =	shalt  }
0x86: {  	_ =	shalt  }
0x87: {  	_ =	shalt  }
.Lfunc_end0:
.L_simem_size_0:
called_computation_lowered:
.L_overlay_start_0:
0x88: {  	s2 =	sld [smem:$0x3FD9]  }
0x89: {  	s3 =	sld [smem:$0x3FFE];
	_ =	sdelay $0x1  }
0x8a: {  	s1 =	srdreg.scid  }
0x8b: {  	s0 =	sand.u32 $0x1, s1  }
0x8c: {  	s16 =	sshll.u32 s0, $0xA;
	s2 =	sadd.s32 s3, s2  }
0x8d: {  	s2 =	sadd.s32 s2, s16  }
0x8e: {  	[smem:$0x3FBF] =	sst s2  }
0x8f: {  	_ = 	snop  }
0x90: {  	(tm) =	ssettm $0x1  }
0x91: {  	s17 =	sld [smem:$0x3FFB];
	_ =	sdelay $0x3  }
0x92: {  	_ =	strace s17  }
0x93: {  	s2 =	sld [smem:$0x3FFC];
	_ =	sdelay $0x3  }
0x94: {  	_ =	strace s2  }
0x95: {  	s2 =	sld [smem:$0x3FFD];
	_ =	sdelay $0x3  }
0x96: {  	_ =	strace s2  }
0x97: {  	_ =	strace $0x8FFFFFFF  }
0x98: {  	s18 =	sld [smem:$0x3FDB];
	_ =	sdelay $0x1  }
0x99: {  	s19 =	simm.s32 $_scs_section_size  }
0x9a: {  	s4 =	simm.s32 $_size__tile_overlayer_lowered;
	s5 =	simm.s32 $_tile_overlayer_lowered  }
0x9b: {  	s22 =	simm.s32 $0x1BFF;
	s21 =	sshll.u32 s5, $0x1;
	s2 =	sadd.s32 s19, s18  }
0x9c: {  	s6 =	simm.s32 $0x0;
	s20 =	sshll.u32 s4, $0x1;
	s4 =	sadd.s32 s21, s2  }
0x9d: {  	[timem:s6], [sflag:s22] =	dma.local [hbm:s4], s20  }
0x9e: {  	_ =	swait.ge [sflag:s22], s20  }
0x9f: {  	s3 =	ssub.s32 $0x0, s20;
	[sflag:s22] =	ssyncset.done $0x0  }
0xa0: {  	[sflag:s22] =	ssyncadd.s32 s3;
	_ =	sdelay $0x1  }
0xa1: {  	s23 =	simm.s32 $0x1B8B  }
0xa2: {  	_ =	swait.ge [sflag:s23], $0x1  }
0xa3: {  	[sflag:s23] =	ssyncset.done $0x0  }
0xa4: {  	s25 =	simm.s32 $0x1B8E;
	s24 =	sld [smem:$0x3FFE];
	[sflag:s23] =	ssyncadd.s32 $0xFFFFFFFF  }
0xa5: {  	s26 =	simm.s32 $execute0_lowered;
	[smem:$0x3FD2] =	sst s25  }
0xa6: {  	s4 =	sshll.u32 s26, $0x1;
	_ =	strace $0x80000046;
	[dreg:$0x1] =	wrdreg $0xFFFFFFFF  }
0xa7: {  	s28 =	simm.s32 $_size_execute0_lowered;
	s2 =	sadd.s32 s2, s4;
	[dreg:$0x0] =	wrdreg $0x0  }
0xa8: {  	s4 =	sshll.u32 s28, $0x1;
	[dreg:$0x2] =	wrdreg s2  }
0xa9: {  	[dreg:$0x3] =	wrdreg s4  }
0xaa: {  	[dreg:$0x4] =	wrdreg $0xC0  }
0xab: {  	_ =	task [dreg:s6], $0x5FFFF  }
0xac: {  	[dreg:$0x1] =	wrdreg $0xFFFFFFFF  }
0xad: {  	[dreg:$0x0] =	wrdreg $0x60  }
0xae: {  	[dreg:$0x2] =	wrdreg s24  }
0xaf: {  	[dreg:$0x3] =	wrdreg $0x9  }
0xb0: {  	_ =	task.clear_ibuf [dreg:s6], $0x4FFFF;
	_ =	strace $0x90000046  }
0xb1: {  	s29 =	simm.s32 $0x9;
	_ =	strace $0x80000048  }
0xb2: {  	_ =	swait.ge [sflag:s29], $0x1  }
0xb3: {  	[sflag:s29] =	ssyncadd.s32 $0xFFFFFFFF  }
0xb4: {  	_ =	strace $0x90000048  }
0xb5: {  	_ =	sfence  }
0xb6: {  	s30 =	sld [smem:$0x0];
	_ =	sdelay $0x2  }
0xb7: {  	s31 =	sshll.u32 s1, $0xD;
	s1 =	sshrl.u32 s1, $0x2  }
0xb8: {  	s3 =	sand.u32 $0x4000, s31;
	s1 =	sadd.s32 s1, s30  }
0xb9: {  	s0 =	sor.u32 s3, s0;
	s1 =	sshll.u32 s1, $0x11  }
0xba: {  	s0 =	sor.u32 s1, s0  }
0xbb: {  	s0 =	sadd.s32 $0x8F2B, s0  }
0xbc: {  	[sflag:s0] =	ssyncadd.remote.s32 $0x1  }
0xbd: {  	_ =	sfence.sel $0xFFFF  }
0xbe: {  	[dreg:$0x0] =	wrdreg $0xFFFFFFFF;
	(pc) =	sbr.abs _section_cstart, $3  }
0xbf: {  	[dreg:$0x1] =	wrdreg $0xFFFFFFFF  }
0xc0: {  	_ =	task.clear_ibuf [dreg:s6], $0x2FFFF;
	_ =	strace $0x9FFFFFFF  }
0xc1: {  	(tm) =	ssettm $0x7FFFFFFF  }
tec
execute0_lowered:
.L_overlay_start_1:
0x0: {  	(tag) =	ssettag $0x1  }
0x1: {  	s1 =	srdreg.scid;
	s0 =	stileid.u32  }
0x2: {  	s3 =	rddreg [dreg:$0x0];
	s2 =	simm.s32 $0x0;
	s11 =	simm.s32 $0x1  }
0x3: {  	s12 =	simm.s32 $0x2780;
	s13 =	simm.s32 $0x4F00;
	s14 =	simm.s32 $0x7700  }
0x4: {  	s15 =	simm.s32 $0x9F00;
	s16 =	simm.s32 $0xC700;
	s17 =	simm.s32 $0xEF00  }
0x5: {  	s18 =	simm.s32 $0x80;
	s19 =	simm.s32 $0x400;
	s20 =	simm.s32 $0x0  }
0x6: {  	s4 =	sand.u32 $0x1, s1;
	s5 =	sshll.u32 s0, $0x1;
	s1 =	rddreg [dreg:$0x1]  }
0x7: {  	[smem:$0x7FF] =	sst s2;
	s7 =	sshrl.u32 s0, $0x2;
	s5 =	sor.u32 s4, s5  }
0x8: {  	_ =	strace $0x80000047;
	s8 =	smul.u32 $0x14000, s7;
	s4 =	ssub.s32 $0x2, s4  }
0x9: {  	v0 =	vimm.f32 $0.0e+00;
	s6 =	smul.u32 $0x4E2, s5;
	s5 =	sshll.u32 s5, $0x7;
	s31 =	sshrl.u32 s4, $0x1  }
0xa: {  	v1 =	vimm.f32 $1.000000000e+00;
	v2 =	vimm.s32 $0x0;
	v3 =	vlaneseq.u32;
	s7 =	sshll.u32 s7, $0xA;
	s5 =	sand.u32 $0x380, s5;
	s10 =	ssub.s32 s4, s31  }
0xb: {  	v4 =	vor.u32 $0x400, v3;
	v5 =	vor.u32 $0x10, v3;
	v6 =	vor.u32 $0x410, v3;
	s6 =	sadd.s32 s6, s3;
	s8 =	sor.u32 s8, s5;
	s5 =	sor.u32 s7, s5  }
0xc: {  	v7 =	vor.u32 $0x20, v3;
	v8 =	vor.u32 $0x420, v3;
	v9 =	vor.u32 $0x30, v3;
	s10 =	smax.u32 s10, $0x1;
	s30 =	sshrl.u32 s8, $0x3;
	s5 =	sshrl.u32 s5, $0x3  }
0xd: {  	v10 =	vor.u32 $0x430, v3;
	v11 =	vor.u32 $0x40, v3;
	v12 =	vor.u32 $0x440, v3;
	s4 =	sadd.s32 $0x2E00, s6;
	s9 =	sadd.s32 s30, s3;
	s5 =	sadd.s32 s5, s3  }
0xe: {  	v13 =	vor.u32 $0x50, v3;
	v14 =	vor.u32 $0x450, v3;
	v15 =	vor.u32 $0x60, v3;
	s3 =	sadd.s32 $0xCC00, s6;
	s5 =	sadd.s32 $0x3EA00, s5;
	s6 =	sadd.s32 $0x16A00, s9  }
0xf: {  	v16 =	vor.u32 $0x460, v3;
	v17 =	vor.u32 $0x70, v3;
	v18 =	vor.u32 $0x470, v3;
	s7 =	sadd.s32 $0x20A00, s9;
	s8 =	sadd.s32 $0x2AA00, s9;
	s9 =	sadd.s32 $0x34A00, s9  }
.LBB2_1:
0x10: {  	[tilespmem:s2], [sflag:$0x1] =	stream.linear.gather [hbm4b:s3+s2], $0x2710, $0x38;
	[tilespmem:$0xEF80] =	vst v63  }
0x11: {  	_ =	swait.ge [sflag:s11], $0x2710  }
0x12: {  	[sflag:s11] =	ssyncset.done $0x0  }
0x13: {  	[sflag:s11] =	ssyncadd.s32 $0xFFFFD8F0  }
0x14: {  	[tilespmem:s12], [sflag:$0x1] =	stream.linear.gather [hbm4b:s4+s2], $0x2710, $0x38;
	[tilespmem:$0xEF80] =	vst v63  }
0x15: {  	_ =	swait.ge [sflag:s11], $0x2710  }
0x16: {  	[sflag:s11] =	ssyncset.done $0x0  }
0x17: {  	s21 =	simm.s32 $0x0;
	[sflag:s11] =	ssyncadd.s32 $0xFFFFD8F0  }
.LBB2_2:
0x18: {  	p0 =	sne.s32 s21, $0x9FC0  }
.Ltmp0:
0x19: {  	_ = 	snop;
	(pc) =	sbr.rel @p0 .LBB2_2-.Ltmp0, $4  }
0x1a: {  	_ = 	snop  }
0x1b: {  	s22 =	sshra.s32 s21, $0x2  }
0x1c: {  	[tilespmem:s22+$0x4F00] =	vst v0  }
0x1d: {  	s21 =	sadd.s32 $0x40, s21;
	[tilespmem:s22+$0x7700] =	vst v0  }
0x1e: {  	s22 =	simm.s32 $0x0  }
0x1f: {  	v20 =	vimm.s32 $0x0;
	s21 =	simm.s32 $0x40;
	v21 =	vimm.s32 $0x0;
	v19 =	vld [tilespmem:s22+$0x2780]  }
.LBB2_4:
0x20: {  	p0 =	sne.s32 s21, $0x9C00;
	v22 =	vld [tilespmem:s22+$0x0];
	_ =	sdelay $0x3  }
0x21: {  	vm0 =	vlt.s32 v19, $0x400  }
0x22: {  	v23 =	vsel vm0, $0x1, v2;
	v24 =	vmpcnt.ones.xlane vm0  }
0x23: {  	(xrf0) =	vadd.scan.msk.s32 $0xffff, v23  }
0x24: {  	v20 =	vadd.s32 v20, v24;
	_ =	sdelay $0x4  }
0x25: {  	v23, _, _ =	vpop (xrf0)  }
0x26: {  	v23 =	vadd.s32 v23, v21;
	v21 =	vmov v20  }
0x27: {  	v23 =	vadd.s32 $0xFFFFFFFF, v23;
	_ =	sdelay $0x2  }
.Ltmp1:
0x28: {  	[tilespmem:v22+s13+$0x0] =	vst.idx.add.f32.msk $0xffff, v1;
	(pc) =	sbr.rel @p0 .LBB2_4-.Ltmp1, $4  }
0x29: {  	[tilespmem:v19+s14+$0x0] =	vst.idx.add.f32.msk $0xffff, v1  }
0x2a: {  	[tilespmem:v23+s15+$0x0] =	vst.idx.msk vm0, v22  }
0x2b: {  	s22 =	sshra.s32 s21, $0x2;
	[tilespmem:v23+s16+$0x0] =	vst.idx.msk vm0, v19  }
0x2c: {  	s21 =	sadd.s32 $0x40, s21;
	v19 =	vld [tilespmem:s22+$0x2780]  }
0x2d: {  	_ =	sdelay $0x3  }
0x2e: {  	vm0 =	vlt.s32 v19, $0x400  }
0x2f: {  	v22 =	vsel vm0, $0x1, v2  }
0x30: {  	(xrf0) =	vadd.scan.msk.s32 $0xffff, v22;
	_ =	sdelay $0x2  }
0x31: {  	v58 =	vld [tilespmem:s22+$0x0];
	_ =	sdelay $0x2  }
0x32: {  	v23, _, _ =	vpop (xrf0)  }
0x33: {  	v24 =	vmpcnt.ones.xlane vm0;
	v21 =	vadd.s32 v23, v21  }
0x34: {  	v21 =	vadd.s32 $0xFFFFFFFF, v21  }
0x35: {  	v20 =	vadd.s32 v20, v24  }
0x36: {  	v59 =	vadd.s32 v3, v20  }
0x37: {  	[tilespmem:v58+s13+$0x0] =	vst.idx.add.f32.msk $0xffff, v1  }
0x38: {  	v24 =	vadd.s32 v5, v20;
	[tilespmem:v19+s14+$0x0] =	vst.idx.add.f32.msk $0xffff, v1  }
0x39: {  	[tilespmem:v21+s15+$0x0] =	vst.idx.msk vm0, v58  }
0x3a: {  	[tilespmem:v21+s16+$0x0] =	vst.idx.msk vm0, v19;
	v19 =	vadd.s32 v7, v20  }
0x3b: {  	[tilespmem:v59+s15+$0x0] =	vst.idx.msk $0xffff, v2  }
0x3c: {  	v60 =	vadd.s32 v9, v20;
	[tilespmem:v59+s16+$0x0] =	vst.idx.msk $0xffff, v4  }
0x3d: {  	[tilespmem:v24+s15+$0x0] =	vst.idx.msk $0xffff, v2  }
0x3e: {  	v61 =	vadd.s32 v11, v20;
	[tilespmem:v24+s16+$0x0] =	vst.idx.msk $0xffff, v6  }
0x3f: {  	[tilespmem:v19+s15+$0x0] =	vst.idx.msk $0xffff, v2  }
0x40: {  	[tilespmem:v19+s16+$0x0] =	vst.idx.msk $0xffff, v8;
	v19 =	vadd.s32 v13, v20  }
0x41: {  	[tilespmem:v60+s15+$0x0] =	vst.idx.msk $0xffff, v2  }
0x42: {  	v62 =	vadd.s32 v15, v20;
	[tilespmem:v60+s16+$0x0] =	vst.idx.msk $0xffff, v10  }
0x43: {  	[tilespmem:v61+s15+$0x0] =	vst.idx.msk $0xffff, v2  }
0x44: {  	v63 =	vadd.s32 v17, v20;
	[tilespmem:v61+s16+$0x0] =	vst.idx.msk $0xffff, v12  }
0x45: {  	[tilespmem:v19+s15+$0x0] =	vst.idx.msk $0xffff, v2  }
0x46: {  	[tilespmem:v19+s16+$0x0] =	vst.idx.msk $0xffff, v14  }
0x47: {  	[tilespmem:v62+s15+$0x0] =	vst.idx.msk $0xffff, v2  }
0x48: {  	[tilespmem:v62+s16+$0x0] =	vst.idx.msk $0xffff, v16  }
0x49: {  	[tilespmem:v63+s15+$0x0] =	vst.idx.msk $0xffff, v2  }
0x4a: {  	[tilespmem:v63+s16+$0x0] =	vst.idx.msk $0xffff, v18  }
0x4b: {  	[tilespmem:$0xEF00] =	vst v20  }
0x4c: {  	[hbm4b:s5+s2] =	stream.linear.scatter [tilespmem:s17], [sflag:$0x1], $0x80, $0x38;
	[tilespmem:$0xEF80] =	vst v63  }
0x4d: {  	_ =	swait.ge [sflag:s11], $0x80  }
0x4e: {  	[sflag:s11] =	ssyncset.done $0x0  }
0x4f: {  	[sflag:s11] =	ssyncadd.s32 $0xFFFFFF80  }
0x50: {  	[hbm4b:s6+s18] =	stream.strided.scatter [tilespmem:s13], [sflag:$0x1], $0x2800, s19, s18, $0x38;
	[tilespmem:$0xEF80] =	vst v63  }
0x51: {  	_ =	swait.ge [sflag:s11], $0x2800  }
0x52: {  	[sflag:s11] =	ssyncset.done $0x0  }
0x53: {  	[sflag:s11] =	ssyncadd.s32 $0xFFFFD800  }
0x54: {  	[hbm4b:s7+s18] =	stream.strided.scatter [tilespmem:s14], [sflag:$0x1], $0x2800, s19, s18, $0x38;
	[tilespmem:$0xEF80] =	vst v63  }
0x55: {  	_ =	swait.ge [sflag:s11], $0x2800  }
0x56: {  	[sflag:s11] =	ssyncset.done $0x0  }
0x57: {  	[sflag:s11] =	ssyncadd.s32 $0xFFFFD800  }
0x58: {  	[hbm4b:s8+s18] =	stream.strided.scatter [tilespmem:s15], [sflag:$0x1], $0x2800, s19, s18, $0x38;
	[tilespmem:$0xEF80] =	vst v63  }
0x59: {  	s20 =	sadd.s32 $0x1, s20;
	_ =	swait.ge [sflag:s11], $0x2800  }
0x5a: {  	p0 =	sne.s32 s20, s10;
	[sflag:s11] =	ssyncset.done $0x0  }
.Ltmp2:
0x5b: {  	[sflag:s11] =	ssyncadd.s32 $0xFFFFD800;
	(pc) =	sbr.rel @p0 .LBB2_1-.Ltmp2, $4  }
0x5c: {  	[hbm4b:s9+s18] =	stream.strided.scatter [tilespmem:s16], [sflag:$0x1], $0x2800, s19, s18, $0x38;
	[tilespmem:$0xEF80] =	vst v63  }
0x5d: {  	_ =	swait.ge [sflag:s11], $0x2800  }
0x5e: {  	[sflag:s11] =	ssyncset.done $0x0  }
0x5f: {  	[sflag:s11] =	ssyncadd.s32 $0xFFFFD800  }
0x60: {  	_ =	sfence.sel $0x180000  }
0x61: {  	[bflag:$0x0] =	sbarrier.arrive $0xFFFF  }
0x62: {  	p0 =	sne.s32 s0, $0x0;
	_ =	strace $0x90000047  }
0x63: {  	s0 =	sadd.s32 @!p0 $0x100000, s1;
	[bflag:$0x2] =	sbarrier.arrive $0xFFFF  }
0x64: {  	[sflag:s0] =	ssyncadd.tile.s32 @!p0 $0x1;
	_ =	shalt  }
.Lfunc_end2:
_tile_overlayer_lowered:
.L_overlay_start_2:
0x65: {  	(tag) =	ssettag $0x2  }
0x66: {  	s0 =	rddreg [dreg:$0x0];
	s2 =	stileid.u32  }
0x67: {  	s1 =	rddreg [dreg:$0x1];
	p0 =	sne.s32 s2, $0x0  }
0x68: {  	s3 =	rddreg [dreg:$0x2];
	[bflag:$0x3] =	sbarrier.arrive $0xFFFF;
	s2 =	simm.s32 @!p0 $0x1C01  }
0x69: {  	[timem:s3], [sflag:s2] =	dma.local @!p0 [hbm:s0], s1  }
0x6a: {  	s0 =	simm.s32 @!p0 $0x1  }
0x6b: {  	_ =	swait.ge @!p0 [sflag:s0], s1  }
0x6c: {  	s1 =	ssub.s32 @!p0 $0x0, s1;
	[sflag:s0] =	ssyncset.done @!p0 $0x0  }
0x6d: {  	[sflag:s0] =	ssyncadd.s32 @!p0 s1  }
0x6e: {  	[bflag:$0x3] =	sbarrier.arrive $0xFFFF  }
0x6f: {  	_ =	shalt  }

</sc_bundles>
